<compile_context>
chip_gen: v7x
topology: tpu7x:2x2x1
jax: 0.10.2.dev20260603
libtpu: 0.0.44.dev20260713+nightly
codegen_flags: <defaults>
</compile_context>

<pallas_src>
import functools

import numpy as np
import jax
import jax.numpy as jnp
from jax import lax
from jax.experimental import pallas as pl
from jax.experimental.pallas import tpu as pltpu
from jax.experimental.pallas import tpu_sc as plsc

_T = 2 ** 19
_L = 16
_NC, _NS = 2, 16
_NW = _NC * _NS
_B = 512
_CH = 512
_BN = 2048

_PRIMES = np.array([1, 2654435761, 805459861, 3674653429], dtype=np.uint64)


def _level_params(ndim):
    base, scale = 16.0, 1.3819
    rm1, rm2, m1, m2, m3, isx = [], [], [], [], [], []
    for l in range(_L):
        res = max(int(np.ceil(base * (scale ** l))), 2)
        R = res + 1
        use_hash = float(R) ** ndim > float(_T)
        rm1.append(np.float32(res - 1))
        rm2.append(np.uint32(res - 2))
        if use_hash:
            mm = [np.uint32(_PRIMES[d]) for d in range(1, ndim)]
        else:
            strides = (np.cumprod(
                np.concatenate([[1], np.full(ndim - 1, R)]).astype(np.uint64)
            ) % (2 ** 32)).astype(np.uint32)
            mm = [strides[d] for d in range(1, ndim)]
        m1.append(mm[0])
        m2.append(mm[1])
        m3.append(mm[2] if ndim == 4 else np.uint32(0))
        isx.append(np.uint32(1 if use_hash else 0))
    farr = np.repeat(np.array(rm1, np.float32)[:, None], 16, axis=1).reshape(-1)

    def spl(v):
        return np.repeat(np.array(v, np.uint32).view(np.int32)[:, None], 16, 1)

    iarr = np.stack([spl(rm2), spl(m1), spl(m2), spl(m3), spl(isx)],
                    axis=1).reshape(-1)
    return farr, iarr


def _sc_body(N, nblk, xt, sp0, sp1, tp0, tp1, mpf, lvsf, lvsi, lvtf, lvti,
             sfeat, tfeat, mout,
             xv, pfs, pis, pft, pit, idxb, r0, r1, mr, wb,
             sacc, tacc, macc, sem):
    wid = lax.axis_index("s") * _NC + lax.axis_index("c")
    iota16 = lax.iota(jnp.int32, 16)
    iota32x = iota16 * 32
    nbuf = _B * 16

    pltpu.sync_copy(lvsf, pfs)
    pltpu.sync_copy(lvsi, pis)
    pltpu.sync_copy(lvtf, pft)
    pltpu.sync_copy(lvti, pit)

    def corners_pass(ndim, ncor, bb, gb, rm1, rm2, ms, isx, lT):
        q0, q1, u = [], [], []
        for d in range(ndim):
            xd = xv[pl.ds(d * _B + gb, 16)]
            posd = xd * rm1
            pid = jnp.maximum(jnp.minimum(posd.astype(jnp.int32), rm2), 0)
            frd = posd - pid.astype(jnp.float32)
            if d == 0:
                qa = pid
                qb = pid + 1
            else:
                qa = pid * ms[d - 1]
                qb = qa + ms[d - 1]
            q0.append(qa)
            q1.append(qb)
            u.append((1.0 - frd, frd))
        p01 = [u[0][b0] * u[1][b1] for b1 in range(2) for b0 in range(2)]
        if ndim == 4:
            p23 = [u[2][b2] * u[3][b3] for b3 in range(2) for b2 in range(2)]
        for corner in range(ncor):
            bs_ = [(corner >> d) & 1 for d in range(ndim)]
            qs = [q1[d] if bs_[d] else q0[d] for d in range(ndim)]
            s_add = qs[0] + qs[1] + qs[2]
            s_xor = qs[0] ^ qs[1] ^ qs[2]
            if ndim == 4:
                s_add = s_add + qs[3]
                s_xor = s_xor ^ qs[3]
            tt = jnp.where(isx, s_xor, s_add)
            idx = (tt & (_T - 1)) + lT
            off = bb + corner * _B + gb
            idxb[pl.ds(off, 16)] = idx
            if ndim == 3:
                w = p01[bs_[1] * 2 + bs_[0]] * u[2][bs_[2]]
            else:
                w = p01[bs_[1] * 2 + bs_[0]] * p23[bs_[3] * 2 + bs_[2]]
            wb[pl.ds(off, 16)] = w

    def fire(tables, dsts, bb, nch):
        def f(c, c_):
            for tb, dst in zip(tables, dsts):
                pltpu.async_copy(tb.at[idxb.at[pl.ds(bb + c * _CH, _CH)]],
                                 dst.at[pl.ds(bb + c * _CH, _CH)], sem)
            return c_
        lax.fori_loop(0, nch, f, 0)

    def drain(tables, dsts, bb, nch):
        def f(c, c_):
            for tb, dst in zip(tables, dsts):
                pltpu.make_async_copy(tb.at[idxb.at[pl.ds(bb + c * _CH, _CH)]],
                                      dst.at[pl.ds(bb + c * _CH, _CH)],
                                      sem).wait()
            return c_
        lax.fori_loop(0, nch, f, 0)

    def run_encode(ndim, ncor, t0, t1, pfv, piv, acc):
        nch = ncor * _B // _CH

        def compute_level(l, bb):
            rm1 = pfv[pl.ds(l * 16, 16)]
            pb = l * 5 * 16
            rm2 = piv[pl.ds(pb, 16)]
            m1 = piv[pl.ds(pb + 16, 16)]
            m2 = piv[pl.ds(pb + 32, 16)]
            m3 = piv[pl.ds(pb + 48, 16)]
            isx = piv[pl.ds(pb + 64, 16)] != 0
            ms = [m1, m2, m3]
            lT = l * _T

            def grp(g, c_):
                corners_pass(ndim, ncor, bb, g * 16, rm1, rm2, ms, isx, lT)
                return c_
            lax.fori_loop(0, _B // 16, grp, 0)

        def reduce_level(l, bb):
            def red(g, c_):
                gb = g * 16
                a0 = jnp.zeros((16,), jnp.float32)
                a1 = jnp.zeros((16,), jnp.float32)
                for corner in range(ncor):
                    off = bb + corner * _B + gb
                    w = wb[pl.ds(off, 16)]
                    a0 = a0 + w * r0[pl.ds(off, 16)]
                    a1 = a1 + w * r1[pl.ds(off, 16)]
                sidx = gb * 32 + 2 * l + iota32x
                plsc.store_scatter(acc, [sidx], a0)
                plsc.store_scatter(acc, [sidx + 1], a1)
                return c_
            lax.fori_loop(0, _B // 16, red, 0)

        compute_level(0, 0)
        fire([t0, t1], [r0, r1], 0, nch)

        def lvl(l, c2_):
            bb = (l & 1) * nbuf
            nb = ((l + 1) & 1) * nbuf

            @pl.when(l < _L - 1)
            def _():
                compute_level(l + 1, nb)
                fire([t0, t1], [r0, r1], nb, nch)

            drain([t0, t1], [r0, r1], bb, nch)
            reduce_level(l, bb)
            return c2_
        lax.fori_loop(0, _L, lvl, 0)

    def run_mask():
        def grp(g, c_):
            gb = g * 16
            q0, q1, u = [], [], []
            for d in range(3):
                xd = xv[pl.ds(d * _B + gb, 16)]
                posd = xd * 63.0
                pid = jnp.maximum(jnp.minimum(posd.astype(jnp.int32), 62), 0)
                frd = posd - pid.astype(jnp.float32)
                mstat = [1, 65, 4225][d]
                qa = pid * mstat if d else pid
                q0.append(qa)
                q1.append(qa + mstat)
                u.append((1.0 - frd, frd))
            x3 = xv[pl.ds(3 * _B + gb, 16)]
            pos3 = x3 * 63.0
            pi3 = jnp.maximum(jnp.minimum(pos3.astype(jnp.int32), 62), 0)
            fr3 = pos3 - pi3.astype(jnp.float32)
            r3 = jnp.where(fr3 == 0.5, 0, (fr3 + 0.5).astype(jnp.int32))
            q3 = (pi3 + r3) * 274625
            p01 = [u[0][b0] * u[1][b1] for b1 in range(2) for b0 in range(2)]
            for corner in range(8):
                bs_ = [(corner >> d) & 1 for d in range(3)]
                tt = ((q1[0] if bs_[0] else q0[0])
                      + (q1[1] if bs_[1] else q0[1])
                      + (q1[2] if bs_[2] else q0[2]) + q3)
                off = corner * _B + gb
                idxb[pl.ds(off, 16)] = tt & (_T - 1)
                wb[pl.ds(off, 16)] = p01[bs_[1] * 2 + bs_[0]] * u[2][bs_[2]]
            return c_
        lax.fori_loop(0, _B // 16, grp, 0)

        nchm = 8 * _B // _CH
        fire([mpf], [mr], 0, nchm)
        drain([mpf], [mr], 0, nchm)

        def red(g, c_):
            gb = g * 16
            a = jnp.zeros((16,), jnp.float32)
            for corner in range(8):
                off = corner * _B + gb
                a = a + wb[pl.ds(off, 16)] * mr[pl.ds(off, 16)]
            macc[pl.ds(gb, 16)] = a
            return c_
        lax.fori_loop(0, _B // 16, red, 0)

    def blk_body(blk, c_):
        base = wid * (nblk * _B) + blk * _B
        for d in range(4):
            pltpu.sync_copy(xt.at[pl.ds(d * N + base, _B)],
                            xv.at[pl.ds(d * _B, _B)])
        run_encode(3, 8, sp0, sp1, pfs, pis, sacc)
        run_encode(4, 16, tp0, tp1, pft, pit, tacc)
        run_mask()
        pltpu.sync_copy(sacc, sfeat.at[pl.ds(base * 32, _B * 32)])
        pltpu.sync_copy(tacc, tfeat.at[pl.ds(base * 32, _B * 32)])
        pltpu.sync_copy(macc, mout.at[pl.ds(base, _B)])
        return c_

    lax.fori_loop(0, nblk, blk_body, 0)


def _tc_body(s_ref, t_ref, m_ref, ws_ref, bs_ref, wt_ref, bt_ref,
             out_ref, spc_ref):
    dn = (((1,), (0,)), ((), ()))
    spc = lax.dot_general(s_ref[...], ws_ref[...], dn,
                          preferred_element_type=jnp.float32,
                          precision=lax.Precision.HIGHEST) + bs_ref[...]
    tmc = lax.dot_general(t_ref[...], wt_ref[...], dn,
                          preferred_element_type=jnp.float32,
                          precision=lax.Precision.HIGHEST) + bt_ref[...]
    m = jax.nn.sigmoid(m_ref[...])
    out_ref[...] = spc * m + (1.0 - m) * tmc
    spc_ref[...] = spc


@jax.jit
def _impl(x, spatial_params, temporal_params, mask_params, W_s, b_s, W_t, b_t):
    N = x.shape[0]
    L, T, F = spatial_params.shape
    xt = x.T.reshape(-1)
    sp0 = spatial_params[:, :, 0].reshape(-1)
    sp1 = spatial_params[:, :, 1].reshape(-1)
    tp0 = temporal_params[:, :, 0].reshape(-1)
    tp1 = temporal_params[:, :, 1].reshape(-1)
    mpf = mask_params.reshape(-1)
    fs, is_ = _level_params(3)
    ft, it_ = _level_params(4)
    lvsf = jnp.asarray(fs)
    lvsi = jnp.asarray(is_)
    lvtf = jnp.asarray(ft)
    lvti = jnp.asarray(it_)

    nblk = N // (_NW * _B)
    mesh = plsc.VectorSubcoreMesh(core_axis_name="c", subcore_axis_name="s",
                                  num_cores=_NC, num_subcores=_NS)
    sc = pl.kernel(
        functools.partial(_sc_body, N, nblk),
        out_type=[jax.ShapeDtypeStruct((N * 32,), jnp.float32),
                  jax.ShapeDtypeStruct((N * 32,), jnp.float32),
                  jax.ShapeDtypeStruct((N,), jnp.float32)],
        mesh=mesh,
        compiler_params=pltpu.CompilerParams(needs_layout_passes=False),
        scratch_types=[
            pltpu.VMEM((4 * _B,), jnp.float32),
            pltpu.VMEM((_L * 16,), jnp.float32),
            pltpu.VMEM((_L * 5 * 16,), jnp.int32),
            pltpu.VMEM((_L * 16,), jnp.float32),
            pltpu.VMEM((_L * 5 * 16,), jnp.int32),
            pltpu.VMEM((2 * 16 * _B,), jnp.int32),
            pltpu.VMEM((2 * 16 * _B,), jnp.float32),
            pltpu.VMEM((2 * 16 * _B,), jnp.float32),
            pltpu.VMEM((8 * _B,), jnp.float32),
            pltpu.VMEM((2 * 16 * _B,), jnp.float32),
            pltpu.VMEM((_B * 32,), jnp.float32),
            pltpu.VMEM((_B * 32,), jnp.float32),
            pltpu.VMEM((_B,), jnp.float32),
            pltpu.SemaphoreType.DMA,
        ],
    )
    sfeat, tfeat, mv = sc(xt, sp0, sp1, tp0, tp1, mpf,
                          lvsf, lvsi, lvtf, lvti)
    sfeat = sfeat.reshape(N, 32)
    tfeat = tfeat.reshape(N, 32)

    grid = (N // _BN,)
    out, spc = pl.pallas_call(
        _tc_body,
        grid=grid,
        in_specs=[
            pl.BlockSpec((_BN, 32), lambda i: (i, 0)),
            pl.BlockSpec((_BN, 32), lambda i: (i, 0)),
            pl.BlockSpec((_BN, 1), lambda i: (i, 0)),
            pl.BlockSpec((32, 16), lambda i: (0, 0)),
            pl.BlockSpec((1, 16), lambda i: (0, 0)),
            pl.BlockSpec((32, 16), lambda i: (0, 0)),
            pl.BlockSpec((1, 16), lambda i: (0, 0)),
        ],
        out_specs=[pl.BlockSpec((_BN, 16), lambda i: (i, 0)),
                   pl.BlockSpec((_BN, 16), lambda i: (i, 0))],
        out_shape=[jax.ShapeDtypeStruct((N, 16), jnp.float32),
                   jax.ShapeDtypeStruct((N, 16), jnp.float32)],
    )(sfeat, tfeat, mv.reshape(N, 1), W_s, b_s.reshape(1, 16),
      W_t, b_t.reshape(1, 16))
    return out, spc


def kernel(x, spatial_params, temporal_params, mask_params, W_s, b_s, W_t, b_t):
    return _impl(x, spatial_params, temporal_params, mask_params,
                 W_s, b_s, W_t, b_t)

# --- scband reference (transcript-rebuilt; emitter-appended) ---
"""Pipeline reference for scband-stmodule-temporal-mask-44212393345199 (READ-ONLY COPY).

The authoritative reference and input builder live on the scoring server;
editing this copy changes nothing except your own understanding.
"""

import jax, jax.numpy as jnp
import numpy as np

PRIMES = np.array([1, 2654435761, 805459861, 3674653429], dtype=np.uint64)
BASE3 = np.array([16.0, 16.0, 16.0])
SCALE3 = np.array([1.3819, 1.3819, 1.3819])
BASE4 = np.array([16.0, 16.0, 16.0, 16.0])
SCALE4 = np.array([1.3819, 1.3819, 1.3819, 1.3819])
MASK_BASE = np.array([64.0, 64.0, 64.0, 64.0])
MASK_SCALE = np.array([1.0, 1.0, 1.0, 1.0])


def grid_encode(x, params, base_res, scale, gridtype, interp):
    # x: [N, D] in [0,1]; params: [L, T, F] multi-level hash tables
    L, T, F = params.shape
    N, D = x.shape
    outs = []
    for l in range(L):
        res = np.maximum(np.ceil(base_res * (scale ** l)).astype(np.int64), 2)
        pos = x * jnp.asarray((res - 1).astype(np.float32))
        pi = jnp.clip(jnp.floor(pos).astype(jnp.int32), 0, jnp.asarray((res - 2).astype(np.int32)))
        frac = pos - pi.astype(jnp.float32)
        if interp == 'last_nearest':
            frac = frac.at[:, -1].set(jnp.round(frac[:, -1]))
        use_hash = (gridtype == 'hash') and (float(np.prod((res + 1).astype(np.float64))) > float(T))
        strides = (np.cumprod(np.concatenate([[1], (res + 1)[:-1]]).astype(np.uint64)) % (2 ** 32)).astype(np.uint32)
        feat = jnp.zeros((N, F), dtype=params.dtype)
        for corner in range(2 ** D):
            offs = np.array([(corner >> d) & 1 for d in range(D)], dtype=np.int32)
            w = jnp.prod(jnp.where(offs == 1, frac, 1.0 - frac), axis=-1)
            cpos = (pi + offs).astype(jnp.uint32)
            if use_hash:
                idx = cpos[:, 0] * jnp.uint32(PRIMES[0])
                for d in range(1, D):
                    idx = idx ^ (cpos[:, d] * jnp.uint32(PRIMES[d]))
            else:
                idx = (cpos * jnp.asarray(strides)).sum(axis=-1)
            idx = (idx % jnp.uint32(T)).astype(jnp.int32)
            feat = feat + w[:, None] * params[l, idx]
        outs.append(feat)
    return jnp.concatenate(outs, axis=-1)


def setup_inputs(seed: int = 0):
    key = jax.random.key(seed)
    ks = jax.random.split(key, 8)
    N = 131072
    L, F, T = 16, 2, 2 ** 19
    din, dout = L * F, 16
    x = jax.random.uniform(ks[0], (N, 4), dtype=jnp.float32)
    spatial_params = jax.random.normal(ks[1], (L, T, F), dtype=jnp.float32) * 1e-4
    temporal_params = jax.random.normal(ks[2], (L, T, F), dtype=jnp.float32) * 1e-4
    mask_params = jax.random.normal(ks[3], (1, T, 1), dtype=jnp.float32) * 1e-4 + 0.0
    W_s = jax.random.normal(ks[4], (din, dout), dtype=jnp.float32) / np.sqrt(din)
    b_s = jnp.zeros((dout,), dtype=jnp.float32)
    W_t = jax.random.normal(ks[5], (din, dout), dtype=jnp.float32) / np.sqrt(din)
    b_t = jnp.zeros((dout,), dtype=jnp.float32)
    return {"x": x, "spatial_params": spatial_params, "temporal_params": temporal_params,
            "mask_params": mask_params, "W_s": W_s, "b_s": b_s, "W_t": W_t, "b_t": b_t}


def reference(x, spatial_params, temporal_params, mask_params, W_s, b_s, W_t, b_t):
    s_feat = grid_encode(x[:, :3], spatial_params, BASE3, SCALE3, 'hash', 'linear')
    spatial_component = s_feat @ W_s + b_s
    t_feat = grid_encode(x, temporal_params, BASE4, SCALE4, 'hash', 'linear')
    temporal_component = t_feat @ W_t + b_t
    m = grid_encode(x, mask_params, MASK_BASE, MASK_SCALE, 'tiled', 'last_nearest')
    m = jax.nn.sigmoid(m)
    output = spatial_component * m + (1.0 - m) * temporal_component
    return (output, spatial_component)

if __name__ == "__main__":
    import jax
    _d = setup_inputs()
    print(jax.jit(kernel)(*tuple(_d.values())))

</pallas_src>

<mosaic_0001>
#map = affine_map<(d0, d1) -> (0)>
module attributes {stable_mosaic.version = 14 : i64} {
  func.func @_sc_body(%arg0: i32, %arg1: i32, %arg2: memref<524288xf32, #tpu.memory_space<hbm>>, %arg3: memref<8388608xf32, #tpu.memory_space<hbm>>, %arg4: memref<8388608xf32, #tpu.memory_space<hbm>>, %arg5: memref<8388608xf32, #tpu.memory_space<hbm>>, %arg6: memref<8388608xf32, #tpu.memory_space<hbm>>, %arg7: memref<524288xf32, #tpu.memory_space<hbm>>, %arg8: memref<256xf32, #tpu.memory_space<hbm>>, %arg9: memref<1280xi32, #tpu.memory_space<hbm>>, %arg10: memref<256xf32, #tpu.memory_space<hbm>>, %arg11: memref<1280xi32, #tpu.memory_space<hbm>>, %arg12: memref<4194304xf32, #tpu.memory_space<hbm>>, %arg13: memref<4194304xf32, #tpu.memory_space<hbm>>, %arg14: memref<131072xf32, #tpu.memory_space<hbm>>, %arg15: memref<2048xf32, #tpu.memory_space<vmem>>, %arg16: memref<256xf32, #tpu.memory_space<vmem>>, %arg17: memref<1280xi32, #tpu.memory_space<vmem>>, %arg18: memref<256xf32, #tpu.memory_space<vmem>>, %arg19: memref<1280xi32, #tpu.memory_space<vmem>>, %arg20: memref<16384xi32, #tpu.memory_space<vmem>>, %arg21: memref<16384xf32, #tpu.memory_space<vmem>>, %arg22: memref<16384xf32, #tpu.memory_space<vmem>>, %arg23: memref<4096xf32, #tpu.memory_space<vmem>>, %arg24: memref<16384xf32, #tpu.memory_space<vmem>>, %arg25: memref<16384xf32, #tpu.memory_space<vmem>>, %arg26: memref<16384xf32, #tpu.memory_space<vmem>>, %arg27: memref<512xf32, #tpu.memory_space<vmem>>, %arg28: memref<!tpu.dma_semaphore, #tpu.memory_space<semaphore_mem>>) attributes {dimension_semantics = [#tpu.dimension_semantics<core_parallel>, #tpu.dimension_semantics<subcore_parallel>], iteration_bounds = array<i64: 2, 16>, scalar_prefetch = 0 : i64, scratch_operands = 14 : i64, tpu.core_type = #tpu.core_type<sc_vector_subcore>, window_params = [{transform_indices = #map}, {transform_indices = #map}, {transform_indices = #map}, {transform_indices = #map}, {transform_indices = #map}, {transform_indices = #map}, {transform_indices = #map}, {transform_indices = #map}, {transform_indices = #map}, {transform_indices = #map}, {transform_indices = #map}, {transform_indices = #map}, {transform_indices = #map}]} {
    %mul3A = arith.constant 2 : i32
    %mul3A_0 = arith.muli %arg1, %mul3A : i32
    %add3A = arith.addi %mul3A_0, %arg0 : i32
    %iota3A = tpu.iota {dimensions = array<i32: 0>} : vector<16xi32>
    %mul3A_1 = arith.constant 32 : i32
    %mul3A_2 = vector.broadcast %mul3A_1 : i32 to vector<16xi32>
    %mul3A_3 = arith.muli %iota3A, %mul3A_2 : vector<16xi32>
    "tpu.region"() ({
      %run_scoped3A = tpu.sem_alloc : memref<!tpu.dma_semaphore, #tpu.memory_space<semaphore_mem>>
      tpu.enqueue_dma source(%arg8 : memref<256xf32, #tpu.memory_space<hbm>>) target(%arg16 : memref<256xf32, #tpu.memory_space<vmem>>) target_semaphore(%run_scoped3A : memref<!tpu.dma_semaphore, #tpu.memory_space<semaphore_mem>>)
      tpu.wait_dma2 semaphore(%run_scoped3A : memref<!tpu.dma_semaphore, #tpu.memory_space<semaphore_mem>>) src(%arg8 : memref<256xf32, #tpu.memory_space<hbm>>) dst(%arg16 : memref<256xf32, #tpu.memory_space<vmem>>)
      tpu.yield
    }) : () -> ()
    "tpu.region"() ({
      %run_scoped3A = tpu.sem_alloc : memref<!tpu.dma_semaphore, #tpu.memory_space<semaphore_mem>>
      tpu.enqueue_dma source(%arg9 : memref<1280xi32, #tpu.memory_space<hbm>>) target(%arg17 : memref<1280xi32, #tpu.memory_space<vmem>>) target_semaphore(%run_scoped3A : memref<!tpu.dma_semaphore, #tpu.memory_space<semaphore_mem>>)
      tpu.wait_dma2 semaphore(%run_scoped3A : memref<!tpu.dma_semaphore, #tpu.memory_space<semaphore_mem>>) src(%arg9 : memref<1280xi32, #tpu.memory_space<hbm>>) dst(%arg17 : memref<1280xi32, #tpu.memory_space<vmem>>)
      tpu.yield
    }) : () -> ()
    "tpu.region"() ({
      %run_scoped3A = tpu.sem_alloc : memref<!tpu.dma_semaphore, #tpu.memory_space<semaphore_mem>>
      tpu.enqueue_dma source(%arg10 : memref<256xf32, #tpu.memory_space<hbm>>) target(%arg18 : memref<256xf32, #tpu.memory_space<vmem>>) target_semaphore(%run_scoped3A : memref<!tpu.dma_semaphore, #tpu.memory_space<semaphore_mem>>)
      tpu.wait_dma2 semaphore(%run_scoped3A : memref<!tpu.dma_semaphore, #tpu.memory_space<semaphore_mem>>) src(%arg10 : memref<256xf32, #tpu.memory_space<hbm>>) dst(%arg18 : memref<256xf32, #tpu.memory_space<vmem>>)
      tpu.yield
    }) : () -> ()
    "tpu.region"() ({
      %run_scoped3A = tpu.sem_alloc : memref<!tpu.dma_semaphore, #tpu.memory_space<semaphore_mem>>
      tpu.enqueue_dma source(%arg11 : memref<1280xi32, #tpu.memory_space<hbm>>) target(%arg19 : memref<1280xi32, #tpu.memory_space<vmem>>) target_semaphore(%run_scoped3A : memref<!tpu.dma_semaphore, #tpu.memory_space<semaphore_mem>>)
      tpu.wait_dma2 semaphore(%run_scoped3A : memref<!tpu.dma_semaphore, #tpu.memory_space<semaphore_mem>>) src(%arg11 : memref<1280xi32, #tpu.memory_space<hbm>>) dst(%arg19 : memref<1280xi32, #tpu.memory_space<vmem>>)
      tpu.yield
    }) : () -> ()
    %scan3A = arith.constant 0 : i32
    %scan3A_4 = arith.constant 0 : i32
    %scan3A_5 = arith.constant 8 : i32
    %scan3A_6 = arith.addi %scan3A_4, %scan3A_5 : i32
    %scan3A_7 = arith.constant 1 : i32
    scf.for %scan3A_9 = %scan3A_4 to %scan3A_6 step %scan3A_7  : i32 {
      %mul3A_10 = arith.constant 4096 : i32
      %mul3A_11 = arith.muli %add3A, %mul3A_10 : i32
      %mul3A_12 = arith.constant 512 : i32
      %mul3A_13 = arith.muli %scan3A_9, %mul3A_12 : i32
      %add3A_14 = arith.addi %mul3A_11, %mul3A_13 : i32
      %add3A_15 = arith.constant 0 : i32
      %add3A_16 = arith.addi %add3A_15, %add3A_14 : i32
      "tpu.region"() ({
        %run_scoped3A = tpu.sem_alloc : memref<!tpu.dma_semaphore, #tpu.memory_space<semaphore_mem>>
        %dma_start3A = arith.constant 0 : i32
        %dma_start3A_115 = tpu.memref_slice %arg15[%dma_start3A] : memref<2048xf32, #tpu.memory_space<vmem>> -> memref<512xf32, #tpu.memory_space<vmem>>
        %dma_start3A_116 = tpu.memref_slice %arg2[%add3A_16] : memref<524288xf32, #tpu.memory_space<hbm>> -> memref<512xf32, #tpu.memory_space<hbm>>
        %dma_start3A_117 = arith.constant 0 : i32
        %dma_start3A_118 = tpu.memref_slice %arg15[%dma_start3A_117] : memref<2048xf32, #tpu.memory_space<vmem>> -> memref<512xf32, #tpu.memory_space<vmem>>
        %dma_start3A_119 = tpu.memref_slice %arg2[%add3A_16] : memref<524288xf32, #tpu.memory_space<hbm>> -> memref<512xf32, #tpu.memory_space<hbm>>
        tpu.enqueue_dma source(%dma_start3A_119 : memref<512xf32, #tpu.memory_space<hbm>>) target(%dma_start3A_118 : memref<512xf32, #tpu.memory_space<vmem>>) target_semaphore(%run_scoped3A : memref<!tpu.dma_semaphore, #tpu.memory_space<semaphore_mem>>)
        %dma_wait3A = arith.constant 0 : i32
        %dma_wait3A_120 = tpu.memref_slice %arg15[%dma_wait3A] : memref<2048xf32, #tpu.memory_space<vmem>> -> memref<512xf32, #tpu.memory_space<vmem>>
        %dma_wait3A_121 = tpu.memref_slice %arg2[%add3A_16] : memref<524288xf32, #tpu.memory_space<hbm>> -> memref<512xf32, #tpu.memory_space<hbm>>
        %dma_wait3A_122 = arith.constant 0 : i32
        %dma_wait3A_123 = tpu.memref_slice %arg15[%dma_wait3A_122] : memref<2048xf32, #tpu.memory_space<vmem>> -> memref<512xf32, #tpu.memory_space<vmem>>
        %dma_wait3A_124 = tpu.memref_slice %arg2[%add3A_16] : memref<524288xf32, #tpu.memory_space<hbm>> -> memref<512xf32, #tpu.memory_space<hbm>>
        tpu.wait_dma2 semaphore(%run_scoped3A : memref<!tpu.dma_semaphore, #tpu.memory_space<semaphore_mem>>) src(%dma_wait3A_124 : memref<512xf32, #tpu.memory_space<hbm>>) dst(%dma_wait3A_123 : memref<512xf32, #tpu.memory_space<vmem>>)
        tpu.yield
      }) : () -> ()
      %add3A_17 = arith.constant 131072 : i32
      %add3A_18 = arith.addi %add3A_17, %add3A_14 : i32
      "tpu.region"() ({
        %run_scoped3A = tpu.sem_alloc : memref<!tpu.dma_semaphore, #tpu.memory_space<semaphore_mem>>
        %dma_start3A = arith.constant 512 : i32
        %dma_start3A_115 = tpu.memref_slice %arg15[%dma_start3A] : memref<2048xf32, #tpu.memory_space<vmem>> -> memref<512xf32, #tpu.memory_space<vmem>>
        %dma_start3A_116 = tpu.memref_slice %arg2[%add3A_18] : memref<524288xf32, #tpu.memory_space<hbm>> -> memref<512xf32, #tpu.memory_space<hbm>>
        %dma_start3A_117 = arith.constant 512 : i32
        %dma_start3A_118 = tpu.memref_slice %arg15[%dma_start3A_117] : memref<2048xf32, #tpu.memory_space<vmem>> -> memref<512xf32, #tpu.memory_space<vmem>>
        %dma_start3A_119 = tpu.memref_slice %arg2[%add3A_18] : memref<524288xf32, #tpu.memory_space<hbm>> -> memref<512xf32, #tpu.memory_space<hbm>>
        tpu.enqueue_dma source(%dma_start3A_119 : memref<512xf32, #tpu.memory_space<hbm>>) target(%dma_start3A_118 : memref<512xf32, #tpu.memory_space<vmem>>) target_semaphore(%run_scoped3A : memref<!tpu.dma_semaphore, #tpu.memory_space<semaphore_mem>>)
        %dma_wait3A = arith.constant 512 : i32
        %dma_wait3A_120 = tpu.memref_slice %arg15[%dma_wait3A] : memref<2048xf32, #tpu.memory_space<vmem>> -> memref<512xf32, #tpu.memory_space<vmem>>
        %dma_wait3A_121 = tpu.memref_slice %arg2[%add3A_18] : memref<524288xf32, #tpu.memory_space<hbm>> -> memref<512xf32, #tpu.memory_space<hbm>>
        %dma_wait3A_122 = arith.constant 512 : i32
        %dma_wait3A_123 = tpu.memref_slice %arg15[%dma_wait3A_122] : memref<2048xf32, #tpu.memory_space<vmem>> -> memref<512xf32, #tpu.memory_space<vmem>>
        %dma_wait3A_124 = tpu.memref_slice %arg2[%add3A_18] : memref<524288xf32, #tpu.memory_space<hbm>> -> memref<512xf32, #tpu.memory_space<hbm>>
        tpu.wait_dma2 semaphore(%run_scoped3A : memref<!tpu.dma_semaphore, #tpu.memory_space<semaphore_mem>>) src(%dma_wait3A_124 : memref<512xf32, #tpu.memory_space<hbm>>) dst(%dma_wait3A_123 : memref<512xf32, #tpu.memory_space<vmem>>)
        tpu.yield
      }) : () -> ()
      %add3A_19 = arith.constant 262144 : i32
      %add3A_20 = arith.addi %add3A_19, %add3A_14 : i32
      "tpu.region"() ({
        %run_scoped3A = tpu.sem_alloc : memref<!tpu.dma_semaphore, #tpu.memory_space<semaphore_mem>>
        %dma_start3A = arith.constant 1024 : i32
        %dma_start3A_115 = tpu.memref_slice %arg15[%dma_start3A] : memref<2048xf32, #tpu.memory_space<vmem>> -> memref<512xf32, #tpu.memory_space<vmem>>
        %dma_start3A_116 = tpu.memref_slice %arg2[%add3A_20] : memref<524288xf32, #tpu.memory_space<hbm>> -> memref<512xf32, #tpu.memory_space<hbm>>
        %dma_start3A_117 = arith.constant 1024 : i32
        %dma_start3A_118 = tpu.memref_slice %arg15[%dma_start3A_117] : memref<2048xf32, #tpu.memory_space<vmem>> -> memref<512xf32, #tpu.memory_space<vmem>>
        %dma_start3A_119 = tpu.memref_slice %arg2[%add3A_20] : memref<524288xf32, #tpu.memory_space<hbm>> -> memref<512xf32, #tpu.memory_space<hbm>>
        tpu.enqueue_dma source(%dma_start3A_119 : memref<512xf32, #tpu.memory_space<hbm>>) target(%dma_start3A_118 : memref<512xf32, #tpu.memory_space<vmem>>) target_semaphore(%run_scoped3A : memref<!tpu.dma_semaphore, #tpu.memory_space<semaphore_mem>>)
        %dma_wait3A = arith.constant 1024 : i32
        %dma_wait3A_120 = tpu.memref_slice %arg15[%dma_wait3A] : memref<2048xf32, #tpu.memory_space<vmem>> -> memref<512xf32, #tpu.memory_space<vmem>>
        %dma_wait3A_121 = tpu.memref_slice %arg2[%add3A_20] : memref<524288xf32, #tpu.memory_space<hbm>> -> memref<512xf32, #tpu.memory_space<hbm>>
        %dma_wait3A_122 = arith.constant 1024 : i32
        %dma_wait3A_123 = tpu.memref_slice %arg15[%dma_wait3A_122] : memref<2048xf32, #tpu.memory_space<vmem>> -> memref<512xf32, #tpu.memory_space<vmem>>
        %dma_wait3A_124 = tpu.memref_slice %arg2[%add3A_20] : memref<524288xf32, #tpu.memory_space<hbm>> -> memref<512xf32, #tpu.memory_space<hbm>>
        tpu.wait_dma2 semaphore(%run_scoped3A : memref<!tpu.dma_semaphore, #tpu.memory_space<semaphore_mem>>) src(%dma_wait3A_124 : memref<512xf32, #tpu.memory_space<hbm>>) dst(%dma_wait3A_123 : memref<512xf32, #tpu.memory_space<vmem>>)
        tpu.yield
      }) : () -> ()
      %add3A_21 = arith.constant 393216 : i32
      %add3A_22 = arith.addi %add3A_21, %add3A_14 : i32
      "tpu.region"() ({
        %run_scoped3A = tpu.sem_alloc : memref<!tpu.dma_semaphore, #tpu.memory_space<semaphore_mem>>
        %dma_start3A = arith.constant 1536 : i32
        %dma_start3A_115 = tpu.memref_slice %arg15[%dma_start3A] : memref<2048xf32, #tpu.memory_space<vmem>> -> memref<512xf32, #tpu.memory_space<vmem>>
        %dma_start3A_116 = tpu.memref_slice %arg2[%add3A_22] : memref<524288xf32, #tpu.memory_space<hbm>> -> memref<512xf32, #tpu.memory_space<hbm>>
        %dma_start3A_117 = arith.constant 1536 : i32
        %dma_start3A_118 = tpu.memref_slice %arg15[%dma_start3A_117] : memref<2048xf32, #tpu.memory_space<vmem>> -> memref<512xf32, #tpu.memory_space<vmem>>
        %dma_start3A_119 = tpu.memref_slice %arg2[%add3A_22] : memref<524288xf32, #tpu.memory_space<hbm>> -> memref<512xf32, #tpu.memory_space<hbm>>
        tpu.enqueue_dma source(%dma_start3A_119 : memref<512xf32, #tpu.memory_space<hbm>>) target(%dma_start3A_118 : memref<512xf32, #tpu.memory_space<vmem>>) target_semaphore(%run_scoped3A : memref<!tpu.dma_semaphore, #tpu.memory_space<semaphore_mem>>)
        %dma_wait3A = arith.constant 1536 : i32
        %dma_wait3A_120 = tpu.memref_slice %arg15[%dma_wait3A] : memref<2048xf32, #tpu.memory_space<vmem>> -> memref<512xf32, #tpu.memory_space<vmem>>
        %dma_wait3A_121 = tpu.memref_slice %arg2[%add3A_22] : memref<524288xf32, #tpu.memory_space<hbm>> -> memref<512xf32, #tpu.memory_space<hbm>>
        %dma_wait3A_122 = arith.constant 1536 : i32
        %dma_wait3A_123 = tpu.memref_slice %arg15[%dma_wait3A_122] : memref<2048xf32, #tpu.memory_space<vmem>> -> memref<512xf32, #tpu.memory_space<vmem>>
        %dma_wait3A_124 = tpu.memref_slice %arg2[%add3A_22] : memref<524288xf32, #tpu.memory_space<hbm>> -> memref<512xf32, #tpu.memory_space<hbm>>
        tpu.wait_dma2 semaphore(%run_scoped3A : memref<!tpu.dma_semaphore, #tpu.memory_space<semaphore_mem>>) src(%dma_wait3A_124 : memref<512xf32, #tpu.memory_space<hbm>>) dst(%dma_wait3A_123 : memref<512xf32, #tpu.memory_space<vmem>>)
        tpu.yield
      }) : () -> ()
      %get3A = arith.constant 0 : index
      %get3A_23 = tpu.vector_load %arg16[%get3A] {strides = array<i32>} : memref<256xf32, #tpu.memory_space<vmem>>, vector<16xf32>,
      %get3A_24 = arith.constant 0 : index
      %get3A_25 = tpu.vector_load %arg17[%get3A_24] {strides = array<i32>} : memref<1280xi32, #tpu.memory_space<vmem>>, vector<16xi32>,
      %get3A_26 = arith.constant 16 : index
      %get3A_27 = tpu.vector_load %arg17[%get3A_26] {strides = array<i32>} : memref<1280xi32, #tpu.memory_space<vmem>>, vector<16xi32>,
      %get3A_28 = arith.constant 32 : index
      %get3A_29 = tpu.vector_load %arg17[%get3A_28] {strides = array<i32>} : memref<1280xi32, #tpu.memory_space<vmem>>, vector<16xi32>,
      %get3A_30 = arith.constant 48 : index
      %get3A_31 = tpu.vector_load %arg17[%get3A_30] {strides = array<i32>} : memref<1280xi32, #tpu.memory_space<vmem>>, vector<16xi32>,
      %get3A_32 = arith.constant 64 : index
      %get3A_33 = tpu.vector_load %arg17[%get3A_32] {strides = array<i32>} : memref<1280xi32, #tpu.memory_space<vmem>>, vector<16xi32>,
      %ne3A = arith.constant 0 : i32
      %ne3A_34 = vector.broadcast %ne3A : i32 to vector<16xi32>
      %ne3A_35 = arith.cmpi ne, %get3A_33, %ne3A_34 : vector<16xi32>
      %scan3A_36 = arith.constant 0 : i32
      %scan3A_37 = arith.constant 0 : i32
      %scan3A_38 = arith.constant 32 : i32
      %scan3A_39 = arith.addi %scan3A_37, %scan3A_38 : i32
      %scan3A_40 = arith.constant 1 : i32
      scf.for %scan3A_115 = %scan3A_37 to %scan3A_39 step %scan3A_40  : i32 {
        %mul3A_116 = arith.constant 16 : i32
        %mul3A_117 = arith.muli %scan3A_115, %mul3A_116 : i32
        %add3A_118 = arith.constant 0 : i32
        %add3A_119 = arith.addi %add3A_118, %mul3A_117 : i32
        %get3A_120 = arith.index_cast %add3A_119 : i32 to index
        %get3A_121 = tpu.vector_load %arg15[%get3A_120] {strides = array<i32>} : memref<2048xf32, #tpu.memory_space<vmem>>, vector<16xf32>,
        %mul3A_122 = arith.mulf %get3A_121, %get3A_23 : vector<16xf32>
        %convert_element_type3A = arith.fptosi %mul3A_122 : vector<16xf32> to vector<16xi32>
        %min3A = arith.minsi %convert_element_type3A, %get3A_25 : vector<16xi32>
        %max3A = arith.constant 0 : i32
        %max3A_123 = vector.broadcast %max3A : i32 to vector<16xi32>
        %max3A_124 = arith.maxsi %min3A, %max3A_123 : vector<16xi32>
        %convert_element_type3A_125 = arith.sitofp %max3A_124 : vector<16xi32> to vector<16xf32>
        %sub3A = arith.subf %mul3A_122, %convert_element_type3A_125 : vector<16xf32>
        %add3A_126 = arith.constant 1 : i32
        %add3A_127 = vector.broadcast %add3A_126 : i32 to vector<16xi32>
        %add3A_128 = arith.addi %max3A_124, %add3A_127 : vector<16xi32>
        %sub3A_129 = arith.constant 1.000000e+00 : f32
        %sub3A_130 = vector.broadcast %sub3A_129 : f32 to vector<16xf32>
        %sub3A_131 = arith.subf %sub3A_130, %sub3A : vector<16xf32>
        %add3A_132 = arith.constant 512 : i32
        %add3A_133 = arith.addi %add3A_132, %mul3A_117 : i32
        %get3A_134 = arith.index_cast %add3A_133 : i32 to index
        %get3A_135 = tpu.vector_load %arg15[%get3A_134] {strides = array<i32>} : memref<2048xf32, #tpu.memory_space<vmem>>, vector<16xf32>,
        %mul3A_136 = arith.mulf %get3A_135, %get3A_23 : vector<16xf32>
        %convert_element_type3A_137 = arith.fptosi %mul3A_136 : vector<16xf32> to vector<16xi32>
        %min3A_138 = arith.minsi %convert_element_type3A_137, %get3A_25 : vector<16xi32>
        %max3A_139 = arith.constant 0 : i32
        %max3A_140 = vector.broadcast %max3A_139 : i32 to vector<16xi32>
        %max3A_141 = arith.maxsi %min3A_138, %max3A_140 : vector<16xi32>
        %convert_element_type3A_142 = arith.sitofp %max3A_141 : vector<16xi32> to vector<16xf32>
        %sub3A_143 = arith.subf %mul3A_136, %convert_element_type3A_142 : vector<16xf32>
        %mul3A_144 = arith.muli %max3A_141, %get3A_27 : vector<16xi32>
        %add3A_145 = arith.addi %mul3A_144, %get3A_27 : vector<16xi32>
        %sub3A_146 = arith.constant 1.000000e+00 : f32
        %sub3A_147 = vector.broadcast %sub3A_146 : f32 to vector<16xf32>
        %sub3A_148 = arith.subf %sub3A_147, %sub3A_143 : vector<16xf32>
        %add3A_149 = arith.constant 1024 : i32
        %add3A_150 = arith.addi %add3A_149, %mul3A_117 : i32
        %get3A_151 = arith.index_cast %add3A_150 : i32 to index
        %get3A_152 = tpu.vector_load %arg15[%get3A_151] {strides = array<i32>} : memref<2048xf32, #tpu.memory_space<vmem>>, vector<16xf32>,
        %mul3A_153 = arith.mulf %get3A_152, %get3A_23 : vector<16xf32>
        %convert_element_type3A_154 = arith.fptosi %mul3A_153 : vector<16xf32> to vector<16xi32>
        %min3A_155 = arith.minsi %convert_element_type3A_154, %get3A_25 : vector<16xi32>
        %max3A_156 = arith.constant 0 : i32
        %max3A_157 = vector.broadcast %max3A_156 : i32 to vector<16xi32>
        %max3A_158 = arith.maxsi %min3A_155, %max3A_157 : vector<16xi32>
        %convert_element_type3A_159 = arith.sitofp %max3A_158 : vector<16xi32> to vector<16xf32>
        %sub3A_160 = arith.subf %mul3A_153, %convert_element_type3A_159 : vector<16xf32>
        %mul3A_161 = arith.muli %max3A_158, %get3A_29 : vector<16xi32>
        %add3A_162 = arith.addi %mul3A_161, %get3A_29 : vector<16xi32>
        %sub3A_163 = arith.constant 1.000000e+00 : f32
        %sub3A_164 = vector.broadcast %sub3A_163 : f32 to vector<16xf32>
        %sub3A_165 = arith.subf %sub3A_164, %sub3A_160 : vector<16xf32>
        %mul3A_166 = arith.mulf %sub3A_131, %sub3A_148 : vector<16xf32>
        %mul3A_167 = arith.mulf %sub3A, %sub3A_148 : vector<16xf32>
        %mul3A_168 = arith.mulf %sub3A_131, %sub3A_143 : vector<16xf32>
        %mul3A_169 = arith.mulf %sub3A, %sub3A_143 : vector<16xf32>
        %add3A_170 = arith.addi %max3A_124, %mul3A_144 : vector<16xi32>
        %add3A_171 = arith.addi %add3A_170, %mul3A_161 : vector<16xi32>
        %xor3A = arith.xori %max3A_124, %mul3A_144 : vector<16xi32>
        %xor3A_172 = arith.xori %xor3A, %mul3A_161 : vector<16xi32>
        %select_n3A = arith.select %ne3A_35, %xor3A_172, %add3A_171 : vector<16xi1>, vector<16xi32>
        %and3A = arith.constant 524287 : i32
        %and3A_173 = vector.broadcast %and3A : i32 to vector<16xi32>
        %and3A_174 = arith.andi %select_n3A, %and3A_173 : vector<16xi32>
        %add3A_175 = arith.constant 0 : i32
        %add3A_176 = vector.broadcast %add3A_175 : i32 to vector<16xi32>
        %add3A_177 = arith.addi %and3A_174, %add3A_176 : vector<16xi32>
        %add3A_178 = arith.constant 0 : i32
        %add3A_179 = arith.addi %add3A_178, %mul3A_117 : i32
        %swap3A = arith.index_cast %add3A_179 : i32 to index
        %swap3A_180 = tpu.vector_load %arg20[%swap3A] {strides = array<i32>} : memref<16384xi32, #tpu.memory_space<vmem>>, vector<16xi32>,
        tpu.vector_store %arg20[%swap3A], %add3A_177 {strides = array<i32>} : memref<16384xi32, #tpu.memory_space<vmem>>, vector<16xi32>,
        %mul3A_181 = arith.mulf %mul3A_166, %sub3A_165 : vector<16xf32>
        %swap3A_182 = arith.index_cast %add3A_179 : i32 to index
        %swap3A_183 = tpu.vector_load %arg24[%swap3A_182] {strides = array<i32>} : memref<16384xf32, #tpu.memory_space<vmem>>, vector<16xf32>,
        tpu.vector_store %arg24[%swap3A_182], %mul3A_181 {strides = array<i32>} : memref<16384xf32, #tpu.memory_space<vmem>>, vector<16xf32>,
        %add3A_184 = arith.addi %add3A_128, %mul3A_144 : vector<16xi32>
        %add3A_185 = arith.addi %add3A_184, %mul3A_161 : vector<16xi32>
        %xor3A_186 = arith.xori %add3A_128, %mul3A_144 : vector<16xi32>
        %xor3A_187 = arith.xori %xor3A_186, %mul3A_161 : vector<16xi32>
        %select_n3A_188 = arith.select %ne3A_35, %xor3A_187, %add3A_185 : vector<16xi1>, vector<16xi32>
        %and3A_189 = arith.constant 524287 : i32
        %and3A_190 = vector.broadcast %and3A_189 : i32 to vector<16xi32>
        %and3A_191 = arith.andi %select_n3A_188, %and3A_190 : vector<16xi32>
        %add3A_192 = arith.constant 0 : i32
        %add3A_193 = vector.broadcast %add3A_192 : i32 to vector<16xi32>
        %add3A_194 = arith.addi %and3A_191, %add3A_193 : vector<16xi32>
        %add3A_195 = arith.constant 512 : i32
        %add3A_196 = arith.addi %add3A_195, %mul3A_117 : i32
        %swap3A_197 = arith.index_cast %add3A_196 : i32 to index
        %swap3A_198 = tpu.vector_load %arg20[%swap3A_197] {strides = array<i32>} : memref<16384xi32, #tpu.memory_space<vmem>>, vector<16xi32>,
        tpu.vector_store %arg20[%swap3A_197], %add3A_194 {strides = array<i32>} : memref<16384xi32, #tpu.memory_space<vmem>>, vector<16xi32>,
        %mul3A_199 = arith.mulf %mul3A_167, %sub3A_165 : vector<16xf32>
        %swap3A_200 = arith.index_cast %add3A_196 : i32 to index
        %swap3A_201 = tpu.vector_load %arg24[%swap3A_200] {strides = array<i32>} : memref<16384xf32, #tpu.memory_space<vmem>>, vector<16xf32>,
        tpu.vector_store %arg24[%swap3A_200], %mul3A_199 {strides = array<i32>} : memref<16384xf32, #tpu.memory_space<vmem>>, vector<16xf32>,
        %add3A_202 = arith.addi %max3A_124, %add3A_145 : vector<16xi32>
        %add3A_203 = arith.addi %add3A_202, %mul3A_161 : vector<16xi32>
        %xor3A_204 = arith.xori %max3A_124, %add3A_145 : vector<16xi32>
        %xor3A_205 = arith.xori %xor3A_204, %mul3A_161 : vector<16xi32>
        %select_n3A_206 = arith.select %ne3A_35, %xor3A_205, %add3A_203 : vector<16xi1>, vector<16xi32>
        %and3A_207 = arith.constant 524287 : i32
        %and3A_208 = vector.broadcast %and3A_207 : i32 to vector<16xi32>
        %and3A_209 = arith.andi %select_n3A_206, %and3A_208 : vector<16xi32>
        %add3A_210 = arith.constant 0 : i32
        %add3A_211 = vector.broadcast %add3A_210 : i32 to vector<16xi32>
        %add3A_212 = arith.addi %and3A_209, %add3A_211 : vector<16xi32>
        %add3A_213 = arith.constant 1024 : i32
        %add3A_214 = arith.addi %add3A_213, %mul3A_117 : i32
        %swap3A_215 = arith.index_cast %add3A_214 : i32 to index
        %swap3A_216 = tpu.vector_load %arg20[%swap3A_215] {strides = array<i32>} : memref<16384xi32, #tpu.memory_space<vmem>>, vector<16xi32>,
        tpu.vector_store %arg20[%swap3A_215], %add3A_212 {strides = array<i32>} : memref<16384xi32, #tpu.memory_space<vmem>>, vector<16xi32>,
        %mul3A_217 = arith.mulf %mul3A_168, %sub3A_165 : vector<16xf32>
        %swap3A_218 = arith.index_cast %add3A_214 : i32 to index
        %swap3A_219 = tpu.vector_load %arg24[%swap3A_218] {strides = array<i32>} : memref<16384xf32, #tpu.memory_space<vmem>>, vector<16xf32>,
        tpu.vector_store %arg24[%swap3A_218], %mul3A_217 {strides = array<i32>} : memref<16384xf32, #tpu.memory_space<vmem>>, vector<16xf32>,
        %add3A_220 = arith.addi %add3A_128, %add3A_145 : vector<16xi32>
        %add3A_221 = arith.addi %add3A_220, %mul3A_161 : vector<16xi32>
        %xor3A_222 = arith.xori %add3A_128, %add3A_145 : vector<16xi32>
        %xor3A_223 = arith.xori %xor3A_222, %mul3A_161 : vector<16xi32>
        %select_n3A_224 = arith.select %ne3A_35, %xor3A_223, %add3A_221 : vector<16xi1>, vector<16xi32>
        %and3A_225 = arith.constant 524287 : i32
        %and3A_226 = vector.broadcast %and3A_225 : i32 to vector<16xi32>
        %and3A_227 = arith.andi %select_n3A_224, %and3A_226 : vector<16xi32>
        %add3A_228 = arith.constant 0 : i32
        %add3A_229 = vector.broadcast %add3A_228 : i32 to vector<16xi32>
        %add3A_230 = arith.addi %and3A_227, %add3A_229 : vector<16xi32>
        %add3A_231 = arith.constant 1536 : i32
        %add3A_232 = arith.addi %add3A_231, %mul3A_117 : i32
        %swap3A_233 = arith.index_cast %add3A_232 : i32 to index
        %swap3A_234 = tpu.vector_load %arg20[%swap3A_233] {strides = array<i32>} : memref<16384xi32, #tpu.memory_space<vmem>>, vector<16xi32>,
        tpu.vector_store %arg20[%swap3A_233], %add3A_230 {strides = array<i32>} : memref<16384xi32, #tpu.memory_space<vmem>>, vector<16xi32>,
        %mul3A_235 = arith.mulf %mul3A_169, %sub3A_165 : vector<16xf32>
        %swap3A_236 = arith.index_cast %add3A_232 : i32 to index
        %swap3A_237 = tpu.vector_load %arg24[%swap3A_236] {strides = array<i32>} : memref<16384xf32, #tpu.memory_space<vmem>>, vector<16xf32>,
        tpu.vector_store %arg24[%swap3A_236], %mul3A_235 {strides = array<i32>} : memref<16384xf32, #tpu.memory_space<vmem>>, vector<16xf32>,
        %add3A_238 = arith.addi %max3A_124, %mul3A_144 : vector<16xi32>
        %add3A_239 = arith.addi %add3A_238, %add3A_162 : vector<16xi32>
        %xor3A_240 = arith.xori %max3A_124, %mul3A_144 : vector<16xi32>
        %xor3A_241 = arith.xori %xor3A_240, %add3A_162 : vector<16xi32>
        %select_n3A_242 = arith.select %ne3A_35, %xor3A_241, %add3A_239 : vector<16xi1>, vector<16xi32>
        %and3A_243 = arith.constant 524287 : i32
        %and3A_244 = vector.broadcast %and3A_243 : i32 to vector<16xi32>
        %and3A_245 = arith.andi %select_n3A_242, %and3A_244 : vector<16xi32>
        %add3A_246 = arith.constant 0 : i32
        %add3A_247 = vector.broadcast %add3A_246 : i32 to vector<16xi32>
        %add3A_248 = arith.addi %and3A_245, %add3A_247 : vector<16xi32>
        %add3A_249 = arith.constant 2048 : i32
        %add3A_250 = arith.addi %add3A_249, %mul3A_117 : i32
        %swap3A_251 = arith.index_cast %add3A_250 : i32 to index
        %swap3A_252 = tpu.vector_load %arg20[%swap3A_251] {strides = array<i32>} : memref<16384xi32, #tpu.memory_space<vmem>>, vector<16xi32>,
        tpu.vector_store %arg20[%swap3A_251], %add3A_248 {strides = array<i32>} : memref<16384xi32, #tpu.memory_space<vmem>>, vector<16xi32>,
        %mul3A_253 = arith.mulf %mul3A_166, %sub3A_160 : vector<16xf32>
        %swap3A_254 = arith.index_cast %add3A_250 : i32 to index
        %swap3A_255 = tpu.vector_load %arg24[%swap3A_254] {strides = array<i32>} : memref<16384xf32, #tpu.memory_space<vmem>>, vector<16xf32>,
        tpu.vector_store %arg24[%swap3A_254], %mul3A_253 {strides = array<i32>} : memref<16384xf32, #tpu.memory_space<vmem>>, vector<16xf32>,
        %add3A_256 = arith.addi %add3A_128, %mul3A_144 : vector<16xi32>
        %add3A_257 = arith.addi %add3A_256, %add3A_162 : vector<16xi32>
        %xor3A_258 = arith.xori %add3A_128, %mul3A_144 : vector<16xi32>
        %xor3A_259 = arith.xori %xor3A_258, %add3A_162 : vector<16xi32>
        %select_n3A_260 = arith.select %ne3A_35, %xor3A_259, %add3A_257 : vector<16xi1>, vector<16xi32>
        %and3A_261 = arith.constant 524287 : i32
        %and3A_262 = vector.broadcast %and3A_261 : i32 to vector<16xi32>
        %and3A_263 = arith.andi %select_n3A_260, %and3A_262 : vector<16xi32>
        %add3A_264 = arith.constant 0 : i32
        %add3A_265 = vector.broadcast %add3A_264 : i32 to vector<16xi32>
        %add3A_266 = arith.addi %and3A_263, %add3A_265 : vector<16xi32>
        %add3A_267 = arith.constant 2560 : i32
        %add3A_268 = arith.addi %add3A_267, %mul3A_117 : i32
        %swap3A_269 = arith.index_cast %add3A_268 : i32 to index
        %swap3A_270 = tpu.vector_load %arg20[%swap3A_269] {strides = array<i32>} : memref<16384xi32, #tpu.memory_space<vmem>>, vector<16xi32>,
        tpu.vector_store %arg20[%swap3A_269], %add3A_266 {strides = array<i32>} : memref<16384xi32, #tpu.memory_space<vmem>>, vector<16xi32>,
        %mul3A_271 = arith.mulf %mul3A_167, %sub3A_160 : vector<16xf32>
        %swap3A_272 = arith.index_cast %add3A_268 : i32 to index
        %swap3A_273 = tpu.vector_load %arg24[%swap3A_272] {strides = array<i32>} : memref<16384xf32, #tpu.memory_space<vmem>>, vector<16xf32>,
        tpu.vector_store %arg24[%swap3A_272], %mul3A_271 {strides = array<i32>} : memref<16384xf32, #tpu.memory_space<vmem>>, vector<16xf32>,
        %add3A_274 = arith.addi %max3A_124, %add3A_145 : vector<16xi32>
        %add3A_275 = arith.addi %add3A_274, %add3A_162 : vector<16xi32>
        %xor3A_276 = arith.xori %max3A_124, %add3A_145 : vector<16xi32>
        %xor3A_277 = arith.xori %xor3A_276, %add3A_162 : vector<16xi32>
        %select_n3A_278 = arith.select %ne3A_35, %xor3A_277, %add3A_275 : vector<16xi1>, vector<16xi32>
        %and3A_279 = arith.constant 524287 : i32
        %and3A_280 = vector.broadcast %and3A_279 : i32 to vector<16xi32>
        %and3A_281 = arith.andi %select_n3A_278, %and3A_280 : vector<16xi32>
        %add3A_282 = arith.constant 0 : i32
        %add3A_283 = vector.broadcast %add3A_282 : i32 to vector<16xi32>
        %add3A_284 = arith.addi %and3A_281, %add3A_283 : vector<16xi32>
        %add3A_285 = arith.constant 3072 : i32
        %add3A_286 = arith.addi %add3A_285, %mul3A_117 : i32
        %swap3A_287 = arith.index_cast %add3A_286 : i32 to index
        %swap3A_288 = tpu.vector_load %arg20[%swap3A_287] {strides = array<i32>} : memref<16384xi32, #tpu.memory_space<vmem>>, vector<16xi32>,
        tpu.vector_store %arg20[%swap3A_287], %add3A_284 {strides = array<i32>} : memref<16384xi32, #tpu.memory_space<vmem>>, vector<16xi32>,
        %mul3A_289 = arith.mulf %mul3A_168, %sub3A_160 : vector<16xf32>
        %swap3A_290 = arith.index_cast %add3A_286 : i32 to index
        %swap3A_291 = tpu.vector_load %arg24[%swap3A_290] {strides = array<i32>} : memref<16384xf32, #tpu.memory_space<vmem>>, vector<16xf32>,
        tpu.vector_store %arg24[%swap3A_290], %mul3A_289 {strides = array<i32>} : memref<16384xf32, #tpu.memory_space<vmem>>, vector<16xf32>,
        %add3A_292 = arith.addi %add3A_128, %add3A_145 : vector<16xi32>
        %add3A_293 = arith.addi %add3A_292, %add3A_162 : vector<16xi32>
        %xor3A_294 = arith.xori %add3A_128, %add3A_145 : vector<16xi32>
        %xor3A_295 = arith.xori %xor3A_294, %add3A_162 : vector<16xi32>
        %select_n3A_296 = arith.select %ne3A_35, %xor3A_295, %add3A_293 : vector<16xi1>, vector<16xi32>
        %and3A_297 = arith.constant 524287 : i32
        %and3A_298 = vector.broadcast %and3A_297 : i32 to vector<16xi32>
        %and3A_299 = arith.andi %select_n3A_296, %and3A_298 : vector<16xi32>
        %add3A_300 = arith.constant 0 : i32
        %add3A_301 = vector.broadcast %add3A_300 : i32 to vector<16xi32>
        %add3A_302 = arith.addi %and3A_299, %add3A_301 : vector<16xi32>
        %add3A_303 = arith.constant 3584 : i32
        %add3A_304 = arith.addi %add3A_303, %mul3A_117 : i32
        %swap3A_305 = arith.index_cast %add3A_304 : i32 to index
        %swap3A_306 = tpu.vector_load %arg20[%swap3A_305] {strides = array<i32>} : memref<16384xi32, #tpu.memory_space<vmem>>, vector<16xi32>,
        tpu.vector_store %arg20[%swap3A_305], %add3A_302 {strides = array<i32>} : memref<16384xi32, #tpu.memory_space<vmem>>, vector<16xi32>,
        %mul3A_307 = arith.mulf %mul3A_169, %sub3A_160 : vector<16xf32>
        %swap3A_308 = arith.index_cast %add3A_304 : i32 to index
        %swap3A_309 = tpu.vector_load %arg24[%swap3A_308] {strides = array<i32>} : memref<16384xf32, #tpu.memory_space<vmem>>, vector<16xf32>,
        tpu.vector_store %arg24[%swap3A_308], %mul3A_307 {strides = array<i32>} : memref<16384xf32, #tpu.memory_space<vmem>>, vector<16xf32>,
      }
      %scan3A_41 = arith.constant 32 : i32
      %scan3A_42 = arith.constant 0 : i32
      %scan3A_43 = arith.constant 0 : i32
      %scan3A_44 = arith.constant 8 : i32
      %scan3A_45 = arith.addi %scan3A_43, %scan3A_44 : i32
      %scan3A_46 = arith.constant 1 : i32
      scf.for %scan3A_115 = %scan3A_43 to %scan3A_45 step %scan3A_46  : i32 {
        %mul3A_116 = arith.constant 512 : i32
        %mul3A_117 = arith.muli %scan3A_115, %mul3A_116 : i32
        %add3A_118 = arith.constant 0 : i32
        %add3A_119 = arith.addi %add3A_118, %mul3A_117 : i32
        %mul3A_120 = arith.constant 512 : i32
        %mul3A_121 = arith.muli %scan3A_115, %mul3A_120 : i32
        %add3A_122 = arith.constant 0 : i32
        %add3A_123 = arith.addi %add3A_122, %mul3A_121 : i32
        %dma_start3A = tpu.memref_slice %arg21[%add3A_123] : memref<16384xf32, #tpu.memory_space<vmem>> -> memref<512xf32, #tpu.memory_space<vmem>>
        %dma_start3A_124 = tpu.memref_slice %arg20[%add3A_119] : memref<16384xi32, #tpu.memory_space<vmem>> -> memref<512xi32, #tpu.memory_space<vmem>>
        %dma_start3A_125 = arith.constant 0 : i32
        %dma_start3A_126 = tpu.memref_slice %arg3[%dma_start3A_125] : memref<8388608xf32, #tpu.memory_space<hbm>> -> memref<8388608xf32, #tpu.memory_space<hbm>>
        tpu.enqueue_indirect_dma source(%dma_start3A_126 : memref<8388608xf32, #tpu.memory_space<hbm>>) target(%dma_start3A : memref<512xf32, #tpu.memory_space<vmem>>) offsets(%dma_start3A_124 : memref<512xi32, #tpu.memory_space<vmem>>) semaphore(%arg28 : memref<!tpu.dma_semaphore, #tpu.memory_space<semaphore_mem>>)
        %mul3A_127 = arith.constant 512 : i32
        %mul3A_128 = arith.muli %scan3A_115, %mul3A_127 : i32
        %add3A_129 = arith.constant 0 : i32
        %add3A_130 = arith.addi %add3A_129, %mul3A_128 : i32
        %mul3A_131 = arith.constant 512 : i32
        %mul3A_132 = arith.muli %scan3A_115, %mul3A_131 : i32
        %add3A_133 = arith.constant 0 : i32
        %add3A_134 = arith.addi %add3A_133, %mul3A_132 : i32
        %dma_start3A_135 = tpu.memref_slice %arg22[%add3A_134] : memref<16384xf32, #tpu.memory_space<vmem>> -> memref<512xf32, #tpu.memory_space<vmem>>
        %dma_start3A_136 = tpu.memref_slice %arg20[%add3A_130] : memref<16384xi32, #tpu.memory_space<vmem>> -> memref<512xi32, #tpu.memory_space<vmem>>
        %dma_start3A_137 = arith.constant 0 : i32
        %dma_start3A_138 = tpu.memref_slice %arg4[%dma_start3A_137] : memref<8388608xf32, #tpu.memory_space<hbm>> -> memref<8388608xf32, #tpu.memory_space<hbm>>
        tpu.enqueue_indirect_dma source(%dma_start3A_138 : memref<8388608xf32, #tpu.memory_space<hbm>>) target(%dma_start3A_135 : memref<512xf32, #tpu.memory_space<vmem>>) offsets(%dma_start3A_136 : memref<512xi32, #tpu.memory_space<vmem>>) semaphore(%arg28 : memref<!tpu.dma_semaphore, #tpu.memory_space<semaphore_mem>>)
      }
      %scan3A_47 = arith.constant 8 : i32
      %scan3A_48 = arith.constant 0 : i32
      %scan3A_49 = arith.constant 0 : i32
      %scan3A_50 = arith.constant 16 : i32
      %scan3A_51 = arith.addi %scan3A_49, %scan3A_50 : i32
      %scan3A_52 = arith.constant 1 : i32
      scf.for %scan3A_115 = %scan3A_49 to %scan3A_51 step %scan3A_52  : i32 {
        %and3A = arith.constant 1 : i32
        %and3A_116 = arith.andi %scan3A_115, %and3A : i32
        %mul3A_117 = arith.constant 8192 : i32
        %mul3A_118 = arith.muli %and3A_116, %mul3A_117 : i32
        %add3A_119 = arith.constant 1 : i32
        %add3A_120 = arith.addi %scan3A_115, %add3A_119 : i32
        %and3A_121 = arith.constant 1 : i32
        %and3A_122 = arith.andi %add3A_120, %and3A_121 : i32
        %mul3A_123 = arith.constant 8192 : i32
        %mul3A_124 = arith.muli %and3A_122, %mul3A_123 : i32
        %lt3A = arith.constant 15 : i32
        %lt3A_125 = arith.cmpi slt, %scan3A_115, %lt3A : i32
        %convert_element_type3A = arith.extui %lt3A_125 : i1 to i32
        %cond3A = arith.constant 0 : i32
        %cond3A_126 = arith.cmpi ne, %convert_element_type3A, %cond3A : i32
        scf.if %cond3A_126 {
          %add3A_139 = arith.constant 1 : i32
          %add3A_140 = arith.addi %scan3A_115, %add3A_139 : i32
          %mul3A_141 = arith.constant 16 : i32
          %mul3A_142 = arith.muli %add3A_140, %mul3A_141 : i32
          %get3A_143 = arith.index_cast %mul3A_142 : i32 to index
          %get3A_144 = tpu.vector_load %arg16[%get3A_143] {strides = array<i32>} : memref<256xf32, #tpu.memory_space<vmem>>, vector<16xf32>,
          %mul3A_145 = arith.constant 5 : i32
          %mul3A_146 = arith.muli %add3A_140, %mul3A_145 : i32
          %mul3A_147 = arith.constant 16 : i32
          %mul3A_148 = arith.muli %mul3A_146, %mul3A_147 : i32
          %get3A_149 = arith.index_cast %mul3A_148 : i32 to index
          %get3A_150 = tpu.vector_load %arg17[%get3A_149] {strides = array<i32>} : memref<1280xi32, #tpu.memory_space<vmem>>, vector<16xi32>,
          %add3A_151 = arith.constant 16 : i32
          %add3A_152 = arith.addi %mul3A_148, %add3A_151 : i32
          %get3A_153 = arith.index_cast %add3A_152 : i32 to index
          %get3A_154 = tpu.vector_load %arg17[%get3A_153] {strides = array<i32>} : memref<1280xi32, #tpu.memory_space<vmem>>, vector<16xi32>,
          %add3A_155 = arith.constant 32 : i32
          %add3A_156 = arith.addi %mul3A_148, %add3A_155 : i32
          %get3A_157 = arith.index_cast %add3A_156 : i32 to index
          %get3A_158 = tpu.vector_load %arg17[%get3A_157] {strides = array<i32>} : memref<1280xi32, #tpu.memory_space<vmem>>, vector<16xi32>,
          %add3A_159 = arith.constant 48 : i32
          %add3A_160 = arith.addi %mul3A_148, %add3A_159 : i32
          %get3A_161 = arith.index_cast %add3A_160 : i32 to index
          %get3A_162 = tpu.vector_load %arg17[%get3A_161] {strides = array<i32>} : memref<1280xi32, #tpu.memory_space<vmem>>, vector<16xi32>,
          %add3A_163 = arith.constant 64 : i32
          %add3A_164 = arith.addi %mul3A_148, %add3A_163 : i32
          %get3A_165 = arith.index_cast %add3A_164 : i32 to index
          %get3A_166 = tpu.vector_load %arg17[%get3A_165] {strides = array<i32>} : memref<1280xi32, #tpu.memory_space<vmem>>, vector<16xi32>,
          %ne3A_167 = arith.constant 0 : i32
          %ne3A_168 = vector.broadcast %ne3A_167 : i32 to vector<16xi32>
          %ne3A_169 = arith.cmpi ne, %get3A_166, %ne3A_168 : vector<16xi32>
          %mul3A_170 = arith.constant 524288 : i32
          %mul3A_171 = arith.muli %add3A_140, %mul3A_170 : i32
          %scan3A_172 = arith.constant 0 : i32
          %scan3A_173 = arith.constant 0 : i32
          %scan3A_174 = arith.constant 32 : i32
          %scan3A_175 = arith.addi %scan3A_173, %scan3A_174 : i32
          %scan3A_176 = arith.constant 1 : i32
          scf.for %scan3A_184 = %scan3A_173 to %scan3A_175 step %scan3A_176  : i32 {
            %mul3A_185 = arith.constant 16 : i32
            %mul3A_186 = arith.muli %scan3A_184, %mul3A_185 : i32
            %add3A_187 = arith.constant 0 : i32
            %add3A_188 = arith.addi %add3A_187, %mul3A_186 : i32
            %get3A_189 = arith.index_cast %add3A_188 : i32 to index
            %get3A_190 = tpu.vector_load %arg15[%get3A_189] {strides = array<i32>} : memref<2048xf32, #tpu.memory_space<vmem>>, vector<16xf32>,
            %mul3A_191 = arith.mulf %get3A_190, %get3A_144 : vector<16xf32>
            %convert_element_type3A_192 = arith.fptosi %mul3A_191 : vector<16xf32> to vector<16xi32>
            %min3A = arith.minsi %convert_element_type3A_192, %get3A_150 : vector<16xi32>
            %max3A = arith.constant 0 : i32
            %max3A_193 = vector.broadcast %max3A : i32 to vector<16xi32>
            %max3A_194 = arith.maxsi %min3A, %max3A_193 : vector<16xi32>
            %convert_element_type3A_195 = arith.sitofp %max3A_194 : vector<16xi32> to vector<16xf32>
            %sub3A = arith.subf %mul3A_191, %convert_element_type3A_195 : vector<16xf32>
            %add3A_196 = arith.constant 1 : i32
            %add3A_197 = vector.broadcast %add3A_196 : i32 to vector<16xi32>
            %add3A_198 = arith.addi %max3A_194, %add3A_197 : vector<16xi32>
            %sub3A_199 = arith.constant 1.000000e+00 : f32
            %sub3A_200 = vector.broadcast %sub3A_199 : f32 to vector<16xf32>
            %sub3A_201 = arith.subf %sub3A_200, %sub3A : vector<16xf32>
            %add3A_202 = arith.constant 512 : i32
            %add3A_203 = arith.addi %add3A_202, %mul3A_186 : i32
            %get3A_204 = arith.index_cast %add3A_203 : i32 to index
            %get3A_205 = tpu.vector_load %arg15[%get3A_204] {strides = array<i32>} : memref<2048xf32, #tpu.memory_space<vmem>>, vector<16xf32>,
            %mul3A_206 = arith.mulf %get3A_205, %get3A_144 : vector<16xf32>
            %convert_element_type3A_207 = arith.fptosi %mul3A_206 : vector<16xf32> to vector<16xi32>
            %min3A_208 = arith.minsi %convert_element_type3A_207, %get3A_150 : vector<16xi32>
            %max3A_209 = arith.constant 0 : i32
            %max3A_210 = vector.broadcast %max3A_209 : i32 to vector<16xi32>
            %max3A_211 = arith.maxsi %min3A_208, %max3A_210 : vector<16xi32>
            %convert_element_type3A_212 = arith.sitofp %max3A_211 : vector<16xi32> to vector<16xf32>
            %sub3A_213 = arith.subf %mul3A_206, %convert_element_type3A_212 : vector<16xf32>
            %mul3A_214 = arith.muli %max3A_211, %get3A_154 : vector<16xi32>
            %add3A_215 = arith.addi %mul3A_214, %get3A_154 : vector<16xi32>
            %sub3A_216 = arith.constant 1.000000e+00 : f32
            %sub3A_217 = vector.broadcast %sub3A_216 : f32 to vector<16xf32>
            %sub3A_218 = arith.subf %sub3A_217, %sub3A_213 : vector<16xf32>
            %add3A_219 = arith.constant 1024 : i32
            %add3A_220 = arith.addi %add3A_219, %mul3A_186 : i32
            %get3A_221 = arith.index_cast %add3A_220 : i32 to index
            %get3A_222 = tpu.vector_load %arg15[%get3A_221] {strides = array<i32>} : memref<2048xf32, #tpu.memory_space<vmem>>, vector<16xf32>,
            %mul3A_223 = arith.mulf %get3A_222, %get3A_144 : vector<16xf32>
            %convert_element_type3A_224 = arith.fptosi %mul3A_223 : vector<16xf32> to vector<16xi32>
            %min3A_225 = arith.minsi %convert_element_type3A_224, %get3A_150 : vector<16xi32>
            %max3A_226 = arith.constant 0 : i32
            %max3A_227 = vector.broadcast %max3A_226 : i32 to vector<16xi32>
            %max3A_228 = arith.maxsi %min3A_225, %max3A_227 : vector<16xi32>
            %convert_element_type3A_229 = arith.sitofp %max3A_228 : vector<16xi32> to vector<16xf32>
            %sub3A_230 = arith.subf %mul3A_223, %convert_element_type3A_229 : vector<16xf32>
            %mul3A_231 = arith.muli %max3A_228, %get3A_158 : vector<16xi32>
            %add3A_232 = arith.addi %mul3A_231, %get3A_158 : vector<16xi32>
            %sub3A_233 = arith.constant 1.000000e+00 : f32
            %sub3A_234 = vector.broadcast %sub3A_233 : f32 to vector<16xf32>
            %sub3A_235 = arith.subf %sub3A_234, %sub3A_230 : vector<16xf32>
            %mul3A_236 = arith.mulf %sub3A_201, %sub3A_218 : vector<16xf32>
            %mul3A_237 = arith.mulf %sub3A, %sub3A_218 : vector<16xf32>
            %mul3A_238 = arith.mulf %sub3A_201, %sub3A_213 : vector<16xf32>
            %mul3A_239 = arith.mulf %sub3A, %sub3A_213 : vector<16xf32>
            %add3A_240 = arith.addi %max3A_194, %mul3A_214 : vector<16xi32>
            %add3A_241 = arith.addi %add3A_240, %mul3A_231 : vector<16xi32>
            %xor3A = arith.xori %max3A_194, %mul3A_214 : vector<16xi32>
            %xor3A_242 = arith.xori %xor3A, %mul3A_231 : vector<16xi32>
            %select_n3A = arith.select %ne3A_169, %xor3A_242, %add3A_241 : vector<16xi1>, vector<16xi32>
            %and3A_243 = arith.constant 524287 : i32
            %and3A_244 = vector.broadcast %and3A_243 : i32 to vector<16xi32>
            %and3A_245 = arith.andi %select_n3A, %and3A_244 : vector<16xi32>
            %add3A_246 = vector.broadcast %mul3A_171 : i32 to vector<16xi32>
            %add3A_247 = arith.addi %and3A_245, %add3A_246 : vector<16xi32>
            %add3A_248 = arith.constant 0 : i32
            %add3A_249 = arith.addi %mul3A_124, %add3A_248 : i32
            %add3A_250 = arith.addi %add3A_249, %mul3A_186 : i32
            %swap3A = arith.index_cast %add3A_250 : i32 to index
            %swap3A_251 = tpu.vector_load %arg20[%swap3A] {strides = array<i32>} : memref<16384xi32, #tpu.memory_space<vmem>>, vector<16xi32>,
            tpu.vector_store %arg20[%swap3A], %add3A_247 {strides = array<i32>} : memref<16384xi32, #tpu.memory_space<vmem>>, vector<16xi32>,
            %mul3A_252 = arith.mulf %mul3A_236, %sub3A_235 : vector<16xf32>
            %swap3A_253 = arith.index_cast %add3A_250 : i32 to index
            %swap3A_254 = tpu.vector_load %arg24[%swap3A_253] {strides = array<i32>} : memref<16384xf32, #tpu.memory_space<vmem>>, vector<16xf32>,
            tpu.vector_store %arg24[%swap3A_253], %mul3A_252 {strides = array<i32>} : memref<16384xf32, #tpu.memory_space<vmem>>, vector<16xf32>,
            %add3A_255 = arith.addi %add3A_198, %mul3A_214 : vector<16xi32>
            %add3A_256 = arith.addi %add3A_255, %mul3A_231 : vector<16xi32>
            %xor3A_257 = arith.xori %add3A_198, %mul3A_214 : vector<16xi32>
            %xor3A_258 = arith.xori %xor3A_257, %mul3A_231 : vector<16xi32>
            %select_n3A_259 = arith.select %ne3A_169, %xor3A_258, %add3A_256 : vector<16xi1>, vector<16xi32>
            %and3A_260 = arith.constant 524287 : i32
            %and3A_261 = vector.broadcast %and3A_260 : i32 to vector<16xi32>
            %and3A_262 = arith.andi %select_n3A_259, %and3A_261 : vector<16xi32>
            %add3A_263 = vector.broadcast %mul3A_171 : i32 to vector<16xi32>
            %add3A_264 = arith.addi %and3A_262, %add3A_263 : vector<16xi32>
            %add3A_265 = arith.constant 512 : i32
            %add3A_266 = arith.addi %mul3A_124, %add3A_265 : i32
            %add3A_267 = arith.addi %add3A_266, %mul3A_186 : i32
            %swap3A_268 = arith.index_cast %add3A_267 : i32 to index
            %swap3A_269 = tpu.vector_load %arg20[%swap3A_268] {strides = array<i32>} : memref<16384xi32, #tpu.memory_space<vmem>>, vector<16xi32>,
            tpu.vector_store %arg20[%swap3A_268], %add3A_264 {strides = array<i32>} : memref<16384xi32, #tpu.memory_space<vmem>>, vector<16xi32>,
            %mul3A_270 = arith.mulf %mul3A_237, %sub3A_235 : vector<16xf32>
            %swap3A_271 = arith.index_cast %add3A_267 : i32 to index
            %swap3A_272 = tpu.vector_load %arg24[%swap3A_271] {strides = array<i32>} : memref<16384xf32, #tpu.memory_space<vmem>>, vector<16xf32>,
            tpu.vector_store %arg24[%swap3A_271], %mul3A_270 {strides = array<i32>} : memref<16384xf32, #tpu.memory_space<vmem>>, vector<16xf32>,
            %add3A_273 = arith.addi %max3A_194, %add3A_215 : vector<16xi32>
            %add3A_274 = arith.addi %add3A_273, %mul3A_231 : vector<16xi32>
            %xor3A_275 = arith.xori %max3A_194, %add3A_215 : vector<16xi32>
            %xor3A_276 = arith.xori %xor3A_275, %mul3A_231 : vector<16xi32>
            %select_n3A_277 = arith.select %ne3A_169, %xor3A_276, %add3A_274 : vector<16xi1>, vector<16xi32>
            %and3A_278 = arith.constant 524287 : i32
            %and3A_279 = vector.broadcast %and3A_278 : i32 to vector<16xi32>
            %and3A_280 = arith.andi %select_n3A_277, %and3A_279 : vector<16xi32>
            %add3A_281 = vector.broadcast %mul3A_171 : i32 to vector<16xi32>
            %add3A_282 = arith.addi %and3A_280, %add3A_281 : vector<16xi32>
            %add3A_283 = arith.constant 1024 : i32
            %add3A_284 = arith.addi %mul3A_124, %add3A_283 : i32
            %add3A_285 = arith.addi %add3A_284, %mul3A_186 : i32
            %swap3A_286 = arith.index_cast %add3A_285 : i32 to index
            %swap3A_287 = tpu.vector_load %arg20[%swap3A_286] {strides = array<i32>} : memref<16384xi32, #tpu.memory_space<vmem>>, vector<16xi32>,
            tpu.vector_store %arg20[%swap3A_286], %add3A_282 {strides = array<i32>} : memref<16384xi32, #tpu.memory_space<vmem>>, vector<16xi32>,
            %mul3A_288 = arith.mulf %mul3A_238, %sub3A_235 : vector<16xf32>
            %swap3A_289 = arith.index_cast %add3A_285 : i32 to index
            %swap3A_290 = tpu.vector_load %arg24[%swap3A_289] {strides = array<i32>} : memref<16384xf32, #tpu.memory_space<vmem>>, vector<16xf32>,
            tpu.vector_store %arg24[%swap3A_289], %mul3A_288 {strides = array<i32>} : memref<16384xf32, #tpu.memory_space<vmem>>, vector<16xf32>,
            %add3A_291 = arith.addi %add3A_198, %add3A_215 : vector<16xi32>
            %add3A_292 = arith.addi %add3A_291, %mul3A_231 : vector<16xi32>
            %xor3A_293 = arith.xori %add3A_198, %add3A_215 : vector<16xi32>
            %xor3A_294 = arith.xori %xor3A_293, %mul3A_231 : vector<16xi32>
            %select_n3A_295 = arith.select %ne3A_169, %xor3A_294, %add3A_292 : vector<16xi1>, vector<16xi32>
            %and3A_296 = arith.constant 524287 : i32
            %and3A_297 = vector.broadcast %and3A_296 : i32 to vector<16xi32>
            %and3A_298 = arith.andi %select_n3A_295, %and3A_297 : vector<16xi32>
            %add3A_299 = vector.broadcast %mul3A_171 : i32 to vector<16xi32>
            %add3A_300 = arith.addi %and3A_298, %add3A_299 : vector<16xi32>
            %add3A_301 = arith.constant 1536 : i32
            %add3A_302 = arith.addi %mul3A_124, %add3A_301 : i32
            %add3A_303 = arith.addi %add3A_302, %mul3A_186 : i32
            %swap3A_304 = arith.index_cast %add3A_303 : i32 to index
            %swap3A_305 = tpu.vector_load %arg20[%swap3A_304] {strides = array<i32>} : memref<16384xi32, #tpu.memory_space<vmem>>, vector<16xi32>,
            tpu.vector_store %arg20[%swap3A_304], %add3A_300 {strides = array<i32>} : memref<16384xi32, #tpu.memory_space<vmem>>, vector<16xi32>,
            %mul3A_306 = arith.mulf %mul3A_239, %sub3A_235 : vector<16xf32>
            %swap3A_307 = arith.index_cast %add3A_303 : i32 to index
            %swap3A_308 = tpu.vector_load %arg24[%swap3A_307] {strides = array<i32>} : memref<16384xf32, #tpu.memory_space<vmem>>, vector<16xf32>,
            tpu.vector_store %arg24[%swap3A_307], %mul3A_306 {strides = array<i32>} : memref<16384xf32, #tpu.memory_space<vmem>>, vector<16xf32>,
            %add3A_309 = arith.addi %max3A_194, %mul3A_214 : vector<16xi32>
            %add3A_310 = arith.addi %add3A_309, %add3A_232 : vector<16xi32>
            %xor3A_311 = arith.xori %max3A_194, %mul3A_214 : vector<16xi32>
            %xor3A_312 = arith.xori %xor3A_311, %add3A_232 : vector<16xi32>
            %select_n3A_313 = arith.select %ne3A_169, %xor3A_312, %add3A_310 : vector<16xi1>, vector<16xi32>
            %and3A_314 = arith.constant 524287 : i32
            %and3A_315 = vector.broadcast %and3A_314 : i32 to vector<16xi32>
            %and3A_316 = arith.andi %select_n3A_313, %and3A_315 : vector<16xi32>
            %add3A_317 = vector.broadcast %mul3A_171 : i32 to vector<16xi32>
            %add3A_318 = arith.addi %and3A_316, %add3A_317 : vector<16xi32>
            %add3A_319 = arith.constant 2048 : i32
            %add3A_320 = arith.addi %mul3A_124, %add3A_319 : i32
            %add3A_321 = arith.addi %add3A_320, %mul3A_186 : i32
            %swap3A_322 = arith.index_cast %add3A_321 : i32 to index
            %swap3A_323 = tpu.vector_load %arg20[%swap3A_322] {strides = array<i32>} : memref<16384xi32, #tpu.memory_space<vmem>>, vector<16xi32>,
            tpu.vector_store %arg20[%swap3A_322], %add3A_318 {strides = array<i32>} : memref<16384xi32, #tpu.memory_space<vmem>>, vector<16xi32>,
            %mul3A_324 = arith.mulf %mul3A_236, %sub3A_230 : vector<16xf32>
            %swap3A_325 = arith.index_cast %add3A_321 : i32 to index
            %swap3A_326 = tpu.vector_load %arg24[%swap3A_325] {strides = array<i32>} : memref<16384xf32, #tpu.memory_space<vmem>>, vector<16xf32>,
            tpu.vector_store %arg24[%swap3A_325], %mul3A_324 {strides = array<i32>} : memref<16384xf32, #tpu.memory_space<vmem>>, vector<16xf32>,
            %add3A_327 = arith.addi %add3A_198, %mul3A_214 : vector<16xi32>
            %add3A_328 = arith.addi %add3A_327, %add3A_232 : vector<16xi32>
            %xor3A_329 = arith.xori %add3A_198, %mul3A_214 : vector<16xi32>
            %xor3A_330 = arith.xori %xor3A_329, %add3A_232 : vector<16xi32>
            %select_n3A_331 = arith.select %ne3A_169, %xor3A_330, %add3A_328 : vector<16xi1>, vector<16xi32>
            %and3A_332 = arith.constant 524287 : i32
            %and3A_333 = vector.broadcast %and3A_332 : i32 to vector<16xi32>
            %and3A_334 = arith.andi %select_n3A_331, %and3A_333 : vector<16xi32>
            %add3A_335 = vector.broadcast %mul3A_171 : i32 to vector<16xi32>
            %add3A_336 = arith.addi %and3A_334, %add3A_335 : vector<16xi32>
            %add3A_337 = arith.constant 2560 : i32
            %add3A_338 = arith.addi %mul3A_124, %add3A_337 : i32
            %add3A_339 = arith.addi %add3A_338, %mul3A_186 : i32
            %swap3A_340 = arith.index_cast %add3A_339 : i32 to index
            %swap3A_341 = tpu.vector_load %arg20[%swap3A_340] {strides = array<i32>} : memref<16384xi32, #tpu.memory_space<vmem>>, vector<16xi32>,
            tpu.vector_store %arg20[%swap3A_340], %add3A_336 {strides = array<i32>} : memref<16384xi32, #tpu.memory_space<vmem>>, vector<16xi32>,
            %mul3A_342 = arith.mulf %mul3A_237, %sub3A_230 : vector<16xf32>
            %swap3A_343 = arith.index_cast %add3A_339 : i32 to index
            %swap3A_344 = tpu.vector_load %arg24[%swap3A_343] {strides = array<i32>} : memref<16384xf32, #tpu.memory_space<vmem>>, vector<16xf32>,
            tpu.vector_store %arg24[%swap3A_343], %mul3A_342 {strides = array<i32>} : memref<16384xf32, #tpu.memory_space<vmem>>, vector<16xf32>,
            %add3A_345 = arith.addi %max3A_194, %add3A_215 : vector<16xi32>
            %add3A_346 = arith.addi %add3A_345, %add3A_232 : vector<16xi32>
            %xor3A_347 = arith.xori %max3A_194, %add3A_215 : vector<16xi32>
            %xor3A_348 = arith.xori %xor3A_347, %add3A_232 : vector<16xi32>
            %select_n3A_349 = arith.select %ne3A_169, %xor3A_348, %add3A_346 : vector<16xi1>, vector<16xi32>
            %and3A_350 = arith.constant 524287 : i32
            %and3A_351 = vector.broadcast %and3A_350 : i32 to vector<16xi32>
            %and3A_352 = arith.andi %select_n3A_349, %and3A_351 : vector<16xi32>
            %add3A_353 = vector.broadcast %mul3A_171 : i32 to vector<16xi32>
            %add3A_354 = arith.addi %and3A_352, %add3A_353 : vector<16xi32>
            %add3A_355 = arith.constant 3072 : i32
            %add3A_356 = arith.addi %mul3A_124, %add3A_355 : i32
            %add3A_357 = arith.addi %add3A_356, %mul3A_186 : i32
            %swap3A_358 = arith.index_cast %add3A_357 : i32 to index
            %swap3A_359 = tpu.vector_load %arg20[%swap3A_358] {strides = array<i32>} : memref<16384xi32, #tpu.memory_space<vmem>>, vector<16xi32>,
            tpu.vector_store %arg20[%swap3A_358], %add3A_354 {strides = array<i32>} : memref<16384xi32, #tpu.memory_space<vmem>>, vector<16xi32>,
            %mul3A_360 = arith.mulf %mul3A_238, %sub3A_230 : vector<16xf32>
            %swap3A_361 = arith.index_cast %add3A_357 : i32 to index
            %swap3A_362 = tpu.vector_load %arg24[%swap3A_361] {strides = array<i32>} : memref<16384xf32, #tpu.memory_space<vmem>>, vector<16xf32>,
            tpu.vector_store %arg24[%swap3A_361], %mul3A_360 {strides = array<i32>} : memref<16384xf32, #tpu.memory_space<vmem>>, vector<16xf32>,
            %add3A_363 = arith.addi %add3A_198, %add3A_215 : vector<16xi32>
            %add3A_364 = arith.addi %add3A_363, %add3A_232 : vector<16xi32>
            %xor3A_365 = arith.xori %add3A_198, %add3A_215 : vector<16xi32>
            %xor3A_366 = arith.xori %xor3A_365, %add3A_232 : vector<16xi32>
            %select_n3A_367 = arith.select %ne3A_169, %xor3A_366, %add3A_364 : vector<16xi1>, vector<16xi32>
            %and3A_368 = arith.constant 524287 : i32
            %and3A_369 = vector.broadcast %and3A_368 : i32 to vector<16xi32>
            %and3A_370 = arith.andi %select_n3A_367, %and3A_369 : vector<16xi32>
            %add3A_371 = vector.broadcast %mul3A_171 : i32 to vector<16xi32>
            %add3A_372 = arith.addi %and3A_370, %add3A_371 : vector<16xi32>
            %add3A_373 = arith.constant 3584 : i32
            %add3A_374 = arith.addi %mul3A_124, %add3A_373 : i32
            %add3A_375 = arith.addi %add3A_374, %mul3A_186 : i32
            %swap3A_376 = arith.index_cast %add3A_375 : i32 to index
            %swap3A_377 = tpu.vector_load %arg20[%swap3A_376] {strides = array<i32>} : memref<16384xi32, #tpu.memory_space<vmem>>, vector<16xi32>,
            tpu.vector_store %arg20[%swap3A_376], %add3A_372 {strides = array<i32>} : memref<16384xi32, #tpu.memory_space<vmem>>, vector<16xi32>,
            %mul3A_378 = arith.mulf %mul3A_239, %sub3A_230 : vector<16xf32>
            %swap3A_379 = arith.index_cast %add3A_375 : i32 to index
            %swap3A_380 = tpu.vector_load %arg24[%swap3A_379] {strides = array<i32>} : memref<16384xf32, #tpu.memory_space<vmem>>, vector<16xf32>,
            tpu.vector_store %arg24[%swap3A_379], %mul3A_378 {strides = array<i32>} : memref<16384xf32, #tpu.memory_space<vmem>>, vector<16xf32>,
          }
          %scan3A_177 = arith.constant 32 : i32
          %scan3A_178 = arith.constant 0 : i32
          %scan3A_179 = arith.constant 0 : i32
          %scan3A_180 = arith.constant 8 : i32
          %scan3A_181 = arith.addi %scan3A_179, %scan3A_180 : i32
          %scan3A_182 = arith.constant 1 : i32
          scf.for %scan3A_184 = %scan3A_179 to %scan3A_181 step %scan3A_182  : i32 {
            %mul3A_185 = arith.constant 512 : i32
            %mul3A_186 = arith.muli %scan3A_184, %mul3A_185 : i32
            %add3A_187 = arith.addi %mul3A_124, %mul3A_186 : i32
            %mul3A_188 = arith.constant 512 : i32
            %mul3A_189 = arith.muli %scan3A_184, %mul3A_188 : i32
            %add3A_190 = arith.addi %mul3A_124, %mul3A_189 : i32
            %dma_start3A = tpu.memref_slice %arg21[%add3A_190] : memref<16384xf32, #tpu.memory_space<vmem>> -> memref<512xf32, #tpu.memory_space<vmem>>
            %dma_start3A_191 = tpu.memref_slice %arg20[%add3A_187] : memref<16384xi32, #tpu.memory_space<vmem>> -> memref<512xi32, #tpu.memory_space<vmem>>
            %dma_start3A_192 = arith.constant 0 : i32
            %dma_start3A_193 = tpu.memref_slice %arg3[%dma_start3A_192] : memref<8388608xf32, #tpu.memory_space<hbm>> -> memref<8388608xf32, #tpu.memory_space<hbm>>
            tpu.enqueue_indirect_dma source(%dma_start3A_193 : memref<8388608xf32, #tpu.memory_space<hbm>>) target(%dma_start3A : memref<512xf32, #tpu.memory_space<vmem>>) offsets(%dma_start3A_191 : memref<512xi32, #tpu.memory_space<vmem>>) semaphore(%arg28 : memref<!tpu.dma_semaphore, #tpu.memory_space<semaphore_mem>>)
            %mul3A_194 = arith.constant 512 : i32
            %mul3A_195 = arith.muli %scan3A_184, %mul3A_194 : i32
            %add3A_196 = arith.addi %mul3A_124, %mul3A_195 : i32
            %mul3A_197 = arith.constant 512 : i32
            %mul3A_198 = arith.muli %scan3A_184, %mul3A_197 : i32
            %add3A_199 = arith.addi %mul3A_124, %mul3A_198 : i32
            %dma_start3A_200 = tpu.memref_slice %arg22[%add3A_199] : memref<16384xf32, #tpu.memory_space<vmem>> -> memref<512xf32, #tpu.memory_space<vmem>>
            %dma_start3A_201 = tpu.memref_slice %arg20[%add3A_196] : memref<16384xi32, #tpu.memory_space<vmem>> -> memref<512xi32, #tpu.memory_space<vmem>>
            %dma_start3A_202 = arith.constant 0 : i32
            %dma_start3A_203 = tpu.memref_slice %arg4[%dma_start3A_202] : memref<8388608xf32, #tpu.memory_space<hbm>> -> memref<8388608xf32, #tpu.memory_space<hbm>>
            tpu.enqueue_indirect_dma source(%dma_start3A_203 : memref<8388608xf32, #tpu.memory_space<hbm>>) target(%dma_start3A_200 : memref<512xf32, #tpu.memory_space<vmem>>) offsets(%dma_start3A_201 : memref<512xi32, #tpu.memory_space<vmem>>) semaphore(%arg28 : memref<!tpu.dma_semaphore, #tpu.memory_space<semaphore_mem>>)
          }
          %scan3A_183 = arith.constant 8 : i32
        } else {
        }
        %scan3A_127 = arith.constant 0 : i32
        %scan3A_128 = arith.constant 0 : i32
        %scan3A_129 = arith.constant 8 : i32
        %scan3A_130 = arith.addi %scan3A_128, %scan3A_129 : i32
        %scan3A_131 = arith.constant 1 : i32
        scf.for %scan3A_139 = %scan3A_128 to %scan3A_130 step %scan3A_131  : i32 {
          %mul3A_140 = arith.constant 512 : i32
          %mul3A_141 = arith.muli %scan3A_139, %mul3A_140 : i32
          %add3A_142 = arith.addi %mul3A_118, %mul3A_141 : i32
          %mul3A_143 = arith.constant 512 : i32
          %mul3A_144 = arith.muli %scan3A_139, %mul3A_143 : i32
          %add3A_145 = arith.addi %mul3A_118, %mul3A_144 : i32
          %dma_wait3A = tpu.memref_slice %arg21[%add3A_145] : memref<16384xf32, #tpu.memory_space<vmem>> -> memref<512xf32, #tpu.memory_space<vmem>>
          %dma_wait3A_146 = tpu.memref_slice %arg20[%add3A_142] : memref<16384xi32, #tpu.memory_space<vmem>> -> memref<512xi32, #tpu.memory_space<vmem>>
          %dma_wait3A_147 = arith.constant 0 : i32
          %dma_wait3A_148 = tpu.memref_slice %arg3[%dma_wait3A_147] : memref<8388608xf32, #tpu.memory_space<hbm>> -> memref<8388608xf32, #tpu.memory_space<hbm>>
          tpu.wait_indirect_dma semaphore(%arg28 : memref<!tpu.dma_semaphore, #tpu.memory_space<semaphore_mem>>) src(%dma_wait3A_148 : memref<8388608xf32, #tpu.memory_space<hbm>>) dst(%dma_wait3A : memref<512xf32, #tpu.memory_space<vmem>>)
          %mul3A_149 = arith.constant 512 : i32
          %mul3A_150 = arith.muli %scan3A_139, %mul3A_149 : i32
          %add3A_151 = arith.addi %mul3A_118, %mul3A_150 : i32
          %mul3A_152 = arith.constant 512 : i32
          %mul3A_153 = arith.muli %scan3A_139, %mul3A_152 : i32
          %add3A_154 = arith.addi %mul3A_118, %mul3A_153 : i32
          %dma_wait3A_155 = tpu.memref_slice %arg22[%add3A_154] : memref<16384xf32, #tpu.memory_space<vmem>> -> memref<512xf32, #tpu.memory_space<vmem>>
          %dma_wait3A_156 = tpu.memref_slice %arg20[%add3A_151] : memref<16384xi32, #tpu.memory_space<vmem>> -> memref<512xi32, #tpu.memory_space<vmem>>
          %dma_wait3A_157 = arith.constant 0 : i32
          %dma_wait3A_158 = tpu.memref_slice %arg4[%dma_wait3A_157] : memref<8388608xf32, #tpu.memory_space<hbm>> -> memref<8388608xf32, #tpu.memory_space<hbm>>
          tpu.wait_indirect_dma semaphore(%arg28 : memref<!tpu.dma_semaphore, #tpu.memory_space<semaphore_mem>>) src(%dma_wait3A_158 : memref<8388608xf32, #tpu.memory_space<hbm>>) dst(%dma_wait3A_155 : memref<512xf32, #tpu.memory_space<vmem>>)
        }
        %scan3A_132 = arith.constant 8 : i32
        %scan3A_133 = arith.constant 0 : i32
        %scan3A_134 = arith.constant 0 : i32
        %scan3A_135 = arith.constant 32 : i32
        %scan3A_136 = arith.addi %scan3A_134, %scan3A_135 : i32
        %scan3A_137 = arith.constant 1 : i32
        scf.for %scan3A_139 = %scan3A_134 to %scan3A_136 step %scan3A_137  : i32 {
          %mul3A_140 = arith.constant 16 : i32
          %mul3A_141 = arith.muli %scan3A_139, %mul3A_140 : i32
          %broadcast_in_dim3A = arith.constant 0.000000e+00 : f32
          %broadcast_in_dim3A_142 = vector.broadcast %broadcast_in_dim3A : f32 to vector<16xf32>
          %broadcast_in_dim3A_143 = arith.constant 0.000000e+00 : f32
          %broadcast_in_dim3A_144 = vector.broadcast %broadcast_in_dim3A_143 : f32 to vector<16xf32>
          %add3A_145 = arith.constant 0 : i32
          %add3A_146 = arith.addi %mul3A_118, %add3A_145 : i32
          %add3A_147 = arith.addi %add3A_146, %mul3A_141 : i32
          %get3A_148 = arith.index_cast %add3A_147 : i32 to index
          %get3A_149 = tpu.vector_load %arg24[%get3A_148] {strides = array<i32>} : memref<16384xf32, #tpu.memory_space<vmem>>, vector<16xf32>,
          %get3A_150 = arith.index_cast %add3A_147 : i32 to index
          %get3A_151 = tpu.vector_load %arg21[%get3A_150] {strides = array<i32>} : memref<16384xf32, #tpu.memory_space<vmem>>, vector<16xf32>,
          %mul3A_152 = arith.mulf %get3A_149, %get3A_151 : vector<16xf32>
          %add3A_153 = arith.addf %broadcast_in_dim3A_142, %mul3A_152 : vector<16xf32>
          %get3A_154 = arith.index_cast %add3A_147 : i32 to index
          %get3A_155 = tpu.vector_load %arg22[%get3A_154] {strides = array<i32>} : memref<16384xf32, #tpu.memory_space<vmem>>, vector<16xf32>,
          %mul3A_156 = arith.mulf %get3A_149, %get3A_155 : vector<16xf32>
          %add3A_157 = arith.addf %broadcast_in_dim3A_144, %mul3A_156 : vector<16xf32>
          %add3A_158 = arith.constant 512 : i32
          %add3A_159 = arith.addi %mul3A_118, %add3A_158 : i32
          %add3A_160 = arith.addi %add3A_159, %mul3A_141 : i32
          %get3A_161 = arith.index_cast %add3A_160 : i32 to index
          %get3A_162 = tpu.vector_load %arg24[%get3A_161] {strides = array<i32>} : memref<16384xf32, #tpu.memory_space<vmem>>, vector<16xf32>,
          %get3A_163 = arith.index_cast %add3A_160 : i32 to index
          %get3A_164 = tpu.vector_load %arg21[%get3A_163] {strides = array<i32>} : memref<16384xf32, #tpu.memory_space<vmem>>, vector<16xf32>,
          %mul3A_165 = arith.mulf %get3A_162, %get3A_164 : vector<16xf32>
          %add3A_166 = arith.addf %add3A_153, %mul3A_165 : vector<16xf32>
          %get3A_167 = arith.index_cast %add3A_160 : i32 to index
          %get3A_168 = tpu.vector_load %arg22[%get3A_167] {strides = array<i32>} : memref<16384xf32, #tpu.memory_space<vmem>>, vector<16xf32>,
          %mul3A_169 = arith.mulf %get3A_162, %get3A_168 : vector<16xf32>
          %add3A_170 = arith.addf %add3A_157, %mul3A_169 : vector<16xf32>
          %add3A_171 = arith.constant 1024 : i32
          %add3A_172 = arith.addi %mul3A_118, %add3A_171 : i32
          %add3A_173 = arith.addi %add3A_172, %mul3A_141 : i32
          %get3A_174 = arith.index_cast %add3A_173 : i32 to index
          %get3A_175 = tpu.vector_load %arg24[%get3A_174] {strides = array<i32>} : memref<16384xf32, #tpu.memory_space<vmem>>, vector<16xf32>,
          %get3A_176 = arith.index_cast %add3A_173 : i32 to index
          %get3A_177 = tpu.vector_load %arg21[%get3A_176] {strides = array<i32>} : memref<16384xf32, #tpu.memory_space<vmem>>, vector<16xf32>,
          %mul3A_178 = arith.mulf %get3A_175, %get3A_177 : vector<16xf32>
          %add3A_179 = arith.addf %add3A_166, %mul3A_178 : vector<16xf32>
          %get3A_180 = arith.index_cast %add3A_173 : i32 to index
          %get3A_181 = tpu.vector_load %arg22[%get3A_180] {strides = array<i32>} : memref<16384xf32, #tpu.memory_space<vmem>>, vector<16xf32>,
          %mul3A_182 = arith.mulf %get3A_175, %get3A_181 : vector<16xf32>
          %add3A_183 = arith.addf %add3A_170, %mul3A_182 : vector<16xf32>
          %add3A_184 = arith.constant 1536 : i32
          %add3A_185 = arith.addi %mul3A_118, %add3A_184 : i32
          %add3A_186 = arith.addi %add3A_185, %mul3A_141 : i32
          %get3A_187 = arith.index_cast %add3A_186 : i32 to index
          %get3A_188 = tpu.vector_load %arg24[%get3A_187] {strides = array<i32>} : memref<16384xf32, #tpu.memory_space<vmem>>, vector<16xf32>,
          %get3A_189 = arith.index_cast %add3A_186 : i32 to index
          %get3A_190 = tpu.vector_load %arg21[%get3A_189] {strides = array<i32>} : memref<16384xf32, #tpu.memory_space<vmem>>, vector<16xf32>,
          %mul3A_191 = arith.mulf %get3A_188, %get3A_190 : vector<16xf32>
          %add3A_192 = arith.addf %add3A_179, %mul3A_191 : vector<16xf32>
          %get3A_193 = arith.index_cast %add3A_186 : i32 to index
          %get3A_194 = tpu.vector_load %arg22[%get3A_193] {strides = array<i32>} : memref<16384xf32, #tpu.memory_space<vmem>>, vector<16xf32>,
          %mul3A_195 = arith.mulf %get3A_188, %get3A_194 : vector<16xf32>
          %add3A_196 = arith.addf %add3A_183, %mul3A_195 : vector<16xf32>
          %add3A_197 = arith.constant 2048 : i32
          %add3A_198 = arith.addi %mul3A_118, %add3A_197 : i32
          %add3A_199 = arith.addi %add3A_198, %mul3A_141 : i32
          %get3A_200 = arith.index_cast %add3A_199 : i32 to index
          %get3A_201 = tpu.vector_load %arg24[%get3A_200] {strides = array<i32>} : memref<16384xf32, #tpu.memory_space<vmem>>, vector<16xf32>,
          %get3A_202 = arith.index_cast %add3A_199 : i32 to index
          %get3A_203 = tpu.vector_load %arg21[%get3A_202] {strides = array<i32>} : memref<16384xf32, #tpu.memory_space<vmem>>, vector<16xf32>,
          %mul3A_204 = arith.mulf %get3A_201, %get3A_203 : vector<16xf32>
          %add3A_205 = arith.addf %add3A_192, %mul3A_204 : vector<16xf32>
          %get3A_206 = arith.index_cast %add3A_199 : i32 to index
          %get3A_207 = tpu.vector_load %arg22[%get3A_206] {strides = array<i32>} : memref<16384xf32, #tpu.memory_space<vmem>>, vector<16xf32>,
          %mul3A_208 = arith.mulf %get3A_201, %get3A_207 : vector<16xf32>
          %add3A_209 = arith.addf %add3A_196, %mul3A_208 : vector<16xf32>
          %add3A_210 = arith.constant 2560 : i32
          %add3A_211 = arith.addi %mul3A_118, %add3A_210 : i32
          %add3A_212 = arith.addi %add3A_211, %mul3A_141 : i32
          %get3A_213 = arith.index_cast %add3A_212 : i32 to index
          %get3A_214 = tpu.vector_load %arg24[%get3A_213] {strides = array<i32>} : memref<16384xf32, #tpu.memory_space<vmem>>, vector<16xf32>,
          %get3A_215 = arith.index_cast %add3A_212 : i32 to index
          %get3A_216 = tpu.vector_load %arg21[%get3A_215] {strides = array<i32>} : memref<16384xf32, #tpu.memory_space<vmem>>, vector<16xf32>,
          %mul3A_217 = arith.mulf %get3A_214, %get3A_216 : vector<16xf32>
          %add3A_218 = arith.addf %add3A_205, %mul3A_217 : vector<16xf32>
          %get3A_219 = arith.index_cast %add3A_212 : i32 to index
          %get3A_220 = tpu.vector_load %arg22[%get3A_219] {strides = array<i32>} : memref<16384xf32, #tpu.memory_space<vmem>>, vector<16xf32>,
          %mul3A_221 = arith.mulf %get3A_214, %get3A_220 : vector<16xf32>
          %add3A_222 = arith.addf %add3A_209, %mul3A_221 : vector<16xf32>
          %add3A_223 = arith.constant 3072 : i32
          %add3A_224 = arith.addi %mul3A_118, %add3A_223 : i32
          %add3A_225 = arith.addi %add3A_224, %mul3A_141 : i32
          %get3A_226 = arith.index_cast %add3A_225 : i32 to index
          %get3A_227 = tpu.vector_load %arg24[%get3A_226] {strides = array<i32>} : memref<16384xf32, #tpu.memory_space<vmem>>, vector<16xf32>,
          %get3A_228 = arith.index_cast %add3A_225 : i32 to index
          %get3A_229 = tpu.vector_load %arg21[%get3A_228] {strides = array<i32>} : memref<16384xf32, #tpu.memory_space<vmem>>, vector<16xf32>,
          %mul3A_230 = arith.mulf %get3A_227, %get3A_229 : vector<16xf32>
          %add3A_231 = arith.addf %add3A_218, %mul3A_230 : vector<16xf32>
          %get3A_232 = arith.index_cast %add3A_225 : i32 to index
          %get3A_233 = tpu.vector_load %arg22[%get3A_232] {strides = array<i32>} : memref<16384xf32, #tpu.memory_space<vmem>>, vector<16xf32>,
          %mul3A_234 = arith.mulf %get3A_227, %get3A_233 : vector<16xf32>
          %add3A_235 = arith.addf %add3A_222, %mul3A_234 : vector<16xf32>
          %add3A_236 = arith.constant 3584 : i32
          %add3A_237 = arith.addi %mul3A_118, %add3A_236 : i32
          %add3A_238 = arith.addi %add3A_237, %mul3A_141 : i32
          %get3A_239 = arith.index_cast %add3A_238 : i32 to index
          %get3A_240 = tpu.vector_load %arg24[%get3A_239] {strides = array<i32>} : memref<16384xf32, #tpu.memory_space<vmem>>, vector<16xf32>,
          %get3A_241 = arith.index_cast %add3A_238 : i32 to index
          %get3A_242 = tpu.vector_load %arg21[%get3A_241] {strides = array<i32>} : memref<16384xf32, #tpu.memory_space<vmem>>, vector<16xf32>,
          %mul3A_243 = arith.mulf %get3A_240, %get3A_242 : vector<16xf32>
          %add3A_244 = arith.addf %add3A_231, %mul3A_243 : vector<16xf32>
          %get3A_245 = arith.index_cast %add3A_238 : i32 to index
          %get3A_246 = tpu.vector_load %arg22[%get3A_245] {strides = array<i32>} : memref<16384xf32, #tpu.memory_space<vmem>>, vector<16xf32>,
          %mul3A_247 = arith.mulf %get3A_240, %get3A_246 : vector<16xf32>
          %add3A_248 = arith.addf %add3A_235, %mul3A_247 : vector<16xf32>
          %mul3A_249 = arith.constant 32 : i32
          %mul3A_250 = arith.muli %mul3A_141, %mul3A_249 : i32
          %mul3A_251 = arith.constant 2 : i32
          %mul3A_252 = arith.muli %mul3A_251, %scan3A_115 : i32
          %add3A_253 = arith.addi %mul3A_250, %mul3A_252 : i32
          %add3A_254 = vector.broadcast %add3A_253 : i32 to vector<16xi32>
          %add3A_255 = arith.addi %add3A_254, %mul3A_3 : vector<16xi32>
          tpu.vector_store_idx %arg25[%add3A_255], %add3A_244 : memref<16384xf32, #tpu.memory_space<vmem>>[vector<16xi32>], vector<16xf32>,
          %add3A_256 = arith.constant 1 : i32
          %add3A_257 = vector.broadcast %add3A_256 : i32 to vector<16xi32>
          %add3A_258 = arith.addi %add3A_255, %add3A_257 : vector<16xi32>
          tpu.vector_store_idx %arg25[%add3A_258], %add3A_248 : memref<16384xf32, #tpu.memory_space<vmem>>[vector<16xi32>], vector<16xf32>,
        }
        %scan3A_138 = arith.constant 32 : i32
      }
      %scan3A_53 = arith.constant 16 : i32
      %get3A_54 = arith.constant 0 : index
      %get3A_55 = tpu.vector_load %arg18[%get3A_54] {strides = array<i32>} : memref<256xf32, #tpu.memory_space<vmem>>, vector<16xf32>,
      %get3A_56 = arith.constant 0 : index
      %get3A_57 = tpu.vector_load %arg19[%get3A_56] {strides = array<i32>} : memref<1280xi32, #tpu.memory_space<vmem>>, vector<16xi32>,
      %get3A_58 = arith.constant 16 : index
      %get3A_59 = tpu.vector_load %arg19[%get3A_58] {strides = array<i32>} : memref<1280xi32, #tpu.memory_space<vmem>>, vector<16xi32>,
      %get3A_60 = arith.constant 32 : index
      %get3A_61 = tpu.vector_load %arg19[%get3A_60] {strides = array<i32>} : memref<1280xi32, #tpu.memory_space<vmem>>, vector<16xi32>,
      %get3A_62 = arith.constant 48 : index
      %get3A_63 = tpu.vector_load %arg19[%get3A_62] {strides = array<i32>} : memref<1280xi32, #tpu.memory_space<vmem>>, vector<16xi32>,
      %get3A_64 = arith.constant 64 : index
      %get3A_65 = tpu.vector_load %arg19[%get3A_64] {strides = array<i32>} : memref<1280xi32, #tpu.memory_space<vmem>>, vector<16xi32>,
      %ne3A_66 = arith.constant 0 : i32
      %ne3A_67 = vector.broadcast %ne3A_66 : i32 to vector<16xi32>
      %ne3A_68 = arith.cmpi ne, %get3A_65, %ne3A_67 : vector<16xi32>
      %scan3A_69 = arith.constant 0 : i32
      %scan3A_70 = arith.constant 0 : i32
      %scan3A_71 = arith.constant 32 : i32
      %scan3A_72 = arith.addi %scan3A_70, %scan3A_71 : i32
      %scan3A_73 = arith.constant 1 : i32
      scf.for %scan3A_115 = %scan3A_70 to %scan3A_72 step %scan3A_73  : i32 {
        %mul3A_116 = arith.constant 16 : i32
        %mul3A_117 = arith.muli %scan3A_115, %mul3A_116 : i32
        %add3A_118 = arith.constant 0 : i32
        %add3A_119 = arith.addi %add3A_118, %mul3A_117 : i32
        %get3A_120 = arith.index_cast %add3A_119 : i32 to index
        %get3A_121 = tpu.vector_load %arg15[%get3A_120] {strides = array<i32>} : memref<2048xf32, #tpu.memory_space<vmem>>, vector<16xf32>,
        %mul3A_122 = arith.mulf %get3A_121, %get3A_55 : vector<16xf32>
        %convert_element_type3A = arith.fptosi %mul3A_122 : vector<16xf32> to vector<16xi32>
        %min3A = arith.minsi %convert_element_type3A, %get3A_57 : vector<16xi32>
        %max3A = arith.constant 0 : i32
        %max3A_123 = vector.broadcast %max3A : i32 to vector<16xi32>
        %max3A_124 = arith.maxsi %min3A, %max3A_123 : vector<16xi32>
        %convert_element_type3A_125 = arith.sitofp %max3A_124 : vector<16xi32> to vector<16xf32>
        %sub3A = arith.subf %mul3A_122, %convert_element_type3A_125 : vector<16xf32>
        %add3A_126 = arith.constant 1 : i32
        %add3A_127 = vector.broadcast %add3A_126 : i32 to vector<16xi32>
        %add3A_128 = arith.addi %max3A_124, %add3A_127 : vector<16xi32>
        %sub3A_129 = arith.constant 1.000000e+00 : f32
        %sub3A_130 = vector.broadcast %sub3A_129 : f32 to vector<16xf32>
        %sub3A_131 = arith.subf %sub3A_130, %sub3A : vector<16xf32>
        %add3A_132 = arith.constant 512 : i32
        %add3A_133 = arith.addi %add3A_132, %mul3A_117 : i32
        %get3A_134 = arith.index_cast %add3A_133 : i32 to index
        %get3A_135 = tpu.vector_load %arg15[%get3A_134] {strides = array<i32>} : memref<2048xf32, #tpu.memory_space<vmem>>, vector<16xf32>,
        %mul3A_136 = arith.mulf %get3A_135, %get3A_55 : vector<16xf32>
        %convert_element_type3A_137 = arith.fptosi %mul3A_136 : vector<16xf32> to vector<16xi32>
        %min3A_138 = arith.minsi %convert_element_type3A_137, %get3A_57 : vector<16xi32>
        %max3A_139 = arith.constant 0 : i32
        %max3A_140 = vector.broadcast %max3A_139 : i32 to vector<16xi32>
        %max3A_141 = arith.maxsi %min3A_138, %max3A_140 : vector<16xi32>
        %convert_element_type3A_142 = arith.sitofp %max3A_141 : vector<16xi32> to vector<16xf32>
        %sub3A_143 = arith.subf %mul3A_136, %convert_element_type3A_142 : vector<16xf32>
        %mul3A_144 = arith.muli %max3A_141, %get3A_59 : vector<16xi32>
        %add3A_145 = arith.addi %mul3A_144, %get3A_59 : vector<16xi32>
        %sub3A_146 = arith.constant 1.000000e+00 : f32
        %sub3A_147 = vector.broadcast %sub3A_146 : f32 to vector<16xf32>
        %sub3A_148 = arith.subf %sub3A_147, %sub3A_143 : vector<16xf32>
        %add3A_149 = arith.constant 1024 : i32
        %add3A_150 = arith.addi %add3A_149, %mul3A_117 : i32
        %get3A_151 = arith.index_cast %add3A_150 : i32 to index
        %get3A_152 = tpu.vector_load %arg15[%get3A_151] {strides = array<i32>} : memref<2048xf32, #tpu.memory_space<vmem>>, vector<16xf32>,
        %mul3A_153 = arith.mulf %get3A_152, %get3A_55 : vector<16xf32>
        %convert_element_type3A_154 = arith.fptosi %mul3A_153 : vector<16xf32> to vector<16xi32>
        %min3A_155 = arith.minsi %convert_element_type3A_154, %get3A_57 : vector<16xi32>
        %max3A_156 = arith.constant 0 : i32
        %max3A_157 = vector.broadcast %max3A_156 : i32 to vector<16xi32>
        %max3A_158 = arith.maxsi %min3A_155, %max3A_157 : vector<16xi32>
        %convert_element_type3A_159 = arith.sitofp %max3A_158 : vector<16xi32> to vector<16xf32>
        %sub3A_160 = arith.subf %mul3A_153, %convert_element_type3A_159 : vector<16xf32>
        %mul3A_161 = arith.muli %max3A_158, %get3A_61 : vector<16xi32>
        %add3A_162 = arith.addi %mul3A_161, %get3A_61 : vector<16xi32>
        %sub3A_163 = arith.constant 1.000000e+00 : f32
        %sub3A_164 = vector.broadcast %sub3A_163 : f32 to vector<16xf32>
        %sub3A_165 = arith.subf %sub3A_164, %sub3A_160 : vector<16xf32>
        %add3A_166 = arith.constant 1536 : i32
        %add3A_167 = arith.addi %add3A_166, %mul3A_117 : i32
        %get3A_168 = arith.index_cast %add3A_167 : i32 to index
        %get3A_169 = tpu.vector_load %arg15[%get3A_168] {strides = array<i32>} : memref<2048xf32, #tpu.memory_space<vmem>>, vector<16xf32>,
        %mul3A_170 = arith.mulf %get3A_169, %get3A_55 : vector<16xf32>
        %convert_element_type3A_171 = arith.fptosi %mul3A_170 : vector<16xf32> to vector<16xi32>
        %min3A_172 = arith.minsi %convert_element_type3A_171, %get3A_57 : vector<16xi32>
        %max3A_173 = arith.constant 0 : i32
        %max3A_174 = vector.broadcast %max3A_173 : i32 to vector<16xi32>
        %max3A_175 = arith.maxsi %min3A_172, %max3A_174 : vector<16xi32>
        %convert_element_type3A_176 = arith.sitofp %max3A_175 : vector<16xi32> to vector<16xf32>
        %sub3A_177 = arith.subf %mul3A_170, %convert_element_type3A_176 : vector<16xf32>
        %mul3A_178 = arith.muli %max3A_175, %get3A_63 : vector<16xi32>
        %add3A_179 = arith.addi %mul3A_178, %get3A_63 : vector<16xi32>
        %sub3A_180 = arith.constant 1.000000e+00 : f32
        %sub3A_181 = vector.broadcast %sub3A_180 : f32 to vector<16xf32>
        %sub3A_182 = arith.subf %sub3A_181, %sub3A_177 : vector<16xf32>
        %mul3A_183 = arith.mulf %sub3A_131, %sub3A_148 : vector<16xf32>
        %mul3A_184 = arith.mulf %sub3A, %sub3A_148 : vector<16xf32>
        %mul3A_185 = arith.mulf %sub3A_131, %sub3A_143 : vector<16xf32>
        %mul3A_186 = arith.mulf %sub3A, %sub3A_143 : vector<16xf32>
        %mul3A_187 = arith.mulf %sub3A_165, %sub3A_182 : vector<16xf32>
        %mul3A_188 = arith.mulf %sub3A_160, %sub3A_182 : vector<16xf32>
        %mul3A_189 = arith.mulf %sub3A_165, %sub3A_177 : vector<16xf32>
        %mul3A_190 = arith.mulf %sub3A_160, %sub3A_177 : vector<16xf32>
        %add3A_191 = arith.addi %max3A_124, %mul3A_144 : vector<16xi32>
        %add3A_192 = arith.addi %add3A_191, %mul3A_161 : vector<16xi32>
        %xor3A = arith.xori %max3A_124, %mul3A_144 : vector<16xi32>
        %xor3A_193 = arith.xori %xor3A, %mul3A_161 : vector<16xi32>
        %add3A_194 = arith.addi %add3A_192, %mul3A_178 : vector<16xi32>
        %xor3A_195 = arith.xori %xor3A_193, %mul3A_178 : vector<16xi32>
        %select_n3A = arith.select %ne3A_68, %xor3A_195, %add3A_194 : vector<16xi1>, vector<16xi32>
        %and3A = arith.constant 524287 : i32
        %and3A_196 = vector.broadcast %and3A : i32 to vector<16xi32>
        %and3A_197 = arith.andi %select_n3A, %and3A_196 : vector<16xi32>
        %add3A_198 = arith.constant 0 : i32
        %add3A_199 = vector.broadcast %add3A_198 : i32 to vector<16xi32>
        %add3A_200 = arith.addi %and3A_197, %add3A_199 : vector<16xi32>
        %add3A_201 = arith.constant 0 : i32
        %add3A_202 = arith.addi %add3A_201, %mul3A_117 : i32
        %swap3A = arith.index_cast %add3A_202 : i32 to index
        %swap3A_203 = tpu.vector_load %arg20[%swap3A] {strides = array<i32>} : memref<16384xi32, #tpu.memory_space<vmem>>, vector<16xi32>,
        tpu.vector_store %arg20[%swap3A], %add3A_200 {strides = array<i32>} : memref<16384xi32, #tpu.memory_space<vmem>>, vector<16xi32>,
        %mul3A_204 = arith.mulf %mul3A_183, %mul3A_187 : vector<16xf32>
        %swap3A_205 = arith.index_cast %add3A_202 : i32 to index
        %swap3A_206 = tpu.vector_load %arg24[%swap3A_205] {strides = array<i32>} : memref<16384xf32, #tpu.memory_space<vmem>>, vector<16xf32>,
        tpu.vector_store %arg24[%swap3A_205], %mul3A_204 {strides = array<i32>} : memref<16384xf32, #tpu.memory_space<vmem>>, vector<16xf32>,
        %add3A_207 = arith.addi %add3A_128, %mul3A_144 : vector<16xi32>
        %add3A_208 = arith.addi %add3A_207, %mul3A_161 : vector<16xi32>
        %xor3A_209 = arith.xori %add3A_128, %mul3A_144 : vector<16xi32>
        %xor3A_210 = arith.xori %xor3A_209, %mul3A_161 : vector<16xi32>
        %add3A_211 = arith.addi %add3A_208, %mul3A_178 : vector<16xi32>
        %xor3A_212 = arith.xori %xor3A_210, %mul3A_178 : vector<16xi32>
        %select_n3A_213 = arith.select %ne3A_68, %xor3A_212, %add3A_211 : vector<16xi1>, vector<16xi32>
        %and3A_214 = arith.constant 524287 : i32
        %and3A_215 = vector.broadcast %and3A_214 : i32 to vector<16xi32>
        %and3A_216 = arith.andi %select_n3A_213, %and3A_215 : vector<16xi32>
        %add3A_217 = arith.constant 0 : i32
        %add3A_218 = vector.broadcast %add3A_217 : i32 to vector<16xi32>
        %add3A_219 = arith.addi %and3A_216, %add3A_218 : vector<16xi32>
        %add3A_220 = arith.constant 512 : i32
        %add3A_221 = arith.addi %add3A_220, %mul3A_117 : i32
        %swap3A_222 = arith.index_cast %add3A_221 : i32 to index
        %swap3A_223 = tpu.vector_load %arg20[%swap3A_222] {strides = array<i32>} : memref<16384xi32, #tpu.memory_space<vmem>>, vector<16xi32>,
        tpu.vector_store %arg20[%swap3A_222], %add3A_219 {strides = array<i32>} : memref<16384xi32, #tpu.memory_space<vmem>>, vector<16xi32>,
        %mul3A_224 = arith.mulf %mul3A_184, %mul3A_187 : vector<16xf32>
        %swap3A_225 = arith.index_cast %add3A_221 : i32 to index
        %swap3A_226 = tpu.vector_load %arg24[%swap3A_225] {strides = array<i32>} : memref<16384xf32, #tpu.memory_space<vmem>>, vector<16xf32>,
        tpu.vector_store %arg24[%swap3A_225], %mul3A_224 {strides = array<i32>} : memref<16384xf32, #tpu.memory_space<vmem>>, vector<16xf32>,
        %add3A_227 = arith.addi %max3A_124, %add3A_145 : vector<16xi32>
        %add3A_228 = arith.addi %add3A_227, %mul3A_161 : vector<16xi32>
        %xor3A_229 = arith.xori %max3A_124, %add3A_145 : vector<16xi32>
        %xor3A_230 = arith.xori %xor3A_229, %mul3A_161 : vector<16xi32>
        %add3A_231 = arith.addi %add3A_228, %mul3A_178 : vector<16xi32>
        %xor3A_232 = arith.xori %xor3A_230, %mul3A_178 : vector<16xi32>
        %select_n3A_233 = arith.select %ne3A_68, %xor3A_232, %add3A_231 : vector<16xi1>, vector<16xi32>
        %and3A_234 = arith.constant 524287 : i32
        %and3A_235 = vector.broadcast %and3A_234 : i32 to vector<16xi32>
        %and3A_236 = arith.andi %select_n3A_233, %and3A_235 : vector<16xi32>
        %add3A_237 = arith.constant 0 : i32
        %add3A_238 = vector.broadcast %add3A_237 : i32 to vector<16xi32>
        %add3A_239 = arith.addi %and3A_236, %add3A_238 : vector<16xi32>
        %add3A_240 = arith.constant 1024 : i32
        %add3A_241 = arith.addi %add3A_240, %mul3A_117 : i32
        %swap3A_242 = arith.index_cast %add3A_241 : i32 to index
        %swap3A_243 = tpu.vector_load %arg20[%swap3A_242] {strides = array<i32>} : memref<16384xi32, #tpu.memory_space<vmem>>, vector<16xi32>,
        tpu.vector_store %arg20[%swap3A_242], %add3A_239 {strides = array<i32>} : memref<16384xi32, #tpu.memory_space<vmem>>, vector<16xi32>,
        %mul3A_244 = arith.mulf %mul3A_185, %mul3A_187 : vector<16xf32>
        %swap3A_245 = arith.index_cast %add3A_241 : i32 to index
        %swap3A_246 = tpu.vector_load %arg24[%swap3A_245] {strides = array<i32>} : memref<16384xf32, #tpu.memory_space<vmem>>, vector<16xf32>,
        tpu.vector_store %arg24[%swap3A_245], %mul3A_244 {strides = array<i32>} : memref<16384xf32, #tpu.memory_space<vmem>>, vector<16xf32>,
        %add3A_247 = arith.addi %add3A_128, %add3A_145 : vector<16xi32>
        %add3A_248 = arith.addi %add3A_247, %mul3A_161 : vector<16xi32>
        %xor3A_249 = arith.xori %add3A_128, %add3A_145 : vector<16xi32>
        %xor3A_250 = arith.xori %xor3A_249, %mul3A_161 : vector<16xi32>
        %add3A_251 = arith.addi %add3A_248, %mul3A_178 : vector<16xi32>
        %xor3A_252 = arith.xori %xor3A_250, %mul3A_178 : vector<16xi32>
        %select_n3A_253 = arith.select %ne3A_68, %xor3A_252, %add3A_251 : vector<16xi1>, vector<16xi32>
        %and3A_254 = arith.constant 524287 : i32
        %and3A_255 = vector.broadcast %and3A_254 : i32 to vector<16xi32>
        %and3A_256 = arith.andi %select_n3A_253, %and3A_255 : vector<16xi32>
        %add3A_257 = arith.constant 0 : i32
        %add3A_258 = vector.broadcast %add3A_257 : i32 to vector<16xi32>
        %add3A_259 = arith.addi %and3A_256, %add3A_258 : vector<16xi32>
        %add3A_260 = arith.constant 1536 : i32
        %add3A_261 = arith.addi %add3A_260, %mul3A_117 : i32
        %swap3A_262 = arith.index_cast %add3A_261 : i32 to index
        %swap3A_263 = tpu.vector_load %arg20[%swap3A_262] {strides = array<i32>} : memref<16384xi32, #tpu.memory_space<vmem>>, vector<16xi32>,
        tpu.vector_store %arg20[%swap3A_262], %add3A_259 {strides = array<i32>} : memref<16384xi32, #tpu.memory_space<vmem>>, vector<16xi32>,
        %mul3A_264 = arith.mulf %mul3A_186, %mul3A_187 : vector<16xf32>
        %swap3A_265 = arith.index_cast %add3A_261 : i32 to index
        %swap3A_266 = tpu.vector_load %arg24[%swap3A_265] {strides = array<i32>} : memref<16384xf32, #tpu.memory_space<vmem>>, vector<16xf32>,
        tpu.vector_store %arg24[%swap3A_265], %mul3A_264 {strides = array<i32>} : memref<16384xf32, #tpu.memory_space<vmem>>, vector<16xf32>,
        %add3A_267 = arith.addi %max3A_124, %mul3A_144 : vector<16xi32>
        %add3A_268 = arith.addi %add3A_267, %add3A_162 : vector<16xi32>
        %xor3A_269 = arith.xori %max3A_124, %mul3A_144 : vector<16xi32>
        %xor3A_270 = arith.xori %xor3A_269, %add3A_162 : vector<16xi32>
        %add3A_271 = arith.addi %add3A_268, %mul3A_178 : vector<16xi32>
        %xor3A_272 = arith.xori %xor3A_270, %mul3A_178 : vector<16xi32>
        %select_n3A_273 = arith.select %ne3A_68, %xor3A_272, %add3A_271 : vector<16xi1>, vector<16xi32>
        %and3A_274 = arith.constant 524287 : i32
        %and3A_275 = vector.broadcast %and3A_274 : i32 to vector<16xi32>
        %and3A_276 = arith.andi %select_n3A_273, %and3A_275 : vector<16xi32>
        %add3A_277 = arith.constant 0 : i32
        %add3A_278 = vector.broadcast %add3A_277 : i32 to vector<16xi32>
        %add3A_279 = arith.addi %and3A_276, %add3A_278 : vector<16xi32>
        %add3A_280 = arith.constant 2048 : i32
        %add3A_281 = arith.addi %add3A_280, %mul3A_117 : i32
        %swap3A_282 = arith.index_cast %add3A_281 : i32 to index
        %swap3A_283 = tpu.vector_load %arg20[%swap3A_282] {strides = array<i32>} : memref<16384xi32, #tpu.memory_space<vmem>>, vector<16xi32>,
        tpu.vector_store %arg20[%swap3A_282], %add3A_279 {strides = array<i32>} : memref<16384xi32, #tpu.memory_space<vmem>>, vector<16xi32>,
        %mul3A_284 = arith.mulf %mul3A_183, %mul3A_188 : vector<16xf32>
        %swap3A_285 = arith.index_cast %add3A_281 : i32 to index
        %swap3A_286 = tpu.vector_load %arg24[%swap3A_285] {strides = array<i32>} : memref<16384xf32, #tpu.memory_space<vmem>>, vector<16xf32>,
        tpu.vector_store %arg24[%swap3A_285], %mul3A_284 {strides = array<i32>} : memref<16384xf32, #tpu.memory_space<vmem>>, vector<16xf32>,
        %add3A_287 = arith.addi %add3A_128, %mul3A_144 : vector<16xi32>
        %add3A_288 = arith.addi %add3A_287, %add3A_162 : vector<16xi32>
        %xor3A_289 = arith.xori %add3A_128, %mul3A_144 : vector<16xi32>
        %xor3A_290 = arith.xori %xor3A_289, %add3A_162 : vector<16xi32>
        %add3A_291 = arith.addi %add3A_288, %mul3A_178 : vector<16xi32>
        %xor3A_292 = arith.xori %xor3A_290, %mul3A_178 : vector<16xi32>
        %select_n3A_293 = arith.select %ne3A_68, %xor3A_292, %add3A_291 : vector<16xi1>, vector<16xi32>
        %and3A_294 = arith.constant 524287 : i32
        %and3A_295 = vector.broadcast %and3A_294 : i32 to vector<16xi32>
        %and3A_296 = arith.andi %select_n3A_293, %and3A_295 : vector<16xi32>
        %add3A_297 = arith.constant 0 : i32
        %add3A_298 = vector.broadcast %add3A_297 : i32 to vector<16xi32>
        %add3A_299 = arith.addi %and3A_296, %add3A_298 : vector<16xi32>
        %add3A_300 = arith.constant 2560 : i32
        %add3A_301 = arith.addi %add3A_300, %mul3A_117 : i32
        %swap3A_302 = arith.index_cast %add3A_301 : i32 to index
        %swap3A_303 = tpu.vector_load %arg20[%swap3A_302] {strides = array<i32>} : memref<16384xi32, #tpu.memory_space<vmem>>, vector<16xi32>,
        tpu.vector_store %arg20[%swap3A_302], %add3A_299 {strides = array<i32>} : memref<16384xi32, #tpu.memory_space<vmem>>, vector<16xi32>,
        %mul3A_304 = arith.mulf %mul3A_184, %mul3A_188 : vector<16xf32>
        %swap3A_305 = arith.index_cast %add3A_301 : i32 to index
        %swap3A_306 = tpu.vector_load %arg24[%swap3A_305] {strides = array<i32>} : memref<16384xf32, #tpu.memory_space<vmem>>, vector<16xf32>,
        tpu.vector_store %arg24[%swap3A_305], %mul3A_304 {strides = array<i32>} : memref<16384xf32, #tpu.memory_space<vmem>>, vector<16xf32>,
        %add3A_307 = arith.addi %max3A_124, %add3A_145 : vector<16xi32>
        %add3A_308 = arith.addi %add3A_307, %add3A_162 : vector<16xi32>
        %xor3A_309 = arith.xori %max3A_124, %add3A_145 : vector<16xi32>
        %xor3A_310 = arith.xori %xor3A_309, %add3A_162 : vector<16xi32>
        %add3A_311 = arith.addi %add3A_308, %mul3A_178 : vector<16xi32>
        %xor3A_312 = arith.xori %xor3A_310, %mul3A_178 : vector<16xi32>
        %select_n3A_313 = arith.select %ne3A_68, %xor3A_312, %add3A_311 : vector<16xi1>, vector<16xi32>
        %and3A_314 = arith.constant 524287 : i32
        %and3A_315 = vector.broadcast %and3A_314 : i32 to vector<16xi32>
        %and3A_316 = arith.andi %select_n3A_313, %and3A_315 : vector<16xi32>
        %add3A_317 = arith.constant 0 : i32
        %add3A_318 = vector.broadcast %add3A_317 : i32 to vector<16xi32>
        %add3A_319 = arith.addi %and3A_316, %add3A_318 : vector<16xi32>
        %add3A_320 = arith.constant 3072 : i32
        %add3A_321 = arith.addi %add3A_320, %mul3A_117 : i32
        %swap3A_322 = arith.index_cast %add3A_321 : i32 to index
        %swap3A_323 = tpu.vector_load %arg20[%swap3A_322] {strides = array<i32>} : memref<16384xi32, #tpu.memory_space<vmem>>, vector<16xi32>,
        tpu.vector_store %arg20[%swap3A_322], %add3A_319 {strides = array<i32>} : memref<16384xi32, #tpu.memory_space<vmem>>, vector<16xi32>,
        %mul3A_324 = arith.mulf %mul3A_185, %mul3A_188 : vector<16xf32>
        %swap3A_325 = arith.index_cast %add3A_321 : i32 to index
        %swap3A_326 = tpu.vector_load %arg24[%swap3A_325] {strides = array<i32>} : memref<16384xf32, #tpu.memory_space<vmem>>, vector<16xf32>,
        tpu.vector_store %arg24[%swap3A_325], %mul3A_324 {strides = array<i32>} : memref<16384xf32, #tpu.memory_space<vmem>>, vector<16xf32>,
        %add3A_327 = arith.addi %add3A_128, %add3A_145 : vector<16xi32>
        %add3A_328 = arith.addi %add3A_327, %add3A_162 : vector<16xi32>
        %xor3A_329 = arith.xori %add3A_128, %add3A_145 : vector<16xi32>
        %xor3A_330 = arith.xori %xor3A_329, %add3A_162 : vector<16xi32>
        %add3A_331 = arith.addi %add3A_328, %mul3A_178 : vector<16xi32>
        %xor3A_332 = arith.xori %xor3A_330, %mul3A_178 : vector<16xi32>
        %select_n3A_333 = arith.select %ne3A_68, %xor3A_332, %add3A_331 : vector<16xi1>, vector<16xi32>
        %and3A_334 = arith.constant 524287 : i32
        %and3A_335 = vector.broadcast %and3A_334 : i32 to vector<16xi32>
        %and3A_336 = arith.andi %select_n3A_333, %and3A_335 : vector<16xi32>
        %add3A_337 = arith.constant 0 : i32
        %add3A_338 = vector.broadcast %add3A_337 : i32 to vector<16xi32>
        %add3A_339 = arith.addi %and3A_336, %add3A_338 : vector<16xi32>
        %add3A_340 = arith.constant 3584 : i32
        %add3A_341 = arith.addi %add3A_340, %mul3A_117 : i32
        %swap3A_342 = arith.index_cast %add3A_341 : i32 to index
        %swap3A_343 = tpu.vector_load %arg20[%swap3A_342] {strides = array<i32>} : memref<16384xi32, #tpu.memory_space<vmem>>, vector<16xi32>,
        tpu.vector_store %arg20[%swap3A_342], %add3A_339 {strides = array<i32>} : memref<16384xi32, #tpu.memory_space<vmem>>, vector<16xi32>,
        %mul3A_344 = arith.mulf %mul3A_186, %mul3A_188 : vector<16xf32>
        %swap3A_345 = arith.index_cast %add3A_341 : i32 to index
        %swap3A_346 = tpu.vector_load %arg24[%swap3A_345] {strides = array<i32>} : memref<16384xf32, #tpu.memory_space<vmem>>, vector<16xf32>,
        tpu.vector_store %arg24[%swap3A_345], %mul3A_344 {strides = array<i32>} : memref<16384xf32, #tpu.memory_space<vmem>>, vector<16xf32>,
        %add3A_347 = arith.addi %max3A_124, %mul3A_144 : vector<16xi32>
        %add3A_348 = arith.addi %add3A_347, %mul3A_161 : vector<16xi32>
        %xor3A_349 = arith.xori %max3A_124, %mul3A_144 : vector<16xi32>
        %xor3A_350 = arith.xori %xor3A_349, %mul3A_161 : vector<16xi32>
        %add3A_351 = arith.addi %add3A_348, %add3A_179 : vector<16xi32>
        %xor3A_352 = arith.xori %xor3A_350, %add3A_179 : vector<16xi32>
        %select_n3A_353 = arith.select %ne3A_68, %xor3A_352, %add3A_351 : vector<16xi1>, vector<16xi32>
        %and3A_354 = arith.constant 524287 : i32
        %and3A_355 = vector.broadcast %and3A_354 : i32 to vector<16xi32>
        %and3A_356 = arith.andi %select_n3A_353, %and3A_355 : vector<16xi32>
        %add3A_357 = arith.constant 0 : i32
        %add3A_358 = vector.broadcast %add3A_357 : i32 to vector<16xi32>
        %add3A_359 = arith.addi %and3A_356, %add3A_358 : vector<16xi32>
        %add3A_360 = arith.constant 4096 : i32
        %add3A_361 = arith.addi %add3A_360, %mul3A_117 : i32
        %swap3A_362 = arith.index_cast %add3A_361 : i32 to index
        %swap3A_363 = tpu.vector_load %arg20[%swap3A_362] {strides = array<i32>} : memref<16384xi32, #tpu.memory_space<vmem>>, vector<16xi32>,
        tpu.vector_store %arg20[%swap3A_362], %add3A_359 {strides = array<i32>} : memref<16384xi32, #tpu.memory_space<vmem>>, vector<16xi32>,
        %mul3A_364 = arith.mulf %mul3A_183, %mul3A_189 : vector<16xf32>
        %swap3A_365 = arith.index_cast %add3A_361 : i32 to index
        %swap3A_366 = tpu.vector_load %arg24[%swap3A_365] {strides = array<i32>} : memref<16384xf32, #tpu.memory_space<vmem>>, vector<16xf32>,
        tpu.vector_store %arg24[%swap3A_365], %mul3A_364 {strides = array<i32>} : memref<16384xf32, #tpu.memory_space<vmem>>, vector<16xf32>,
        %add3A_367 = arith.addi %add3A_128, %mul3A_144 : vector<16xi32>
        %add3A_368 = arith.addi %add3A_367, %mul3A_161 : vector<16xi32>
        %xor3A_369 = arith.xori %add3A_128, %mul3A_144 : vector<16xi32>
        %xor3A_370 = arith.xori %xor3A_369, %mul3A_161 : vector<16xi32>
        %add3A_371 = arith.addi %add3A_368, %add3A_179 : vector<16xi32>
        %xor3A_372 = arith.xori %xor3A_370, %add3A_179 : vector<16xi32>
        %select_n3A_373 = arith.select %ne3A_68, %xor3A_372, %add3A_371 : vector<16xi1>, vector<16xi32>
        %and3A_374 = arith.constant 524287 : i32
        %and3A_375 = vector.broadcast %and3A_374 : i32 to vector<16xi32>
        %and3A_376 = arith.andi %select_n3A_373, %and3A_375 : vector<16xi32>
        %add3A_377 = arith.constant 0 : i32
        %add3A_378 = vector.broadcast %add3A_377 : i32 to vector<16xi32>
        %add3A_379 = arith.addi %and3A_376, %add3A_378 : vector<16xi32>
        %add3A_380 = arith.constant 4608 : i32
        %add3A_381 = arith.addi %add3A_380, %mul3A_117 : i32
        %swap3A_382 = arith.index_cast %add3A_381 : i32 to index
        %swap3A_383 = tpu.vector_load %arg20[%swap3A_382] {strides = array<i32>} : memref<16384xi32, #tpu.memory_space<vmem>>, vector<16xi32>,
        tpu.vector_store %arg20[%swap3A_382], %add3A_379 {strides = array<i32>} : memref<16384xi32, #tpu.memory_space<vmem>>, vector<16xi32>,
        %mul3A_384 = arith.mulf %mul3A_184, %mul3A_189 : vector<16xf32>
        %swap3A_385 = arith.index_cast %add3A_381 : i32 to index
        %swap3A_386 = tpu.vector_load %arg24[%swap3A_385] {strides = array<i32>} : memref<16384xf32, #tpu.memory_space<vmem>>, vector<16xf32>,
        tpu.vector_store %arg24[%swap3A_385], %mul3A_384 {strides = array<i32>} : memref<16384xf32, #tpu.memory_space<vmem>>, vector<16xf32>,
        %add3A_387 = arith.addi %max3A_124, %add3A_145 : vector<16xi32>
        %add3A_388 = arith.addi %add3A_387, %mul3A_161 : vector<16xi32>
        %xor3A_389 = arith.xori %max3A_124, %add3A_145 : vector<16xi32>
        %xor3A_390 = arith.xori %xor3A_389, %mul3A_161 : vector<16xi32>
        %add3A_391 = arith.addi %add3A_388, %add3A_179 : vector<16xi32>
        %xor3A_392 = arith.xori %xor3A_390, %add3A_179 : vector<16xi32>
        %select_n3A_393 = arith.select %ne3A_68, %xor3A_392, %add3A_391 : vector<16xi1>, vector<16xi32>
        %and3A_394 = arith.constant 524287 : i32
        %and3A_395 = vector.broadcast %and3A_394 : i32 to vector<16xi32>
        %and3A_396 = arith.andi %select_n3A_393, %and3A_395 : vector<16xi32>
        %add3A_397 = arith.constant 0 : i32
        %add3A_398 = vector.broadcast %add3A_397 : i32 to vector<16xi32>
        %add3A_399 = arith.addi %and3A_396, %add3A_398 : vector<16xi32>
        %add3A_400 = arith.constant 5120 : i32
        %add3A_401 = arith.addi %add3A_400, %mul3A_117 : i32
        %swap3A_402 = arith.index_cast %add3A_401 : i32 to index
        %swap3A_403 = tpu.vector_load %arg20[%swap3A_402] {strides = array<i32>} : memref<16384xi32, #tpu.memory_space<vmem>>, vector<16xi32>,
        tpu.vector_store %arg20[%swap3A_402], %add3A_399 {strides = array<i32>} : memref<16384xi32, #tpu.memory_space<vmem>>, vector<16xi32>,
        %mul3A_404 = arith.mulf %mul3A_185, %mul3A_189 : vector<16xf32>
        %swap3A_405 = arith.index_cast %add3A_401 : i32 to index
        %swap3A_406 = tpu.vector_load %arg24[%swap3A_405] {strides = array<i32>} : memref<16384xf32, #tpu.memory_space<vmem>>, vector<16xf32>,
        tpu.vector_store %arg24[%swap3A_405], %mul3A_404 {strides = array<i32>} : memref<16384xf32, #tpu.memory_space<vmem>>, vector<16xf32>,
        %add3A_407 = arith.addi %add3A_128, %add3A_145 : vector<16xi32>
        %add3A_408 = arith.addi %add3A_407, %mul3A_161 : vector<16xi32>
        %xor3A_409 = arith.xori %add3A_128, %add3A_145 : vector<16xi32>
        %xor3A_410 = arith.xori %xor3A_409, %mul3A_161 : vector<16xi32>
        %add3A_411 = arith.addi %add3A_408, %add3A_179 : vector<16xi32>
        %xor3A_412 = arith.xori %xor3A_410, %add3A_179 : vector<16xi32>
        %select_n3A_413 = arith.select %ne3A_68, %xor3A_412, %add3A_411 : vector<16xi1>, vector<16xi32>
        %and3A_414 = arith.constant 524287 : i32
        %and3A_415 = vector.broadcast %and3A_414 : i32 to vector<16xi32>
        %and3A_416 = arith.andi %select_n3A_413, %and3A_415 : vector<16xi32>
        %add3A_417 = arith.constant 0 : i32
        %add3A_418 = vector.broadcast %add3A_417 : i32 to vector<16xi32>
        %add3A_419 = arith.addi %and3A_416, %add3A_418 : vector<16xi32>
        %add3A_420 = arith.constant 5632 : i32
        %add3A_421 = arith.addi %add3A_420, %mul3A_117 : i32
        %swap3A_422 = arith.index_cast %add3A_421 : i32 to index
        %swap3A_423 = tpu.vector_load %arg20[%swap3A_422] {strides = array<i32>} : memref<16384xi32, #tpu.memory_space<vmem>>, vector<16xi32>,
        tpu.vector_store %arg20[%swap3A_422], %add3A_419 {strides = array<i32>} : memref<16384xi32, #tpu.memory_space<vmem>>, vector<16xi32>,
        %mul3A_424 = arith.mulf %mul3A_186, %mul3A_189 : vector<16xf32>
        %swap3A_425 = arith.index_cast %add3A_421 : i32 to index
        %swap3A_426 = tpu.vector_load %arg24[%swap3A_425] {strides = array<i32>} : memref<16384xf32, #tpu.memory_space<vmem>>, vector<16xf32>,
        tpu.vector_store %arg24[%swap3A_425], %mul3A_424 {strides = array<i32>} : memref<16384xf32, #tpu.memory_space<vmem>>, vector<16xf32>,
        %add3A_427 = arith.addi %max3A_124, %mul3A_144 : vector<16xi32>
        %add3A_428 = arith.addi %add3A_427, %add3A_162 : vector<16xi32>
        %xor3A_429 = arith.xori %max3A_124, %mul3A_144 : vector<16xi32>
        %xor3A_430 = arith.xori %xor3A_429, %add3A_162 : vector<16xi32>
        %add3A_431 = arith.addi %add3A_428, %add3A_179 : vector<16xi32>
        %xor3A_432 = arith.xori %xor3A_430, %add3A_179 : vector<16xi32>
        %select_n3A_433 = arith.select %ne3A_68, %xor3A_432, %add3A_431 : vector<16xi1>, vector<16xi32>
        %and3A_434 = arith.constant 524287 : i32
        %and3A_435 = vector.broadcast %and3A_434 : i32 to vector<16xi32>
        %and3A_436 = arith.andi %select_n3A_433, %and3A_435 : vector<16xi32>
        %add3A_437 = arith.constant 0 : i32
        %add3A_438 = vector.broadcast %add3A_437 : i32 to vector<16xi32>
        %add3A_439 = arith.addi %and3A_436, %add3A_438 : vector<16xi32>
        %add3A_440 = arith.constant 6144 : i32
        %add3A_441 = arith.addi %add3A_440, %mul3A_117 : i32
        %swap3A_442 = arith.index_cast %add3A_441 : i32 to index
        %swap3A_443 = tpu.vector_load %arg20[%swap3A_442] {strides = array<i32>} : memref<16384xi32, #tpu.memory_space<vmem>>, vector<16xi32>,
        tpu.vector_store %arg20[%swap3A_442], %add3A_439 {strides = array<i32>} : memref<16384xi32, #tpu.memory_space<vmem>>, vector<16xi32>,
        %mul3A_444 = arith.mulf %mul3A_183, %mul3A_190 : vector<16xf32>
        %swap3A_445 = arith.index_cast %add3A_441 : i32 to index
        %swap3A_446 = tpu.vector_load %arg24[%swap3A_445] {strides = array<i32>} : memref<16384xf32, #tpu.memory_space<vmem>>, vector<16xf32>,
        tpu.vector_store %arg24[%swap3A_445], %mul3A_444 {strides = array<i32>} : memref<16384xf32, #tpu.memory_space<vmem>>, vector<16xf32>,
        %add3A_447 = arith.addi %add3A_128, %mul3A_144 : vector<16xi32>
        %add3A_448 = arith.addi %add3A_447, %add3A_162 : vector<16xi32>
        %xor3A_449 = arith.xori %add3A_128, %mul3A_144 : vector<16xi32>
        %xor3A_450 = arith.xori %xor3A_449, %add3A_162 : vector<16xi32>
        %add3A_451 = arith.addi %add3A_448, %add3A_179 : vector<16xi32>
        %xor3A_452 = arith.xori %xor3A_450, %add3A_179 : vector<16xi32>
        %select_n3A_453 = arith.select %ne3A_68, %xor3A_452, %add3A_451 : vector<16xi1>, vector<16xi32>
        %and3A_454 = arith.constant 524287 : i32
        %and3A_455 = vector.broadcast %and3A_454 : i32 to vector<16xi32>
        %and3A_456 = arith.andi %select_n3A_453, %and3A_455 : vector<16xi32>
        %add3A_457 = arith.constant 0 : i32
        %add3A_458 = vector.broadcast %add3A_457 : i32 to vector<16xi32>
        %add3A_459 = arith.addi %and3A_456, %add3A_458 : vector<16xi32>
        %add3A_460 = arith.constant 6656 : i32
        %add3A_461 = arith.addi %add3A_460, %mul3A_117 : i32
        %swap3A_462 = arith.index_cast %add3A_461 : i32 to index
        %swap3A_463 = tpu.vector_load %arg20[%swap3A_462] {strides = array<i32>} : memref<16384xi32, #tpu.memory_space<vmem>>, vector<16xi32>,
        tpu.vector_store %arg20[%swap3A_462], %add3A_459 {strides = array<i32>} : memref<16384xi32, #tpu.memory_space<vmem>>, vector<16xi32>,
        %mul3A_464 = arith.mulf %mul3A_184, %mul3A_190 : vector<16xf32>
        %swap3A_465 = arith.index_cast %add3A_461 : i32 to index
        %swap3A_466 = tpu.vector_load %arg24[%swap3A_465] {strides = array<i32>} : memref<16384xf32, #tpu.memory_space<vmem>>, vector<16xf32>,
        tpu.vector_store %arg24[%swap3A_465], %mul3A_464 {strides = array<i32>} : memref<16384xf32, #tpu.memory_space<vmem>>, vector<16xf32>,
        %add3A_467 = arith.addi %max3A_124, %add3A_145 : vector<16xi32>
        %add3A_468 = arith.addi %add3A_467, %add3A_162 : vector<16xi32>
        %xor3A_469 = arith.xori %max3A_124, %add3A_145 : vector<16xi32>
        %xor3A_470 = arith.xori %xor3A_469, %add3A_162 : vector<16xi32>
        %add3A_471 = arith.addi %add3A_468, %add3A_179 : vector<16xi32>
        %xor3A_472 = arith.xori %xor3A_470, %add3A_179 : vector<16xi32>
        %select_n3A_473 = arith.select %ne3A_68, %xor3A_472, %add3A_471 : vector<16xi1>, vector<16xi32>
        %and3A_474 = arith.constant 524287 : i32
        %and3A_475 = vector.broadcast %and3A_474 : i32 to vector<16xi32>
        %and3A_476 = arith.andi %select_n3A_473, %and3A_475 : vector<16xi32>
        %add3A_477 = arith.constant 0 : i32
        %add3A_478 = vector.broadcast %add3A_477 : i32 to vector<16xi32>
        %add3A_479 = arith.addi %and3A_476, %add3A_478 : vector<16xi32>
        %add3A_480 = arith.constant 7168 : i32
        %add3A_481 = arith.addi %add3A_480, %mul3A_117 : i32
        %swap3A_482 = arith.index_cast %add3A_481 : i32 to index
        %swap3A_483 = tpu.vector_load %arg20[%swap3A_482] {strides = array<i32>} : memref<16384xi32, #tpu.memory_space<vmem>>, vector<16xi32>,
        tpu.vector_store %arg20[%swap3A_482], %add3A_479 {strides = array<i32>} : memref<16384xi32, #tpu.memory_space<vmem>>, vector<16xi32>,
        %mul3A_484 = arith.mulf %mul3A_185, %mul3A_190 : vector<16xf32>
        %swap3A_485 = arith.index_cast %add3A_481 : i32 to index
        %swap3A_486 = tpu.vector_load %arg24[%swap3A_485] {strides = array<i32>} : memref<16384xf32, #tpu.memory_space<vmem>>, vector<16xf32>,
        tpu.vector_store %arg24[%swap3A_485], %mul3A_484 {strides = array<i32>} : memref<16384xf32, #tpu.memory_space<vmem>>, vector<16xf32>,
        %add3A_487 = arith.addi %add3A_128, %add3A_145 : vector<16xi32>
        %add3A_488 = arith.addi %add3A_487, %add3A_162 : vector<16xi32>
        %xor3A_489 = arith.xori %add3A_128, %add3A_145 : vector<16xi32>
        %xor3A_490 = arith.xori %xor3A_489, %add3A_162 : vector<16xi32>
        %add3A_491 = arith.addi %add3A_488, %add3A_179 : vector<16xi32>
        %xor3A_492 = arith.xori %xor3A_490, %add3A_179 : vector<16xi32>
        %select_n3A_493 = arith.select %ne3A_68, %xor3A_492, %add3A_491 : vector<16xi1>, vector<16xi32>
        %and3A_494 = arith.constant 524287 : i32
        %and3A_495 = vector.broadcast %and3A_494 : i32 to vector<16xi32>
        %and3A_496 = arith.andi %select_n3A_493, %and3A_495 : vector<16xi32>
        %add3A_497 = arith.constant 0 : i32
        %add3A_498 = vector.broadcast %add3A_497 : i32 to vector<16xi32>
        %add3A_499 = arith.addi %and3A_496, %add3A_498 : vector<16xi32>
        %add3A_500 = arith.constant 7680 : i32
        %add3A_501 = arith.addi %add3A_500, %mul3A_117 : i32
        %swap3A_502 = arith.index_cast %add3A_501 : i32 to index
        %swap3A_503 = tpu.vector_load %arg20[%swap3A_502] {strides = array<i32>} : memref<16384xi32, #tpu.memory_space<vmem>>, vector<16xi32>,
        tpu.vector_store %arg20[%swap3A_502], %add3A_499 {strides = array<i32>} : memref<16384xi32, #tpu.memory_space<vmem>>, vector<16xi32>,
        %mul3A_504 = arith.mulf %mul3A_186, %mul3A_190 : vector<16xf32>
        %swap3A_505 = arith.index_cast %add3A_501 : i32 to index
        %swap3A_506 = tpu.vector_load %arg24[%swap3A_505] {strides = array<i32>} : memref<16384xf32, #tpu.memory_space<vmem>>, vector<16xf32>,
        tpu.vector_store %arg24[%swap3A_505], %mul3A_504 {strides = array<i32>} : memref<16384xf32, #tpu.memory_space<vmem>>, vector<16xf32>,
      }
      %scan3A_74 = arith.constant 32 : i32
      %scan3A_75 = arith.constant 0 : i32
      %scan3A_76 = arith.constant 0 : i32
      %scan3A_77 = arith.constant 16 : i32
      %scan3A_78 = arith.addi %scan3A_76, %scan3A_77 : i32
      %scan3A_79 = arith.constant 1 : i32
      scf.for %scan3A_115 = %scan3A_76 to %scan3A_78 step %scan3A_79  : i32 {
        %mul3A_116 = arith.constant 512 : i32
        %mul3A_117 = arith.muli %scan3A_115, %mul3A_116 : i32
        %add3A_118 = arith.constant 0 : i32
        %add3A_119 = arith.addi %add3A_118, %mul3A_117 : i32
        %mul3A_120 = arith.constant 512 : i32
        %mul3A_121 = arith.muli %scan3A_115, %mul3A_120 : i32
        %add3A_122 = arith.constant 0 : i32
        %add3A_123 = arith.addi %add3A_122, %mul3A_121 : i32
        %dma_start3A = tpu.memref_slice %arg21[%add3A_123] : memref<16384xf32, #tpu.memory_space<vmem>> -> memref<512xf32, #tpu.memory_space<vmem>>
        %dma_start3A_124 = tpu.memref_slice %arg20[%add3A_119] : memref<16384xi32, #tpu.memory_space<vmem>> -> memref<512xi32, #tpu.memory_space<vmem>>
        %dma_start3A_125 = arith.constant 0 : i32
        %dma_start3A_126 = tpu.memref_slice %arg5[%dma_start3A_125] : memref<8388608xf32, #tpu.memory_space<hbm>> -> memref<8388608xf32, #tpu.memory_space<hbm>>
        tpu.enqueue_indirect_dma source(%dma_start3A_126 : memref<8388608xf32, #tpu.memory_space<hbm>>) target(%dma_start3A : memref<512xf32, #tpu.memory_space<vmem>>) offsets(%dma_start3A_124 : memref<512xi32, #tpu.memory_space<vmem>>) semaphore(%arg28 : memref<!tpu.dma_semaphore, #tpu.memory_space<semaphore_mem>>)
        %mul3A_127 = arith.constant 512 : i32
        %mul3A_128 = arith.muli %scan3A_115, %mul3A_127 : i32
        %add3A_129 = arith.constant 0 : i32
        %add3A_130 = arith.addi %add3A_129, %mul3A_128 : i32
        %mul3A_131 = arith.constant 512 : i32
        %mul3A_132 = arith.muli %scan3A_115, %mul3A_131 : i32
        %add3A_133 = arith.constant 0 : i32
        %add3A_134 = arith.addi %add3A_133, %mul3A_132 : i32
        %dma_start3A_135 = tpu.memref_slice %arg22[%add3A_134] : memref<16384xf32, #tpu.memory_space<vmem>> -> memref<512xf32, #tpu.memory_space<vmem>>
        %dma_start3A_136 = tpu.memref_slice %arg20[%add3A_130] : memref<16384xi32, #tpu.memory_space<vmem>> -> memref<512xi32, #tpu.memory_space<vmem>>
        %dma_start3A_137 = arith.constant 0 : i32
        %dma_start3A_138 = tpu.memref_slice %arg6[%dma_start3A_137] : memref<8388608xf32, #tpu.memory_space<hbm>> -> memref<8388608xf32, #tpu.memory_space<hbm>>
        tpu.enqueue_indirect_dma source(%dma_start3A_138 : memref<8388608xf32, #tpu.memory_space<hbm>>) target(%dma_start3A_135 : memref<512xf32, #tpu.memory_space<vmem>>) offsets(%dma_start3A_136 : memref<512xi32, #tpu.memory_space<vmem>>) semaphore(%arg28 : memref<!tpu.dma_semaphore, #tpu.memory_space<semaphore_mem>>)
      }
      %scan3A_80 = arith.constant 16 : i32
      %scan3A_81 = arith.constant 0 : i32
      %scan3A_82 = arith.constant 0 : i32
      %scan3A_83 = arith.constant 16 : i32
      %scan3A_84 = arith.addi %scan3A_82, %scan3A_83 : i32
      %scan3A_85 = arith.constant 1 : i32
      scf.for %scan3A_115 = %scan3A_82 to %scan3A_84 step %scan3A_85  : i32 {
        %and3A = arith.constant 1 : i32
        %and3A_116 = arith.andi %scan3A_115, %and3A : i32
        %mul3A_117 = arith.constant 8192 : i32
        %mul3A_118 = arith.muli %and3A_116, %mul3A_117 : i32
        %add3A_119 = arith.constant 1 : i32
        %add3A_120 = arith.addi %scan3A_115, %add3A_119 : i32
        %and3A_121 = arith.constant 1 : i32
        %and3A_122 = arith.andi %add3A_120, %and3A_121 : i32
        %mul3A_123 = arith.constant 8192 : i32
        %mul3A_124 = arith.muli %and3A_122, %mul3A_123 : i32
        %lt3A = arith.constant 15 : i32
        %lt3A_125 = arith.cmpi slt, %scan3A_115, %lt3A : i32
        %convert_element_type3A = arith.extui %lt3A_125 : i1 to i32
        %cond3A = arith.constant 0 : i32
        %cond3A_126 = arith.cmpi ne, %convert_element_type3A, %cond3A : i32
        scf.if %cond3A_126 {
          %add3A_139 = arith.constant 1 : i32
          %add3A_140 = arith.addi %scan3A_115, %add3A_139 : i32
          %mul3A_141 = arith.constant 16 : i32
          %mul3A_142 = arith.muli %add3A_140, %mul3A_141 : i32
          %get3A_143 = arith.index_cast %mul3A_142 : i32 to index
          %get3A_144 = tpu.vector_load %arg18[%get3A_143] {strides = array<i32>} : memref<256xf32, #tpu.memory_space<vmem>>, vector<16xf32>,
          %mul3A_145 = arith.constant 5 : i32
          %mul3A_146 = arith.muli %add3A_140, %mul3A_145 : i32
          %mul3A_147 = arith.constant 16 : i32
          %mul3A_148 = arith.muli %mul3A_146, %mul3A_147 : i32
          %get3A_149 = arith.index_cast %mul3A_148 : i32 to index
          %get3A_150 = tpu.vector_load %arg19[%get3A_149] {strides = array<i32>} : memref<1280xi32, #tpu.memory_space<vmem>>, vector<16xi32>,
          %add3A_151 = arith.constant 16 : i32
          %add3A_152 = arith.addi %mul3A_148, %add3A_151 : i32
          %get3A_153 = arith.index_cast %add3A_152 : i32 to index
          %get3A_154 = tpu.vector_load %arg19[%get3A_153] {strides = array<i32>} : memref<1280xi32, #tpu.memory_space<vmem>>, vector<16xi32>,
          %add3A_155 = arith.constant 32 : i32
          %add3A_156 = arith.addi %mul3A_148, %add3A_155 : i32
          %get3A_157 = arith.index_cast %add3A_156 : i32 to index
          %get3A_158 = tpu.vector_load %arg19[%get3A_157] {strides = array<i32>} : memref<1280xi32, #tpu.memory_space<vmem>>, vector<16xi32>,
          %add3A_159 = arith.constant 48 : i32
          %add3A_160 = arith.addi %mul3A_148, %add3A_159 : i32
          %get3A_161 = arith.index_cast %add3A_160 : i32 to index
          %get3A_162 = tpu.vector_load %arg19[%get3A_161] {strides = array<i32>} : memref<1280xi32, #tpu.memory_space<vmem>>, vector<16xi32>,
          %add3A_163 = arith.constant 64 : i32
          %add3A_164 = arith.addi %mul3A_148, %add3A_163 : i32
          %get3A_165 = arith.index_cast %add3A_164 : i32 to index
          %get3A_166 = tpu.vector_load %arg19[%get3A_165] {strides = array<i32>} : memref<1280xi32, #tpu.memory_space<vmem>>, vector<16xi32>,
          %ne3A_167 = arith.constant 0 : i32
          %ne3A_168 = vector.broadcast %ne3A_167 : i32 to vector<16xi32>
          %ne3A_169 = arith.cmpi ne, %get3A_166, %ne3A_168 : vector<16xi32>
          %mul3A_170 = arith.constant 524288 : i32
          %mul3A_171 = arith.muli %add3A_140, %mul3A_170 : i32
          %scan3A_172 = arith.constant 0 : i32
          %scan3A_173 = arith.constant 0 : i32
          %scan3A_174 = arith.constant 32 : i32
          %scan3A_175 = arith.addi %scan3A_173, %scan3A_174 : i32
          %scan3A_176 = arith.constant 1 : i32
          scf.for %scan3A_184 = %scan3A_173 to %scan3A_175 step %scan3A_176  : i32 {
            %mul3A_185 = arith.constant 16 : i32
            %mul3A_186 = arith.muli %scan3A_184, %mul3A_185 : i32
            %add3A_187 = arith.constant 0 : i32
            %add3A_188 = arith.addi %add3A_187, %mul3A_186 : i32
            %get3A_189 = arith.index_cast %add3A_188 : i32 to index
            %get3A_190 = tpu.vector_load %arg15[%get3A_189] {strides = array<i32>} : memref<2048xf32, #tpu.memory_space<vmem>>, vector<16xf32>,
            %mul3A_191 = arith.mulf %get3A_190, %get3A_144 : vector<16xf32>
            %convert_element_type3A_192 = arith.fptosi %mul3A_191 : vector<16xf32> to vector<16xi32>
            %min3A = arith.minsi %convert_element_type3A_192, %get3A_150 : vector<16xi32>
            %max3A = arith.constant 0 : i32
            %max3A_193 = vector.broadcast %max3A : i32 to vector<16xi32>
            %max3A_194 = arith.maxsi %min3A, %max3A_193 : vector<16xi32>
            %convert_element_type3A_195 = arith.sitofp %max3A_194 : vector<16xi32> to vector<16xf32>
            %sub3A = arith.subf %mul3A_191, %convert_element_type3A_195 : vector<16xf32>
            %add3A_196 = arith.constant 1 : i32
            %add3A_197 = vector.broadcast %add3A_196 : i32 to vector<16xi32>
            %add3A_198 = arith.addi %max3A_194, %add3A_197 : vector<16xi32>
            %sub3A_199 = arith.constant 1.000000e+00 : f32
            %sub3A_200 = vector.broadcast %sub3A_199 : f32 to vector<16xf32>
            %sub3A_201 = arith.subf %sub3A_200, %sub3A : vector<16xf32>
            %add3A_202 = arith.constant 512 : i32
            %add3A_203 = arith.addi %add3A_202, %mul3A_186 : i32
            %get3A_204 = arith.index_cast %add3A_203 : i32 to index
            %get3A_205 = tpu.vector_load %arg15[%get3A_204] {strides = array<i32>} : memref<2048xf32, #tpu.memory_space<vmem>>, vector<16xf32>,
            %mul3A_206 = arith.mulf %get3A_205, %get3A_144 : vector<16xf32>
            %convert_element_type3A_207 = arith.fptosi %mul3A_206 : vector<16xf32> to vector<16xi32>
            %min3A_208 = arith.minsi %convert_element_type3A_207, %get3A_150 : vector<16xi32>
            %max3A_209 = arith.constant 0 : i32
            %max3A_210 = vector.broadcast %max3A_209 : i32 to vector<16xi32>
            %max3A_211 = arith.maxsi %min3A_208, %max3A_210 : vector<16xi32>
            %convert_element_type3A_212 = arith.sitofp %max3A_211 : vector<16xi32> to vector<16xf32>
            %sub3A_213 = arith.subf %mul3A_206, %convert_element_type3A_212 : vector<16xf32>
            %mul3A_214 = arith.muli %max3A_211, %get3A_154 : vector<16xi32>
            %add3A_215 = arith.addi %mul3A_214, %get3A_154 : vector<16xi32>
            %sub3A_216 = arith.constant 1.000000e+00 : f32
            %sub3A_217 = vector.broadcast %sub3A_216 : f32 to vector<16xf32>
            %sub3A_218 = arith.subf %sub3A_217, %sub3A_213 : vector<16xf32>
            %add3A_219 = arith.constant 1024 : i32
            %add3A_220 = arith.addi %add3A_219, %mul3A_186 : i32
            %get3A_221 = arith.index_cast %add3A_220 : i32 to index
            %get3A_222 = tpu.vector_load %arg15[%get3A_221] {strides = array<i32>} : memref<2048xf32, #tpu.memory_space<vmem>>, vector<16xf32>,
            %mul3A_223 = arith.mulf %get3A_222, %get3A_144 : vector<16xf32>
            %convert_element_type3A_224 = arith.fptosi %mul3A_223 : vector<16xf32> to vector<16xi32>
            %min3A_225 = arith.minsi %convert_element_type3A_224, %get3A_150 : vector<16xi32>
            %max3A_226 = arith.constant 0 : i32
            %max3A_227 = vector.broadcast %max3A_226 : i32 to vector<16xi32>
            %max3A_228 = arith.maxsi %min3A_225, %max3A_227 : vector<16xi32>
            %convert_element_type3A_229 = arith.sitofp %max3A_228 : vector<16xi32> to vector<16xf32>
            %sub3A_230 = arith.subf %mul3A_223, %convert_element_type3A_229 : vector<16xf32>
            %mul3A_231 = arith.muli %max3A_228, %get3A_158 : vector<16xi32>
            %add3A_232 = arith.addi %mul3A_231, %get3A_158 : vector<16xi32>
            %sub3A_233 = arith.constant 1.000000e+00 : f32
            %sub3A_234 = vector.broadcast %sub3A_233 : f32 to vector<16xf32>
            %sub3A_235 = arith.subf %sub3A_234, %sub3A_230 : vector<16xf32>
            %add3A_236 = arith.constant 1536 : i32
            %add3A_237 = arith.addi %add3A_236, %mul3A_186 : i32
            %get3A_238 = arith.index_cast %add3A_237 : i32 to index
            %get3A_239 = tpu.vector_load %arg15[%get3A_238] {strides = array<i32>} : memref<2048xf32, #tpu.memory_space<vmem>>, vector<16xf32>,
            %mul3A_240 = arith.mulf %get3A_239, %get3A_144 : vector<16xf32>
            %convert_element_type3A_241 = arith.fptosi %mul3A_240 : vector<16xf32> to vector<16xi32>
            %min3A_242 = arith.minsi %convert_element_type3A_241, %get3A_150 : vector<16xi32>
            %max3A_243 = arith.constant 0 : i32
            %max3A_244 = vector.broadcast %max3A_243 : i32 to vector<16xi32>
            %max3A_245 = arith.maxsi %min3A_242, %max3A_244 : vector<16xi32>
            %convert_element_type3A_246 = arith.sitofp %max3A_245 : vector<16xi32> to vector<16xf32>
            %sub3A_247 = arith.subf %mul3A_240, %convert_element_type3A_246 : vector<16xf32>
            %mul3A_248 = arith.muli %max3A_245, %get3A_162 : vector<16xi32>
            %add3A_249 = arith.addi %mul3A_248, %get3A_162 : vector<16xi32>
            %sub3A_250 = arith.constant 1.000000e+00 : f32
            %sub3A_251 = vector.broadcast %sub3A_250 : f32 to vector<16xf32>
            %sub3A_252 = arith.subf %sub3A_251, %sub3A_247 : vector<16xf32>
            %mul3A_253 = arith.mulf %sub3A_201, %sub3A_218 : vector<16xf32>
            %mul3A_254 = arith.mulf %sub3A, %sub3A_218 : vector<16xf32>
            %mul3A_255 = arith.mulf %sub3A_201, %sub3A_213 : vector<16xf32>
            %mul3A_256 = arith.mulf %sub3A, %sub3A_213 : vector<16xf32>
            %mul3A_257 = arith.mulf %sub3A_235, %sub3A_252 : vector<16xf32>
            %mul3A_258 = arith.mulf %sub3A_230, %sub3A_252 : vector<16xf32>
            %mul3A_259 = arith.mulf %sub3A_235, %sub3A_247 : vector<16xf32>
            %mul3A_260 = arith.mulf %sub3A_230, %sub3A_247 : vector<16xf32>
            %add3A_261 = arith.addi %max3A_194, %mul3A_214 : vector<16xi32>
            %add3A_262 = arith.addi %add3A_261, %mul3A_231 : vector<16xi32>
            %xor3A = arith.xori %max3A_194, %mul3A_214 : vector<16xi32>
            %xor3A_263 = arith.xori %xor3A, %mul3A_231 : vector<16xi32>
            %add3A_264 = arith.addi %add3A_262, %mul3A_248 : vector<16xi32>
            %xor3A_265 = arith.xori %xor3A_263, %mul3A_248 : vector<16xi32>
            %select_n3A = arith.select %ne3A_169, %xor3A_265, %add3A_264 : vector<16xi1>, vector<16xi32>
            %and3A_266 = arith.constant 524287 : i32
            %and3A_267 = vector.broadcast %and3A_266 : i32 to vector<16xi32>
            %and3A_268 = arith.andi %select_n3A, %and3A_267 : vector<16xi32>
            %add3A_269 = vector.broadcast %mul3A_171 : i32 to vector<16xi32>
            %add3A_270 = arith.addi %and3A_268, %add3A_269 : vector<16xi32>
            %add3A_271 = arith.constant 0 : i32
            %add3A_272 = arith.addi %mul3A_124, %add3A_271 : i32
            %add3A_273 = arith.addi %add3A_272, %mul3A_186 : i32
            %swap3A = arith.index_cast %add3A_273 : i32 to index
            %swap3A_274 = tpu.vector_load %arg20[%swap3A] {strides = array<i32>} : memref<16384xi32, #tpu.memory_space<vmem>>, vector<16xi32>,
            tpu.vector_store %arg20[%swap3A], %add3A_270 {strides = array<i32>} : memref<16384xi32, #tpu.memory_space<vmem>>, vector<16xi32>,
            %mul3A_275 = arith.mulf %mul3A_253, %mul3A_257 : vector<16xf32>
            %swap3A_276 = arith.index_cast %add3A_273 : i32 to index
            %swap3A_277 = tpu.vector_load %arg24[%swap3A_276] {strides = array<i32>} : memref<16384xf32, #tpu.memory_space<vmem>>, vector<16xf32>,
            tpu.vector_store %arg24[%swap3A_276], %mul3A_275 {strides = array<i32>} : memref<16384xf32, #tpu.memory_space<vmem>>, vector<16xf32>,
            %add3A_278 = arith.addi %add3A_198, %mul3A_214 : vector<16xi32>
            %add3A_279 = arith.addi %add3A_278, %mul3A_231 : vector<16xi32>
            %xor3A_280 = arith.xori %add3A_198, %mul3A_214 : vector<16xi32>
            %xor3A_281 = arith.xori %xor3A_280, %mul3A_231 : vector<16xi32>
            %add3A_282 = arith.addi %add3A_279, %mul3A_248 : vector<16xi32>
            %xor3A_283 = arith.xori %xor3A_281, %mul3A_248 : vector<16xi32>
            %select_n3A_284 = arith.select %ne3A_169, %xor3A_283, %add3A_282 : vector<16xi1>, vector<16xi32>
            %and3A_285 = arith.constant 524287 : i32
            %and3A_286 = vector.broadcast %and3A_285 : i32 to vector<16xi32>
            %and3A_287 = arith.andi %select_n3A_284, %and3A_286 : vector<16xi32>
            %add3A_288 = vector.broadcast %mul3A_171 : i32 to vector<16xi32>
            %add3A_289 = arith.addi %and3A_287, %add3A_288 : vector<16xi32>
            %add3A_290 = arith.constant 512 : i32
            %add3A_291 = arith.addi %mul3A_124, %add3A_290 : i32
            %add3A_292 = arith.addi %add3A_291, %mul3A_186 : i32
            %swap3A_293 = arith.index_cast %add3A_292 : i32 to index
            %swap3A_294 = tpu.vector_load %arg20[%swap3A_293] {strides = array<i32>} : memref<16384xi32, #tpu.memory_space<vmem>>, vector<16xi32>,
            tpu.vector_store %arg20[%swap3A_293], %add3A_289 {strides = array<i32>} : memref<16384xi32, #tpu.memory_space<vmem>>, vector<16xi32>,
            %mul3A_295 = arith.mulf %mul3A_254, %mul3A_257 : vector<16xf32>
            %swap3A_296 = arith.index_cast %add3A_292 : i32 to index
            %swap3A_297 = tpu.vector_load %arg24[%swap3A_296] {strides = array<i32>} : memref<16384xf32, #tpu.memory_space<vmem>>, vector<16xf32>,
            tpu.vector_store %arg24[%swap3A_296], %mul3A_295 {strides = array<i32>} : memref<16384xf32, #tpu.memory_space<vmem>>, vector<16xf32>,
            %add3A_298 = arith.addi %max3A_194, %add3A_215 : vector<16xi32>
            %add3A_299 = arith.addi %add3A_298, %mul3A_231 : vector<16xi32>
            %xor3A_300 = arith.xori %max3A_194, %add3A_215 : vector<16xi32>
            %xor3A_301 = arith.xori %xor3A_300, %mul3A_231 : vector<16xi32>
            %add3A_302 = arith.addi %add3A_299, %mul3A_248 : vector<16xi32>
            %xor3A_303 = arith.xori %xor3A_301, %mul3A_248 : vector<16xi32>
            %select_n3A_304 = arith.select %ne3A_169, %xor3A_303, %add3A_302 : vector<16xi1>, vector<16xi32>
            %and3A_305 = arith.constant 524287 : i32
            %and3A_306 = vector.broadcast %and3A_305 : i32 to vector<16xi32>
            %and3A_307 = arith.andi %select_n3A_304, %and3A_306 : vector<16xi32>
            %add3A_308 = vector.broadcast %mul3A_171 : i32 to vector<16xi32>
            %add3A_309 = arith.addi %and3A_307, %add3A_308 : vector<16xi32>
            %add3A_310 = arith.constant 1024 : i32
            %add3A_311 = arith.addi %mul3A_124, %add3A_310 : i32
            %add3A_312 = arith.addi %add3A_311, %mul3A_186 : i32
            %swap3A_313 = arith.index_cast %add3A_312 : i32 to index
            %swap3A_314 = tpu.vector_load %arg20[%swap3A_313] {strides = array<i32>} : memref<16384xi32, #tpu.memory_space<vmem>>, vector<16xi32>,
            tpu.vector_store %arg20[%swap3A_313], %add3A_309 {strides = array<i32>} : memref<16384xi32, #tpu.memory_space<vmem>>, vector<16xi32>,
            %mul3A_315 = arith.mulf %mul3A_255, %mul3A_257 : vector<16xf32>
            %swap3A_316 = arith.index_cast %add3A_312 : i32 to index
            %swap3A_317 = tpu.vector_load %arg24[%swap3A_316] {strides = array<i32>} : memref<16384xf32, #tpu.memory_space<vmem>>, vector<16xf32>,
            tpu.vector_store %arg24[%swap3A_316], %mul3A_315 {strides = array<i32>} : memref<16384xf32, #tpu.memory_space<vmem>>, vector<16xf32>,
            %add3A_318 = arith.addi %add3A_198, %add3A_215 : vector<16xi32>
            %add3A_319 = arith.addi %add3A_318, %mul3A_231 : vector<16xi32>
            %xor3A_320 = arith.xori %add3A_198, %add3A_215 : vector<16xi32>
            %xor3A_321 = arith.xori %xor3A_320, %mul3A_231 : vector<16xi32>
            %add3A_322 = arith.addi %add3A_319, %mul3A_248 : vector<16xi32>
            %xor3A_323 = arith.xori %xor3A_321, %mul3A_248 : vector<16xi32>
            %select_n3A_324 = arith.select %ne3A_169, %xor3A_323, %add3A_322 : vector<16xi1>, vector<16xi32>
            %and3A_325 = arith.constant 524287 : i32
            %and3A_326 = vector.broadcast %and3A_325 : i32 to vector<16xi32>
            %and3A_327 = arith.andi %select_n3A_324, %and3A_326 : vector<16xi32>
            %add3A_328 = vector.broadcast %mul3A_171 : i32 to vector<16xi32>
            %add3A_329 = arith.addi %and3A_327, %add3A_328 : vector<16xi32>
            %add3A_330 = arith.constant 1536 : i32
            %add3A_331 = arith.addi %mul3A_124, %add3A_330 : i32
            %add3A_332 = arith.addi %add3A_331, %mul3A_186 : i32
            %swap3A_333 = arith.index_cast %add3A_332 : i32 to index
            %swap3A_334 = tpu.vector_load %arg20[%swap3A_333] {strides = array<i32>} : memref<16384xi32, #tpu.memory_space<vmem>>, vector<16xi32>,
            tpu.vector_store %arg20[%swap3A_333], %add3A_329 {strides = array<i32>} : memref<16384xi32, #tpu.memory_space<vmem>>, vector<16xi32>,
            %mul3A_335 = arith.mulf %mul3A_256, %mul3A_257 : vector<16xf32>
            %swap3A_336 = arith.index_cast %add3A_332 : i32 to index
            %swap3A_337 = tpu.vector_load %arg24[%swap3A_336] {strides = array<i32>} : memref<16384xf32, #tpu.memory_space<vmem>>, vector<16xf32>,
            tpu.vector_store %arg24[%swap3A_336], %mul3A_335 {strides = array<i32>} : memref<16384xf32, #tpu.memory_space<vmem>>, vector<16xf32>,
            %add3A_338 = arith.addi %max3A_194, %mul3A_214 : vector<16xi32>
            %add3A_339 = arith.addi %add3A_338, %add3A_232 : vector<16xi32>
            %xor3A_340 = arith.xori %max3A_194, %mul3A_214 : vector<16xi32>
            %xor3A_341 = arith.xori %xor3A_340, %add3A_232 : vector<16xi32>
            %add3A_342 = arith.addi %add3A_339, %mul3A_248 : vector<16xi32>
            %xor3A_343 = arith.xori %xor3A_341, %mul3A_248 : vector<16xi32>
            %select_n3A_344 = arith.select %ne3A_169, %xor3A_343, %add3A_342 : vector<16xi1>, vector<16xi32>
            %and3A_345 = arith.constant 524287 : i32
            %and3A_346 = vector.broadcast %and3A_345 : i32 to vector<16xi32>
            %and3A_347 = arith.andi %select_n3A_344, %and3A_346 : vector<16xi32>
            %add3A_348 = vector.broadcast %mul3A_171 : i32 to vector<16xi32>
            %add3A_349 = arith.addi %and3A_347, %add3A_348 : vector<16xi32>
            %add3A_350 = arith.constant 2048 : i32
            %add3A_351 = arith.addi %mul3A_124, %add3A_350 : i32
            %add3A_352 = arith.addi %add3A_351, %mul3A_186 : i32
            %swap3A_353 = arith.index_cast %add3A_352 : i32 to index
            %swap3A_354 = tpu.vector_load %arg20[%swap3A_353] {strides = array<i32>} : memref<16384xi32, #tpu.memory_space<vmem>>, vector<16xi32>,
            tpu.vector_store %arg20[%swap3A_353], %add3A_349 {strides = array<i32>} : memref<16384xi32, #tpu.memory_space<vmem>>, vector<16xi32>,
            %mul3A_355 = arith.mulf %mul3A_253, %mul3A_258 : vector<16xf32>
            %swap3A_356 = arith.index_cast %add3A_352 : i32 to index
            %swap3A_357 = tpu.vector_load %arg24[%swap3A_356] {strides = array<i32>} : memref<16384xf32, #tpu.memory_space<vmem>>, vector<16xf32>,
            tpu.vector_store %arg24[%swap3A_356], %mul3A_355 {strides = array<i32>} : memref<16384xf32, #tpu.memory_space<vmem>>, vector<16xf32>,
            %add3A_358 = arith.addi %add3A_198, %mul3A_214 : vector<16xi32>
            %add3A_359 = arith.addi %add3A_358, %add3A_232 : vector<16xi32>
            %xor3A_360 = arith.xori %add3A_198, %mul3A_214 : vector<16xi32>
            %xor3A_361 = arith.xori %xor3A_360, %add3A_232 : vector<16xi32>
            %add3A_362 = arith.addi %add3A_359, %mul3A_248 : vector<16xi32>
            %xor3A_363 = arith.xori %xor3A_361, %mul3A_248 : vector<16xi32>
            %select_n3A_364 = arith.select %ne3A_169, %xor3A_363, %add3A_362 : vector<16xi1>, vector<16xi32>
            %and3A_365 = arith.constant 524287 : i32
            %and3A_366 = vector.broadcast %and3A_365 : i32 to vector<16xi32>
            %and3A_367 = arith.andi %select_n3A_364, %and3A_366 : vector<16xi32>
            %add3A_368 = vector.broadcast %mul3A_171 : i32 to vector<16xi32>
            %add3A_369 = arith.addi %and3A_367, %add3A_368 : vector<16xi32>
            %add3A_370 = arith.constant 2560 : i32
            %add3A_371 = arith.addi %mul3A_124, %add3A_370 : i32
            %add3A_372 = arith.addi %add3A_371, %mul3A_186 : i32
            %swap3A_373 = arith.index_cast %add3A_372 : i32 to index
            %swap3A_374 = tpu.vector_load %arg20[%swap3A_373] {strides = array<i32>} : memref<16384xi32, #tpu.memory_space<vmem>>, vector<16xi32>,
            tpu.vector_store %arg20[%swap3A_373], %add3A_369 {strides = array<i32>} : memref<16384xi32, #tpu.memory_space<vmem>>, vector<16xi32>,
            %mul3A_375 = arith.mulf %mul3A_254, %mul3A_258 : vector<16xf32>
            %swap3A_376 = arith.index_cast %add3A_372 : i32 to index
            %swap3A_377 = tpu.vector_load %arg24[%swap3A_376] {strides = array<i32>} : memref<16384xf32, #tpu.memory_space<vmem>>, vector<16xf32>,
            tpu.vector_store %arg24[%swap3A_376], %mul3A_375 {strides = array<i32>} : memref<16384xf32, #tpu.memory_space<vmem>>, vector<16xf32>,
            %add3A_378 = arith.addi %max3A_194, %add3A_215 : vector<16xi32>
            %add3A_379 = arith.addi %add3A_378, %add3A_232 : vector<16xi32>
            %xor3A_380 = arith.xori %max3A_194, %add3A_215 : vector<16xi32>
            %xor3A_381 = arith.xori %xor3A_380, %add3A_232 : vector<16xi32>
            %add3A_382 = arith.addi %add3A_379, %mul3A_248 : vector<16xi32>
            %xor3A_383 = arith.xori %xor3A_381, %mul3A_248 : vector<16xi32>
            %select_n3A_384 = arith.select %ne3A_169, %xor3A_383, %add3A_382 : vector<16xi1>, vector<16xi32>
            %and3A_385 = arith.constant 524287 : i32
            %and3A_386 = vector.broadcast %and3A_385 : i32 to vector<16xi32>
            %and3A_387 = arith.andi %select_n3A_384, %and3A_386 : vector<16xi32>
            %add3A_388 = vector.broadcast %mul3A_171 : i32 to vector<16xi32>
            %add3A_389 = arith.addi %and3A_387, %add3A_388 : vector<16xi32>
            %add3A_390 = arith.constant 3072 : i32
            %add3A_391 = arith.addi %mul3A_124, %add3A_390 : i32
            %add3A_392 = arith.addi %add3A_391, %mul3A_186 : i32
            %swap3A_393 = arith.index_cast %add3A_392 : i32 to index
            %swap3A_394 = tpu.vector_load %arg20[%swap3A_393] {strides = array<i32>} : memref<16384xi32, #tpu.memory_space<vmem>>, vector<16xi32>,
            tpu.vector_store %arg20[%swap3A_393], %add3A_389 {strides = array<i32>} : memref<16384xi32, #tpu.memory_space<vmem>>, vector<16xi32>,
            %mul3A_395 = arith.mulf %mul3A_255, %mul3A_258 : vector<16xf32>
            %swap3A_396 = arith.index_cast %add3A_392 : i32 to index
            %swap3A_397 = tpu.vector_load %arg24[%swap3A_396] {strides = array<i32>} : memref<16384xf32, #tpu.memory_space<vmem>>, vector<16xf32>,
            tpu.vector_store %arg24[%swap3A_396], %mul3A_395 {strides = array<i32>} : memref<16384xf32, #tpu.memory_space<vmem>>, vector<16xf32>,
            %add3A_398 = arith.addi %add3A_198, %add3A_215 : vector<16xi32>
            %add3A_399 = arith.addi %add3A_398, %add3A_232 : vector<16xi32>
            %xor3A_400 = arith.xori %add3A_198, %add3A_215 : vector<16xi32>
            %xor3A_401 = arith.xori %xor3A_400, %add3A_232 : vector<16xi32>
            %add3A_402 = arith.addi %add3A_399, %mul3A_248 : vector<16xi32>
            %xor3A_403 = arith.xori %xor3A_401, %mul3A_248 : vector<16xi32>
            %select_n3A_404 = arith.select %ne3A_169, %xor3A_403, %add3A_402 : vector<16xi1>, vector<16xi32>
            %and3A_405 = arith.constant 524287 : i32
            %and3A_406 = vector.broadcast %and3A_405 : i32 to vector<16xi32>
            %and3A_407 = arith.andi %select_n3A_404, %and3A_406 : vector<16xi32>
            %add3A_408 = vector.broadcast %mul3A_171 : i32 to vector<16xi32>
            %add3A_409 = arith.addi %and3A_407, %add3A_408 : vector<16xi32>
            %add3A_410 = arith.constant 3584 : i32
            %add3A_411 = arith.addi %mul3A_124, %add3A_410 : i32
            %add3A_412 = arith.addi %add3A_411, %mul3A_186 : i32
            %swap3A_413 = arith.index_cast %add3A_412 : i32 to index
            %swap3A_414 = tpu.vector_load %arg20[%swap3A_413] {strides = array<i32>} : memref<16384xi32, #tpu.memory_space<vmem>>, vector<16xi32>,
            tpu.vector_store %arg20[%swap3A_413], %add3A_409 {strides = array<i32>} : memref<16384xi32, #tpu.memory_space<vmem>>, vector<16xi32>,
            %mul3A_415 = arith.mulf %mul3A_256, %mul3A_258 : vector<16xf32>
            %swap3A_416 = arith.index_cast %add3A_412 : i32 to index
            %swap3A_417 = tpu.vector_load %arg24[%swap3A_416] {strides = array<i32>} : memref<16384xf32, #tpu.memory_space<vmem>>, vector<16xf32>,
            tpu.vector_store %arg24[%swap3A_416], %mul3A_415 {strides = array<i32>} : memref<16384xf32, #tpu.memory_space<vmem>>, vector<16xf32>,
            %add3A_418 = arith.addi %max3A_194, %mul3A_214 : vector<16xi32>
            %add3A_419 = arith.addi %add3A_418, %mul3A_231 : vector<16xi32>
            %xor3A_420 = arith.xori %max3A_194, %mul3A_214 : vector<16xi32>
            %xor3A_421 = arith.xori %xor3A_420, %mul3A_231 : vector<16xi32>
            %add3A_422 = arith.addi %add3A_419, %add3A_249 : vector<16xi32>
            %xor3A_423 = arith.xori %xor3A_421, %add3A_249 : vector<16xi32>
            %select_n3A_424 = arith.select %ne3A_169, %xor3A_423, %add3A_422 : vector<16xi1>, vector<16xi32>
            %and3A_425 = arith.constant 524287 : i32
            %and3A_426 = vector.broadcast %and3A_425 : i32 to vector<16xi32>
            %and3A_427 = arith.andi %select_n3A_424, %and3A_426 : vector<16xi32>
            %add3A_428 = vector.broadcast %mul3A_171 : i32 to vector<16xi32>
            %add3A_429 = arith.addi %and3A_427, %add3A_428 : vector<16xi32>
            %add3A_430 = arith.constant 4096 : i32
            %add3A_431 = arith.addi %mul3A_124, %add3A_430 : i32
            %add3A_432 = arith.addi %add3A_431, %mul3A_186 : i32
            %swap3A_433 = arith.index_cast %add3A_432 : i32 to index
            %swap3A_434 = tpu.vector_load %arg20[%swap3A_433] {strides = array<i32>} : memref<16384xi32, #tpu.memory_space<vmem>>, vector<16xi32>,
            tpu.vector_store %arg20[%swap3A_433], %add3A_429 {strides = array<i32>} : memref<16384xi32, #tpu.memory_space<vmem>>, vector<16xi32>,
            %mul3A_435 = arith.mulf %mul3A_253, %mul3A_259 : vector<16xf32>
            %swap3A_436 = arith.index_cast %add3A_432 : i32 to index
            %swap3A_437 = tpu.vector_load %arg24[%swap3A_436] {strides = array<i32>} : memref<16384xf32, #tpu.memory_space<vmem>>, vector<16xf32>,
            tpu.vector_store %arg24[%swap3A_436], %mul3A_435 {strides = array<i32>} : memref<16384xf32, #tpu.memory_space<vmem>>, vector<16xf32>,
            %add3A_438 = arith.addi %add3A_198, %mul3A_214 : vector<16xi32>
            %add3A_439 = arith.addi %add3A_438, %mul3A_231 : vector<16xi32>
            %xor3A_440 = arith.xori %add3A_198, %mul3A_214 : vector<16xi32>
            %xor3A_441 = arith.xori %xor3A_440, %mul3A_231 : vector<16xi32>
            %add3A_442 = arith.addi %add3A_439, %add3A_249 : vector<16xi32>
            %xor3A_443 = arith.xori %xor3A_441, %add3A_249 : vector<16xi32>
            %select_n3A_444 = arith.select %ne3A_169, %xor3A_443, %add3A_442 : vector<16xi1>, vector<16xi32>
            %and3A_445 = arith.constant 524287 : i32
            %and3A_446 = vector.broadcast %and3A_445 : i32 to vector<16xi32>
            %and3A_447 = arith.andi %select_n3A_444, %and3A_446 : vector<16xi32>
            %add3A_448 = vector.broadcast %mul3A_171 : i32 to vector<16xi32>
            %add3A_449 = arith.addi %and3A_447, %add3A_448 : vector<16xi32>
            %add3A_450 = arith.constant 4608 : i32
            %add3A_451 = arith.addi %mul3A_124, %add3A_450 : i32
            %add3A_452 = arith.addi %add3A_451, %mul3A_186 : i32
            %swap3A_453 = arith.index_cast %add3A_452 : i32 to index
            %swap3A_454 = tpu.vector_load %arg20[%swap3A_453] {strides = array<i32>} : memref<16384xi32, #tpu.memory_space<vmem>>, vector<16xi32>,
            tpu.vector_store %arg20[%swap3A_453], %add3A_449 {strides = array<i32>} : memref<16384xi32, #tpu.memory_space<vmem>>, vector<16xi32>,
            %mul3A_455 = arith.mulf %mul3A_254, %mul3A_259 : vector<16xf32>
            %swap3A_456 = arith.index_cast %add3A_452 : i32 to index
            %swap3A_457 = tpu.vector_load %arg24[%swap3A_456] {strides = array<i32>} : memref<16384xf32, #tpu.memory_space<vmem>>, vector<16xf32>,
            tpu.vector_store %arg24[%swap3A_456], %mul3A_455 {strides = array<i32>} : memref<16384xf32, #tpu.memory_space<vmem>>, vector<16xf32>,
            %add3A_458 = arith.addi %max3A_194, %add3A_215 : vector<16xi32>
            %add3A_459 = arith.addi %add3A_458, %mul3A_231 : vector<16xi32>
            %xor3A_460 = arith.xori %max3A_194, %add3A_215 : vector<16xi32>
            %xor3A_461 = arith.xori %xor3A_460, %mul3A_231 : vector<16xi32>
            %add3A_462 = arith.addi %add3A_459, %add3A_249 : vector<16xi32>
            %xor3A_463 = arith.xori %xor3A_461, %add3A_249 : vector<16xi32>
            %select_n3A_464 = arith.select %ne3A_169, %xor3A_463, %add3A_462 : vector<16xi1>, vector<16xi32>
            %and3A_465 = arith.constant 524287 : i32
            %and3A_466 = vector.broadcast %and3A_465 : i32 to vector<16xi32>
            %and3A_467 = arith.andi %select_n3A_464, %and3A_466 : vector<16xi32>
            %add3A_468 = vector.broadcast %mul3A_171 : i32 to vector<16xi32>
            %add3A_469 = arith.addi %and3A_467, %add3A_468 : vector<16xi32>
            %add3A_470 = arith.constant 5120 : i32
            %add3A_471 = arith.addi %mul3A_124, %add3A_470 : i32
            %add3A_472 = arith.addi %add3A_471, %mul3A_186 : i32
            %swap3A_473 = arith.index_cast %add3A_472 : i32 to index
            %swap3A_474 = tpu.vector_load %arg20[%swap3A_473] {strides = array<i32>} : memref<16384xi32, #tpu.memory_space<vmem>>, vector<16xi32>,
            tpu.vector_store %arg20[%swap3A_473], %add3A_469 {strides = array<i32>} : memref<16384xi32, #tpu.memory_space<vmem>>, vector<16xi32>,
            %mul3A_475 = arith.mulf %mul3A_255, %mul3A_259 : vector<16xf32>
            %swap3A_476 = arith.index_cast %add3A_472 : i32 to index
            %swap3A_477 = tpu.vector_load %arg24[%swap3A_476] {strides = array<i32>} : memref<16384xf32, #tpu.memory_space<vmem>>, vector<16xf32>,
            tpu.vector_store %arg24[%swap3A_476], %mul3A_475 {strides = array<i32>} : memref<16384xf32, #tpu.memory_space<vmem>>, vector<16xf32>,
            %add3A_478 = arith.addi %add3A_198, %add3A_215 : vector<16xi32>
            %add3A_479 = arith.addi %add3A_478, %mul3A_231 : vector<16xi32>
            %xor3A_480 = arith.xori %add3A_198, %add3A_215 : vector<16xi32>
            %xor3A_481 = arith.xori %xor3A_480, %mul3A_231 : vector<16xi32>
            %add3A_482 = arith.addi %add3A_479, %add3A_249 : vector<16xi32>
            %xor3A_483 = arith.xori %xor3A_481, %add3A_249 : vector<16xi32>
            %select_n3A_484 = arith.select %ne3A_169, %xor3A_483, %add3A_482 : vector<16xi1>, vector<16xi32>
            %and3A_485 = arith.constant 524287 : i32
            %and3A_486 = vector.broadcast %and3A_485 : i32 to vector<16xi32>
            %and3A_487 = arith.andi %select_n3A_484, %and3A_486 : vector<16xi32>
            %add3A_488 = vector.broadcast %mul3A_171 : i32 to vector<16xi32>
            %add3A_489 = arith.addi %and3A_487, %add3A_488 : vector<16xi32>
            %add3A_490 = arith.constant 5632 : i32
            %add3A_491 = arith.addi %mul3A_124, %add3A_490 : i32
            %add3A_492 = arith.addi %add3A_491, %mul3A_186 : i32
            %swap3A_493 = arith.index_cast %add3A_492 : i32 to index
            %swap3A_494 = tpu.vector_load %arg20[%swap3A_493] {strides = array<i32>} : memref<16384xi32, #tpu.memory_space<vmem>>, vector<16xi32>,
            tpu.vector_store %arg20[%swap3A_493], %add3A_489 {strides = array<i32>} : memref<16384xi32, #tpu.memory_space<vmem>>, vector<16xi32>,
            %mul3A_495 = arith.mulf %mul3A_256, %mul3A_259 : vector<16xf32>
            %swap3A_496 = arith.index_cast %add3A_492 : i32 to index
            %swap3A_497 = tpu.vector_load %arg24[%swap3A_496] {strides = array<i32>} : memref<16384xf32, #tpu.memory_space<vmem>>, vector<16xf32>,
            tpu.vector_store %arg24[%swap3A_496], %mul3A_495 {strides = array<i32>} : memref<16384xf32, #tpu.memory_space<vmem>>, vector<16xf32>,
            %add3A_498 = arith.addi %max3A_194, %mul3A_214 : vector<16xi32>
            %add3A_499 = arith.addi %add3A_498, %add3A_232 : vector<16xi32>
            %xor3A_500 = arith.xori %max3A_194, %mul3A_214 : vector<16xi32>
            %xor3A_501 = arith.xori %xor3A_500, %add3A_232 : vector<16xi32>
            %add3A_502 = arith.addi %add3A_499, %add3A_249 : vector<16xi32>
            %xor3A_503 = arith.xori %xor3A_501, %add3A_249 : vector<16xi32>
            %select_n3A_504 = arith.select %ne3A_169, %xor3A_503, %add3A_502 : vector<16xi1>, vector<16xi32>
            %and3A_505 = arith.constant 524287 : i32
            %and3A_506 = vector.broadcast %and3A_505 : i32 to vector<16xi32>
            %and3A_507 = arith.andi %select_n3A_504, %and3A_506 : vector<16xi32>
            %add3A_508 = vector.broadcast %mul3A_171 : i32 to vector<16xi32>
            %add3A_509 = arith.addi %and3A_507, %add3A_508 : vector<16xi32>
            %add3A_510 = arith.constant 6144 : i32
            %add3A_511 = arith.addi %mul3A_124, %add3A_510 : i32
            %add3A_512 = arith.addi %add3A_511, %mul3A_186 : i32
            %swap3A_513 = arith.index_cast %add3A_512 : i32 to index
            %swap3A_514 = tpu.vector_load %arg20[%swap3A_513] {strides = array<i32>} : memref<16384xi32, #tpu.memory_space<vmem>>, vector<16xi32>,
            tpu.vector_store %arg20[%swap3A_513], %add3A_509 {strides = array<i32>} : memref<16384xi32, #tpu.memory_space<vmem>>, vector<16xi32>,
            %mul3A_515 = arith.mulf %mul3A_253, %mul3A_260 : vector<16xf32>
            %swap3A_516 = arith.index_cast %add3A_512 : i32 to index
            %swap3A_517 = tpu.vector_load %arg24[%swap3A_516] {strides = array<i32>} : memref<16384xf32, #tpu.memory_space<vmem>>, vector<16xf32>,
            tpu.vector_store %arg24[%swap3A_516], %mul3A_515 {strides = array<i32>} : memref<16384xf32, #tpu.memory_space<vmem>>, vector<16xf32>,
            %add3A_518 = arith.addi %add3A_198, %mul3A_214 : vector<16xi32>
            %add3A_519 = arith.addi %add3A_518, %add3A_232 : vector<16xi32>
            %xor3A_520 = arith.xori %add3A_198, %mul3A_214 : vector<16xi32>
            %xor3A_521 = arith.xori %xor3A_520, %add3A_232 : vector<16xi32>
            %add3A_522 = arith.addi %add3A_519, %add3A_249 : vector<16xi32>
            %xor3A_523 = arith.xori %xor3A_521, %add3A_249 : vector<16xi32>
            %select_n3A_524 = arith.select %ne3A_169, %xor3A_523, %add3A_522 : vector<16xi1>, vector<16xi32>
            %and3A_525 = arith.constant 524287 : i32
            %and3A_526 = vector.broadcast %and3A_525 : i32 to vector<16xi32>
            %and3A_527 = arith.andi %select_n3A_524, %and3A_526 : vector<16xi32>
            %add3A_528 = vector.broadcast %mul3A_171 : i32 to vector<16xi32>
            %add3A_529 = arith.addi %and3A_527, %add3A_528 : vector<16xi32>
            %add3A_530 = arith.constant 6656 : i32
            %add3A_531 = arith.addi %mul3A_124, %add3A_530 : i32
            %add3A_532 = arith.addi %add3A_531, %mul3A_186 : i32
            %swap3A_533 = arith.index_cast %add3A_532 : i32 to index
            %swap3A_534 = tpu.vector_load %arg20[%swap3A_533] {strides = array<i32>} : memref<16384xi32, #tpu.memory_space<vmem>>, vector<16xi32>,
            tpu.vector_store %arg20[%swap3A_533], %add3A_529 {strides = array<i32>} : memref<16384xi32, #tpu.memory_space<vmem>>, vector<16xi32>,
            %mul3A_535 = arith.mulf %mul3A_254, %mul3A_260 : vector<16xf32>
            %swap3A_536 = arith.index_cast %add3A_532 : i32 to index
            %swap3A_537 = tpu.vector_load %arg24[%swap3A_536] {strides = array<i32>} : memref<16384xf32, #tpu.memory_space<vmem>>, vector<16xf32>,
            tpu.vector_store %arg24[%swap3A_536], %mul3A_535 {strides = array<i32>} : memref<16384xf32, #tpu.memory_space<vmem>>, vector<16xf32>,
            %add3A_538 = arith.addi %max3A_194, %add3A_215 : vector<16xi32>
            %add3A_539 = arith.addi %add3A_538, %add3A_232 : vector<16xi32>
            %xor3A_540 = arith.xori %max3A_194, %add3A_215 : vector<16xi32>
            %xor3A_541 = arith.xori %xor3A_540, %add3A_232 : vector<16xi32>
            %add3A_542 = arith.addi %add3A_539, %add3A_249 : vector<16xi32>
            %xor3A_543 = arith.xori %xor3A_541, %add3A_249 : vector<16xi32>
            %select_n3A_544 = arith.select %ne3A_169, %xor3A_543, %add3A_542 : vector<16xi1>, vector<16xi32>
            %and3A_545 = arith.constant 524287 : i32
            %and3A_546 = vector.broadcast %and3A_545 : i32 to vector<16xi32>
            %and3A_547 = arith.andi %select_n3A_544, %and3A_546 : vector<16xi32>
            %add3A_548 = vector.broadcast %mul3A_171 : i32 to vector<16xi32>
            %add3A_549 = arith.addi %and3A_547, %add3A_548 : vector<16xi32>
            %add3A_550 = arith.constant 7168 : i32
            %add3A_551 = arith.addi %mul3A_124, %add3A_550 : i32
            %add3A_552 = arith.addi %add3A_551, %mul3A_186 : i32
            %swap3A_553 = arith.index_cast %add3A_552 : i32 to index
            %swap3A_554 = tpu.vector_load %arg20[%swap3A_553] {strides = array<i32>} : memref<16384xi32, #tpu.memory_space<vmem>>, vector<16xi32>,
            tpu.vector_store %arg20[%swap3A_553], %add3A_549 {strides = array<i32>} : memref<16384xi32, #tpu.memory_space<vmem>>, vector<16xi32>,
            %mul3A_555 = arith.mulf %mul3A_255, %mul3A_260 : vector<16xf32>
            %swap3A_556 = arith.index_cast %add3A_552 : i32 to index
            %swap3A_557 = tpu.vector_load %arg24[%swap3A_556] {strides = array<i32>} : memref<16384xf32, #tpu.memory_space<vmem>>, vector<16xf32>,
            tpu.vector_store %arg24[%swap3A_556], %mul3A_555 {strides = array<i32>} : memref<16384xf32, #tpu.memory_space<vmem>>, vector<16xf32>,
            %add3A_558 = arith.addi %add3A_198, %add3A_215 : vector<16xi32>
            %add3A_559 = arith.addi %add3A_558, %add3A_232 : vector<16xi32>
            %xor3A_560 = arith.xori %add3A_198, %add3A_215 : vector<16xi32>
            %xor3A_561 = arith.xori %xor3A_560, %add3A_232 : vector<16xi32>
            %add3A_562 = arith.addi %add3A_559, %add3A_249 : vector<16xi32>
            %xor3A_563 = arith.xori %xor3A_561, %add3A_249 : vector<16xi32>
            %select_n3A_564 = arith.select %ne3A_169, %xor3A_563, %add3A_562 : vector<16xi1>, vector<16xi32>
            %and3A_565 = arith.constant 524287 : i32
            %and3A_566 = vector.broadcast %and3A_565 : i32 to vector<16xi32>
            %and3A_567 = arith.andi %select_n3A_564, %and3A_566 : vector<16xi32>
            %add3A_568 = vector.broadcast %mul3A_171 : i32 to vector<16xi32>
            %add3A_569 = arith.addi %and3A_567, %add3A_568 : vector<16xi32>
            %add3A_570 = arith.constant 7680 : i32
            %add3A_571 = arith.addi %mul3A_124, %add3A_570 : i32
            %add3A_572 = arith.addi %add3A_571, %mul3A_186 : i32
            %swap3A_573 = arith.index_cast %add3A_572 : i32 to index
            %swap3A_574 = tpu.vector_load %arg20[%swap3A_573] {strides = array<i32>} : memref<16384xi32, #tpu.memory_space<vmem>>, vector<16xi32>,
            tpu.vector_store %arg20[%swap3A_573], %add3A_569 {strides = array<i32>} : memref<16384xi32, #tpu.memory_space<vmem>>, vector<16xi32>,
            %mul3A_575 = arith.mulf %mul3A_256, %mul3A_260 : vector<16xf32>
            %swap3A_576 = arith.index_cast %add3A_572 : i32 to index
            %swap3A_577 = tpu.vector_load %arg24[%swap3A_576] {strides = array<i32>} : memref<16384xf32, #tpu.memory_space<vmem>>, vector<16xf32>,
            tpu.vector_store %arg24[%swap3A_576], %mul3A_575 {strides = array<i32>} : memref<16384xf32, #tpu.memory_space<vmem>>, vector<16xf32>,
          }
          %scan3A_177 = arith.constant 32 : i32
          %scan3A_178 = arith.constant 0 : i32
          %scan3A_179 = arith.constant 0 : i32
          %scan3A_180 = arith.constant 16 : i32
          %scan3A_181 = arith.addi %scan3A_179, %scan3A_180 : i32
          %scan3A_182 = arith.constant 1 : i32
          scf.for %scan3A_184 = %scan3A_179 to %scan3A_181 step %scan3A_182  : i32 {
            %mul3A_185 = arith.constant 512 : i32
            %mul3A_186 = arith.muli %scan3A_184, %mul3A_185 : i32
            %add3A_187 = arith.addi %mul3A_124, %mul3A_186 : i32
            %mul3A_188 = arith.constant 512 : i32
            %mul3A_189 = arith.muli %scan3A_184, %mul3A_188 : i32
            %add3A_190 = arith.addi %mul3A_124, %mul3A_189 : i32
            %dma_start3A = tpu.memref_slice %arg21[%add3A_190] : memref<16384xf32, #tpu.memory_space<vmem>> -> memref<512xf32, #tpu.memory_space<vmem>>
            %dma_start3A_191 = tpu.memref_slice %arg20[%add3A_187] : memref<16384xi32, #tpu.memory_space<vmem>> -> memref<512xi32, #tpu.memory_space<vmem>>
            %dma_start3A_192 = arith.constant 0 : i32
            %dma_start3A_193 = tpu.memref_slice %arg5[%dma_start3A_192] : memref<8388608xf32, #tpu.memory_space<hbm>> -> memref<8388608xf32, #tpu.memory_space<hbm>>
            tpu.enqueue_indirect_dma source(%dma_start3A_193 : memref<8388608xf32, #tpu.memory_space<hbm>>) target(%dma_start3A : memref<512xf32, #tpu.memory_space<vmem>>) offsets(%dma_start3A_191 : memref<512xi32, #tpu.memory_space<vmem>>) semaphore(%arg28 : memref<!tpu.dma_semaphore, #tpu.memory_space<semaphore_mem>>)
            %mul3A_194 = arith.constant 512 : i32
            %mul3A_195 = arith.muli %scan3A_184, %mul3A_194 : i32
            %add3A_196 = arith.addi %mul3A_124, %mul3A_195 : i32
            %mul3A_197 = arith.constant 512 : i32
            %mul3A_198 = arith.muli %scan3A_184, %mul3A_197 : i32
            %add3A_199 = arith.addi %mul3A_124, %mul3A_198 : i32
            %dma_start3A_200 = tpu.memref_slice %arg22[%add3A_199] : memref<16384xf32, #tpu.memory_space<vmem>> -> memref<512xf32, #tpu.memory_space<vmem>>
            %dma_start3A_201 = tpu.memref_slice %arg20[%add3A_196] : memref<16384xi32, #tpu.memory_space<vmem>> -> memref<512xi32, #tpu.memory_space<vmem>>
            %dma_start3A_202 = arith.constant 0 : i32
            %dma_start3A_203 = tpu.memref_slice %arg6[%dma_start3A_202] : memref<8388608xf32, #tpu.memory_space<hbm>> -> memref<8388608xf32, #tpu.memory_space<hbm>>
            tpu.enqueue_indirect_dma source(%dma_start3A_203 : memref<8388608xf32, #tpu.memory_space<hbm>>) target(%dma_start3A_200 : memref<512xf32, #tpu.memory_space<vmem>>) offsets(%dma_start3A_201 : memref<512xi32, #tpu.memory_space<vmem>>) semaphore(%arg28 : memref<!tpu.dma_semaphore, #tpu.memory_space<semaphore_mem>>)
          }
          %scan3A_183 = arith.constant 16 : i32
        } else {
        }
        %scan3A_127 = arith.constant 0 : i32
        %scan3A_128 = arith.constant 0 : i32
        %scan3A_129 = arith.constant 16 : i32
        %scan3A_130 = arith.addi %scan3A_128, %scan3A_129 : i32
        %scan3A_131 = arith.constant 1 : i32
        scf.for %scan3A_139 = %scan3A_128 to %scan3A_130 step %scan3A_131  : i32 {
          %mul3A_140 = arith.constant 512 : i32
          %mul3A_141 = arith.muli %scan3A_139, %mul3A_140 : i32
          %add3A_142 = arith.addi %mul3A_118, %mul3A_141 : i32
          %mul3A_143 = arith.constant 512 : i32
          %mul3A_144 = arith.muli %scan3A_139, %mul3A_143 : i32
          %add3A_145 = arith.addi %mul3A_118, %mul3A_144 : i32
          %dma_wait3A = tpu.memref_slice %arg21[%add3A_145] : memref<16384xf32, #tpu.memory_space<vmem>> -> memref<512xf32, #tpu.memory_space<vmem>>
          %dma_wait3A_146 = tpu.memref_slice %arg20[%add3A_142] : memref<16384xi32, #tpu.memory_space<vmem>> -> memref<512xi32, #tpu.memory_space<vmem>>
          %dma_wait3A_147 = arith.constant 0 : i32
          %dma_wait3A_148 = tpu.memref_slice %arg5[%dma_wait3A_147] : memref<8388608xf32, #tpu.memory_space<hbm>> -> memref<8388608xf32, #tpu.memory_space<hbm>>
          tpu.wait_indirect_dma semaphore(%arg28 : memref<!tpu.dma_semaphore, #tpu.memory_space<semaphore_mem>>) src(%dma_wait3A_148 : memref<8388608xf32, #tpu.memory_space<hbm>>) dst(%dma_wait3A : memref<512xf32, #tpu.memory_space<vmem>>)
          %mul3A_149 = arith.constant 512 : i32
          %mul3A_150 = arith.muli %scan3A_139, %mul3A_149 : i32
          %add3A_151 = arith.addi %mul3A_118, %mul3A_150 : i32
          %mul3A_152 = arith.constant 512 : i32
          %mul3A_153 = arith.muli %scan3A_139, %mul3A_152 : i32
          %add3A_154 = arith.addi %mul3A_118, %mul3A_153 : i32
          %dma_wait3A_155 = tpu.memref_slice %arg22[%add3A_154] : memref<16384xf32, #tpu.memory_space<vmem>> -> memref<512xf32, #tpu.memory_space<vmem>>
          %dma_wait3A_156 = tpu.memref_slice %arg20[%add3A_151] : memref<16384xi32, #tpu.memory_space<vmem>> -> memref<512xi32, #tpu.memory_space<vmem>>
          %dma_wait3A_157 = arith.constant 0 : i32
          %dma_wait3A_158 = tpu.memref_slice %arg6[%dma_wait3A_157] : memref<8388608xf32, #tpu.memory_space<hbm>> -> memref<8388608xf32, #tpu.memory_space<hbm>>
          tpu.wait_indirect_dma semaphore(%arg28 : memref<!tpu.dma_semaphore, #tpu.memory_space<semaphore_mem>>) src(%dma_wait3A_158 : memref<8388608xf32, #tpu.memory_space<hbm>>) dst(%dma_wait3A_155 : memref<512xf32, #tpu.memory_space<vmem>>)
        }
        %scan3A_132 = arith.constant 16 : i32
        %scan3A_133 = arith.constant 0 : i32
        %scan3A_134 = arith.constant 0 : i32
        %scan3A_135 = arith.constant 32 : i32
        %scan3A_136 = arith.addi %scan3A_134, %scan3A_135 : i32
        %scan3A_137 = arith.constant 1 : i32
        scf.for %scan3A_139 = %scan3A_134 to %scan3A_136 step %scan3A_137  : i32 {
          %mul3A_140 = arith.constant 16 : i32
          %mul3A_141 = arith.muli %scan3A_139, %mul3A_140 : i32
          %broadcast_in_dim3A = arith.constant 0.000000e+00 : f32
          %broadcast_in_dim3A_142 = vector.broadcast %broadcast_in_dim3A : f32 to vector<16xf32>
          %broadcast_in_dim3A_143 = arith.constant 0.000000e+00 : f32
          %broadcast_in_dim3A_144 = vector.broadcast %broadcast_in_dim3A_143 : f32 to vector<16xf32>
          %add3A_145 = arith.constant 0 : i32
          %add3A_146 = arith.addi %mul3A_118, %add3A_145 : i32
          %add3A_147 = arith.addi %add3A_146, %mul3A_141 : i32
          %get3A_148 = arith.index_cast %add3A_147 : i32 to index
          %get3A_149 = tpu.vector_load %arg24[%get3A_148] {strides = array<i32>} : memref<16384xf32, #tpu.memory_space<vmem>>, vector<16xf32>,
          %get3A_150 = arith.index_cast %add3A_147 : i32 to index
          %get3A_151 = tpu.vector_load %arg21[%get3A_150] {strides = array<i32>} : memref<16384xf32, #tpu.memory_space<vmem>>, vector<16xf32>,
          %mul3A_152 = arith.mulf %get3A_149, %get3A_151 : vector<16xf32>
          %add3A_153 = arith.addf %broadcast_in_dim3A_142, %mul3A_152 : vector<16xf32>
          %get3A_154 = arith.index_cast %add3A_147 : i32 to index
          %get3A_155 = tpu.vector_load %arg22[%get3A_154] {strides = array<i32>} : memref<16384xf32, #tpu.memory_space<vmem>>, vector<16xf32>,
          %mul3A_156 = arith.mulf %get3A_149, %get3A_155 : vector<16xf32>
          %add3A_157 = arith.addf %broadcast_in_dim3A_144, %mul3A_156 : vector<16xf32>
          %add3A_158 = arith.constant 512 : i32
          %add3A_159 = arith.addi %mul3A_118, %add3A_158 : i32
          %add3A_160 = arith.addi %add3A_159, %mul3A_141 : i32
          %get3A_161 = arith.index_cast %add3A_160 : i32 to index
          %get3A_162 = tpu.vector_load %arg24[%get3A_161] {strides = array<i32>} : memref<16384xf32, #tpu.memory_space<vmem>>, vector<16xf32>,
          %get3A_163 = arith.index_cast %add3A_160 : i32 to index
          %get3A_164 = tpu.vector_load %arg21[%get3A_163] {strides = array<i32>} : memref<16384xf32, #tpu.memory_space<vmem>>, vector<16xf32>,
          %mul3A_165 = arith.mulf %get3A_162, %get3A_164 : vector<16xf32>
          %add3A_166 = arith.addf %add3A_153, %mul3A_165 : vector<16xf32>
          %get3A_167 = arith.index_cast %add3A_160 : i32 to index
          %get3A_168 = tpu.vector_load %arg22[%get3A_167] {strides = array<i32>} : memref<16384xf32, #tpu.memory_space<vmem>>, vector<16xf32>,
          %mul3A_169 = arith.mulf %get3A_162, %get3A_168 : vector<16xf32>
          %add3A_170 = arith.addf %add3A_157, %mul3A_169 : vector<16xf32>
          %add3A_171 = arith.constant 1024 : i32
          %add3A_172 = arith.addi %mul3A_118, %add3A_171 : i32
          %add3A_173 = arith.addi %add3A_172, %mul3A_141 : i32
          %get3A_174 = arith.index_cast %add3A_173 : i32 to index
          %get3A_175 = tpu.vector_load %arg24[%get3A_174] {strides = array<i32>} : memref<16384xf32, #tpu.memory_space<vmem>>, vector<16xf32>,
          %get3A_176 = arith.index_cast %add3A_173 : i32 to index
          %get3A_177 = tpu.vector_load %arg21[%get3A_176] {strides = array<i32>} : memref<16384xf32, #tpu.memory_space<vmem>>, vector<16xf32>,
          %mul3A_178 = arith.mulf %get3A_175, %get3A_177 : vector<16xf32>
          %add3A_179 = arith.addf %add3A_166, %mul3A_178 : vector<16xf32>
          %get3A_180 = arith.index_cast %add3A_173 : i32 to index
          %get3A_181 = tpu.vector_load %arg22[%get3A_180] {strides = array<i32>} : memref<16384xf32, #tpu.memory_space<vmem>>, vector<16xf32>,
          %mul3A_182 = arith.mulf %get3A_175, %get3A_181 : vector<16xf32>
          %add3A_183 = arith.addf %add3A_170, %mul3A_182 : vector<16xf32>
          %add3A_184 = arith.constant 1536 : i32
          %add3A_185 = arith.addi %mul3A_118, %add3A_184 : i32
          %add3A_186 = arith.addi %add3A_185, %mul3A_141 : i32
          %get3A_187 = arith.index_cast %add3A_186 : i32 to index
          %get3A_188 = tpu.vector_load %arg24[%get3A_187] {strides = array<i32>} : memref<16384xf32, #tpu.memory_space<vmem>>, vector<16xf32>,
          %get3A_189 = arith.index_cast %add3A_186 : i32 to index
          %get3A_190 = tpu.vector_load %arg21[%get3A_189] {strides = array<i32>} : memref<16384xf32, #tpu.memory_space<vmem>>, vector<16xf32>,
          %mul3A_191 = arith.mulf %get3A_188, %get3A_190 : vector<16xf32>
          %add3A_192 = arith.addf %add3A_179, %mul3A_191 : vector<16xf32>
          %get3A_193 = arith.index_cast %add3A_186 : i32 to index
          %get3A_194 = tpu.vector_load %arg22[%get3A_193] {strides = array<i32>} : memref<16384xf32, #tpu.memory_space<vmem>>, vector<16xf32>,
          %mul3A_195 = arith.mulf %get3A_188, %get3A_194 : vector<16xf32>
          %add3A_196 = arith.addf %add3A_183, %mul3A_195 : vector<16xf32>
          %add3A_197 = arith.constant 2048 : i32
          %add3A_198 = arith.addi %mul3A_118, %add3A_197 : i32
          %add3A_199 = arith.addi %add3A_198, %mul3A_141 : i32
          %get3A_200 = arith.index_cast %add3A_199 : i32 to index
          %get3A_201 = tpu.vector_load %arg24[%get3A_200] {strides = array<i32>} : memref<16384xf32, #tpu.memory_space<vmem>>, vector<16xf32>,
          %get3A_202 = arith.index_cast %add3A_199 : i32 to index
          %get3A_203 = tpu.vector_load %arg21[%get3A_202] {strides = array<i32>} : memref<16384xf32, #tpu.memory_space<vmem>>, vector<16xf32>,
          %mul3A_204 = arith.mulf %get3A_201, %get3A_203 : vector<16xf32>
          %add3A_205 = arith.addf %add3A_192, %mul3A_204 : vector<16xf32>
          %get3A_206 = arith.index_cast %add3A_199 : i32 to index
          %get3A_207 = tpu.vector_load %arg22[%get3A_206] {strides = array<i32>} : memref<16384xf32, #tpu.memory_space<vmem>>, vector<16xf32>,
          %mul3A_208 = arith.mulf %get3A_201, %get3A_207 : vector<16xf32>
          %add3A_209 = arith.addf %add3A_196, %mul3A_208 : vector<16xf32>
          %add3A_210 = arith.constant 2560 : i32
          %add3A_211 = arith.addi %mul3A_118, %add3A_210 : i32
          %add3A_212 = arith.addi %add3A_211, %mul3A_141 : i32
          %get3A_213 = arith.index_cast %add3A_212 : i32 to index
          %get3A_214 = tpu.vector_load %arg24[%get3A_213] {strides = array<i32>} : memref<16384xf32, #tpu.memory_space<vmem>>, vector<16xf32>,
          %get3A_215 = arith.index_cast %add3A_212 : i32 to index
          %get3A_216 = tpu.vector_load %arg21[%get3A_215] {strides = array<i32>} : memref<16384xf32, #tpu.memory_space<vmem>>, vector<16xf32>,
          %mul3A_217 = arith.mulf %get3A_214, %get3A_216 : vector<16xf32>
          %add3A_218 = arith.addf %add3A_205, %mul3A_217 : vector<16xf32>
          %get3A_219 = arith.index_cast %add3A_212 : i32 to index
          %get3A_220 = tpu.vector_load %arg22[%get3A_219] {strides = array<i32>} : memref<16384xf32, #tpu.memory_space<vmem>>, vector<16xf32>,
          %mul3A_221 = arith.mulf %get3A_214, %get3A_220 : vector<16xf32>
          %add3A_222 = arith.addf %add3A_209, %mul3A_221 : vector<16xf32>
          %add3A_223 = arith.constant 3072 : i32
          %add3A_224 = arith.addi %mul3A_118, %add3A_223 : i32
          %add3A_225 = arith.addi %add3A_224, %mul3A_141 : i32
          %get3A_226 = arith.index_cast %add3A_225 : i32 to index
          %get3A_227 = tpu.vector_load %arg24[%get3A_226] {strides = array<i32>} : memref<16384xf32, #tpu.memory_space<vmem>>, vector<16xf32>,
          %get3A_228 = arith.index_cast %add3A_225 : i32 to index
          %get3A_229 = tpu.vector_load %arg21[%get3A_228] {strides = array<i32>} : memref<16384xf32, #tpu.memory_space<vmem>>, vector<16xf32>,
          %mul3A_230 = arith.mulf %get3A_227, %get3A_229 : vector<16xf32>
          %add3A_231 = arith.addf %add3A_218, %mul3A_230 : vector<16xf32>
          %get3A_232 = arith.index_cast %add3A_225 : i32 to index
          %get3A_233 = tpu.vector_load %arg22[%get3A_232] {strides = array<i32>} : memref<16384xf32, #tpu.memory_space<vmem>>, vector<16xf32>,
          %mul3A_234 = arith.mulf %get3A_227, %get3A_233 : vector<16xf32>
          %add3A_235 = arith.addf %add3A_222, %mul3A_234 : vector<16xf32>
          %add3A_236 = arith.constant 3584 : i32
          %add3A_237 = arith.addi %mul3A_118, %add3A_236 : i32
          %add3A_238 = arith.addi %add3A_237, %mul3A_141 : i32
          %get3A_239 = arith.index_cast %add3A_238 : i32 to index
          %get3A_240 = tpu.vector_load %arg24[%get3A_239] {strides = array<i32>} : memref<16384xf32, #tpu.memory_space<vmem>>, vector<16xf32>,
          %get3A_241 = arith.index_cast %add3A_238 : i32 to index
          %get3A_242 = tpu.vector_load %arg21[%get3A_241] {strides = array<i32>} : memref<16384xf32, #tpu.memory_space<vmem>>, vector<16xf32>,
          %mul3A_243 = arith.mulf %get3A_240, %get3A_242 : vector<16xf32>
          %add3A_244 = arith.addf %add3A_231, %mul3A_243 : vector<16xf32>
          %get3A_245 = arith.index_cast %add3A_238 : i32 to index
          %get3A_246 = tpu.vector_load %arg22[%get3A_245] {strides = array<i32>} : memref<16384xf32, #tpu.memory_space<vmem>>, vector<16xf32>,
          %mul3A_247 = arith.mulf %get3A_240, %get3A_246 : vector<16xf32>
          %add3A_248 = arith.addf %add3A_235, %mul3A_247 : vector<16xf32>
          %add3A_249 = arith.constant 4096 : i32
          %add3A_250 = arith.addi %mul3A_118, %add3A_249 : i32
          %add3A_251 = arith.addi %add3A_250, %mul3A_141 : i32
          %get3A_252 = arith.index_cast %add3A_251 : i32 to index
          %get3A_253 = tpu.vector_load %arg24[%get3A_252] {strides = array<i32>} : memref<16384xf32, #tpu.memory_space<vmem>>, vector<16xf32>,
          %get3A_254 = arith.index_cast %add3A_251 : i32 to index
          %get3A_255 = tpu.vector_load %arg21[%get3A_254] {strides = array<i32>} : memref<16384xf32, #tpu.memory_space<vmem>>, vector<16xf32>,
          %mul3A_256 = arith.mulf %get3A_253, %get3A_255 : vector<16xf32>
          %add3A_257 = arith.addf %add3A_244, %mul3A_256 : vector<16xf32>
          %get3A_258 = arith.index_cast %add3A_251 : i32 to index
          %get3A_259 = tpu.vector_load %arg22[%get3A_258] {strides = array<i32>} : memref<16384xf32, #tpu.memory_space<vmem>>, vector<16xf32>,
          %mul3A_260 = arith.mulf %get3A_253, %get3A_259 : vector<16xf32>
          %add3A_261 = arith.addf %add3A_248, %mul3A_260 : vector<16xf32>
          %add3A_262 = arith.constant 4608 : i32
          %add3A_263 = arith.addi %mul3A_118, %add3A_262 : i32
          %add3A_264 = arith.addi %add3A_263, %mul3A_141 : i32
          %get3A_265 = arith.index_cast %add3A_264 : i32 to index
          %get3A_266 = tpu.vector_load %arg24[%get3A_265] {strides = array<i32>} : memref<16384xf32, #tpu.memory_space<vmem>>, vector<16xf32>,
          %get3A_267 = arith.index_cast %add3A_264 : i32 to index
          %get3A_268 = tpu.vector_load %arg21[%get3A_267] {strides = array<i32>} : memref<16384xf32, #tpu.memory_space<vmem>>, vector<16xf32>,
          %mul3A_269 = arith.mulf %get3A_266, %get3A_268 : vector<16xf32>
          %add3A_270 = arith.addf %add3A_257, %mul3A_269 : vector<16xf32>
          %get3A_271 = arith.index_cast %add3A_264 : i32 to index
          %get3A_272 = tpu.vector_load %arg22[%get3A_271] {strides = array<i32>} : memref<16384xf32, #tpu.memory_space<vmem>>, vector<16xf32>,
          %mul3A_273 = arith.mulf %get3A_266, %get3A_272 : vector<16xf32>
          %add3A_274 = arith.addf %add3A_261, %mul3A_273 : vector<16xf32>
          %add3A_275 = arith.constant 5120 : i32
          %add3A_276 = arith.addi %mul3A_118, %add3A_275 : i32
          %add3A_277 = arith.addi %add3A_276, %mul3A_141 : i32
          %get3A_278 = arith.index_cast %add3A_277 : i32 to index
          %get3A_279 = tpu.vector_load %arg24[%get3A_278] {strides = array<i32>} : memref<16384xf32, #tpu.memory_space<vmem>>, vector<16xf32>,
          %get3A_280 = arith.index_cast %add3A_277 : i32 to index
          %get3A_281 = tpu.vector_load %arg21[%get3A_280] {strides = array<i32>} : memref<16384xf32, #tpu.memory_space<vmem>>, vector<16xf32>,
          %mul3A_282 = arith.mulf %get3A_279, %get3A_281 : vector<16xf32>
          %add3A_283 = arith.addf %add3A_270, %mul3A_282 : vector<16xf32>
          %get3A_284 = arith.index_cast %add3A_277 : i32 to index
          %get3A_285 = tpu.vector_load %arg22[%get3A_284] {strides = array<i32>} : memref<16384xf32, #tpu.memory_space<vmem>>, vector<16xf32>,
          %mul3A_286 = arith.mulf %get3A_279, %get3A_285 : vector<16xf32>
          %add3A_287 = arith.addf %add3A_274, %mul3A_286 : vector<16xf32>
          %add3A_288 = arith.constant 5632 : i32
          %add3A_289 = arith.addi %mul3A_118, %add3A_288 : i32
          %add3A_290 = arith.addi %add3A_289, %mul3A_141 : i32
          %get3A_291 = arith.index_cast %add3A_290 : i32 to index
          %get3A_292 = tpu.vector_load %arg24[%get3A_291] {strides = array<i32>} : memref<16384xf32, #tpu.memory_space<vmem>>, vector<16xf32>,
          %get3A_293 = arith.index_cast %add3A_290 : i32 to index
          %get3A_294 = tpu.vector_load %arg21[%get3A_293] {strides = array<i32>} : memref<16384xf32, #tpu.memory_space<vmem>>, vector<16xf32>,
          %mul3A_295 = arith.mulf %get3A_292, %get3A_294 : vector<16xf32>
          %add3A_296 = arith.addf %add3A_283, %mul3A_295 : vector<16xf32>
          %get3A_297 = arith.index_cast %add3A_290 : i32 to index
          %get3A_298 = tpu.vector_load %arg22[%get3A_297] {strides = array<i32>} : memref<16384xf32, #tpu.memory_space<vmem>>, vector<16xf32>,
          %mul3A_299 = arith.mulf %get3A_292, %get3A_298 : vector<16xf32>
          %add3A_300 = arith.addf %add3A_287, %mul3A_299 : vector<16xf32>
          %add3A_301 = arith.constant 6144 : i32
          %add3A_302 = arith.addi %mul3A_118, %add3A_301 : i32
          %add3A_303 = arith.addi %add3A_302, %mul3A_141 : i32
          %get3A_304 = arith.index_cast %add3A_303 : i32 to index
          %get3A_305 = tpu.vector_load %arg24[%get3A_304] {strides = array<i32>} : memref<16384xf32, #tpu.memory_space<vmem>>, vector<16xf32>,
          %get3A_306 = arith.index_cast %add3A_303 : i32 to index
          %get3A_307 = tpu.vector_load %arg21[%get3A_306] {strides = array<i32>} : memref<16384xf32, #tpu.memory_space<vmem>>, vector<16xf32>,
          %mul3A_308 = arith.mulf %get3A_305, %get3A_307 : vector<16xf32>
          %add3A_309 = arith.addf %add3A_296, %mul3A_308 : vector<16xf32>
          %get3A_310 = arith.index_cast %add3A_303 : i32 to index
          %get3A_311 = tpu.vector_load %arg22[%get3A_310] {strides = array<i32>} : memref<16384xf32, #tpu.memory_space<vmem>>, vector<16xf32>,
          %mul3A_312 = arith.mulf %get3A_305, %get3A_311 : vector<16xf32>
          %add3A_313 = arith.addf %add3A_300, %mul3A_312 : vector<16xf32>
          %add3A_314 = arith.constant 6656 : i32
          %add3A_315 = arith.addi %mul3A_118, %add3A_314 : i32
          %add3A_316 = arith.addi %add3A_315, %mul3A_141 : i32
          %get3A_317 = arith.index_cast %add3A_316 : i32 to index
          %get3A_318 = tpu.vector_load %arg24[%get3A_317] {strides = array<i32>} : memref<16384xf32, #tpu.memory_space<vmem>>, vector<16xf32>,
          %get3A_319 = arith.index_cast %add3A_316 : i32 to index
          %get3A_320 = tpu.vector_load %arg21[%get3A_319] {strides = array<i32>} : memref<16384xf32, #tpu.memory_space<vmem>>, vector<16xf32>,
          %mul3A_321 = arith.mulf %get3A_318, %get3A_320 : vector<16xf32>
          %add3A_322 = arith.addf %add3A_309, %mul3A_321 : vector<16xf32>
          %get3A_323 = arith.index_cast %add3A_316 : i32 to index
          %get3A_324 = tpu.vector_load %arg22[%get3A_323] {strides = array<i32>} : memref<16384xf32, #tpu.memory_space<vmem>>, vector<16xf32>,
          %mul3A_325 = arith.mulf %get3A_318, %get3A_324 : vector<16xf32>
          %add3A_326 = arith.addf %add3A_313, %mul3A_325 : vector<16xf32>
          %add3A_327 = arith.constant 7168 : i32
          %add3A_328 = arith.addi %mul3A_118, %add3A_327 : i32
          %add3A_329 = arith.addi %add3A_328, %mul3A_141 : i32
          %get3A_330 = arith.index_cast %add3A_329 : i32 to index
          %get3A_331 = tpu.vector_load %arg24[%get3A_330] {strides = array<i32>} : memref<16384xf32, #tpu.memory_space<vmem>>, vector<16xf32>,
          %get3A_332 = arith.index_cast %add3A_329 : i32 to index
          %get3A_333 = tpu.vector_load %arg21[%get3A_332] {strides = array<i32>} : memref<16384xf32, #tpu.memory_space<vmem>>, vector<16xf32>,
          %mul3A_334 = arith.mulf %get3A_331, %get3A_333 : vector<16xf32>
          %add3A_335 = arith.addf %add3A_322, %mul3A_334 : vector<16xf32>
          %get3A_336 = arith.index_cast %add3A_329 : i32 to index
          %get3A_337 = tpu.vector_load %arg22[%get3A_336] {strides = array<i32>} : memref<16384xf32, #tpu.memory_space<vmem>>, vector<16xf32>,
          %mul3A_338 = arith.mulf %get3A_331, %get3A_337 : vector<16xf32>
          %add3A_339 = arith.addf %add3A_326, %mul3A_338 : vector<16xf32>
          %add3A_340 = arith.constant 7680 : i32
          %add3A_341 = arith.addi %mul3A_118, %add3A_340 : i32
          %add3A_342 = arith.addi %add3A_341, %mul3A_141 : i32
          %get3A_343 = arith.index_cast %add3A_342 : i32 to index
          %get3A_344 = tpu.vector_load %arg24[%get3A_343] {strides = array<i32>} : memref<16384xf32, #tpu.memory_space<vmem>>, vector<16xf32>,
          %get3A_345 = arith.index_cast %add3A_342 : i32 to index
          %get3A_346 = tpu.vector_load %arg21[%get3A_345] {strides = array<i32>} : memref<16384xf32, #tpu.memory_space<vmem>>, vector<16xf32>,
          %mul3A_347 = arith.mulf %get3A_344, %get3A_346 : vector<16xf32>
          %add3A_348 = arith.addf %add3A_335, %mul3A_347 : vector<16xf32>
          %get3A_349 = arith.index_cast %add3A_342 : i32 to index
          %get3A_350 = tpu.vector_load %arg22[%get3A_349] {strides = array<i32>} : memref<16384xf32, #tpu.memory_space<vmem>>, vector<16xf32>,
          %mul3A_351 = arith.mulf %get3A_344, %get3A_350 : vector<16xf32>
          %add3A_352 = arith.addf %add3A_339, %mul3A_351 : vector<16xf32>
          %mul3A_353 = arith.constant 32 : i32
          %mul3A_354 = arith.muli %mul3A_141, %mul3A_353 : i32
          %mul3A_355 = arith.constant 2 : i32
          %mul3A_356 = arith.muli %mul3A_355, %scan3A_115 : i32
          %add3A_357 = arith.addi %mul3A_354, %mul3A_356 : i32
          %add3A_358 = vector.broadcast %add3A_357 : i32 to vector<16xi32>
          %add3A_359 = arith.addi %add3A_358, %mul3A_3 : vector<16xi32>
          tpu.vector_store_idx %arg26[%add3A_359], %add3A_348 : memref<16384xf32, #tpu.memory_space<vmem>>[vector<16xi32>], vector<16xf32>,
          %add3A_360 = arith.constant 1 : i32
          %add3A_361 = vector.broadcast %add3A_360 : i32 to vector<16xi32>
          %add3A_362 = arith.addi %add3A_359, %add3A_361 : vector<16xi32>
          tpu.vector_store_idx %arg26[%add3A_362], %add3A_352 : memref<16384xf32, #tpu.memory_space<vmem>>[vector<16xi32>], vector<16xf32>,
        }
        %scan3A_138 = arith.constant 32 : i32
      }
      %scan3A_86 = arith.constant 16 : i32
      %scan3A_87 = arith.constant 0 : i32
      %scan3A_88 = arith.constant 0 : i32
      %scan3A_89 = arith.constant 32 : i32
      %scan3A_90 = arith.addi %scan3A_88, %scan3A_89 : i32
      %scan3A_91 = arith.constant 1 : i32
      scf.for %scan3A_115 = %scan3A_88 to %scan3A_90 step %scan3A_91  : i32 {
        %mul3A_116 = arith.constant 16 : i32
        %mul3A_117 = arith.muli %scan3A_115, %mul3A_116 : i32
        %add3A_118 = arith.constant 0 : i32
        %add3A_119 = arith.addi %add3A_118, %mul3A_117 : i32
        %get3A_120 = arith.index_cast %add3A_119 : i32 to index
        %get3A_121 = tpu.vector_load %arg15[%get3A_120] {strides = array<i32>} : memref<2048xf32, #tpu.memory_space<vmem>>, vector<16xf32>,
        %mul3A_122 = arith.constant 6.300000e+01 : f32
        %mul3A_123 = vector.broadcast %mul3A_122 : f32 to vector<16xf32>
        %mul3A_124 = arith.mulf %get3A_121, %mul3A_123 : vector<16xf32>
        %convert_element_type3A = arith.fptosi %mul3A_124 : vector<16xf32> to vector<16xi32>
        %min3A = arith.constant 62 : i32
        %min3A_125 = vector.broadcast %min3A : i32 to vector<16xi32>
        %min3A_126 = arith.minsi %convert_element_type3A, %min3A_125 : vector<16xi32>
        %max3A = arith.constant 0 : i32
        %max3A_127 = vector.broadcast %max3A : i32 to vector<16xi32>
        %max3A_128 = arith.maxsi %min3A_126, %max3A_127 : vector<16xi32>
        %convert_element_type3A_129 = arith.sitofp %max3A_128 : vector<16xi32> to vector<16xf32>
        %sub3A = arith.subf %mul3A_124, %convert_element_type3A_129 : vector<16xf32>
        %add3A_130 = arith.constant 1 : i32
        %add3A_131 = vector.broadcast %add3A_130 : i32 to vector<16xi32>
        %add3A_132 = arith.addi %max3A_128, %add3A_131 : vector<16xi32>
        %sub3A_133 = arith.constant 1.000000e+00 : f32
        %sub3A_134 = vector.broadcast %sub3A_133 : f32 to vector<16xf32>
        %sub3A_135 = arith.subf %sub3A_134, %sub3A : vector<16xf32>
        %add3A_136 = arith.constant 512 : i32
        %add3A_137 = arith.addi %add3A_136, %mul3A_117 : i32
        %get3A_138 = arith.index_cast %add3A_137 : i32 to index
        %get3A_139 = tpu.vector_load %arg15[%get3A_138] {strides = array<i32>} : memref<2048xf32, #tpu.memory_space<vmem>>, vector<16xf32>,
        %mul3A_140 = arith.constant 6.300000e+01 : f32
        %mul3A_141 = vector.broadcast %mul3A_140 : f32 to vector<16xf32>
        %mul3A_142 = arith.mulf %get3A_139, %mul3A_141 : vector<16xf32>
        %convert_element_type3A_143 = arith.fptosi %mul3A_142 : vector<16xf32> to vector<16xi32>
        %min3A_144 = arith.constant 62 : i32
        %min3A_145 = vector.broadcast %min3A_144 : i32 to vector<16xi32>
        %min3A_146 = arith.minsi %convert_element_type3A_143, %min3A_145 : vector<16xi32>
        %max3A_147 = arith.constant 0 : i32
        %max3A_148 = vector.broadcast %max3A_147 : i32 to vector<16xi32>
        %max3A_149 = arith.maxsi %min3A_146, %max3A_148 : vector<16xi32>
        %convert_element_type3A_150 = arith.sitofp %max3A_149 : vector<16xi32> to vector<16xf32>
        %sub3A_151 = arith.subf %mul3A_142, %convert_element_type3A_150 : vector<16xf32>
        %mul3A_152 = arith.constant 65 : i32
        %mul3A_153 = vector.broadcast %mul3A_152 : i32 to vector<16xi32>
        %mul3A_154 = arith.muli %max3A_149, %mul3A_153 : vector<16xi32>
        %add3A_155 = arith.constant 65 : i32
        %add3A_156 = vector.broadcast %add3A_155 : i32 to vector<16xi32>
        %add3A_157 = arith.addi %mul3A_154, %add3A_156 : vector<16xi32>
        %sub3A_158 = arith.constant 1.000000e+00 : f32
        %sub3A_159 = vector.broadcast %sub3A_158 : f32 to vector<16xf32>
        %sub3A_160 = arith.subf %sub3A_159, %sub3A_151 : vector<16xf32>
        %add3A_161 = arith.constant 1024 : i32
        %add3A_162 = arith.addi %add3A_161, %mul3A_117 : i32
        %get3A_163 = arith.index_cast %add3A_162 : i32 to index
        %get3A_164 = tpu.vector_load %arg15[%get3A_163] {strides = array<i32>} : memref<2048xf32, #tpu.memory_space<vmem>>, vector<16xf32>,
        %mul3A_165 = arith.constant 6.300000e+01 : f32
        %mul3A_166 = vector.broadcast %mul3A_165 : f32 to vector<16xf32>
        %mul3A_167 = arith.mulf %get3A_164, %mul3A_166 : vector<16xf32>
        %convert_element_type3A_168 = arith.fptosi %mul3A_167 : vector<16xf32> to vector<16xi32>
        %min3A_169 = arith.constant 62 : i32
        %min3A_170 = vector.broadcast %min3A_169 : i32 to vector<16xi32>
        %min3A_171 = arith.minsi %convert_element_type3A_168, %min3A_170 : vector<16xi32>
        %max3A_172 = arith.constant 0 : i32
        %max3A_173 = vector.broadcast %max3A_172 : i32 to vector<16xi32>
        %max3A_174 = arith.maxsi %min3A_171, %max3A_173 : vector<16xi32>
        %convert_element_type3A_175 = arith.sitofp %max3A_174 : vector<16xi32> to vector<16xf32>
        %sub3A_176 = arith.subf %mul3A_167, %convert_element_type3A_175 : vector<16xf32>
        %mul3A_177 = arith.constant 4225 : i32
        %mul3A_178 = vector.broadcast %mul3A_177 : i32 to vector<16xi32>
        %mul3A_179 = arith.muli %max3A_174, %mul3A_178 : vector<16xi32>
        %add3A_180 = arith.constant 4225 : i32
        %add3A_181 = vector.broadcast %add3A_180 : i32 to vector<16xi32>
        %add3A_182 = arith.addi %mul3A_179, %add3A_181 : vector<16xi32>
        %sub3A_183 = arith.constant 1.000000e+00 : f32
        %sub3A_184 = vector.broadcast %sub3A_183 : f32 to vector<16xf32>
        %sub3A_185 = arith.subf %sub3A_184, %sub3A_176 : vector<16xf32>
        %add3A_186 = arith.constant 1536 : i32
        %add3A_187 = arith.addi %add3A_186, %mul3A_117 : i32
        %get3A_188 = arith.index_cast %add3A_187 : i32 to index
        %get3A_189 = tpu.vector_load %arg15[%get3A_188] {strides = array<i32>} : memref<2048xf32, #tpu.memory_space<vmem>>, vector<16xf32>,
        %mul3A_190 = arith.constant 6.300000e+01 : f32
        %mul3A_191 = vector.broadcast %mul3A_190 : f32 to vector<16xf32>
        %mul3A_192 = arith.mulf %get3A_189, %mul3A_191 : vector<16xf32>
        %convert_element_type3A_193 = arith.fptosi %mul3A_192 : vector<16xf32> to vector<16xi32>
        %min3A_194 = arith.constant 62 : i32
        %min3A_195 = vector.broadcast %min3A_194 : i32 to vector<16xi32>
        %min3A_196 = arith.minsi %convert_element_type3A_193, %min3A_195 : vector<16xi32>
        %max3A_197 = arith.constant 0 : i32
        %max3A_198 = vector.broadcast %max3A_197 : i32 to vector<16xi32>
        %max3A_199 = arith.maxsi %min3A_196, %max3A_198 : vector<16xi32>
        %convert_element_type3A_200 = arith.sitofp %max3A_199 : vector<16xi32> to vector<16xf32>
        %sub3A_201 = arith.subf %mul3A_192, %convert_element_type3A_200 : vector<16xf32>
        %eq3A = arith.constant 5.000000e-01 : f32
        %eq3A_202 = vector.broadcast %eq3A : f32 to vector<16xf32>
        %eq3A_203 = arith.cmpf oeq, %sub3A_201, %eq3A_202 : vector<16xf32>
        %add3A_204 = arith.constant 5.000000e-01 : f32
        %add3A_205 = vector.broadcast %add3A_204 : f32 to vector<16xf32>
        %add3A_206 = arith.addf %sub3A_201, %add3A_205 : vector<16xf32>
        %convert_element_type3A_207 = arith.fptosi %add3A_206 : vector<16xf32> to vector<16xi32>
        %jit3A = arith.constant 0 : i32
        %broadcast_in_dim3A = vector.broadcast %jit3A : i32 to vector<16xi32>
        %select_n3A = arith.select %eq3A_203, %broadcast_in_dim3A, %convert_element_type3A_207 : vector<16xi1>, vector<16xi32>
        %add3A_208 = arith.addi %max3A_199, %select_n3A : vector<16xi32>
        %mul3A_209 = arith.constant 274625 : i32
        %mul3A_210 = vector.broadcast %mul3A_209 : i32 to vector<16xi32>
        %mul3A_211 = arith.muli %add3A_208, %mul3A_210 : vector<16xi32>
        %mul3A_212 = arith.mulf %sub3A_135, %sub3A_160 : vector<16xf32>
        %mul3A_213 = arith.mulf %sub3A, %sub3A_160 : vector<16xf32>
        %mul3A_214 = arith.mulf %sub3A_135, %sub3A_151 : vector<16xf32>
        %mul3A_215 = arith.mulf %sub3A, %sub3A_151 : vector<16xf32>
        %add3A_216 = arith.addi %max3A_128, %mul3A_154 : vector<16xi32>
        %add3A_217 = arith.addi %add3A_216, %mul3A_179 : vector<16xi32>
        %add3A_218 = arith.addi %add3A_217, %mul3A_211 : vector<16xi32>
        %add3A_219 = arith.constant 0 : i32
        %add3A_220 = arith.addi %add3A_219, %mul3A_117 : i32
        %and3A = arith.constant 524287 : i32
        %and3A_221 = vector.broadcast %and3A : i32 to vector<16xi32>
        %and3A_222 = arith.andi %add3A_218, %and3A_221 : vector<16xi32>
        %swap3A = arith.index_cast %add3A_220 : i32 to index
        %swap3A_223 = tpu.vector_load %arg20[%swap3A] {strides = array<i32>} : memref<16384xi32, #tpu.memory_space<vmem>>, vector<16xi32>,
        tpu.vector_store %arg20[%swap3A], %and3A_222 {strides = array<i32>} : memref<16384xi32, #tpu.memory_space<vmem>>, vector<16xi32>,
        %mul3A_224 = arith.mulf %mul3A_212, %sub3A_185 : vector<16xf32>
        %swap3A_225 = arith.index_cast %add3A_220 : i32 to index
        %swap3A_226 = tpu.vector_load %arg24[%swap3A_225] {strides = array<i32>} : memref<16384xf32, #tpu.memory_space<vmem>>, vector<16xf32>,
        tpu.vector_store %arg24[%swap3A_225], %mul3A_224 {strides = array<i32>} : memref<16384xf32, #tpu.memory_space<vmem>>, vector<16xf32>,
        %add3A_227 = arith.addi %add3A_132, %mul3A_154 : vector<16xi32>
        %add3A_228 = arith.addi %add3A_227, %mul3A_179 : vector<16xi32>
        %add3A_229 = arith.addi %add3A_228, %mul3A_211 : vector<16xi32>
        %add3A_230 = arith.constant 512 : i32
        %add3A_231 = arith.addi %add3A_230, %mul3A_117 : i32
        %and3A_232 = arith.constant 524287 : i32
        %and3A_233 = vector.broadcast %and3A_232 : i32 to vector<16xi32>
        %and3A_234 = arith.andi %add3A_229, %and3A_233 : vector<16xi32>
        %swap3A_235 = arith.index_cast %add3A_231 : i32 to index
        %swap3A_236 = tpu.vector_load %arg20[%swap3A_235] {strides = array<i32>} : memref<16384xi32, #tpu.memory_space<vmem>>, vector<16xi32>,
        tpu.vector_store %arg20[%swap3A_235], %and3A_234 {strides = array<i32>} : memref<16384xi32, #tpu.memory_space<vmem>>, vector<16xi32>,
        %mul3A_237 = arith.mulf %mul3A_213, %sub3A_185 : vector<16xf32>
        %swap3A_238 = arith.index_cast %add3A_231 : i32 to index
        %swap3A_239 = tpu.vector_load %arg24[%swap3A_238] {strides = array<i32>} : memref<16384xf32, #tpu.memory_space<vmem>>, vector<16xf32>,
        tpu.vector_store %arg24[%swap3A_238], %mul3A_237 {strides = array<i32>} : memref<16384xf32, #tpu.memory_space<vmem>>, vector<16xf32>,
        %add3A_240 = arith.addi %max3A_128, %add3A_157 : vector<16xi32>
        %add3A_241 = arith.addi %add3A_240, %mul3A_179 : vector<16xi32>
        %add3A_242 = arith.addi %add3A_241, %mul3A_211 : vector<16xi32>
        %add3A_243 = arith.constant 1024 : i32
        %add3A_244 = arith.addi %add3A_243, %mul3A_117 : i32
        %and3A_245 = arith.constant 524287 : i32
        %and3A_246 = vector.broadcast %and3A_245 : i32 to vector<16xi32>
        %and3A_247 = arith.andi %add3A_242, %and3A_246 : vector<16xi32>
        %swap3A_248 = arith.index_cast %add3A_244 : i32 to index
        %swap3A_249 = tpu.vector_load %arg20[%swap3A_248] {strides = array<i32>} : memref<16384xi32, #tpu.memory_space<vmem>>, vector<16xi32>,
        tpu.vector_store %arg20[%swap3A_248], %and3A_247 {strides = array<i32>} : memref<16384xi32, #tpu.memory_space<vmem>>, vector<16xi32>,
        %mul3A_250 = arith.mulf %mul3A_214, %sub3A_185 : vector<16xf32>
        %swap3A_251 = arith.index_cast %add3A_244 : i32 to index
        %swap3A_252 = tpu.vector_load %arg24[%swap3A_251] {strides = array<i32>} : memref<16384xf32, #tpu.memory_space<vmem>>, vector<16xf32>,
        tpu.vector_store %arg24[%swap3A_251], %mul3A_250 {strides = array<i32>} : memref<16384xf32, #tpu.memory_space<vmem>>, vector<16xf32>,
        %add3A_253 = arith.addi %add3A_132, %add3A_157 : vector<16xi32>
        %add3A_254 = arith.addi %add3A_253, %mul3A_179 : vector<16xi32>
        %add3A_255 = arith.addi %add3A_254, %mul3A_211 : vector<16xi32>
        %add3A_256 = arith.constant 1536 : i32
        %add3A_257 = arith.addi %add3A_256, %mul3A_117 : i32
        %and3A_258 = arith.constant 524287 : i32
        %and3A_259 = vector.broadcast %and3A_258 : i32 to vector<16xi32>
        %and3A_260 = arith.andi %add3A_255, %and3A_259 : vector<16xi32>
        %swap3A_261 = arith.index_cast %add3A_257 : i32 to index
        %swap3A_262 = tpu.vector_load %arg20[%swap3A_261] {strides = array<i32>} : memref<16384xi32, #tpu.memory_space<vmem>>, vector<16xi32>,
        tpu.vector_store %arg20[%swap3A_261], %and3A_260 {strides = array<i32>} : memref<16384xi32, #tpu.memory_space<vmem>>, vector<16xi32>,
        %mul3A_263 = arith.mulf %mul3A_215, %sub3A_185 : vector<16xf32>
        %swap3A_264 = arith.index_cast %add3A_257 : i32 to index
        %swap3A_265 = tpu.vector_load %arg24[%swap3A_264] {strides = array<i32>} : memref<16384xf32, #tpu.memory_space<vmem>>, vector<16xf32>,
        tpu.vector_store %arg24[%swap3A_264], %mul3A_263 {strides = array<i32>} : memref<16384xf32, #tpu.memory_space<vmem>>, vector<16xf32>,
        %add3A_266 = arith.addi %max3A_128, %mul3A_154 : vector<16xi32>
        %add3A_267 = arith.addi %add3A_266, %add3A_182 : vector<16xi32>
        %add3A_268 = arith.addi %add3A_267, %mul3A_211 : vector<16xi32>
        %add3A_269 = arith.constant 2048 : i32
        %add3A_270 = arith.addi %add3A_269, %mul3A_117 : i32
        %and3A_271 = arith.constant 524287 : i32
        %and3A_272 = vector.broadcast %and3A_271 : i32 to vector<16xi32>
        %and3A_273 = arith.andi %add3A_268, %and3A_272 : vector<16xi32>
        %swap3A_274 = arith.index_cast %add3A_270 : i32 to index
        %swap3A_275 = tpu.vector_load %arg20[%swap3A_274] {strides = array<i32>} : memref<16384xi32, #tpu.memory_space<vmem>>, vector<16xi32>,
        tpu.vector_store %arg20[%swap3A_274], %and3A_273 {strides = array<i32>} : memref<16384xi32, #tpu.memory_space<vmem>>, vector<16xi32>,
        %mul3A_276 = arith.mulf %mul3A_212, %sub3A_176 : vector<16xf32>
        %swap3A_277 = arith.index_cast %add3A_270 : i32 to index
        %swap3A_278 = tpu.vector_load %arg24[%swap3A_277] {strides = array<i32>} : memref<16384xf32, #tpu.memory_space<vmem>>, vector<16xf32>,
        tpu.vector_store %arg24[%swap3A_277], %mul3A_276 {strides = array<i32>} : memref<16384xf32, #tpu.memory_space<vmem>>, vector<16xf32>,
        %add3A_279 = arith.addi %add3A_132, %mul3A_154 : vector<16xi32>
        %add3A_280 = arith.addi %add3A_279, %add3A_182 : vector<16xi32>
        %add3A_281 = arith.addi %add3A_280, %mul3A_211 : vector<16xi32>
        %add3A_282 = arith.constant 2560 : i32
        %add3A_283 = arith.addi %add3A_282, %mul3A_117 : i32
        %and3A_284 = arith.constant 524287 : i32
        %and3A_285 = vector.broadcast %and3A_284 : i32 to vector<16xi32>
        %and3A_286 = arith.andi %add3A_281, %and3A_285 : vector<16xi32>
        %swap3A_287 = arith.index_cast %add3A_283 : i32 to index
        %swap3A_288 = tpu.vector_load %arg20[%swap3A_287] {strides = array<i32>} : memref<16384xi32, #tpu.memory_space<vmem>>, vector<16xi32>,
        tpu.vector_store %arg20[%swap3A_287], %and3A_286 {strides = array<i32>} : memref<16384xi32, #tpu.memory_space<vmem>>, vector<16xi32>,
        %mul3A_289 = arith.mulf %mul3A_213, %sub3A_176 : vector<16xf32>
        %swap3A_290 = arith.index_cast %add3A_283 : i32 to index
        %swap3A_291 = tpu.vector_load %arg24[%swap3A_290] {strides = array<i32>} : memref<16384xf32, #tpu.memory_space<vmem>>, vector<16xf32>,
        tpu.vector_store %arg24[%swap3A_290], %mul3A_289 {strides = array<i32>} : memref<16384xf32, #tpu.memory_space<vmem>>, vector<16xf32>,
        %add3A_292 = arith.addi %max3A_128, %add3A_157 : vector<16xi32>
        %add3A_293 = arith.addi %add3A_292, %add3A_182 : vector<16xi32>
        %add3A_294 = arith.addi %add3A_293, %mul3A_211 : vector<16xi32>
        %add3A_295 = arith.constant 3072 : i32
        %add3A_296 = arith.addi %add3A_295, %mul3A_117 : i32
        %and3A_297 = arith.constant 524287 : i32
        %and3A_298 = vector.broadcast %and3A_297 : i32 to vector<16xi32>
        %and3A_299 = arith.andi %add3A_294, %and3A_298 : vector<16xi32>
        %swap3A_300 = arith.index_cast %add3A_296 : i32 to index
        %swap3A_301 = tpu.vector_load %arg20[%swap3A_300] {strides = array<i32>} : memref<16384xi32, #tpu.memory_space<vmem>>, vector<16xi32>,
        tpu.vector_store %arg20[%swap3A_300], %and3A_299 {strides = array<i32>} : memref<16384xi32, #tpu.memory_space<vmem>>, vector<16xi32>,
        %mul3A_302 = arith.mulf %mul3A_214, %sub3A_176 : vector<16xf32>
        %swap3A_303 = arith.index_cast %add3A_296 : i32 to index
        %swap3A_304 = tpu.vector_load %arg24[%swap3A_303] {strides = array<i32>} : memref<16384xf32, #tpu.memory_space<vmem>>, vector<16xf32>,
        tpu.vector_store %arg24[%swap3A_303], %mul3A_302 {strides = array<i32>} : memref<16384xf32, #tpu.memory_space<vmem>>, vector<16xf32>,
        %add3A_305 = arith.addi %add3A_132, %add3A_157 : vector<16xi32>
        %add3A_306 = arith.addi %add3A_305, %add3A_182 : vector<16xi32>
        %add3A_307 = arith.addi %add3A_306, %mul3A_211 : vector<16xi32>
        %add3A_308 = arith.constant 3584 : i32
        %add3A_309 = arith.addi %add3A_308, %mul3A_117 : i32
        %and3A_310 = arith.constant 524287 : i32
        %and3A_311 = vector.broadcast %and3A_310 : i32 to vector<16xi32>
        %and3A_312 = arith.andi %add3A_307, %and3A_311 : vector<16xi32>
        %swap3A_313 = arith.index_cast %add3A_309 : i32 to index
        %swap3A_314 = tpu.vector_load %arg20[%swap3A_313] {strides = array<i32>} : memref<16384xi32, #tpu.memory_space<vmem>>, vector<16xi32>,
        tpu.vector_store %arg20[%swap3A_313], %and3A_312 {strides = array<i32>} : memref<16384xi32, #tpu.memory_space<vmem>>, vector<16xi32>,
        %mul3A_315 = arith.mulf %mul3A_215, %sub3A_176 : vector<16xf32>
        %swap3A_316 = arith.index_cast %add3A_309 : i32 to index
        %swap3A_317 = tpu.vector_load %arg24[%swap3A_316] {strides = array<i32>} : memref<16384xf32, #tpu.memory_space<vmem>>, vector<16xf32>,
        tpu.vector_store %arg24[%swap3A_316], %mul3A_315 {strides = array<i32>} : memref<16384xf32, #tpu.memory_space<vmem>>, vector<16xf32>,
      }
      %scan3A_92 = arith.constant 32 : i32
      %scan3A_93 = arith.constant 0 : i32
      %scan3A_94 = arith.constant 0 : i32
      %scan3A_95 = arith.constant 8 : i32
      %scan3A_96 = arith.addi %scan3A_94, %scan3A_95 : i32
      %scan3A_97 = arith.constant 1 : i32
      scf.for %scan3A_115 = %scan3A_94 to %scan3A_96 step %scan3A_97  : i32 {
        %mul3A_116 = arith.constant 512 : i32
        %mul3A_117 = arith.muli %scan3A_115, %mul3A_116 : i32
        %add3A_118 = arith.constant 0 : i32
        %add3A_119 = arith.addi %add3A_118, %mul3A_117 : i32
        %mul3A_120 = arith.constant 512 : i32
        %mul3A_121 = arith.muli %scan3A_115, %mul3A_120 : i32
        %add3A_122 = arith.constant 0 : i32
        %add3A_123 = arith.addi %add3A_122, %mul3A_121 : i32
        %dma_start3A = tpu.memref_slice %arg23[%add3A_123] : memref<4096xf32, #tpu.memory_space<vmem>> -> memref<512xf32, #tpu.memory_space<vmem>>
        %dma_start3A_124 = tpu.memref_slice %arg20[%add3A_119] : memref<16384xi32, #tpu.memory_space<vmem>> -> memref<512xi32, #tpu.memory_space<vmem>>
        %dma_start3A_125 = arith.constant 0 : i32
        %dma_start3A_126 = tpu.memref_slice %arg7[%dma_start3A_125] : memref<524288xf32, #tpu.memory_space<hbm>> -> memref<524288xf32, #tpu.memory_space<hbm>>
        tpu.enqueue_indirect_dma source(%dma_start3A_126 : memref<524288xf32, #tpu.memory_space<hbm>>) target(%dma_start3A : memref<512xf32, #tpu.memory_space<vmem>>) offsets(%dma_start3A_124 : memref<512xi32, #tpu.memory_space<vmem>>) semaphore(%arg28 : memref<!tpu.dma_semaphore, #tpu.memory_space<semaphore_mem>>)
      }
      %scan3A_98 = arith.constant 8 : i32
      %scan3A_99 = arith.constant 0 : i32
      %scan3A_100 = arith.constant 0 : i32
      %scan3A_101 = arith.constant 8 : i32
      %scan3A_102 = arith.addi %scan3A_100, %scan3A_101 : i32
      %scan3A_103 = arith.constant 1 : i32
      scf.for %scan3A_115 = %scan3A_100 to %scan3A_102 step %scan3A_103  : i32 {
        %mul3A_116 = arith.constant 512 : i32
        %mul3A_117 = arith.muli %scan3A_115, %mul3A_116 : i32
        %add3A_118 = arith.constant 0 : i32
        %add3A_119 = arith.addi %add3A_118, %mul3A_117 : i32
        %mul3A_120 = arith.constant 512 : i32
        %mul3A_121 = arith.muli %scan3A_115, %mul3A_120 : i32
        %add3A_122 = arith.constant 0 : i32
        %add3A_123 = arith.addi %add3A_122, %mul3A_121 : i32
        %dma_wait3A = tpu.memref_slice %arg23[%add3A_123] : memref<4096xf32, #tpu.memory_space<vmem>> -> memref<512xf32, #tpu.memory_space<vmem>>
        %dma_wait3A_124 = tpu.memref_slice %arg20[%add3A_119] : memref<16384xi32, #tpu.memory_space<vmem>> -> memref<512xi32, #tpu.memory_space<vmem>>
        %dma_wait3A_125 = arith.constant 0 : i32
        %dma_wait3A_126 = tpu.memref_slice %arg7[%dma_wait3A_125] : memref<524288xf32, #tpu.memory_space<hbm>> -> memref<524288xf32, #tpu.memory_space<hbm>>
        tpu.wait_indirect_dma semaphore(%arg28 : memref<!tpu.dma_semaphore, #tpu.memory_space<semaphore_mem>>) src(%dma_wait3A_126 : memref<524288xf32, #tpu.memory_space<hbm>>) dst(%dma_wait3A : memref<512xf32, #tpu.memory_space<vmem>>)
      }
      %scan3A_104 = arith.constant 8 : i32
      %scan3A_105 = arith.constant 0 : i32
      %scan3A_106 = arith.constant 0 : i32
      %scan3A_107 = arith.constant 32 : i32
      %scan3A_108 = arith.addi %scan3A_106, %scan3A_107 : i32
      %scan3A_109 = arith.constant 1 : i32
      scf.for %scan3A_115 = %scan3A_106 to %scan3A_108 step %scan3A_109  : i32 {
        %mul3A_116 = arith.constant 16 : i32
        %mul3A_117 = arith.muli %scan3A_115, %mul3A_116 : i32
        %broadcast_in_dim3A = arith.constant 0.000000e+00 : f32
        %broadcast_in_dim3A_118 = vector.broadcast %broadcast_in_dim3A : f32 to vector<16xf32>
        %add3A_119 = arith.constant 0 : i32
        %add3A_120 = arith.addi %add3A_119, %mul3A_117 : i32
        %get3A_121 = arith.index_cast %add3A_120 : i32 to index
        %get3A_122 = tpu.vector_load %arg24[%get3A_121] {strides = array<i32>} : memref<16384xf32, #tpu.memory_space<vmem>>, vector<16xf32>,
        %get3A_123 = arith.index_cast %add3A_120 : i32 to index
        %get3A_124 = tpu.vector_load %arg23[%get3A_123] {strides = array<i32>} : memref<4096xf32, #tpu.memory_space<vmem>>, vector<16xf32>,
        %mul3A_125 = arith.mulf %get3A_122, %get3A_124 : vector<16xf32>
        %add3A_126 = arith.addf %broadcast_in_dim3A_118, %mul3A_125 : vector<16xf32>
        %add3A_127 = arith.constant 512 : i32
        %add3A_128 = arith.addi %add3A_127, %mul3A_117 : i32
        %get3A_129 = arith.index_cast %add3A_128 : i32 to index
        %get3A_130 = tpu.vector_load %arg24[%get3A_129] {strides = array<i32>} : memref<16384xf32, #tpu.memory_space<vmem>>, vector<16xf32>,
        %get3A_131 = arith.index_cast %add3A_128 : i32 to index
        %get3A_132 = tpu.vector_load %arg23[%get3A_131] {strides = array<i32>} : memref<4096xf32, #tpu.memory_space<vmem>>, vector<16xf32>,
        %mul3A_133 = arith.mulf %get3A_130, %get3A_132 : vector<16xf32>
        %add3A_134 = arith.addf %add3A_126, %mul3A_133 : vector<16xf32>
        %add3A_135 = arith.constant 1024 : i32
        %add3A_136 = arith.addi %add3A_135, %mul3A_117 : i32
        %get3A_137 = arith.index_cast %add3A_136 : i32 to index
        %get3A_138 = tpu.vector_load %arg24[%get3A_137] {strides = array<i32>} : memref<16384xf32, #tpu.memory_space<vmem>>, vector<16xf32>,
        %get3A_139 = arith.index_cast %add3A_136 : i32 to index
        %get3A_140 = tpu.vector_load %arg23[%get3A_139] {strides = array<i32>} : memref<4096xf32, #tpu.memory_space<vmem>>, vector<16xf32>,
        %mul3A_141 = arith.mulf %get3A_138, %get3A_140 : vector<16xf32>
        %add3A_142 = arith.addf %add3A_134, %mul3A_141 : vector<16xf32>
        %add3A_143 = arith.constant 1536 : i32
        %add3A_144 = arith.addi %add3A_143, %mul3A_117 : i32
        %get3A_145 = arith.index_cast %add3A_144 : i32 to index
        %get3A_146 = tpu.vector_load %arg24[%get3A_145] {strides = array<i32>} : memref<16384xf32, #tpu.memory_space<vmem>>, vector<16xf32>,
        %get3A_147 = arith.index_cast %add3A_144 : i32 to index
        %get3A_148 = tpu.vector_load %arg23[%get3A_147] {strides = array<i32>} : memref<4096xf32, #tpu.memory_space<vmem>>, vector<16xf32>,
        %mul3A_149 = arith.mulf %get3A_146, %get3A_148 : vector<16xf32>
        %add3A_150 = arith.addf %add3A_142, %mul3A_149 : vector<16xf32>
        %add3A_151 = arith.constant 2048 : i32
        %add3A_152 = arith.addi %add3A_151, %mul3A_117 : i32
        %get3A_153 = arith.index_cast %add3A_152 : i32 to index
        %get3A_154 = tpu.vector_load %arg24[%get3A_153] {strides = array<i32>} : memref<16384xf32, #tpu.memory_space<vmem>>, vector<16xf32>,
        %get3A_155 = arith.index_cast %add3A_152 : i32 to index
        %get3A_156 = tpu.vector_load %arg23[%get3A_155] {strides = array<i32>} : memref<4096xf32, #tpu.memory_space<vmem>>, vector<16xf32>,
        %mul3A_157 = arith.mulf %get3A_154, %get3A_156 : vector<16xf32>
        %add3A_158 = arith.addf %add3A_150, %mul3A_157 : vector<16xf32>
        %add3A_159 = arith.constant 2560 : i32
        %add3A_160 = arith.addi %add3A_159, %mul3A_117 : i32
        %get3A_161 = arith.index_cast %add3A_160 : i32 to index
        %get3A_162 = tpu.vector_load %arg24[%get3A_161] {strides = array<i32>} : memref<16384xf32, #tpu.memory_space<vmem>>, vector<16xf32>,
        %get3A_163 = arith.index_cast %add3A_160 : i32 to index
        %get3A_164 = tpu.vector_load %arg23[%get3A_163] {strides = array<i32>} : memref<4096xf32, #tpu.memory_space<vmem>>, vector<16xf32>,
        %mul3A_165 = arith.mulf %get3A_162, %get3A_164 : vector<16xf32>
        %add3A_166 = arith.addf %add3A_158, %mul3A_165 : vector<16xf32>
        %add3A_167 = arith.constant 3072 : i32
        %add3A_168 = arith.addi %add3A_167, %mul3A_117 : i32
        %get3A_169 = arith.index_cast %add3A_168 : i32 to index
        %get3A_170 = tpu.vector_load %arg24[%get3A_169] {strides = array<i32>} : memref<16384xf32, #tpu.memory_space<vmem>>, vector<16xf32>,
        %get3A_171 = arith.index_cast %add3A_168 : i32 to index
        %get3A_172 = tpu.vector_load %arg23[%get3A_171] {strides = array<i32>} : memref<4096xf32, #tpu.memory_space<vmem>>, vector<16xf32>,
        %mul3A_173 = arith.mulf %get3A_170, %get3A_172 : vector<16xf32>
        %add3A_174 = arith.addf %add3A_166, %mul3A_173 : vector<16xf32>
        %add3A_175 = arith.constant 3584 : i32
        %add3A_176 = arith.addi %add3A_175, %mul3A_117 : i32
        %get3A_177 = arith.index_cast %add3A_176 : i32 to index
        %get3A_178 = tpu.vector_load %arg24[%get3A_177] {strides = array<i32>} : memref<16384xf32, #tpu.memory_space<vmem>>, vector<16xf32>,
        %get3A_179 = arith.index_cast %add3A_176 : i32 to index
        %get3A_180 = tpu.vector_load %arg23[%get3A_179] {strides = array<i32>} : memref<4096xf32, #tpu.memory_space<vmem>>, vector<16xf32>,
        %mul3A_181 = arith.mulf %get3A_178, %get3A_180 : vector<16xf32>
        %add3A_182 = arith.addf %add3A_174, %mul3A_181 : vector<16xf32>
        %swap3A = arith.index_cast %mul3A_117 : i32 to index
        %swap3A_183 = tpu.vector_load %arg27[%swap3A] {strides = array<i32>} : memref<512xf32, #tpu.memory_space<vmem>>, vector<16xf32>,
        tpu.vector_store %arg27[%swap3A], %add3A_182 {strides = array<i32>} : memref<512xf32, #tpu.memory_space<vmem>>, vector<16xf32>,
      }
      %scan3A_110 = arith.constant 32 : i32
      %mul3A_111 = arith.constant 32 : i32
      %mul3A_112 = arith.muli %add3A_14, %mul3A_111 : i32
      "tpu.region"() ({
        %run_scoped3A = tpu.sem_alloc : memref<!tpu.dma_semaphore, #tpu.memory_space<semaphore_mem>>
        %dma_start3A = tpu.memref_slice %arg12[%mul3A_112] : memref<4194304xf32, #tpu.memory_space<hbm>> -> memref<16384xf32, #tpu.memory_space<hbm>>
        %dma_start3A_115 = tpu.memref_slice %arg12[%mul3A_112] : memref<4194304xf32, #tpu.memory_space<hbm>> -> memref<16384xf32, #tpu.memory_space<hbm>>
        tpu.enqueue_dma source(%arg25 : memref<16384xf32, #tpu.memory_space<vmem>>) target(%dma_start3A_115 : memref<16384xf32, #tpu.memory_space<hbm>>) target_semaphore(%run_scoped3A : memref<!tpu.dma_semaphore, #tpu.memory_space<semaphore_mem>>)
        %dma_wait3A = tpu.memref_slice %arg12[%mul3A_112] : memref<4194304xf32, #tpu.memory_space<hbm>> -> memref<16384xf32, #tpu.memory_space<hbm>>
        %dma_wait3A_116 = tpu.memref_slice %arg12[%mul3A_112] : memref<4194304xf32, #tpu.memory_space<hbm>> -> memref<16384xf32, #tpu.memory_space<hbm>>
        tpu.wait_dma2 semaphore(%run_scoped3A : memref<!tpu.dma_semaphore, #tpu.memory_space<semaphore_mem>>) src(%arg25 : memref<16384xf32, #tpu.memory_space<vmem>>) dst(%dma_wait3A_116 : memref<16384xf32, #tpu.memory_space<hbm>>)
        tpu.yield
      }) : () -> ()
      %mul3A_113 = arith.constant 32 : i32
      %mul3A_114 = arith.muli %add3A_14, %mul3A_113 : i32
      "tpu.region"() ({
        %run_scoped3A = tpu.sem_alloc : memref<!tpu.dma_semaphore, #tpu.memory_space<semaphore_mem>>
        %dma_start3A = tpu.memref_slice %arg13[%mul3A_114] : memref<4194304xf32, #tpu.memory_space<hbm>> -> memref<16384xf32, #tpu.memory_space<hbm>>
        %dma_start3A_115 = tpu.memref_slice %arg13[%mul3A_114] : memref<4194304xf32, #tpu.memory_space<hbm>> -> memref<16384xf32, #tpu.memory_space<hbm>>
        tpu.enqueue_dma source(%arg26 : memref<16384xf32, #tpu.memory_space<vmem>>) target(%dma_start3A_115 : memref<16384xf32, #tpu.memory_space<hbm>>) target_semaphore(%run_scoped3A : memref<!tpu.dma_semaphore, #tpu.memory_space<semaphore_mem>>)
        %dma_wait3A = tpu.memref_slice %arg13[%mul3A_114] : memref<4194304xf32, #tpu.memory_space<hbm>> -> memref<16384xf32, #tpu.memory_space<hbm>>
        %dma_wait3A_116 = tpu.memref_slice %arg13[%mul3A_114] : memref<4194304xf32, #tpu.memory_space<hbm>> -> memref<16384xf32, #tpu.memory_space<hbm>>
        tpu.wait_dma2 semaphore(%run_scoped3A : memref<!tpu.dma_semaphore, #tpu.memory_space<semaphore_mem>>) src(%arg26 : memref<16384xf32, #tpu.memory_space<vmem>>) dst(%dma_wait3A_116 : memref<16384xf32, #tpu.memory_space<hbm>>)
        tpu.yield
      }) : () -> ()
      "tpu.region"() ({
        %run_scoped3A = tpu.sem_alloc : memref<!tpu.dma_semaphore, #tpu.memory_space<semaphore_mem>>
        %dma_start3A = tpu.memref_slice %arg14[%add3A_14] : memref<131072xf32, #tpu.memory_space<hbm>> -> memref<512xf32, #tpu.memory_space<hbm>>
        %dma_start3A_115 = tpu.memref_slice %arg14[%add3A_14] : memref<131072xf32, #tpu.memory_space<hbm>> -> memref<512xf32, #tpu.memory_space<hbm>>
        tpu.enqueue_dma source(%arg27 : memref<512xf32, #tpu.memory_space<vmem>>) target(%dma_start3A_115 : memref<512xf32, #tpu.memory_space<hbm>>) target_semaphore(%run_scoped3A : memref<!tpu.dma_semaphore, #tpu.memory_space<semaphore_mem>>)
        %dma_wait3A = tpu.memref_slice %arg14[%add3A_14] : memref<131072xf32, #tpu.memory_space<hbm>> -> memref<512xf32, #tpu.memory_space<hbm>>
        %dma_wait3A_116 = tpu.memref_slice %arg14[%add3A_14] : memref<131072xf32, #tpu.memory_space<hbm>> -> memref<512xf32, #tpu.memory_space<hbm>>
        tpu.wait_dma2 semaphore(%run_scoped3A : memref<!tpu.dma_semaphore, #tpu.memory_space<semaphore_mem>>) src(%arg27 : memref<512xf32, #tpu.memory_space<vmem>>) dst(%dma_wait3A_116 : memref<512xf32, #tpu.memory_space<hbm>>)
        tpu.yield
      }) : () -> ()
    }
    %scan3A_8 = arith.constant 8 : i32
    return
  }
}

module attributes {stable_mosaic.version = 14 : i64} {
  func.func @_tc_body(%arg0: i32, %arg1: memref<2048x32xf32, #tpu.memory_space<vmem>>, %arg2: memref<2048x32xf32, #tpu.memory_space<vmem>>, %arg3: memref<2048x1xf32, #tpu.memory_space<vmem>>, %arg4: memref<32x16xf32, #tpu.memory_space<vmem>>, %arg5: memref<1x16xf32, #tpu.memory_space<vmem>>, %arg6: memref<32x16xf32, #tpu.memory_space<vmem>>, %arg7: memref<1x16xf32, #tpu.memory_space<vmem>>, %arg8: memref<2048x16xf32, #tpu.memory_space<vmem>>, %arg9: memref<2048x16xf32, #tpu.memory_space<vmem>>) attributes {dimension_semantics = [#tpu.dimension_semantics<arbitrary>], iteration_bounds = array<i64: 64>, scalar_prefetch = 0 : i64, scratch_operands = 0 : i64, tpu.core_type = #tpu.core_type<tc>, window_params = [{transform_indices = @transform_0, window_bounds = array<i64: 2048, 32>}, {transform_indices = @transform_1, window_bounds = array<i64: 2048, 32>}, {transform_indices = @transform_2, window_bounds = array<i64: 2048, 1>}, {pipeline_mode = #tpu.pipeline_mode<synchronous>, transform_indices = @transform_3, window_bounds = array<i64: 32, 16>}, {pipeline_mode = #tpu.pipeline_mode<synchronous>, transform_indices = @transform_4, window_bounds = array<i64: 1, 16>}, {pipeline_mode = #tpu.pipeline_mode<synchronous>, transform_indices = @transform_5, window_bounds = array<i64: 32, 16>}, {pipeline_mode = #tpu.pipeline_mode<synchronous>, transform_indices = @transform_6, window_bounds = array<i64: 1, 16>}, {transform_indices = @transform_7, window_bounds = array<i64: 2048, 16>}, {transform_indices = @transform_8, window_bounds = array<i64: 2048, 16>}]} {
    %get3A = arith.constant 0 : index
    %get3A_0 = arith.constant 0 : index
    %get3A_1 = vector.load %arg1[%get3A, %get3A_0] : memref<2048x32xf32, #tpu.memory_space<vmem>>, vector<2048x32xf32>
    %get3A_2 = arith.constant 0 : index
    %get3A_3 = arith.constant 0 : index
    %get3A_4 = vector.load %arg4[%get3A_2, %get3A_3] : memref<32x16xf32, #tpu.memory_space<vmem>>, vector<32x16xf32>
    %dot_general3A = arith.constant dense<0.000000e+00> : vector<2048x16xf32>
    %dot_general3A_5 = tpu.matmul %get3A_1, %get3A_4, %dot_general3A {dimension_numbers = #tpu.dot_dimension_numbers<[1], [0], [0], [1], [0, 0, 1, 1], [], []>, precision = #tpu.contract_precision<fp32>, transpose_lhs_hint = false} : vector<2048x32xf32>, vector<32x16xf32>, vector<2048x16xf32> -> vector<2048x16xf32>
    %get3A_6 = arith.constant 0 : index
    %get3A_7 = arith.constant 0 : index
    %get3A_8 = vector.load %arg5[%get3A_6, %get3A_7] : memref<1x16xf32, #tpu.memory_space<vmem>>, vector<1x16xf32>
    %add3A = vector.broadcast %get3A_8 : vector<1x16xf32> to vector<2048x16xf32>
    %add3A_9 = arith.addf %dot_general3A_5, %add3A : vector<2048x16xf32>
    %get3A_10 = arith.constant 0 : index
    %get3A_11 = arith.constant 0 : index
    %get3A_12 = vector.load %arg2[%get3A_10, %get3A_11] : memref<2048x32xf32, #tpu.memory_space<vmem>>, vector<2048x32xf32>
    %get3A_13 = arith.constant 0 : index
    %get3A_14 = arith.constant 0 : index
    %get3A_15 = vector.load %arg6[%get3A_13, %get3A_14] : memref<32x16xf32, #tpu.memory_space<vmem>>, vector<32x16xf32>
    %dot_general3A_16 = arith.constant dense<0.000000e+00> : vector<2048x16xf32>
    %dot_general3A_17 = tpu.matmul %get3A_12, %get3A_15, %dot_general3A_16 {dimension_numbers = #tpu.dot_dimension_numbers<[1], [0], [0], [1], [0, 0, 1, 1], [], []>, precision = #tpu.contract_precision<fp32>, transpose_lhs_hint = false} : vector<2048x32xf32>, vector<32x16xf32>, vector<2048x16xf32> -> vector<2048x16xf32>
    %get3A_18 = arith.constant 0 : index
    %get3A_19 = arith.constant 0 : index
    %get3A_20 = vector.load %arg7[%get3A_18, %get3A_19] : memref<1x16xf32, #tpu.memory_space<vmem>>, vector<1x16xf32>
    %add3A_21 = vector.broadcast %get3A_20 : vector<1x16xf32> to vector<2048x16xf32>
    %add3A_22 = arith.addf %dot_general3A_17, %add3A_21 : vector<2048x16xf32>
    %get3A_23 = arith.constant 0 : index
    %get3A_24 = arith.constant 0 : index
    %get3A_25 = vector.load %arg3[%get3A_23, %get3A_24] : memref<2048x1xf32, #tpu.memory_space<vmem>>, vector<2048x1xf32>
    %logistic3A = arith.negf %get3A_25 : vector<2048x1xf32>
    %logistic3A_26 = math.exp %logistic3A : vector<2048x1xf32>
    %logistic3A_27 = arith.constant 1.000000e+00 : f32
    %logistic3A_28 = vector.broadcast %logistic3A_27 : f32 to vector<2048x1xf32>
    %logistic3A_29 = arith.addf %logistic3A_28, %logistic3A_26 : vector<2048x1xf32>
    %logistic3A_30 = arith.divf %logistic3A_28, %logistic3A_29 : vector<2048x1xf32>
    %mul3A = vector.broadcast %logistic3A_30 : vector<2048x1xf32> to vector<2048x16xf32>
    %mul3A_31 = arith.mulf %add3A_9, %mul3A : vector<2048x16xf32>
    %sub3A = arith.constant 1.000000e+00 : f32
    %sub3A_32 = vector.broadcast %sub3A : f32 to vector<2048x1xf32>
    %sub3A_33 = arith.subf %sub3A_32, %logistic3A_30 : vector<2048x1xf32>
    %mul3A_34 = vector.broadcast %sub3A_33 : vector<2048x1xf32> to vector<2048x16xf32>
    %mul3A_35 = arith.mulf %mul3A_34, %add3A_22 : vector<2048x16xf32>
    %add3A_36 = arith.addf %mul3A_31, %mul3A_35 : vector<2048x16xf32>
    %swap3A = arith.constant 0 : index
    %swap3A_37 = arith.constant 0 : index
    %swap3A_38 = vector.load %arg8[%swap3A, %swap3A_37] : memref<2048x16xf32, #tpu.memory_space<vmem>>, vector<2048x16xf32>
    tpu.vector_store %arg8[%swap3A, %swap3A_37], %add3A_36 {strides = array<i32>} : memref<2048x16xf32, #tpu.memory_space<vmem>>, vector<2048x16xf32>,
    %swap3A_39 = arith.constant 0 : index
    %swap3A_40 = arith.constant 0 : index
    %swap3A_41 = vector.load %arg9[%swap3A_39, %swap3A_40] : memref<2048x16xf32, #tpu.memory_space<vmem>>, vector<2048x16xf32>
    tpu.vector_store %arg9[%swap3A_39, %swap3A_40], %add3A_9 {strides = array<i32>} : memref<2048x16xf32, #tpu.memory_space<vmem>>, vector<2048x16xf32>,
    return
  }
  func.func @transform_0(%arg0: i32) -> (i32, i32) {
    %c0_i32 = arith.constant 0 : i32
    %c0_i32_0 = arith.constant 0 : i32
    return %arg0, %c0_i32 : i32, i32
  }
  func.func @transform_1(%arg0: i32) -> (i32, i32) {
    %c0_i32 = arith.constant 0 : i32
    %c0_i32_0 = arith.constant 0 : i32
    return %arg0, %c0_i32 : i32, i32
  }
  func.func @transform_2(%arg0: i32) -> (i32, i32) {
    %c0_i32 = arith.constant 0 : i32
    %c0_i32_0 = arith.constant 0 : i32
    return %arg0, %c0_i32 : i32, i32
  }
  func.func @transform_3(%arg0: i32) -> (i32, i32) {
    %c0_i32 = arith.constant 0 : i32
    %c0_i32_0 = arith.constant 0 : i32
    %c0_i32_1 = arith.constant 0 : i32
    return %c0_i32, %c0_i32_0 : i32, i32
  }
  func.func @transform_4(%arg0: i32) -> (i32, i32) {
    %c0_i32 = arith.constant 0 : i32
    %c0_i32_0 = arith.constant 0 : i32
    %c0_i32_1 = arith.constant 0 : i32
    return %c0_i32, %c0_i32_0 : i32, i32
  }
  func.func @transform_5(%arg0: i32) -> (i32, i32) {
    %c0_i32 = arith.constant 0 : i32
    %c0_i32_0 = arith.constant 0 : i32
    %c0_i32_1 = arith.constant 0 : i32
    return %c0_i32, %c0_i32_0 : i32, i32
  }
  func.func @transform_6(%arg0: i32) -> (i32, i32) {
    %c0_i32 = arith.constant 0 : i32
    %c0_i32_0 = arith.constant 0 : i32
    %c0_i32_1 = arith.constant 0 : i32
    return %c0_i32, %c0_i32_0 : i32, i32
  }
  func.func @transform_7(%arg0: i32) -> (i32, i32) {
    %c0_i32 = arith.constant 0 : i32
    %c0_i32_0 = arith.constant 0 : i32
    return %arg0, %c0_i32 : i32, i32
  }
  func.func @transform_8(%arg0: i32) -> (i32, i32) {
    %c0_i32 = arith.constant 0 : i32
    %c0_i32_0 = arith.constant 0 : i32
    return %arg0, %c0_i32 : i32, i32
  }
}

</mosaic_0001>

<sc_bundles>
// kernel: _impl.4.cloned.1.call-start
scs
__scs_entry_jumppad:
0x0: {  	(pc) =	sbr.rel $0x88, $3  }
0x1: {  	(tag) =	ssettag $0x0;
	lr =	simm.s32 $0x1  }
0x2: {  	[smem:$0x3F99] =	sst lr;
	_ =	strace $0xD0000000  }
0x3: {  	_ = 	snop  }
0x4: {  	_ = 	snop  }
0x5: {  	_ = 	snop  }
0x6: {  	_ = 	snop  }
0x7: {  	_ = 	snop  }
__scs_overlays_trampoline_lowered:
0x8: {  	[smem:$0x3FA8] =	sst s0  }
0x9: {  	[smem:$0x3FA9] =	sst s1  }
0xa: {  	[smem:$0x3FAA] =	sst s2  }
0xb: {  	[smem:$0x3FAB] =	sst s3  }
0xc: {  	[smem:$0x3FAC] =	sst s4  }
0xd: {  	[smem:$0x3FAD] =	sst s5  }
0xe: {  	[smem:$0x3FAE] =	sst s6  }
0xf: {  	[smem:$0x3FAF] =	sst s7  }
0x10: {  	[smem:$0x3FB0] =	sst s8  }
0x11: {  	[smem:$0x3FB1] =	sst s9;
	s0 =	simm.s32 @!p0 $0x0  }
0x12: {  	s1 =	sld [smem:$0x3F97];
	s0 =	simm.s32 @p0 $0x1  }
0x13: {  	[smem:$0x3FB2] =	sst s0;
	s0 =	simm.s32 @!p1 $0x0  }
0x14: {  	s2 =	sld [smem:$0x3F96];
	s0 =	simm.s32 @p1 $0x1  }
0x15: {  	[smem:$0x3FB3] =	sst s0;
	s0 =	simm.s32 @!p2 $0x0  }
0x16: {  	s3 =	sld [smem:$0x3FDB];
	s0 =	simm.s32 @p2 $0x1  }
0x17: {  	s4 =	simm.s32 $0x1BF5;
	[smem:$0x3FB5] =	sst s0  }
0x18: {  	s0 =	sld [smem:$0x3F98];
	_ =	swait.ge [sflag:s4], $0x0  }
0x19: {  	s7 =	sld [smem:$0x3F99]  }
0x1a: {  	s8 =	sadd.s32 $0xFFFFE003, lr  }
0x1b: {  	s9 =	sadd.s32 $0xFFFFFEF7, lr;
	s5 =	simm.s32 $0xFFFFFFFF;
	p2 =	slt.u32 s8, $0xFFFFF086  }
0x1c: {  	p1 =	slt.u32 s9, $0xF7A;
	s5 =	simm.s32 @!p2 $0x0  }
0x1d: {  	s5 =	simm.s32 @p1 $0x1;
	p0 =	seq.s32 s7, s2  }
0x1e: {  	s7 =	smul.u32 @!p0 $0xF7A, s2;
	p2 =	seq.s32 @!p0 s5, $0x0  }
0x1f: {  	s9 =	smul.u32 $0xF7A, s1;
	s8 =	simm.s32 @!p0 $0x1BF5;
	p2 =	por !p2, p0  }
0x20: {  	[sflag:s8] =	ssyncset.s32 @!p0 $0xFFFFF086;
	s6 =	sadd.s32 @!p0 s3, s7;
	s7 =	simm.s32 @!p0 $0x108  }
0x21: {  	s3 =	sadd.s32 s3, s9;
	s6 =	sadd.s32 @!p0 $0x88, s6;
	s7 =	simm.s32 @p2 $0x1082  }
0x22: {  	[simem:s7], [sflag:s8] =	dma.local @!p0 [hbm:s6], $0xF7A  }
0x23: {  	s9 =	sor.u32 $0xD0000000, s2;
	s6 =	simm.s32 $0x108;
	_ =	swait.ge @!p0 [sflag:s8], $0x0  }
0x24: {  	s3 =	sadd.s32 $0x88, s3;
	s6 =	simm.s32 @!p1 $0x1082;
	[sflag:s4] =	ssyncset.s32 $0xFFFFF086  }
0x25: {  	[simem:s6], [sflag:s4] =	dma.local [hbm:s3], $0xF7A  }
0x26: {  	[smem:$0x3F99] =	sst s1;
	(tag) =	ssettag s2;
	_ =	strace s9  }
0x27: {  	s1 =	sld [smem:$0x3FA9]  }
0x28: {  	s2 =	sld [smem:$0x3FAA]  }
0x29: {  	s4 =	sld [smem:$0x3FAC]  }
0x2a: {  	p0 =	seq.s32 s5, $0x0;
	s5 =	sld [smem:$0x3FAD]  }
0x2b: {  	s6 =	sld [smem:$0x3FAE]  }
0x2c: {  	s7 =	sld [smem:$0x3FAF]  }
0x2d: {  	s3 =	simm.s32 $0x108;
	s8 =	sld [smem:$0x3FB0]  }
0x2e: {  	s3 =	simm.s32 @!p0 $0x1082;
	s9 =	sld [smem:$0x3FB1]  }
0x2f: {  	lr =	sadd.s32 s0, s3;
	s0 =	sld [smem:$0x3FA8]  }
0x30: {  	s3 =	sld [smem:$0x3FAB]  }
0x31: {  	[smem:$0x3FB4] =	sst s10  }
0x32: {  	s10 =	sld [smem:$0x3FB2];
	_ =	sdelay $0x3  }
0x33: {  	p0 =	seq.s32 s10, $0x1;
	s10 =	sld [smem:$0x3FB4];
	_ =	sdelay $0x3  }
0x34: {  	[smem:$0x3FB4] =	sst s10  }
0x35: {  	s10 =	sld [smem:$0x3FB3];
	_ =	sdelay $0x3  }
0x36: {  	p1 =	seq.s32 s10, $0x1;
	s10 =	sld [smem:$0x3FB4];
	_ =	sdelay $0x3  }
0x37: {  	[smem:$0x3FB4] =	sst s10  }
0x38: {  	s10 =	sld [smem:$0x3FB5]  }
0x39: {  	_ = 	snop;
	(pc) =	sbr.ind lr, $3  }
0x3a: {  	_ = 	snop  }
0x3b: {  	_ = 	snop  }
0x3c: {  	p2 =	seq.s32 s10, $0x1;
	s10 =	sld [smem:$0x3FB4]  }
0x3d: {  	_ =	shalt  }
0x3e: {  	_ =	shalt  }
0x3f: {  	_ =	shalt  }
0x40: {  	_ =	shalt  }
0x41: {  	_ =	shalt  }
0x42: {  	_ =	shalt  }
0x43: {  	_ =	shalt  }
0x44: {  	_ =	shalt  }
0x45: {  	_ =	shalt  }
0x46: {  	_ =	shalt  }
0x47: {  	_ =	shalt  }
0x48: {  	_ =	shalt  }
0x49: {  	_ =	shalt  }
0x4a: {  	_ =	shalt  }
0x4b: {  	_ =	shalt  }
0x4c: {  	_ =	shalt  }
0x4d: {  	_ =	shalt  }
0x4e: {  	_ =	shalt  }
0x4f: {  	_ =	shalt  }
0x50: {  	_ =	shalt  }
0x51: {  	_ =	shalt  }
0x52: {  	_ =	shalt  }
0x53: {  	_ =	shalt  }
0x54: {  	_ =	shalt  }
0x55: {  	_ =	shalt  }
0x56: {  	_ =	shalt  }
0x57: {  	_ =	shalt  }
0x58: {  	_ =	shalt  }
0x59: {  	_ =	shalt  }
0x5a: {  	_ =	shalt  }
0x5b: {  	_ =	shalt  }
0x5c: {  	_ =	shalt  }
0x5d: {  	_ =	shalt  }
0x5e: {  	_ =	shalt  }
0x5f: {  	_ =	shalt  }
0x60: {  	_ =	shalt  }
0x61: {  	_ =	shalt  }
0x62: {  	_ =	shalt  }
0x63: {  	_ =	shalt  }
0x64: {  	_ =	shalt  }
0x65: {  	_ =	shalt  }
0x66: {  	_ =	shalt  }
0x67: {  	_ =	shalt  }
0x68: {  	_ =	shalt  }
0x69: {  	_ =	shalt  }
0x6a: {  	_ =	shalt  }
0x6b: {  	_ =	shalt  }
0x6c: {  	_ =	shalt  }
0x6d: {  	_ =	shalt  }
0x6e: {  	_ =	shalt  }
0x6f: {  	_ =	shalt  }
0x70: {  	_ =	shalt  }
0x71: {  	_ =	shalt  }
0x72: {  	_ =	shalt  }
0x73: {  	_ =	shalt  }
0x74: {  	_ =	shalt  }
0x75: {  	_ =	shalt  }
0x76: {  	_ =	shalt  }
0x77: {  	_ =	shalt  }
0x78: {  	_ =	shalt  }
0x79: {  	_ =	shalt  }
0x7a: {  	_ =	shalt  }
0x7b: {  	_ =	shalt  }
0x7c: {  	_ =	shalt  }
0x7d: {  	_ =	shalt  }
0x7e: {  	_ =	shalt  }
0x7f: {  	_ =	shalt  }
0x80: {  	_ =	shalt  }
0x81: {  	_ =	shalt  }
0x82: {  	_ =	shalt  }
0x83: {  	_ =	shalt  }
0x84: {  	_ =	shalt  }
0x85: {  	_ =	shalt  }
0x86: {  	_ =	shalt  }
0x87: {  	_ =	shalt  }
.Lfunc_end0:
.L_simem_size_0:
called_computation_lowered:
.L_overlay_start_0:
0x88: {  	s2 =	sld [smem:$0x3FD9]  }
0x89: {  	s3 =	sld [smem:$0x3FFE];
	_ =	sdelay $0x1  }
0x8a: {  	s1 =	srdreg.scid  }
0x8b: {  	s0 =	sand.u32 $0x1, s1  }
0x8c: {  	s14 =	sshll.u32 s0, $0xA;
	s2 =	sadd.s32 s3, s2  }
0x8d: {  	s2 =	sadd.s32 s2, s14  }
0x8e: {  	[smem:$0x3FC0] =	sst s2  }
0x8f: {  	_ = 	snop  }
0x90: {  	s2 =	sld [smem:$0x3FD0];
	_ =	sdelay $0x2  }
0x91: {  	s4 =	simm.s32 $0xA;
	s5 =	simm.s32 $0x10;
	s15 =	sld [smem:$0x3FC6]  }
0x92: {  	[smem:s5], [sflag:s4] =	dma.local [hbm:s2], $0x1  }
0x93: {  	_ =	swait.eq [sflag:s4], $0x1  }
0x94: {  	[sflag:s4] =	ssyncset.done $0x0  }
0x95: {  	s16 =	sld [smem:$0x10];
	[sflag:s4] =	ssyncadd.s32 $0xFFFFFFFF  }
0x96: {  	s17 =	sld [smem:$0x11];
	(tm) =	ssettm $0x1  }
0x97: {  	s18 =	sld [smem:$0x3FFB];
	_ =	sdelay $0x3  }
0x98: {  	_ =	strace s18  }
0x99: {  	s5 =	sld [smem:$0x3FFC];
	_ =	sdelay $0x3  }
0x9a: {  	_ =	strace s5  }
0x9b: {  	s5 =	sld [smem:$0x3FFD];
	_ =	sdelay $0x3  }
0x9c: {  	_ =	strace s5  }
0x9d: {  	_ =	strace $0x8FFFFFFF  }
0x9e: {  	s19 =	sld [smem:$0x3FDB];
	_ =	sdelay $0x1  }
0x9f: {  	s6 =	simm.s32 $_scs_section_size  }
0xa0: {  	s7 =	simm.s32 $_size__tile_overlayer_lowered;
	s8 =	simm.s32 $_tile_overlayer_lowered  }
0xa1: {  	s22 =	simm.s32 $0x1BFF;
	s21 =	sshll.u32 s8, $0x1;
	s5 =	sadd.s32 s6, s19  }
0xa2: {  	s9 =	simm.s32 $0x0;
	s20 =	sshll.u32 s7, $0x1;
	s7 =	sadd.s32 s21, s5  }
0xa3: {  	[timem:s9], [sflag:s22] =	dma.local [hbm:s7], s20  }
0xa4: {  	_ =	swait.ge [sflag:s22], s20  }
0xa5: {  	s6 =	ssub.s32 $0x0, s20;
	[sflag:s22] =	ssyncset.done $0x0  }
0xa6: {  	[sflag:s22] =	ssyncadd.s32 s6;
	_ =	sdelay $0x1  }
0xa7: {  	s23 =	simm.s32 $0x1B8B  }
0xa8: {  	_ =	swait.ge [sflag:s23], $0x1  }
0xa9: {  	[sflag:s23] =	ssyncset.done $0x0  }
0xaa: {  	s25 =	simm.s32 $0x1B8E;
	s24 =	sld [smem:$0x3FFE];
	[sflag:s23] =	ssyncadd.s32 $0xFFFFFFFF  }
0xab: {  	s26 =	simm.s32 $execute0_lowered;
	[smem:$0x3FD2] =	sst s25  }
0xac: {  	s7 =	sshll.u32 s26, $0x1;
	_ =	strace $0x80000046;
	[dreg:$0x1] =	wrdreg $0xFFFFFFFF  }
0xad: {  	s28 =	simm.s32 $_size_execute0_lowered;
	s5 =	sadd.s32 s5, s7;
	[dreg:$0x0] =	wrdreg $0x0  }
0xae: {  	s7 =	sshll.u32 s28, $0x1;
	[dreg:$0x2] =	wrdreg s5  }
0xaf: {  	[dreg:$0x3] =	wrdreg s7  }
0xb0: {  	[dreg:$0x4] =	wrdreg $0xC0  }
0xb1: {  	_ =	task [dreg:s9], $0x5FFFF  }
0xb2: {  	[dreg:$0x1] =	wrdreg $0xFFFFFFFF  }
0xb3: {  	[dreg:$0x0] =	wrdreg $0x60  }
0xb4: {  	[dreg:$0x2] =	wrdreg s17  }
0xb5: {  	[dreg:$0x3] =	wrdreg s24  }
0xb6: {  	[dreg:$0x4] =	wrdreg s15  }
0xb7: {  	[dreg:$0x5] =	wrdreg s16  }
0xb8: {  	[dreg:$0x6] =	wrdreg $0x9  }
0xb9: {  	_ =	task.clear_ibuf [dreg:s9], $0x7FFFF;
	_ =	strace $0x90000046  }
0xba: {  	s29 =	simm.s32 $0x9;
	_ =	strace $0x80000048  }
0xbb: {  	_ =	swait.ge [sflag:s29], $0x1  }
0xbc: {  	[sflag:s29] =	ssyncadd.s32 $0xFFFFFFFF  }
0xbd: {  	_ =	strace $0x90000048  }
0xbe: {  	_ =	sfence  }
0xbf: {  	s30 =	sld [smem:$0x0];
	_ =	sdelay $0x2  }
0xc0: {  	s31 =	sshll.u32 s1, $0xD;
	s1 =	sshrl.u32 s1, $0x2  }
0xc1: {  	s3 =	sand.u32 $0x4000, s31;
	s1 =	sadd.s32 s1, s30  }
0xc2: {  	s0 =	sor.u32 s3, s0;
	s1 =	sshll.u32 s1, $0x11  }
0xc3: {  	s0 =	sor.u32 s1, s0  }
0xc4: {  	s0 =	sadd.s32 $0x8F2B, s0  }
0xc5: {  	[sflag:s0] =	ssyncadd.remote.s32 $0x1  }
0xc6: {  	_ =	sfence.sel $0xFFFF  }
0xc7: {  	[dreg:$0x0] =	wrdreg $0xFFFFFFFF;
	(pc) =	sbr.abs _section_cstart, $3  }
0xc8: {  	[dreg:$0x1] =	wrdreg $0xFFFFFFFF  }
0xc9: {  	_ =	task.clear_ibuf [dreg:s9], $0x2FFFF;
	_ =	strace $0x9FFFFFFF  }
0xca: {  	(tm) =	ssettm $0x7FFFFFFF  }
0xcb: {  	_ =	shalt  }
tec
execute0_lowered:
.L_overlay_start_1:
0x0: {  	(tag) =	ssettag $0x1  }
0x1: {  	s4 =	rddreg [dreg:$0x0]  }
0x2: {  	s0 =	rddreg [dreg:$0x1]  }
0x3: {  	s2 =	rddreg [dreg:$0x2]  }
0x4: {  	s1 =	simm.s32 $0x0;
	s20 =	srdreg.scid;
	s9 =	stileid.u32  }
0x5: {  	s29 =	simm.s32 $0x1400;
	s10 =	simm.s32 $0x1A00;
	s16 =	simm.s32 $0x2200  }
0x6: {  	s30 =	simm.s32 $0x1;
	s31 =	simm.s32 $0x12400;
	s28 =	simm.s32 $0x16400  }
0x7: {  	[smem:$0x7FF] =	sst s1;
	s5 =	sadd.s32 $0x102000, s0;
	s18 =	sadd.s32 $0x402400, s0  }
0x8: {  	s19 =	sadd.s32 $0x402200, s0;
	_ =	strace $0x80000047;
	[dreg:$0x5] =	wrdreg s18  }
0x9: {  	s6 =	sadd.s32 $0x2000, s0;
	s3 =	sadd.s32 $0x402000, s0;
	[dreg:$0x6] =	wrdreg s19  }
0xa: {  	s7 =	sadd.s32 $0x302000, s0;
	s21 =	sadd.s32 $0x402600, s0;
	[dreg:$0x7] =	wrdreg s3  }
0xb: {  	s8 =	sadd.s32 $0x202000, s0;
	s0 =	sadd.s32 $0x482600, s0;
	[dreg:$0x8] =	wrdreg s21  }
0xc: {  	s1 =	sand.u32 $0x1, s20;
	s24 =	sadd.s32 $0x4000, s4;
	[dreg:$0x9] =	wrdreg s0  }
0xd: {  	s9 =	sshll.u32 s9, $0xD;
	s25 =	sadd.s32 $0x8000, s4;
	[dreg:$0xb] =	wrdreg s24  }
0xe: {  	s26 =	sadd.s32 $0xC000, s4;
	s22 =	ssub.s32 $0x2, s1;
	[dreg:$0xc] =	wrdreg s25  }
0xf: {  	s1 =	sshll.u32 s1, $0xC;
	[dreg:$0xd] =	wrdreg s26;
	s21 =	simm.s32 $0x2  }
0x10: {  	v0 =	vlaneseq.u32;
	s25 =	simm.s32 $0x200;
	s26 =	simm.s32 $0x1E00;
	s23 =	sshrl.u32 s22, $0x1  }
0x11: {  	v0 =	vmul.u32 $0x20, v0;
	s3 =	simm.s32 $0x0;
	s1 =	sor.u32 s1, s9;
	s0 =	ssub.s32 s22, s23  }
0x12: {  	s9 =	simm.s32 $0x1C00;
	[dreg:$0xa] =	wrdreg s1;
	s0 =	smax.u32 s0, $0x1  }
0x13: {  	v1 =	vor.u32 $0x1, v0;
	s22 =	simm.s32 $0x1800;
	[dreg:$0xe] =	wrdreg s0;
	s0 =	simm.s32 $0x1600  }
.LBB2_1:
0x14: {  	[dreg:$0xf] =	wrdreg s3  }
0x15: {  	s1 =	simm.s32 $0x0;
	s18 =	rddreg [dreg:$0x5];
	s4 =	simm.s32 $0x800  }
0x16: {  	[tilespmem:s4], [sflag:$0x2] =	stream.linear.gather [hbm4b:s18+s1], $0x100, $0x38;
	[tilespmem:$0x1A600] =	vst v63  }
0x17: {  	_ =	swait.ge [sflag:s21], $0x100  }
0x18: {  	[sflag:s21] =	ssyncset.done $0x0  }
0x19: {  	s11 =	simm.s32 $0x900;
	s19 =	rddreg [dreg:$0x6];
	[sflag:s21] =	ssyncadd.s32 $0xFFFFFF00  }
0x1a: {  	[tilespmem:s11], [sflag:$0x2] =	stream.linear.gather [hbm4b:s19+s1], $0x500, $0x38;
	[tilespmem:$0x1A600] =	vst v63  }
0x1b: {  	_ =	swait.ge [sflag:s21], $0x500  }
0x1c: {  	[sflag:s21] =	ssyncset.done $0x0  }
0x1d: {  	s20 =	simm.s32 $0xE00;
	[sflag:s21] =	ssyncadd.s32 $0xFFFFFB00  }
0x1e: {  	[tilespmem:s20], [sflag:$0x2] =	stream.linear.gather [hbm4b:s18+s1], $0x100, $0x38;
	[tilespmem:$0x1A600] =	vst v63  }
0x1f: {  	_ =	swait.ge [sflag:s21], $0x100  }
0x20: {  	[sflag:s21] =	ssyncset.done $0x0  }
0x21: {  	s24 =	simm.s32 $0xF00;
	s23 =	rddreg [dreg:$0x7];
	[sflag:s21] =	ssyncadd.s32 $0xFFFFFF00  }
0x22: {  	[tilespmem:s24], [sflag:$0x2] =	stream.linear.gather [hbm4b:s23+s1], $0x500, $0x38;
	[tilespmem:$0x1A600] =	vst v63  }
0x23: {  	_ =	swait.ge [sflag:s21], $0x500  }
0x24: {  	[sflag:s21] =	ssyncset.done $0x0  }
0x25: {  	s13 =	simm.s32 $0x0;
	[sflag:s21] =	ssyncadd.s32 $0xFFFFFB00  }
.LBB2_2:
0x26: {  	s3 =	sshll.u32 s13, $0x9;
	s1 =	rddreg [dreg:$0xa]  }
0x27: {  	s15 =	sadd.s32 s1, s3  }
0x28: {  	s24 =	rddreg [dreg:$0x0];
	s14 =	sshrl.u32 s15, $0x3  }
0x29: {  	s11 =	simm.s32 $0x0;
	s1 =	sadd.s32 s24, s14  }
0x2a: {  	[tilespmem:s11], [sflag:$0x2] =	stream.linear.gather [hbm4b:s1+s11], $0x200, $0x38;
	[tilespmem:$0x1A600] =	vst v63  }
0x2b: {  	_ =	swait.ge [sflag:s21], $0x200  }
0x2c: {  	[sflag:s21] =	ssyncset.done $0x0;
	s4 =	rddreg [dreg:$0xb]  }
0x2d: {  	[sflag:s21] =	ssyncadd.s32 $0xFFFFFE00;
	s12 =	sadd.s32 s14, s4  }
0x2e: {  	[tilespmem:s25], [sflag:$0x2] =	stream.linear.gather [hbm4b:s12+s11], $0x200, $0x38;
	[tilespmem:$0x1A600] =	vst v63  }
0x2f: {  	_ =	swait.ge [sflag:s21], $0x200  }
0x30: {  	[sflag:s21] =	ssyncset.done $0x0;
	s17 =	rddreg [dreg:$0xc]  }
0x31: {  	s19 =	simm.s32 $0x400;
	[sflag:s21] =	ssyncadd.s32 $0xFFFFFE00;
	s18 =	sadd.s32 s14, s17  }
0x32: {  	[tilespmem:s19], [sflag:$0x2] =	stream.linear.gather [hbm4b:s18+s11], $0x200, $0x38;
	[tilespmem:$0x1A600] =	vst v63  }
0x33: {  	_ =	swait.ge [sflag:s21], $0x200  }
0x34: {  	[sflag:s21] =	ssyncset.done $0x0;
	s20 =	rddreg [dreg:$0xd]  }
0x35: {  	s24 =	simm.s32 $0x600;
	[sflag:s21] =	ssyncadd.s32 $0xFFFFFE00;
	s23 =	sadd.s32 s14, s20  }
0x36: {  	[tilespmem:s24], [sflag:$0x2] =	stream.linear.gather [hbm4b:s23+s11], $0x200, $0x38;
	[tilespmem:$0x1A600] =	vst v63  }
0x37: {  	_ =	swait.ge [sflag:s21], $0x200  }
0x38: {  	[sflag:s21] =	ssyncset.done $0x0  }
0x39: {  	[sflag:s21] =	ssyncadd.s32 $0xFFFFFE00  }
0x3a: {  	s11 =	simm.s32 $0x0;
	v5 =	vld [tilespmem:$0x800]  }
0x3b: {  	v2 =	vld [tilespmem:s11+$0x0]  }
0x3c: {  	v3 =	vld [tilespmem:s11+$0x200]  }
0x3d: {  	v6 =	vld [tilespmem:s11+$0x400];
	_ =	sdelay $0x2  }
0x3e: {  	v4 =	vld [tilespmem:$0x900];
	v7 =	vmul.f32 v2, v5  }
0x3f: {  	v8 =	vmul.f32 v3, v5  }
0x40: {  	v6 =	vmul.f32 v6, v5;
	v2 =	vtrunc.f32 v7  }
0x41: {  	v9 =	vld [tilespmem:$0x940];
	v3 =	vtrunc.f32 v8;
	v2 =	vcvt.f32.s32 v2  }
0x42: {  	v11 =	vtrunc.f32 v6;
	v10 =	vcvt.f32.s32 v3  }
0x43: {  	v3 =	vld [tilespmem:$0x910];
	v11 =	vcvt.f32.s32 v11;
	vm0 =	vlt.s32 v2, v4  }
0x44: {  	vm1 =	vlt.s32 v10, v4;
	v2 =	vsel vm0, v2, v4  }
0x45: {  	vm2 =	vlt.s32 v11, v4;
	v10 =	vsel vm1, v10, v4;
	vm0 =	vgt.s32 v2, $0x0  }
0x46: {  	vm1 =	vgt.s32 v10, $0x0;
	v14 =	vnsel vm0, $0x0, v2;
	vm0 =	veq.s32 v9, $0x0  }
0x47: {  	v9 =	vnsel vm1, $0x0, v10;
	v10 =	vsel vm2, v11, v4;
	v12 =	vcvt.s32.f32 v14  }
0x48: {  	v2 =	vld [tilespmem:$0x920];
	vm1 =	vgt.s32 v10, $0x0;
	v15 =	vadd.s32 $0x1, v14;
	v16 =	vmul.u32 v3, v9  }
0x49: {  	v11 =	vsub.f32 v7, v12;
	v7 =	vcvt.s32.f32 v9;
	v9 =	vnsel vm1, $0x0, v10  }
0x4a: {  	v17 =	vadd.s32 v3, v16;
	v13 =	vadd.s32 v14, v16;
	v28 =	vxor.u32 v14, v16  }
0x4b: {  	v26 =	vadd.s32 v15, v16;
	v27 =	vxor.u32 v15, v16;
	v21 =	vadd.s32 v14, v17  }
0x4c: {  	v10 =	vsub.f32 $1.000000000e+00, v11;
	v7 =	vsub.f32 v8, v7;
	v8 =	vcvt.s32.f32 v9  }
0x4d: {  	v24 =	vxor.u32 v14, v17;
	v30 =	vxor.u32 v15, v17;
	v12 =	vmul.u32 v2, v9  }
0x4e: {  	v18 =	vsub.f32 $1.000000000e+00, v7;
	v6 =	vsub.f32 v6, v8;
	v9 =	vmul.f32 v7, v10  }
0x4f: {  	v7 =	vmul.f32 v7, v11;
	v19 =	vadd.s32 v2, v12;
	v23 =	vadd.s32 v12, v21  }
0x50: {  	v25 =	vxor.u32 v12, v24;
	v22 =	vxor.u32 v12, v30;
	v16 =	vadd.s32 v19, v21  }
0x51: {  	v21 =	vadd.s32 v12, v13;
	v8 =	vsub.f32 $1.000000000e+00, v6;
	v10 =	vmul.f32 v18, v10  }
0x52: {  	v29 =	vmul.f32 v6, v9;
	v11 =	vmul.f32 v18, v11;
	v18 =	vadd.s32 v15, v17  }
0x53: {  	v17 =	vxor.u32 v19, v24;
	v15 =	vxor.u32 v19, v30;
	v24 =	vxor.u32 v12, v28  }
0x54: {  	s12 =	simm.s32 $0x80;
	s17 =	simm.s32 $0x10;
	v20 =	vadd.s32 v12, v18;
	v14 =	vadd.s32 v19, v18;
	v18 =	vadd.s32 v12, v26;
	[tilespmem:s11+$0xF000] =	vst v29  }
.LBB2_3:
0x55: {  	p0 =	sne.s32 s12, $0x7C0;
	v29 =	vld [tilespmem:s17+$0x0];
	v12 =	vxor.u32 v12, v27;
	v13 =	vadd.s32 v13, v19;
	v28 =	vxor.u32 v28, v19  }
0x56: {  	v30 =	vmul.f32 v8, v10;
	v26 =	vadd.s32 v26, v19;
	v19 =	vxor.u32 v27, v19  }
0x57: {  	v31 =	vmul.f32 v8, v11;
	v23 =	vsel vm0, v23, v25;
	v9 =	vmul.f32 v8, v9;
	v27 =	vld [tilespmem:s17+$0x200]  }
0x58: {  	v20 =	vsel vm0, v20, v22;
	v10 =	vmul.f32 v10, v6;
	v11 =	vmul.f32 v11, v6;
	[tilespmem:s11+$0xE400] =	vst v30  }
0x59: {  	v8 =	vmul.f32 v8, v7;
	v16 =	vsel vm0, v16, v17;
	v6 =	vmul.f32 v6, v7;
	v22 =	vld [tilespmem:s17+$0x400];
	[tilespmem:s11+$0xE600] =	vst v31  }
0x5a: {  	v17 =	vsel vm0, v21, v24;
	v7 =	vmul.f32 v29, v5;
	[tilespmem:s11+$0xE800] =	vst v9;
	v9 =	vsel vm0, v14, v15  }
0x5b: {  	v12 =	vsel vm0, v18, v12;
	v13 =	vsel vm0, v13, v28;
	[tilespmem:s11+$0xEC00] =	vst v10;
	v10 =	vsel vm0, v26, v19  }
0x5c: {  	v18 =	vand.u32 $0x7FFFF, v23;
	v14 =	vtrunc.f32 v7;
	v15 =	vmul.f32 v27, v5;
	[tilespmem:s11+$0xEE00] =	vst v11  }
0x5d: {  	v11 =	vcvt.f32.s32 v14;
	v14 =	vand.u32 $0x7FFFF, v20;
	[tilespmem:s11+$0xEA00] =	vst v8;
	v8 =	vand.u32 $0x7FFFF, v16  }
0x5e: {  	v9 =	vand.u32 $0x7FFFF, v9;
	v16 =	vtrunc.f32 v15;
	v19 =	vmul.f32 v22, v5;
	[tilespmem:s11+$0xF200] =	vst v6  }
0x5f: {  	vm1 =	vlt.s32 v11, v4;
	v6 =	vcvt.f32.s32 v16;
	v16 =	vand.u32 $0x7FFFF, v17;
	[tilespmem:s11+$0x1800] =	vst v18  }
0x60: {  	v12 =	vand.u32 $0x7FFFF, v12;
	v11 =	vsel vm1, v11, v4;
	v17 =	vtrunc.f32 v19;
	[tilespmem:s11+$0x1A00] =	vst v14  }
0x61: {  	vm1 =	vgt.s32 v11, $0x0;
	vm2 =	vlt.s32 v6, v4;
	v14 =	vcvt.f32.s32 v17;
	[tilespmem:s11+$0x2000] =	vst v8  }
0x62: {  	v8 =	vand.u32 $0x7FFFF, v13;
	v17 =	vnsel vm1, $0x0, v11;
	v6 =	vsel vm2, v6, v4;
	[tilespmem:s11+$0x2200] =	vst v9  }
0x63: {  	v9 =	vcvt.s32.f32 v17;
	vm1 =	vgt.s32 v6, $0x0;
	vm2 =	vlt.s32 v14, v4;
	[tilespmem:s11+$0x1400] =	vst v16  }
0x64: {  	v16 =	vadd.s32 $0x1, v17;
	v6 =	vnsel vm1, $0x0, v6;
	v11 =	vsel vm2, v14, v4;
	[tilespmem:s11+$0x1600] =	vst v12  }
0x65: {  	v14 =	vsub.f32 v7, v9;
	v7 =	vcvt.s32.f32 v6;
	vm1 =	vgt.s32 v11, $0x0;
	[tilespmem:s11+$0x1C00] =	vst v8  }
0x66: {  	v18 =	vmul.u32 v3, v6;
	v8 =	vand.u32 $0x7FFFF, v10;
	v6 =	vnsel vm1, $0x0, v11  }
0x67: {  	v10 =	vsub.f32 $1.000000000e+00, v14;
	v7 =	vsub.f32 v15, v7;
	v9 =	vcvt.s32.f32 v6;
	[tilespmem:s11+$0x1E00] =	vst v8;
	s11 =	smov.u32 s17  }
0x68: {  	v15 =	vadd.s32 v3, v18;
	v12 =	vmul.u32 v2, v6;
	v13 =	vadd.s32 v17, v18  }
0x69: {  	v11 =	vsub.f32 $1.000000000e+00, v7;
	v6 =	vsub.f32 v19, v9;
	v9 =	vmul.f32 v7, v10  }
0x6a: {  	v21 =	vadd.s32 v17, v15;
	v24 =	vxor.u32 v17, v15;
	v7 =	vmul.f32 v7, v14  }
0x6b: {  	v8 =	vsub.f32 $1.000000000e+00, v6;
	v10 =	vmul.f32 v11, v10;
	v20 =	vmul.f32 v6, v9  }
0x6c: {  	v11 =	vmul.f32 v11, v14;
	v14 =	vadd.s32 v16, v15;
	v15 =	vxor.u32 v16, v15  }
.Ltmp0:
0x6d: {  	v28 =	vxor.u32 v17, v18;
	v26 =	vadd.s32 v16, v18;
	v19 =	vadd.s32 v2, v12;
	[tilespmem:s11+$0xF000] =	vst v20;
	(pc) =	sbr.rel @p0 .LBB2_3-.Ltmp0, $4  }
0x6e: {  	v27 =	vxor.u32 v16, v18;
	v23 =	vadd.s32 v12, v21;
	v25 =	vxor.u32 v12, v24  }
0x6f: {  	v16 =	vadd.s32 v19, v21;
	v22 =	vxor.u32 v12, v15;
	v20 =	vadd.s32 v12, v14  }
0x70: {  	v17 =	vxor.u32 v19, v24;
	v15 =	vxor.u32 v19, v15;
	v14 =	vadd.s32 v19, v14  }
0x71: {  	s17 =	sshra.s32 s12, $0x2;
	s12 =	sadd.s32 $0x40, s12;
	v18 =	vadd.s32 v12, v26;
	v24 =	vxor.u32 v12, v28;
	v21 =	vadd.s32 v12, v13  }
0x72: {  	v29 =	vld [tilespmem:s17+$0x0];
	v12 =	vxor.u32 v12, v27;
	v13 =	vadd.s32 v13, v19;
	v28 =	vxor.u32 v28, v19  }
0x73: {  	v30 =	vmul.f32 v8, v10;
	v26 =	vadd.s32 v26, v19;
	v50 =	vxor.u32 v27, v19;
	v51 =	vld [tilespmem:s17+$0x200]  }
0x74: {  	v31 =	vmul.f32 v8, v11;
	v23 =	vsel vm0, v23, v25;
	v9 =	vmul.f32 v8, v9  }
0x75: {  	v52 =	vmul.f32 v10, v6;
	v20 =	vsel vm0, v20, v22;
	v53 =	vmul.f32 v11, v6;
	[tilespmem:s11+$0xE400] =	vst v30  }
0x76: {  	v55 =	vmul.f32 v8, v7;
	v16 =	vsel vm0, v16, v17;
	v56 =	vmul.f32 v6, v7;
	v54 =	vld [tilespmem:s17+$0x400]  }
0x77: {  	v58 =	vsel vm0, v21, v24;
	v14 =	vsel vm0, v14, v15;
	v12 =	vsel vm0, v18, v12  }
0x78: {  	v13 =	vsel vm0, v13, v28;
	v57 =	vmul.f32 v29, v5;
	v60 =	vmul.f32 v51, v5  }
0x79: {  	v19 =	vsel vm0, v26, v50;
	v61 =	vand.u32 $0x7FFFF, v23;
	v20 =	vand.u32 $0x7FFFF, v20  }
0x7a: {  	v16 =	vand.u32 $0x7FFFF, v16;
	v59 =	vtrunc.f32 v57;
	v62 =	vtrunc.f32 v60  }
0x7b: {  	v14 =	vand.u32 $0x7FFFF, v14;
	v15 =	vcvt.f32.s32 v59;
	v63 =	vmul.f32 v54, v5  }
0x7c: {  	v17 =	vand.u32 $0x7FFFF, v58;
	v28 =	vand.u32 $0x7FFFF, v12;
	v24 =	vcvt.f32.s32 v62  }
0x7d: {  	v32 =	vand.u32 $0x7FFFF, v13;
	vm1 =	vlt.s32 v15, v4;
	v25 =	vtrunc.f32 v63  }
0x7e: {  	vm13 =	vlt.s32 v24, v4;
	v26 =	vsel vm1, v15, v4;
	v27 =	vcvt.f32.s32 v25  }
0x7f: {  	v36 =	vand.u32 $0x7FFFF, v19;
	v29 =	vsel vm13, v24, v4;
	vm2 =	vgt.s32 v26, $0x0  }
0x80: {  	[tilespmem:s11+$0xE800] =	vst v9;
	vm1 =	vgt.s32 v29, $0x0;
	v9 =	vnsel vm2, $0x0, v26;
	vm14 =	vlt.s32 v27, v4  }
0x81: {  	[tilespmem:s11+$0xE600] =	vst v31;
	v31 =	vnsel vm1, $0x0, v29;
	v30 =	vcvt.s32.f32 v9;
	v4 =	vsel vm14, v27, v4  }
0x82: {  	v12 =	vcvt.s32.f32 v31;
	v33 =	vmul.u32 v3, v31;
	vm15 =	vgt.s32 v4, $0x0  }
0x83: {  	v34 =	vadd.s32 $0x1, v9;
	v7 =	vsub.f32 v57, v30;
	v4 =	vnsel vm15, $0x0, v4  }
0x84: {  	[tilespmem:s11+$0xEC00] =	vst v52;
	v12 =	vsub.f32 v60, v12;
	v3 =	vadd.s32 v3, v33;
	v39 =	vadd.s32 v9, v33  }
0x85: {  	[tilespmem:s11+$0xEE00] =	vst v53;
	v48 =	vadd.s32 v34, v33;
	v8 =	vxor.u32 v34, v33;
	v35 =	vcvt.s32.f32 v4  }
0x86: {  	[tilespmem:s11+$0xEA00] =	vst v55;
	v4 =	vmul.u32 v2, v4;
	v41 =	vadd.s32 v9, v3;
	v43 =	vxor.u32 v9, v3  }
0x87: {  	[tilespmem:s11+$0xF200] =	vst v56;
	v45 =	vadd.s32 v34, v3;
	v3 =	vxor.u32 v34, v3;
	v37 =	vsub.f32 $1.000000000e+00, v7  }
0x88: {  	[tilespmem:s11+$0x1800] =	vst v61;
	v9 =	vxor.u32 v9, v33;
	v38 =	vsub.f32 $1.000000000e+00, v12;
	v5 =	vsub.f32 v63, v35  }
0x89: {  	[tilespmem:s11+$0x1A00] =	vst v20;
	v2 =	vadd.s32 v2, v4;
	v50 =	vadd.s32 v4, v41;
	v51 =	vxor.u32 v4, v43  }
0x8a: {  	[tilespmem:s11+$0x2000] =	vst v16;
	v52 =	vadd.s32 v4, v45;
	v53 =	vxor.u32 v4, v3;
	v55 =	vadd.s32 v4, v39  }
0x8b: {  	[tilespmem:s11+$0x2200] =	vst v14;
	v56 =	vxor.u32 v4, v9;
	v57 =	vadd.s32 v4, v48;
	v40 =	vmul.f32 v12, v37  }
0x8c: {  	[tilespmem:s11+$0x1400] =	vst v17;
	v4 =	vxor.u32 v4, v8;
	v12 =	vmul.f32 v12, v7;
	v16 =	vmul.f32 v38, v37  }
0x8d: {  	[tilespmem:s11+$0x1600] =	vst v28;
	v10 =	vadd.s32 v2, v41;
	v6 =	vxor.u32 v2, v43;
	v14 =	vadd.s32 v2, v45  }
0x8e: {  	[tilespmem:s11+$0x1C00] =	vst v32;
	v3 =	vxor.u32 v2, v3;
	v15 =	vsel vm0, v50, v51;
	v58 =	vsel vm0, v52, v53  }
0x8f: {  	[tilespmem:s11+$0x1E00] =	vst v36;
	v61 =	vadd.s32 v39, v2;
	v62 =	vxor.u32 v9, v2;
	v15 =	vand.u32 $0x7FFFF, v15  }
0x90: {  	v63 =	vadd.s32 v48, v2;
	v4 =	vsel vm0, v57, v4;
	v60 =	vand.u32 $0x7FFFF, v58;
	[tilespmem:s17+$0x1800] =	vst v15  }
0x91: {  	v2 =	vxor.u32 v8, v2;
	v3 =	vsel vm0, v14, v3;
	v4 =	vand.u32 $0x7FFFF, v4;
	[tilespmem:s17+$0x1A00] =	vst v60  }
0x92: {  	v42 =	vsub.f32 $1.000000000e+00, v5;
	v2 =	vsel vm0, v63, v2;
	v3 =	vand.u32 $0x7FFFF, v3;
	[tilespmem:s17+$0x1600] =	vst v4  }
0x93: {  	v7 =	vmul.f32 v38, v7;
	v44 =	vmul.f32 v5, v40;
	v2 =	vand.u32 $0x7FFFF, v2;
	[tilespmem:s17+$0x2200] =	vst v3  }
0x94: {  	v46 =	vmul.f32 v42, v16;
	[tilespmem:s17+$0x1E00] =	vst v2  }
0x95: {  	v47 =	vmul.f32 v42, v7;
	[tilespmem:s17+$0xF000] =	vst v44  }
0x96: {  	v49 =	vmul.f32 v42, v40;
	[tilespmem:s17+$0xE400] =	vst v46  }
0x97: {  	v16 =	vmul.f32 v16, v5;
	[tilespmem:s17+$0xE600] =	vst v47  }
0x98: {  	v7 =	vmul.f32 v7, v5;
	[tilespmem:s17+$0xE800] =	vst v49  }
0x99: {  	v54 =	vmul.f32 v42, v12;
	[tilespmem:s17+$0xEC00] =	vst v16  }
0x9a: {  	v5 =	vmul.f32 v5, v12;
	[tilespmem:s17+$0xEE00] =	vst v7  }
0x9b: {  	v3 =	vsel vm0, v61, v62;
	[tilespmem:s17+$0xEA00] =	vst v54  }
0x9c: {  	v59 =	vsel vm0, v10, v6;
	v3 =	vand.u32 $0x7FFFF, v3;
	[tilespmem:s17+$0xF200] =	vst v5  }
0x9d: {  	v5 =	vand.u32 $0x7FFFF, v59;
	v7 =	vsel vm0, v55, v56;
	[tilespmem:s17+$0x1C00] =	vst v3  }
0x9e: {  	[tilespmem:s17+$0x2000] =	vst v5;
	v7 =	vand.u32 $0x7FFFF, v7  }
0x9f: {  	s1 =	simm.s32 $0x5400;
	[tilespmem:s17+$0x1400] =	vst v7  }
0xa0: {  	[tilespmem:s1], [sflag:$0x1] =	stream.indirect.gather [hbm4b:s5+s25], $0x1, s29, s25, $0xb8;
	[tilespmem:$0x1A600] =	vst v63  }
0xa1: {  	s18 =	simm.s32 $0x9400  }
0xa2: {  	[tilespmem:s18], [sflag:$0x1] =	stream.indirect.gather [hbm4b:s6+s25], $0x1, s29, s25, $0xb8;
	[tilespmem:$0x1A600] =	vst v63  }
0xa3: {  	s19 =	simm.s32 $0x5600  }
0xa4: {  	[tilespmem:s19], [sflag:$0x1] =	stream.indirect.gather [hbm4b:s5+s25], $0x1, s0, s25, $0xb8;
	[tilespmem:$0x1A600] =	vst v63  }
0xa5: {  	s20 =	simm.s32 $0x9600  }
0xa6: {  	[tilespmem:s20], [sflag:$0x1] =	stream.indirect.gather [hbm4b:s6+s25], $0x1, s0, s25, $0xb8;
	[tilespmem:$0x1A600] =	vst v63  }
0xa7: {  	s23 =	simm.s32 $0x5800  }
0xa8: {  	[tilespmem:s23], [sflag:$0x1] =	stream.indirect.gather [hbm4b:s5+s25], $0x1, s22, s25, $0xb8;
	[tilespmem:$0x1A600] =	vst v63  }
0xa9: {  	s24 =	simm.s32 $0x9800  }
0xaa: {  	[tilespmem:s24], [sflag:$0x1] =	stream.indirect.gather [hbm4b:s6+s25], $0x1, s22, s25, $0xb8;
	[tilespmem:$0x1A600] =	vst v63  }
0xab: {  	s3 =	simm.s32 $0x5A00  }
0xac: {  	[tilespmem:s3], [sflag:$0x1] =	stream.indirect.gather [hbm4b:s5+s25], $0x1, s10, s25, $0xb8;
	[tilespmem:$0x1A600] =	vst v63  }
0xad: {  	s4 =	simm.s32 $0x9A00  }
0xae: {  	[tilespmem:s4], [sflag:$0x1] =	stream.indirect.gather [hbm4b:s6+s25], $0x1, s10, s25, $0xb8;
	[tilespmem:$0x1A600] =	vst v63  }
0xaf: {  	s11 =	simm.s32 $0x5C00  }
0xb0: {  	[tilespmem:s11], [sflag:$0x1] =	stream.indirect.gather [hbm4b:s5+s25], $0x1, s9, s25, $0xb8;
	[tilespmem:$0x1A600] =	vst v63  }
0xb1: {  	s12 =	simm.s32 $0x9C00  }
0xb2: {  	[tilespmem:s12], [sflag:$0x1] =	stream.indirect.gather [hbm4b:s6+s25], $0x1, s9, s25, $0xb8;
	[tilespmem:$0x1A600] =	vst v63  }
0xb3: {  	s17 =	simm.s32 $0x5E00  }
0xb4: {  	[tilespmem:s17], [sflag:$0x1] =	stream.indirect.gather [hbm4b:s5+s25], $0x1, s26, s25, $0xb8;
	[tilespmem:$0x1A600] =	vst v63  }
0xb5: {  	s18 =	simm.s32 $0x9E00  }
0xb6: {  	[tilespmem:s18], [sflag:$0x1] =	stream.indirect.gather [hbm4b:s6+s25], $0x1, s26, s25, $0xb8;
	[tilespmem:$0x1A600] =	vst v63  }
0xb7: {  	s19 =	simm.s32 $0x6000;
	s11 =	simm.s32 $0x2000  }
0xb8: {  	[tilespmem:s19], [sflag:$0x1] =	stream.indirect.gather [hbm4b:s5+s25], $0x1, s11, s25, $0xb8;
	[tilespmem:$0x1A600] =	vst v63  }
0xb9: {  	s20 =	simm.s32 $0xA000  }
0xba: {  	[tilespmem:s20], [sflag:$0x1] =	stream.indirect.gather [hbm4b:s6+s25], $0x1, s11, s25, $0xb8;
	[tilespmem:$0x1A600] =	vst v63  }
0xbb: {  	s23 =	simm.s32 $0x6200;
	s24 =	simm.s32 $0xA200  }
0xbc: {  	[tilespmem:s23], [sflag:$0x1] =	stream.indirect.gather [hbm4b:s5+s25], $0x1, s16, s25, $0xb8;
	[tilespmem:$0x1A600] =	vst v63  }
0xbd: {  	s17 =	simm.s32 $0x0;
	s18 =	simm.s32 $0x0;
	s20 =	simm.s32 $0x0  }
0xbe: {  	[tilespmem:s24], [sflag:$0x1] =	stream.indirect.gather [hbm4b:s6+s25], $0x1, s16, s25, $0xb8;
	[tilespmem:$0x1A600] =	vst v63  }
.LBB2_6:
0xbf: {  	p0 =	seq.s32 s20, $0xF  }
.Ltmp1:
0xc0: {  	_ = 	snop;
	(pc) =	sbr.rel @p0 .LBB2_10-.Ltmp1, $2  }
0xc1: {  	_ =	sdelay $0x2  }
0xc2: {  	s20 =	sadd.s32 $0x1, s20  }
0xc3: {  	s3 =	sshll.u32 s20, $0x4  }
0xc4: {  	s24 =	simm.s32 $0x0;
	s3 =	sand.u32 $0x3FFFFFF0, s3  }
0xc5: {  	s12 =	sand.u32 $0x1F0, s24;
	v3 =	vld [tilespmem:s3+$0x800]  }
0xc6: {  	v2 =	vld [tilespmem:s12+$0x200]  }
0xc7: {  	s19 =	smul.u32 $0x140, s20;
	v5 =	vld [tilespmem:s12+$0x400]  }
0xc8: {  	v6 =	vld [tilespmem:s24+$0x0]  }
0xc9: {  	s3 =	sshra.s32 s19, $0x2  }
0xca: {  	v4 =	vld [tilespmem:s3+$0x900]  }
0xcb: {  	v7 =	vld [tilespmem:s3+$0x940];
	v8 =	vmul.f32 v2, v3  }
0xcc: {  	v10 =	vmul.f32 v5, v3  }
0xcd: {  	v17 =	vmul.f32 v6, v3;
	v2 =	vtrunc.f32 v8  }
0xce: {  	v9 =	vcvt.f32.s32 v2;
	v2 =	vtrunc.f32 v10  }
0xcf: {  	v5 =	vld [tilespmem:s3+$0x910];
	v11 =	vtrunc.f32 v17;
	v12 =	vcvt.f32.s32 v2  }
0xd0: {  	s12 =	sshll.u32 s20, $0x13;
	v6 =	vld [tilespmem:s3+$0x920];
	vm0 =	veq.s32 v7, $0x0;
	v11 =	vcvt.f32.s32 v11;
	vm1 =	vlt.s32 v9, v4  }
0xd1: {  	v2 =	vmov s12;
	v7 =	vsel vm1, v9, v4;
	vm1 =	vlt.s32 v12, v4  }
0xd2: {  	vm2 =	vlt.s32 v11, v4;
	vm3 =	vgt.s32 v7, $0x0;
	v9 =	vsel vm1, v12, v4  }
0xd3: {  	v11 =	vsel vm2, v11, v4;
	v7 =	vnsel vm3, $0x0, v7;
	vm1 =	vgt.s32 v9, $0x0  }
0xd4: {  	v12 =	vcvt.s32.f32 v7;
	v16 =	vmul.u32 v5, v7;
	v7 =	vnsel vm1, $0x0, v9  }
0xd5: {  	vm1 =	vgt.s32 v11, $0x0;
	v13 =	vcvt.s32.f32 v7;
	v7 =	vmul.u32 v6, v7  }
0xd6: {  	v11 =	vnsel vm1, $0x0, v11;
	v15 =	vsub.f32 v8, v12;
	v9 =	vadd.s32 v5, v16  }
0xd7: {  	v18 =	vcvt.s32.f32 v11;
	v12 =	vadd.s32 $0x1, v11;
	v14 =	vadd.s32 v11, v16  }
0xd8: {  	s23 =	sshll.u32 s20, $0xD;
	v19 =	vxor.u32 v11, v16;
	v13 =	vsub.f32 v10, v13;
	v8 =	vadd.s32 v6, v7  }
0xd9: {  	s23 =	sand.u32 $0x2000, s23;
	s19 =	simm.s32 $0x10;
	s12 =	simm.s32 $0x0;
	v10 =	vadd.s32 v12, v9;
	v17 =	vsub.f32 v17, v18;
	v18 =	vsub.f32 $1.000000000e+00, v15  }
.LBB2_8:
0xda: {  	p0 =	sne.s32 s19, $0x1F0  }
0xdb: {  	v20 =	vadd.s32 v12, v16;
	v21 =	vadd.s32 v14, v8;
	v22 =	vxor.u32 v19, v8;
	s24 =	sadd.s32 $0x10, s24;
	s3 =	smov.u32 s19;
	s19 =	sadd.s32 $0x10, s19  }
0xdc: {  	v16 =	vxor.u32 v12, v16;
	v23 =	vsub.f32 $1.000000000e+00, v17;
	v24 =	vadd.s32 v7, v20  }
0xdd: {  	v19 =	vxor.u32 v7, v19;
	v25 =	vmul.f32 v15, v17;
	v21 =	vsel vm0, v21, v22  }
0xde: {  	s1 =	sadd.s32 s12, s11;
	v22 =	vsub.f32 $1.000000000e+00, v13;
	v26 =	vmul.f32 v18, v23;
	v15 =	vmul.f32 v15, v23  }
0xdf: {  	s4 =	sand.u32 $0x70, s12;
	v17 =	vmul.f32 v18, v17;
	s1 =	sand.u32 $0x2180, s1;
	s12 =	smov.u32 s3;
	v21 =	vand.u32 $0x7FFFF, v21;
	v18 =	vxor.u32 v7, v16  }
0xe0: {  	s3 =	sor.u32 s4, s1;
	v21 =	vor.u32 v2, v21;
	v23 =	vmul.f32 v22, v26;
	v27 =	vmul.f32 v22, v15  }
0xe1: {  	v18 =	vsel vm0, v24, v18;
	v15 =	vmul.f32 v13, v15;
	[tilespmem:s3+$0x1C00] =	vst v21;
	v21 =	vmul.f32 v26, v13  }
0xe2: {  	v14 =	vadd.s32 v7, v14;
	[tilespmem:s3+$0xE400] =	vst v23;
	v23 =	vmul.f32 v22, v17;
	v17 =	vmul.f32 v17, v13  }
0xe3: {  	v14 =	vsel vm0, v14, v19;
	v19 =	vmul.f32 v22, v25;
	v13 =	vmul.f32 v13, v25;
	[tilespmem:s3+$0xEC00] =	vst v21  }
0xe4: {  	v20 =	vadd.s32 v20, v8;
	v14 =	vand.u32 $0x7FFFF, v14;
	v16 =	vxor.u32 v16, v8;
	[tilespmem:s3+$0xF000] =	vst v15  }
0xe5: {  	v14 =	vor.u32 v2, v14;
	v16 =	vsel vm0, v20, v16;
	v15 =	vand.u32 $0x7FFFF, v18;
	[tilespmem:s3+$0xE800] =	vst v27  }
0xe6: {  	v16 =	vand.u32 $0x7FFFF, v16;
	v18 =	vadd.s32 v11, v9;
	v15 =	vor.u32 v2, v15;
	[tilespmem:s3+$0xEE00] =	vst v17  }
0xe7: {  	v16 =	vor.u32 v2, v16;
	v11 =	vxor.u32 v11, v9;
	v17 =	vadd.s32 v7, v18;
	[tilespmem:s3+$0xE600] =	vst v23  }
0xe8: {  	v9 =	vxor.u32 v12, v9;
	v20 =	vxor.u32 v7, v11;
	v12 =	vadd.s32 v8, v18;
	[tilespmem:s3+$0xEA00] =	vst v19  }
0xe9: {  	v11 =	vxor.u32 v8, v11;
	v18 =	vxor.u32 v8, v9;
	v17 =	vsel vm0, v17, v20;
	[tilespmem:s3+$0xF200] =	vst v13  }
0xea: {  	v8 =	vadd.s32 v8, v10;
	v13 =	vadd.s32 v7, v10;
	v7 =	vxor.u32 v7, v9;
	[tilespmem:s3+$0x1400] =	vst v14  }
0xeb: {  	v8 =	vsel vm0, v8, v18;
	v9 =	vand.u32 $0x7FFFF, v17;
	v7 =	vsel vm0, v13, v7;
	[tilespmem:s3+$0x1E00] =	vst v16  }
0xec: {  	v8 =	vand.u32 $0x7FFFF, v8;
	v9 =	vor.u32 v2, v9;
	v7 =	vand.u32 $0x7FFFF, v7;
	[tilespmem:s3+$0x1600] =	vst v15  }
0xed: {  	s1 =	sand.u32 $0x1F0, s12;
	v8 =	vor.u32 v2, v8;
	v7 =	vor.u32 v2, v7;
	[tilespmem:s3+$0x1800] =	vst v9;
	v9 =	vsel vm0, v12, v11  }
0xee: {  	[tilespmem:s3+$0x1A00] =	vst v7;
	v7 =	vand.u32 $0x7FFFF, v9  }
0xef: {  	v7 =	vor.u32 v2, v7;
	[tilespmem:s3+$0x2200] =	vst v8  }
0xf0: {  	[tilespmem:s3+$0x2000] =	vst v7  }
0xf1: {  	v7 =	vld [tilespmem:s1+$0x400]  }
0xf2: {  	v8 =	vld [tilespmem:s1+$0x200]  }
0xf3: {  	v9 =	vld [tilespmem:s24+$0x0];
	_ =	sdelay $0x3  }
0xf4: {  	v8 =	vmul.f32 v8, v3  }
0xf5: {  	v12 =	vmul.f32 v7, v3;
	v10 =	vmul.f32 v9, v3  }
0xf6: {  	v7 =	vtrunc.f32 v8  }
0xf7: {  	v9 =	vtrunc.f32 v12;
	v7 =	vcvt.f32.s32 v7  }
0xf8: {  	v9 =	vcvt.f32.s32 v9;
	v11 =	vtrunc.f32 v10  }
0xf9: {  	v11 =	vcvt.f32.s32 v11;
	vm1 =	vlt.s32 v7, v4  }
0xfa: {  	v7 =	vsel vm1, v7, v4;
	vm1 =	vlt.s32 v9, v4  }
0xfb: {  	vm2 =	vlt.s32 v11, v4;
	vm3 =	vgt.s32 v7, $0x0;
	v9 =	vsel vm1, v9, v4  }
0xfc: {  	v11 =	vsel vm2, v11, v4;
	v7 =	vnsel vm3, $0x0, v7;
	vm1 =	vgt.s32 v9, $0x0  }
0xfd: {  	v13 =	vcvt.s32.f32 v7;
	v16 =	vmul.u32 v5, v7;
	v7 =	vnsel vm1, $0x0, v9  }
.Ltmp2:
0xfe: {  	vm1 =	vgt.s32 v11, $0x0;
	v14 =	vcvt.s32.f32 v7;
	v7 =	vmul.u32 v6, v7;
	(pc) =	sbr.rel @p0 .LBB2_8-.Ltmp2, $4  }
0xff: {  	v11 =	vnsel vm1, $0x0, v11;
	v15 =	vsub.f32 v8, v13;
	v9 =	vadd.s32 v5, v16  }
0x100: {  	v17 =	vcvt.s32.f32 v11;
	v13 =	vsub.f32 v12, v14;
	v8 =	vadd.s32 v6, v7  }
0x101: {  	v19 =	vxor.u32 v11, v16;
	v12 =	vadd.s32 $0x1, v11;
	v14 =	vadd.s32 v11, v16  }
0x102: {  	v17 =	vsub.f32 v10, v17;
	v18 =	vsub.f32 $1.000000000e+00, v15;
	v10 =	vadd.s32 v12, v9  }
0x103: {  	v3 =	vadd.s32 v12, v16  }
0x104: {  	v4 =	vadd.s32 v14, v8;
	v5 =	vxor.u32 v19, v8;
	v34 =	vxor.u32 v12, v16  }
0x105: {  	v35 =	vxor.u32 v7, v19;
	v36 =	vsub.f32 $1.000000000e+00, v13;
	v41 =	vadd.s32 v7, v14  }
0x106: {  	v48 =	vadd.s32 v11, v9;
	v50 =	vxor.u32 v11, v9;
	v52 =	vxor.u32 v12, v9  }
0x107: {  	v56 =	vadd.s32 v7, v10;
	v6 =	vsub.f32 $1.000000000e+00, v17;
	v20 =	vadd.s32 v7, v3  }
0x108: {  	s1 =	sadd.s32 s12, s11;
	v21 =	vmul.f32 v15, v17;
	v4 =	vsel vm0, v4, v5;
	v37 =	vmul.f32 v18, v17  }
0x109: {  	s3 =	sand.u32 $0x70, s12;
	s1 =	sand.u32 $0x2180, s1;
	v38 =	vxor.u32 v7, v34;
	v4 =	vand.u32 $0x7FFFF, v4;
	v22 =	vmul.f32 v18, v6  }
0x10a: {  	s1 =	sor.u32 s3, s1;
	v6 =	vmul.f32 v15, v6;
	v4 =	vor.u32 v2, v4;
	v15 =	vmul.f32 v37, v13  }
0x10b: {  	v14 =	vsel vm0, v41, v35;
	v3 =	vadd.s32 v3, v8;
	v42 =	vmul.f32 v36, v37;
	[tilespmem:s1+$0x1C00] =	vst v4  }
0x10c: {  	v45 =	vxor.u32 v34, v8;
	v49 =	vadd.s32 v7, v48;
	v5 =	vmul.f32 v36, v21;
	[tilespmem:s1+$0xEE00] =	vst v15  }
0x10d: {  	v51 =	vxor.u32 v7, v50;
	v3 =	vsel vm0, v3, v45;
	v43 =	vmul.f32 v13, v21;
	[tilespmem:s1+$0xE600] =	vst v42  }
0x10e: {  	v57 =	vxor.u32 v7, v52;
	v17 =	vsel vm0, v20, v38;
	v3 =	vand.u32 $0x7FFFF, v3;
	[tilespmem:s1+$0xEA00] =	vst v5  }
0x10f: {  	v54 =	vsel vm0, v49, v51;
	v46 =	vand.u32 $0x7FFFF, v17;
	v3 =	vor.u32 v2, v3;
	[tilespmem:s1+$0xF200] =	vst v43  }
0x110: {  	v7 =	vsel vm0, v56, v57;
	v59 =	vand.u32 $0x7FFFF, v54;
	v47 =	vor.u32 v2, v46;
	[tilespmem:s1+$0x1E00] =	vst v3  }
0x111: {  	v44 =	vand.u32 $0x7FFFF, v14;
	v61 =	vand.u32 $0x7FFFF, v7;
	v60 =	vor.u32 v2, v59;
	[tilespmem:s1+$0x1600] =	vst v47  }
0x112: {  	v62 =	vor.u32 v2, v61;
	v39 =	vmul.f32 v36, v22;
	v23 =	vmul.f32 v36, v6;
	[tilespmem:s1+$0x1800] =	vst v60  }
0x113: {  	v40 =	vmul.f32 v22, v13;
	v6 =	vmul.f32 v13, v6;
	v13 =	vor.u32 v2, v44;
	[tilespmem:s1+$0x1A00] =	vst v62  }
0x114: {  	[tilespmem:s1+$0x1400] =	vst v13  }
0x115: {  	v58 =	vadd.s32 v8, v10;
	v55 =	vxor.u32 v8, v52;
	[tilespmem:s1+$0xE400] =	vst v39  }
0x116: {  	v53 =	vadd.s32 v8, v48;
	v11 =	vxor.u32 v8, v50;
	v3 =	vsel vm0, v58, v55;
	[tilespmem:s1+$0xEC00] =	vst v40  }
0x117: {  	v5 =	vsel vm0, v53, v11;
	v3 =	vand.u32 $0x7FFFF, v3;
	[tilespmem:s1+$0xF000] =	vst v6  }
0x118: {  	v63 =	vand.u32 $0x7FFFF, v5;
	[tilespmem:s1+$0xE800] =	vst v23;
	v3 =	vor.u32 v2, v3  }
0x119: {  	v2 =	vor.u32 v2, v63;
	[tilespmem:s1+$0x2200] =	vst v3  }
0x11a: {  	s19 =	sadd.s32 $0x5400, s23;
	s24 =	sadd.s32 $0x1400, s23;
	[tilespmem:s1+$0x2000] =	vst v2  }
0x11b: {  	[tilespmem:s19], [sflag:$0x1] =	stream.indirect.gather [hbm4b:s5+s25], $0x1, s24, s25, $0xb8;
	[tilespmem:$0x1A600] =	vst v63  }
0x11c: {  	s4 =	sadd.s32 $0x9400, s23  }
0x11d: {  	[tilespmem:s4], [sflag:$0x1] =	stream.indirect.gather [hbm4b:s6+s25], $0x1, s24, s25, $0xb8;
	[tilespmem:$0x1A600] =	vst v63  }
0x11e: {  	s12 =	sadd.s32 $0x5600, s23;
	s19 =	sadd.s32 $0x1600, s23  }
0x11f: {  	[tilespmem:s12], [sflag:$0x1] =	stream.indirect.gather [hbm4b:s5+s25], $0x1, s19, s25, $0xb8;
	[tilespmem:$0x1A600] =	vst v63  }
0x120: {  	s24 =	sadd.s32 $0x9600, s23  }
0x121: {  	[tilespmem:s24], [sflag:$0x1] =	stream.indirect.gather [hbm4b:s6+s25], $0x1, s19, s25, $0xb8;
	[tilespmem:$0x1A600] =	vst v63  }
0x122: {  	s3 =	sadd.s32 $0x5800, s23;
	s4 =	sadd.s32 $0x1800, s23  }
0x123: {  	[tilespmem:s3], [sflag:$0x1] =	stream.indirect.gather [hbm4b:s5+s25], $0x1, s4, s25, $0xb8;
	[tilespmem:$0x1A600] =	vst v63  }
0x124: {  	s12 =	sadd.s32 $0x9800, s23  }
0x125: {  	[tilespmem:s12], [sflag:$0x1] =	stream.indirect.gather [hbm4b:s6+s25], $0x1, s4, s25, $0xb8;
	[tilespmem:$0x1A600] =	vst v63  }
0x126: {  	s19 =	sadd.s32 $0x5A00, s23;
	s24 =	sadd.s32 $0x1A00, s23  }
0x127: {  	[tilespmem:s19], [sflag:$0x1] =	stream.indirect.gather [hbm4b:s5+s25], $0x1, s24, s25, $0xb8;
	[tilespmem:$0x1A600] =	vst v63  }
0x128: {  	s4 =	sadd.s32 $0x9A00, s23  }
0x129: {  	[tilespmem:s4], [sflag:$0x1] =	stream.indirect.gather [hbm4b:s6+s25], $0x1, s24, s25, $0xb8;
	[tilespmem:$0x1A600] =	vst v63  }
0x12a: {  	s12 =	sadd.s32 $0x5C00, s23;
	s19 =	sadd.s32 $0x1C00, s23  }
0x12b: {  	[tilespmem:s12], [sflag:$0x1] =	stream.indirect.gather [hbm4b:s5+s25], $0x1, s19, s25, $0xb8;
	[tilespmem:$0x1A600] =	vst v63  }
0x12c: {  	s24 =	sadd.s32 $0x9C00, s23  }
0x12d: {  	[tilespmem:s24], [sflag:$0x1] =	stream.indirect.gather [hbm4b:s6+s25], $0x1, s19, s25, $0xb8;
	[tilespmem:$0x1A600] =	vst v63  }
0x12e: {  	s3 =	sadd.s32 $0x5E00, s23;
	s4 =	sadd.s32 $0x1E00, s23  }
0x12f: {  	[tilespmem:s3], [sflag:$0x1] =	stream.indirect.gather [hbm4b:s5+s25], $0x1, s4, s25, $0xb8;
	[tilespmem:$0x1A600] =	vst v63  }
0x130: {  	s12 =	sadd.s32 $0x9E00, s23  }
0x131: {  	[tilespmem:s12], [sflag:$0x1] =	stream.indirect.gather [hbm4b:s6+s25], $0x1, s4, s25, $0xb8;
	[tilespmem:$0x1A600] =	vst v63  }
0x132: {  	s19 =	sadd.s32 $0x6000, s23;
	s24 =	sadd.s32 $0x2000, s23  }
0x133: {  	[tilespmem:s19], [sflag:$0x1] =	stream.indirect.gather [hbm4b:s5+s25], $0x1, s24, s25, $0xb8;
	[tilespmem:$0x1A600] =	vst v63  }
0x134: {  	s4 =	sadd.s32 $0xA000, s23  }
0x135: {  	[tilespmem:s4], [sflag:$0x1] =	stream.indirect.gather [hbm4b:s6+s25], $0x1, s24, s25, $0xb8;
	[tilespmem:$0x1A600] =	vst v63  }
0x136: {  	s12 =	sadd.s32 $0x6200, s23;
	s19 =	sadd.s32 $0x2200, s23  }
0x137: {  	[tilespmem:s12], [sflag:$0x1] =	stream.indirect.gather [hbm4b:s5+s25], $0x1, s19, s25, $0xb8;
	[tilespmem:$0x1A600] =	vst v63  }
0x138: {  	s24 =	sadd.s32 $0xA200, s23  }
0x139: {  	[tilespmem:s24], [sflag:$0x1] =	stream.indirect.gather [hbm4b:s6+s25], $0x1, s19, s25, $0xb8;
	[tilespmem:$0x1A600] =	vst v63  }
.LBB2_10:
0x13a: {  	_ =	swait.ge [sflag:s30], $0x200  }
0x13b: {  	[sflag:s30] =	ssyncset.done $0x0  }
0x13c: {  	[sflag:s30] =	ssyncadd.s32 $0xFFFFFE00  }
0x13d: {  	_ =	swait.ge [sflag:s30], $0x200  }
0x13e: {  	[sflag:s30] =	ssyncset.done $0x0  }
0x13f: {  	[sflag:s30] =	ssyncadd.s32 $0xFFFFFE00  }
0x140: {  	_ =	swait.ge [sflag:s30], $0x200  }
0x141: {  	[sflag:s30] =	ssyncset.done $0x0  }
0x142: {  	[sflag:s30] =	ssyncadd.s32 $0xFFFFFE00  }
0x143: {  	_ =	swait.ge [sflag:s30], $0x200  }
0x144: {  	[sflag:s30] =	ssyncset.done $0x0  }
0x145: {  	[sflag:s30] =	ssyncadd.s32 $0xFFFFFE00  }
0x146: {  	_ =	swait.ge [sflag:s30], $0x200  }
0x147: {  	[sflag:s30] =	ssyncset.done $0x0  }
0x148: {  	[sflag:s30] =	ssyncadd.s32 $0xFFFFFE00  }
0x149: {  	_ =	swait.ge [sflag:s30], $0x200  }
0x14a: {  	[sflag:s30] =	ssyncset.done $0x0  }
0x14b: {  	[sflag:s30] =	ssyncadd.s32 $0xFFFFFE00  }
0x14c: {  	_ =	swait.ge [sflag:s30], $0x200  }
0x14d: {  	[sflag:s30] =	ssyncset.done $0x0  }
0x14e: {  	[sflag:s30] =	ssyncadd.s32 $0xFFFFFE00  }
0x14f: {  	_ =	swait.ge [sflag:s30], $0x200  }
0x150: {  	[sflag:s30] =	ssyncset.done $0x0  }
0x151: {  	[sflag:s30] =	ssyncadd.s32 $0xFFFFFE00  }
0x152: {  	_ =	swait.ge [sflag:s30], $0x200  }
0x153: {  	[sflag:s30] =	ssyncset.done $0x0  }
0x154: {  	[sflag:s30] =	ssyncadd.s32 $0xFFFFFE00  }
0x155: {  	_ =	swait.ge [sflag:s30], $0x200  }
0x156: {  	[sflag:s30] =	ssyncset.done $0x0  }
0x157: {  	[sflag:s30] =	ssyncadd.s32 $0xFFFFFE00  }
0x158: {  	_ =	swait.ge [sflag:s30], $0x200  }
0x159: {  	[sflag:s30] =	ssyncset.done $0x0  }
0x15a: {  	[sflag:s30] =	ssyncadd.s32 $0xFFFFFE00  }
0x15b: {  	_ =	swait.ge [sflag:s30], $0x200  }
0x15c: {  	[sflag:s30] =	ssyncset.done $0x0  }
0x15d: {  	[sflag:s30] =	ssyncadd.s32 $0xFFFFFE00  }
0x15e: {  	_ =	swait.ge [sflag:s30], $0x200  }
0x15f: {  	[sflag:s30] =	ssyncset.done $0x0  }
0x160: {  	[sflag:s30] =	ssyncadd.s32 $0xFFFFFE00  }
0x161: {  	_ =	swait.ge [sflag:s30], $0x200  }
0x162: {  	[sflag:s30] =	ssyncset.done $0x0  }
0x163: {  	[sflag:s30] =	ssyncadd.s32 $0xFFFFFE00  }
0x164: {  	_ =	swait.ge [sflag:s30], $0x200  }
0x165: {  	[sflag:s30] =	ssyncset.done $0x0  }
0x166: {  	[sflag:s30] =	ssyncadd.s32 $0xFFFFFE00  }
0x167: {  	s1 =	simm.s32 $0x0;
	s3 =	sadd.s32 $0x0, s18;
	_ =	swait.ge [sflag:s30], $0x200  }
0x168: {  	s3 =	sand.u32 $0x2180, s3;
	s1 =	sand.u32 $0x70, s1;
	[sflag:s30] =	ssyncset.done $0x0  }
0x169: {  	s1 =	sor.u32 s1, s3;
	[sflag:s30] =	ssyncadd.s32 $0xFFFFFE00  }
0x16a: {  	v2 =	vld [tilespmem:s1+$0x6200]  }
0x16b: {  	v3 =	vld [tilespmem:s1+$0x6000]  }
0x16c: {  	v4 =	vld [tilespmem:s1+$0x5E00]  }
0x16d: {  	v5 =	vld [tilespmem:s1+$0x5C00]  }
0x16e: {  	v6 =	vld [tilespmem:s1+$0x5A00]  }
0x16f: {  	v7 =	vld [tilespmem:s1+$0x5800]  }
0x170: {  	v8 =	vld [tilespmem:s1+$0x5600]  }
0x171: {  	v9 =	vld [tilespmem:s1+$0x5400]  }
0x172: {  	v10 =	vld [tilespmem:s1+$0xE400]  }
0x173: {  	v11 =	vld [tilespmem:s1+$0x9400]  }
0x174: {  	v12 =	vld [tilespmem:s1+$0xE600]  }
0x175: {  	v13 =	vld [tilespmem:s1+$0x9600]  }
0x176: {  	v14 =	vld [tilespmem:s1+$0xE800]  }
0x177: {  	v15 =	vld [tilespmem:s1+$0x9800];
	v9 =	vmul.f32 v9, v10  }
0x178: {  	v10 =	vmul.f32 v11, v10;
	v11 =	vld [tilespmem:s1+$0xEA00]  }
0x179: {  	v16 =	vld [tilespmem:s1+$0x9A00];
	v8 =	vmul.f32 v8, v12;
	v9 =	vadd.f32 $0.0e+00, v9  }
0x17a: {  	v60 =	vld [tilespmem:s1+$0xEC00];
	v12 =	vmul.f32 v13, v12;
	v10 =	vadd.f32 $0.0e+00, v10  }
0x17b: {  	v7 =	vmul.f32 v7, v14;
	v8 =	vadd.f32 v8, v9;
	v9 =	vld [tilespmem:s1+$0x9C00]  }
0x17c: {  	v62 =	vld [tilespmem:s1+$0xEE00];
	v61 =	vmul.f32 v15, v14;
	v10 =	vadd.f32 v12, v10  }
0x17d: {  	v6 =	vmul.f32 v6, v11;
	v7 =	vadd.f32 v7, v8;
	v8 =	vld [tilespmem:s1+$0x9E00]  }
0x17e: {  	v63 =	vld [tilespmem:s1+$0xF000];
	v11 =	vmul.f32 v16, v11;
	v10 =	vadd.f32 v61, v10  }
0x17f: {  	v5 =	vmul.f32 v5, v60;
	v6 =	vadd.f32 v6, v7;
	v7 =	vld [tilespmem:s1+$0xA000]  }
0x180: {  	v10 =	vadd.f32 v11, v10;
	v11 =	vld [tilespmem:s1+$0xF200];
	v9 =	vmul.f32 v9, v60  }
0x181: {  	v4 =	vmul.f32 v4, v62;
	v5 =	vadd.f32 v5, v6;
	v6 =	vld [tilespmem:s1+$0xA200]  }
0x182: {  	v9 =	vadd.f32 v9, v10;
	v8 =	vmul.f32 v8, v62  }
0x183: {  	v3 =	vmul.f32 v3, v63;
	v4 =	vadd.f32 v4, v5  }
0x184: {  	v5 =	vadd.f32 v8, v9;
	v7 =	vmul.f32 v7, v63;
	v8 =	vor.u32 s17, v0  }
0x185: {  	v2 =	vmul.f32 v2, v11;
	v3 =	vadd.f32 v3, v4;
	v4 =	vor.u32 s17, v1  }
0x186: {  	v5 =	vadd.f32 v7, v5;
	v6 =	vmul.f32 v6, v11  }
0x187: {  	v2 =	vadd.f32 v2, v3  }
0x188: {  	s23 =	simm.s32 $0x10;
	s24 =	sadd.s32 $0x10, s18;
	v3 =	vadd.f32 v6, v5  }
0x189: {  	s3 =	sand.u32 $0x2180, s24;
	s1 =	sand.u32 $0x70, s23;
	[tilespmem:v8+s31+$0x0] =	vst.idx.msk $0xffff, v2  }
0x18a: {  	s19 =	sor.u32 s1, s3;
	[tilespmem:v4+s31+$0x0] =	vst.idx.msk $0xffff, v3  }
0x18b: {  	v2 =	vld [tilespmem:s19+$0x6200]  }
0x18c: {  	v3 =	vld [tilespmem:s19+$0x6000]  }
0x18d: {  	v4 =	vld [tilespmem:s19+$0x5E00]  }
0x18e: {  	v5 =	vld [tilespmem:s19+$0x5C00]  }
0x18f: {  	v6 =	vld [tilespmem:s19+$0x5A00]  }
0x190: {  	v7 =	vld [tilespmem:s19+$0x5800]  }
0x191: {  	s12 =	smov.u32 s17;
	s23 =	simm.s32 $0x20;
	v8 =	vld [tilespmem:s19+$0x5600]  }
.LBB2_11:
0x192: {  	p0 =	seq.s32 s23, $0x1F0;
	v9 =	vld [tilespmem:s19+$0x5400]  }
0x193: {  	v10 =	vld [tilespmem:s19+$0xE400]  }
0x194: {  	v11 =	vld [tilespmem:s19+$0x9400]  }
0x195: {  	v12 =	vld [tilespmem:s19+$0xE600]  }
0x196: {  	v13 =	vld [tilespmem:s19+$0x9600]  }
0x197: {  	v14 =	vld [tilespmem:s19+$0xE800]  }
0x198: {  	v9 =	vmul.f32 v9, v10;
	v15 =	vld [tilespmem:s19+$0x9800]  }
0x199: {  	v10 =	vmul.f32 v11, v10;
	v11 =	vld [tilespmem:s19+$0xEA00]  }
0x19a: {  	v9 =	vadd.f32 $0.0e+00, v9;
	v8 =	vmul.f32 v8, v12;
	v16 =	vld [tilespmem:s19+$0x9A00]  }
0x19b: {  	v10 =	vadd.f32 $0.0e+00, v10;
	v12 =	vmul.f32 v13, v12;
	v13 =	vld [tilespmem:s19+$0xEC00]  }
0x19c: {  	v8 =	vadd.f32 v8, v9;
	v7 =	vmul.f32 v7, v14;
	v9 =	vld [tilespmem:s19+$0x9C00]  }
0x19d: {  	v10 =	vadd.f32 v12, v10;
	v12 =	vmul.f32 v15, v14;
	v14 =	vld [tilespmem:s19+$0xEE00]  }
0x19e: {  	v7 =	vadd.f32 v7, v8;
	v6 =	vmul.f32 v6, v11;
	v8 =	vld [tilespmem:s19+$0x9E00]  }
0x19f: {  	v10 =	vadd.f32 v12, v10;
	v11 =	vmul.f32 v16, v11;
	v12 =	vld [tilespmem:s19+$0xF000]  }
0x1a0: {  	v6 =	vadd.f32 v6, v7;
	v5 =	vmul.f32 v5, v13;
	v7 =	vld [tilespmem:s19+$0xA000]  }
0x1a1: {  	v10 =	vadd.f32 v11, v10;
	v9 =	vmul.f32 v9, v13;
	v11 =	vld [tilespmem:s19+$0xF200]  }
0x1a2: {  	v5 =	vadd.f32 v5, v6;
	v4 =	vmul.f32 v4, v14;
	v6 =	vld [tilespmem:s19+$0xA200]  }
0x1a3: {  	v9 =	vadd.f32 v9, v10;
	v8 =	vmul.f32 v8, v14  }
0x1a4: {  	s12 =	sadd.s32 $0x200, s12;
	v4 =	vadd.f32 v4, v5;
	v3 =	vmul.f32 v3, v12  }
0x1a5: {  	v5 =	vadd.f32 v8, v9;
	v7 =	vmul.f32 v7, v12;
	v8 =	vor.u32 s12, v0  }
0x1a6: {  	v3 =	vadd.f32 v3, v4;
	v2 =	vmul.f32 v2, v11;
	v4 =	vor.u32 s12, v1  }
0x1a7: {  	v5 =	vadd.f32 v7, v5;
	v6 =	vmul.f32 v6, v11  }
0x1a8: {  	v2 =	vadd.f32 v2, v3  }
0x1a9: {  	s1 =	sadd.s32 s23, s18;
	v3 =	vadd.f32 v6, v5  }
0x1aa: {  	s3 =	sand.u32 $0x70, s23;
	s1 =	sand.u32 $0x2180, s1;
	[tilespmem:v8+s31+$0x0] =	vst.idx.msk $0xffff, v2  }
0x1ab: {  	s19 =	sor.u32 s3, s1;
	[tilespmem:v4+s31+$0x0] =	vst.idx.msk $0xffff, v3  }
0x1ac: {  	v2 =	vld [tilespmem:s19+$0x6200]  }
0x1ad: {  	v3 =	vld [tilespmem:s19+$0x6000]  }
.Ltmp3:
0x1ae: {  	v4 =	vld [tilespmem:s19+$0x5E00];
	(pc) =	sbr.rel @!p0 .LBB2_11-.Ltmp3, $4  }
0x1af: {  	v5 =	vld [tilespmem:s19+$0x5C00]  }
0x1b0: {  	v6 =	vld [tilespmem:s19+$0x5A00]  }
0x1b1: {  	v7 =	vld [tilespmem:s19+$0x5800]  }
0x1b2: {  	s23 =	sadd.s32 $0x10, s23;
	v8 =	vld [tilespmem:s19+$0x5600]  }
0x1b3: {  	v9 =	vld [tilespmem:s19+$0x5400]  }
0x1b4: {  	v10 =	vld [tilespmem:s19+$0xE400]  }
0x1b5: {  	v11 =	vld [tilespmem:s19+$0x9400]  }
0x1b6: {  	v12 =	vld [tilespmem:s19+$0xE600]  }
0x1b7: {  	v13 =	vld [tilespmem:s19+$0x9600]  }
0x1b8: {  	v14 =	vld [tilespmem:s19+$0xE800]  }
0x1b9: {  	v15 =	vld [tilespmem:s19+$0x9800];
	v9 =	vmul.f32 v9, v10  }
0x1ba: {  	v51 =	vld [tilespmem:s19+$0xEA00];
	v10 =	vmul.f32 v11, v10  }
0x1bb: {  	v16 =	vld [tilespmem:s19+$0x9A00];
	v8 =	vmul.f32 v8, v12;
	v9 =	vadd.f32 $0.0e+00, v9  }
0x1bc: {  	v52 =	vld [tilespmem:s19+$0xEC00];
	v12 =	vmul.f32 v13, v12;
	v10 =	vadd.f32 $0.0e+00, v10  }
0x1bd: {  	v53 =	vld [tilespmem:s19+$0x9C00];
	v7 =	vmul.f32 v7, v14;
	v8 =	vadd.f32 v8, v9  }
0x1be: {  	v55 =	vld [tilespmem:s19+$0xEE00];
	v54 =	vmul.f32 v15, v14;
	v10 =	vadd.f32 v12, v10  }
0x1bf: {  	v56 =	vld [tilespmem:s19+$0x9E00];
	v6 =	vmul.f32 v6, v51;
	v7 =	vadd.f32 v7, v8  }
0x1c0: {  	v57 =	vld [tilespmem:s19+$0xF000];
	v11 =	vmul.f32 v16, v51;
	v10 =	vadd.f32 v54, v10  }
0x1c1: {  	v58 =	vld [tilespmem:s19+$0xA000];
	v5 =	vmul.f32 v5, v52;
	v6 =	vadd.f32 v6, v7  }
0x1c2: {  	v59 =	vld [tilespmem:s19+$0xF200];
	v9 =	vmul.f32 v53, v52;
	v10 =	vadd.f32 v11, v10  }
0x1c3: {  	v60 =	vld [tilespmem:s19+$0xA200];
	v4 =	vmul.f32 v4, v55;
	v5 =	vadd.f32 v5, v6  }
0x1c4: {  	v8 =	vmul.f32 v56, v55;
	v9 =	vadd.f32 v9, v10  }
0x1c5: {  	s1 =	sadd.s32 $0x200, s12;
	v3 =	vmul.f32 v3, v57;
	v4 =	vadd.f32 v4, v5  }
0x1c6: {  	v62 =	vor.u32 s1, v0;
	v7 =	vmul.f32 v58, v57;
	v61 =	vadd.f32 v8, v9  }
0x1c7: {  	v63 =	vor.u32 s1, v1;
	v2 =	vmul.f32 v2, v59;
	v3 =	vadd.f32 v3, v4  }
0x1c8: {  	v6 =	vmul.f32 v60, v59;
	v5 =	vadd.f32 v7, v61  }
0x1c9: {  	v2 =	vadd.f32 v2, v3  }
0x1ca: {  	v3 =	vadd.f32 v6, v5  }
0x1cb: {  	[tilespmem:v62+s31+$0x0] =	vst.idx.msk $0xffff, v2  }
0x1cc: {  	[tilespmem:v63+s31+$0x0] =	vst.idx.msk $0xffff, v3  }
0x1cd: {  	p0 =	seq.s32 s20, $0x10  }
.Ltmp4:
0x1ce: {  	_ = 	snop;
	(pc) =	sbr.rel @!p0 .LBB2_6-.Ltmp4, $2  }
0x1cf: {  	_ =	sdelay $0x2  }
0x1d0: {  	s11 =	sadd.s32 $0x2000, s11;
	s17 =	sadd.s32 $0x2, s17;
	s18 =	sadd.s32 $0x2000, s18  }
0x1d1: {  	v6 =	vld [tilespmem:$0xE00];
	s11 =	simm.s32 $0x0  }
0x1d2: {  	v2 =	vld [tilespmem:s11+$0x0]  }
0x1d3: {  	v3 =	vld [tilespmem:s11+$0x200]  }
0x1d4: {  	v4 =	vld [tilespmem:s11+$0x400]  }
0x1d5: {  	v7 =	vld [tilespmem:s11+$0x600];
	_ =	sdelay $0x3  }
0x1d6: {  	v5 =	vld [tilespmem:$0xF00];
	v8 =	vmul.f32 v2, v6;
	v9 =	vmul.f32 v3, v6  }
0x1d7: {  	v2 =	vld [tilespmem:$0xF40];
	v10 =	vmul.f32 v4, v6;
	v7 =	vmul.f32 v7, v6  }
0x1d8: {  	v3 =	vtrunc.f32 v8;
	v4 =	vtrunc.f32 v9  }
0x1d9: {  	v11 =	vtrunc.f32 v10;
	v12 =	vtrunc.f32 v7  }
0x1da: {  	v3 =	vcvt.f32.s32 v3;
	v13 =	vcvt.f32.s32 v4  }
0x1db: {  	v11 =	vcvt.f32.s32 v11;
	v12 =	vcvt.f32.s32 v12  }
0x1dc: {  	vm0 =	veq.s32 v2, $0x0;
	vm1 =	vlt.s32 v3, v5  }
0x1dd: {  	v4 =	vld [tilespmem:$0xF10];
	vm2 =	vlt.s32 v13, v5;
	vm3 =	vlt.s32 v11, v5;
	vm4 =	vlt.s32 v12, v5  }
0x1de: {  	v2 =	vsel vm1, v3, v5;
	v13 =	vsel vm2, v13, v5;
	v11 =	vsel vm3, v11, v5  }
0x1df: {  	v3 =	vld [tilespmem:$0xF20];
	v12 =	vsel vm4, v12, v5;
	vm1 =	vgt.s32 v2, $0x0;
	vm2 =	vgt.s32 v13, $0x0  }
0x1e0: {  	vm3 =	vgt.s32 v12, $0x0;
	v14 =	vnsel vm1, $0x0, v2;
	vm1 =	vgt.s32 v11, $0x0  }
0x1e1: {  	v13 =	vnsel vm2, $0x0, v13;
	v12 =	vnsel vm3, $0x0, v12;
	v15 =	vcvt.s32.f32 v14  }
0x1e2: {  	v2 =	vld [tilespmem:$0xF30];
	v11 =	vnsel vm1, $0x0, v11;
	v16 =	vcvt.s32.f32 v13;
	v13 =	vmul.u32 v4, v13  }
0x1e3: {  	v17 =	vcvt.s32.f32 v11;
	v8 =	vsub.f32 v8, v15;
	v15 =	vcvt.s32.f32 v12  }
0x1e4: {  	v9 =	vsub.f32 v9, v16;
	v11 =	vmul.u32 v3, v11;
	v28 =	vadd.s32 v14, v13  }
0x1e5: {  	v10 =	vsub.f32 v10, v17;
	v17 =	vadd.s32 v4, v13;
	v16 =	vsub.f32 $1.000000000e+00, v8  }
0x1e6: {  	v7 =	vsub.f32 v7, v15;
	v15 =	vadd.s32 $0x1, v14;
	v18 =	vsub.f32 $1.000000000e+00, v9  }
0x1e7: {  	v12 =	vmul.u32 v2, v12;
	v22 =	vadd.s32 v14, v17;
	v24 =	vxor.u32 v14, v17  }
0x1e8: {  	v27 =	vadd.s32 v3, v11;
	v14 =	vxor.u32 v14, v13;
	v34 =	vmul.f32 v9, v8  }
0x1e9: {  	v19 =	vsub.f32 $1.000000000e+00, v10;
	v25 =	vadd.s32 v15, v17;
	v17 =	vxor.u32 v15, v17  }
0x1ea: {  	v30 =	vadd.s32 v11, v22;
	v20 =	vsub.f32 $1.000000000e+00, v7;
	v21 =	vmul.f32 v9, v16  }
0x1eb: {  	v23 =	vmul.f32 v7, v10;
	v29 =	vmul.f32 v18, v16;
	v16 =	vadd.s32 v15, v13  }
0x1ec: {  	v13 =	vxor.u32 v15, v13;
	v18 =	vmul.f32 v18, v8;
	v8 =	vadd.s32 v11, v25  }
0x1ed: {  	v9 =	vxor.u32 v11, v17;
	v17 =	vxor.u32 v27, v17;
	v33 =	vadd.s32 v12, v30  }
0x1ee: {  	v7 =	vmul.f32 v7, v19;
	v32 =	vadd.s32 v11, v16;
	v16 =	vadd.s32 v16, v27  }
0x1ef: {  	v36 =	vadd.s32 v12, v8;
	v37 =	vxor.u32 v12, v9;
	v26 =	vmul.f32 v23, v21  }
0x1f0: {  	v41 =	vxor.u32 v12, v17;
	v15 =	vmul.f32 v20, v19;
	v31 =	vmul.f32 v20, v10  }
0x1f1: {  	v10 =	vxor.u32 v11, v24;
	v19 =	vadd.s32 v27, v22;
	v20 =	vxor.u32 v27, v24  }
0x1f2: {  	v22 =	vadd.s32 v27, v25;
	v24 =	vadd.s32 v11, v28;
	v25 =	vxor.u32 v11, v14  }
0x1f3: {  	v11 =	vxor.u32 v11, v13;
	v28 =	vadd.s32 v28, v27;
	v14 =	vxor.u32 v14, v27  }
0x1f4: {  	v13 =	vxor.u32 v13, v27;
	v27 =	vadd.s32 v2, v12;
	v50 =	vadd.s32 v12, v32  }
0x1f5: {  	v54 =	vadd.s32 v12, v16;
	v35 =	vxor.u32 v12, v10;
	v38 =	vadd.s32 v12, v19  }
0x1f6: {  	v39 =	vxor.u32 v12, v20;
	v40 =	vadd.s32 v12, v22;
	v30 =	vadd.s32 v27, v30  }
0x1f7: {  	v42 =	vxor.u32 v27, v10;
	v8 =	vadd.s32 v27, v8;
	v43 =	vxor.u32 v27, v9  }
0x1f8: {  	v44 =	vadd.s32 v27, v19;
	v45 =	vxor.u32 v27, v20;
	v46 =	vadd.s32 v12, v24  }
0x1f9: {  	v47 =	vadd.s32 v27, v22;
	v48 =	vxor.u32 v27, v17;
	v49 =	vxor.u32 v12, v25  }
0x1fa: {  	v51 =	vxor.u32 v12, v11;
	v52 =	vadd.s32 v12, v28;
	v53 =	vxor.u32 v12, v14  }
0x1fb: {  	v55 =	vxor.u32 v12, v13;
	v24 =	vadd.s32 v24, v27;
	v56 =	vxor.u32 v25, v27  }
0x1fc: {  	v57 =	vadd.s32 v32, v27;
	v58 =	vxor.u32 v11, v27;
	v19 =	vmul.f32 v7, v29  }
0x1fd: {  	v60 =	vxor.u32 v27, v14;
	v14 =	vmul.f32 v7, v18;
	v9 =	vmul.f32 v15, v29  }
0x1fe: {  	v59 =	vadd.s32 v27, v28;
	v10 =	vmul.f32 v15, v18;
	v12 =	vmul.f32 v15, v21  }
0x1ff: {  	[tilespmem:s11+$0x10000] =	vst v26;
	v11 =	vmul.f32 v15, v34;
	v17 =	vsel vm0, v38, v39;
	v28 =	vmul.f32 v31, v21  }
0x200: {  	v22 =	vsel vm0, v40, v41;
	v63 =	vmul.f32 v31, v34;
	v25 =	vsel vm0, v30, v42;
	[tilespmem:s11+$0xE400] =	vst v9  }
0x201: {  	v15 =	vmul.f32 v7, v21;
	v32 =	vsel vm0, v44, v45;
	v24 =	vsel vm0, v24, v56;
	[tilespmem:s11+$0xE600] =	vst v10  }
0x202: {  	v21 =	vsel vm0, v57, v58;
	v9 =	vadd.s32 v27, v16;
	[tilespmem:s11+$0xE800] =	vst v12;
	v12 =	vmul.f32 v31, v29  }
0x203: {  	s17 =	simm.s32 $0x10;
	v10 =	vxor.u32 v27, v13;
	v13 =	vsel vm0, v33, v35;
	[tilespmem:s11+$0xEA00] =	vst v11;
	v11 =	vmul.f32 v31, v18  }
0x204: {  	v16 =	vsel vm0, v36, v37;
	v27 =	vsel vm0, v8, v43;
	v8 =	vmul.f32 v23, v18;
	v20 =	vld [tilespmem:s17+$0x0];
	[tilespmem:s11+$0xEC00] =	vst v12  }
0x205: {  	v33 =	vsel vm0, v47, v48;
	v31 =	vsel vm0, v50, v51;
	v12 =	vmul.f32 v7, v34;
	v26 =	vld [tilespmem:s17+$0x200];
	[tilespmem:s11+$0xEE00] =	vst v11  }
0x206: {  	v18 =	vsel vm0, v59, v60;
	v7 =	vmul.f32 v23, v34;
	v11 =	vmul.f32 v23, v29;
	v30 =	vld [tilespmem:s17+$0x400];
	[tilespmem:s11+$0xF000] =	vst v28  }
0x207: {  	s18 =	simm.s32 $0x80;
	v29 =	vsel vm0, v46, v49;
	v23 =	vsel vm0, v54, v55;
	v28 =	vsel vm0, v52, v53;
	v34 =	vld [tilespmem:s17+$0x600];
	[tilespmem:s11+$0xF200] =	vst v63  }
.LBB2_14:
0x208: {  	p0 =	sne.s32 s18, $0x7C0;
	v13 =	vand.u32 $0x7FFFF, v13;
	v16 =	vand.u32 $0x7FFFF, v16;
	[tilespmem:s11+$0xF400] =	vst v19;
	v9 =	vsel vm0, v9, v10  }
0x209: {  	v10 =	vand.u32 $0x7FFFF, v17;
	v17 =	vand.u32 $0x7FFFF, v22;
	[tilespmem:s11+$0xF600] =	vst v14;
	v14 =	vand.u32 $0x7FFFF, v25  }
0x20a: {  	v19 =	vand.u32 $0x7FFFF, v32;
	v22 =	vand.u32 $0x7FFFF, v33;
	[tilespmem:s11+$0xF800] =	vst v15;
	v15 =	vand.u32 $0x7FFFF, v27  }
0x20b: {  	v20 =	vmul.f32 v20, v6;
	v25 =	vmul.f32 v26, v6;
	v26 =	vand.u32 $0x7FFFF, v29;
	[tilespmem:s11+$0xFA00] =	vst v12  }
0x20c: {  	v29 =	vand.u32 $0x7FFFF, v31;
	v12 =	vmul.f32 v30, v6;
	v27 =	vmul.f32 v34, v6;
	[tilespmem:s11+$0xFC00] =	vst v11  }
0x20d: {  	v28 =	vand.u32 $0x7FFFF, v28;
	v11 =	vtrunc.f32 v20;
	v30 =	vtrunc.f32 v25;
	[tilespmem:s11+$0xFE00] =	vst v8  }
0x20e: {  	v8 =	vtrunc.f32 v12;
	v31 =	vtrunc.f32 v27;
	[tilespmem:s11+$0x1800] =	vst v13;
	v13 =	vand.u32 $0x7FFFF, v23  }
0x20f: {  	v11 =	vcvt.f32.s32 v11;
	v23 =	vcvt.f32.s32 v30;
	[tilespmem:s11+$0x1A00] =	vst v16;
	v16 =	vand.u32 $0x7FFFF, v24  }
0x210: {  	v8 =	vcvt.f32.s32 v8;
	v24 =	vcvt.f32.s32 v31;
	[tilespmem:s11+$0x2000] =	vst v10;
	v10 =	vand.u32 $0x7FFFF, v21  }
0x211: {  	v9 =	vand.u32 $0x7FFFF, v9;
	vm1 =	vlt.s32 v11, v5;
	[tilespmem:s11+$0x2200] =	vst v17;
	v17 =	vand.u32 $0x7FFFF, v18  }
0x212: {  	vm2 =	vlt.s32 v23, v5;
	vm3 =	vlt.s32 v8, v5;
	vm4 =	vlt.s32 v24, v5;
	[tilespmem:s11+$0x2800] =	vst v14  }
0x213: {  	v11 =	vsel vm1, v11, v5;
	v8 =	vsel vm3, v8, v5;
	v14 =	vsel vm2, v23, v5;
	[tilespmem:s11+$0x2A00] =	vst v15  }
0x214: {  	vm1 =	vgt.s32 v11, $0x0;
	vm2 =	vgt.s32 v14, $0x0;
	v15 =	vsel vm4, v24, v5;
	[tilespmem:s11+$0x3000] =	vst v19  }
0x215: {  	v11 =	vnsel vm1, $0x0, v11;
	vm1 =	vgt.s32 v8, $0x0;
	vm3 =	vgt.s32 v15, $0x0;
	[tilespmem:s11+$0x3200] =	vst v22  }
0x216: {  	v18 =	vcvt.s32.f32 v11;
	v8 =	vnsel vm1, $0x0, v8;
	v14 =	vnsel vm2, $0x0, v14;
	[tilespmem:s11+$0x10200] =	vst v7  }
0x217: {  	v19 =	vcvt.s32.f32 v8;
	v15 =	vnsel vm3, $0x0, v15;
	v7 =	vcvt.s32.f32 v14;
	[tilespmem:s11+$0x1400] =	vst v26  }
0x218: {  	v18 =	vsub.f32 v20, v18;
	v14 =	vmul.u32 v4, v14;
	v20 =	vcvt.s32.f32 v15;
	[tilespmem:s11+$0x1600] =	vst v29  }
0x219: {  	v8 =	vmul.u32 v3, v8;
	v12 =	vsub.f32 v12, v19;
	v21 =	vsub.f32 v25, v7;
	[tilespmem:s11+$0x1C00] =	vst v28  }
0x21a: {  	v19 =	vsub.f32 $1.000000000e+00, v18;
	v22 =	vadd.s32 v4, v14;
	v20 =	vsub.f32 v27, v20;
	[tilespmem:s11+$0x1E00] =	vst v13  }
0x21b: {  	v24 =	vsub.f32 $1.000000000e+00, v12;
	v13 =	vadd.s32 $0x1, v11;
	v23 =	vsub.f32 $1.000000000e+00, v21;
	[tilespmem:s11+$0x2400] =	vst v16  }
0x21c: {  	v26 =	vmul.f32 v21, v19;
	v7 =	vmul.f32 v20, v12;
	v16 =	vsub.f32 $1.000000000e+00, v20;
	[tilespmem:s11+$0x2600] =	vst v10  }
0x21d: {  	v25 =	vxor.u32 v11, v22;
	v10 =	vmul.u32 v2, v15;
	v15 =	vadd.s32 v11, v22;
	[tilespmem:s11+$0x2C00] =	vst v17  }
0x21e: {  	v27 =	vmul.f32 v7, v26;
	v17 =	vadd.s32 v13, v22;
	v22 =	vxor.u32 v13, v22;
	[tilespmem:s11+$0x2E00] =	vst v9;
	s11 =	smov.u32 s17  }
0x21f: {  	v28 =	vadd.s32 v11, v14;
	v11 =	vxor.u32 v11, v14;
	v9 =	vadd.s32 v3, v8  }
0x220: {  	v29 =	vmul.f32 v23, v19;
	v19 =	vadd.s32 v13, v14;
	v13 =	vxor.u32 v13, v14;
	[tilespmem:s11+$0x10000] =	vst v27  }
0x221: {  	v23 =	vmul.f32 v23, v18;
	v14 =	vmul.f32 v16, v24;
	v27 =	vadd.s32 v8, v15  }
0x222: {  	v20 =	vmul.f32 v20, v24;
	v12 =	vmul.f32 v16, v12;
	v16 =	vxor.u32 v8, v25  }
0x223: {  	v18 =	vmul.f32 v21, v18;
	v21 =	vadd.s32 v8, v17;
	v24 =	vxor.u32 v8, v22  }
0x224: {  	v25 =	vxor.u32 v9, v25;
	v17 =	vadd.s32 v9, v17;
	v15 =	vadd.s32 v9, v15  }
0x225: {  	v30 =	vadd.s32 v8, v28;
	v31 =	vxor.u32 v8, v11;
	v22 =	vxor.u32 v9, v22  }
0x226: {  	v32 =	vadd.s32 v8, v19;
	v28 =	vadd.s32 v28, v9;
	v8 =	vxor.u32 v8, v13  }
0x227: {  	v11 =	vxor.u32 v11, v9;
	v19 =	vadd.s32 v19, v9;
	v13 =	vxor.u32 v13, v9  }
0x228: {  	v33 =	vadd.s32 v2, v10;
	v35 =	vxor.u32 v10, v16;
	v34 =	vadd.s32 v10, v27  }
0x229: {  	v36 =	vadd.s32 v10, v21;
	v37 =	vxor.u32 v10, v24;
	v38 =	vadd.s32 v10, v15  }
0x22a: {  	v39 =	vxor.u32 v10, v25;
	v40 =	vadd.s32 v10, v17;
	v41 =	vxor.u32 v10, v22  }
0x22b: {  	v42 =	vxor.u32 v33, v16;
	v21 =	vadd.s32 v33, v21;
	v27 =	vadd.s32 v33, v27  }
0x22c: {  	v24 =	vxor.u32 v33, v24;
	v44 =	vxor.u32 v33, v25;
	v43 =	vadd.s32 v33, v15  }
0x22d: {  	v45 =	vadd.s32 v10, v30;
	v46 =	vadd.s32 v33, v17;
	v47 =	vxor.u32 v33, v22  }
0x22e: {  	v48 =	vxor.u32 v10, v31;
	v49 =	vadd.s32 v10, v32;
	v50 =	vxor.u32 v10, v8  }
0x22f: {  	v51 =	vadd.s32 v10, v28;
	v52 =	vxor.u32 v10, v11;
	v53 =	vadd.s32 v10, v19  }
0x230: {  	v55 =	vadd.s32 v30, v33;
	v56 =	vxor.u32 v31, v33;
	v54 =	vxor.u32 v10, v13  }
0x231: {  	v57 =	vadd.s32 v32, v33;
	v59 =	vadd.s32 v33, v28;
	v58 =	vxor.u32 v8, v33  }
0x232: {  	v60 =	vxor.u32 v33, v11;
	v9 =	vadd.s32 v33, v19;
	v10 =	vxor.u32 v33, v13  }
0x233: {  	v11 =	vmul.f32 v14, v23;
	v8 =	vmul.f32 v14, v29;
	v13 =	vsel vm0, v34, v35  }
0x234: {  	v16 =	vsel vm0, v36, v37;
	v28 =	vmul.f32 v14, v18;
	v15 =	vmul.f32 v14, v26  }
0x235: {  	v30 =	vmul.f32 v12, v23;
	v17 =	vsel vm0, v38, v39;
	[tilespmem:s11+$0xE400] =	vst v8;
	v8 =	vmul.f32 v12, v29  }
0x236: {  	v22 =	vsel vm0, v40, v41;
	v34 =	vmul.f32 v12, v26;
	v35 =	vmul.f32 v12, v18;
	[tilespmem:s11+$0xE600] =	vst v11  }
0x237: {  	v19 =	vmul.f32 v20, v29;
	v14 =	vmul.f32 v20, v23;
	v25 =	vsel vm0, v27, v42;
	[tilespmem:s11+$0xE800] =	vst v15  }
.Ltmp5:
0x238: {  	s17 =	sshra.s32 s18, $0x2;
	v27 =	vsel vm0, v21, v24;
	v12 =	vmul.f32 v20, v18;
	v15 =	vmul.f32 v20, v26;
	[tilespmem:s11+$0xEA00] =	vst v28;
	(pc) =	sbr.rel @p0 .LBB2_14-.Ltmp5, $4  }
0x239: {  	v32 =	vsel vm0, v43, v44;
	v11 =	vmul.f32 v7, v29;
	v20 =	vld [tilespmem:s17+$0x0];
	[tilespmem:s11+$0xEC00] =	vst v8;
	v8 =	vmul.f32 v7, v23  }
0x23a: {  	v33 =	vsel vm0, v46, v47;
	v29 =	vsel vm0, v45, v48;
	v7 =	vmul.f32 v7, v18;
	v26 =	vld [tilespmem:s17+$0x200];
	[tilespmem:s11+$0xEE00] =	vst v30  }
0x23b: {  	v31 =	vsel vm0, v49, v50;
	v28 =	vsel vm0, v51, v52;
	v23 =	vsel vm0, v53, v54;
	v30 =	vld [tilespmem:s17+$0x400];
	[tilespmem:s11+$0xF000] =	vst v34  }
0x23c: {  	s18 =	sadd.s32 $0x40, s18;
	v24 =	vsel vm0, v55, v56;
	v21 =	vsel vm0, v57, v58;
	v18 =	vsel vm0, v59, v60;
	v34 =	vld [tilespmem:s17+$0x600];
	[tilespmem:s11+$0xF200] =	vst v35  }
0x23d: {  	v13 =	vand.u32 $0x7FFFF, v13;
	v16 =	vand.u32 $0x7FFFF, v16  }
0x23e: {  	v9 =	vsel vm0, v9, v10;
	v39 =	vand.u32 $0x7FFFF, v17;
	v40 =	vand.u32 $0x7FFFF, v22  }
0x23f: {  	v41 =	vand.u32 $0x7FFFF, v25;
	v42 =	vand.u32 $0x7FFFF, v27;
	v43 =	vand.u32 $0x7FFFF, v32  }
0x240: {  	v44 =	vand.u32 $0x7FFFF, v33;
	v29 =	vand.u32 $0x7FFFF, v29;
	v31 =	vand.u32 $0x7FFFF, v31  }
0x241: {  	v48 =	vand.u32 $0x7FFFF, v28;
	v50 =	vand.u32 $0x7FFFF, v23;
	v20 =	vmul.f32 v20, v6  }
0x242: {  	v53 =	vand.u32 $0x7FFFF, v24;
	v26 =	vmul.f32 v26, v6;
	v30 =	vmul.f32 v30, v6  }
0x243: {  	v56 =	vand.u32 $0x7FFFF, v21;
	v46 =	vtrunc.f32 v20;
	v45 =	vmul.f32 v34, v6  }
0x244: {  	v18 =	vand.u32 $0x7FFFF, v18;
	v47 =	vtrunc.f32 v26;
	v51 =	vcvt.f32.s32 v46  }
0x245: {  	v9 =	vand.u32 $0x7FFFF, v9;
	v49 =	vtrunc.f32 v30;
	v52 =	vcvt.f32.s32 v47  }
0x246: {  	v35 =	vtrunc.f32 v45;
	v54 =	vcvt.f32.s32 v49;
	vm1 =	vlt.s32 v51, v5  }
0x247: {  	v55 =	vcvt.f32.s32 v35;
	vm2 =	vlt.s32 v52, v5;
	v57 =	vsel vm1, v51, v5  }
0x248: {  	vm3 =	vlt.s32 v54, v5;
	v58 =	vsel vm2, v52, v5;
	vm1 =	vgt.s32 v57, $0x0  }
0x249: {  	[tilespmem:s11+$0xF400] =	vst v19;
	vm4 =	vlt.s32 v55, v5;
	v59 =	vsel vm3, v54, v5;
	vm2 =	vgt.s32 v58, $0x0  }
0x24a: {  	[tilespmem:s11+$0xFE00] =	vst v8;
	v8 =	vnsel vm1, $0x0, v57;
	v60 =	vsel vm4, v55, v5;
	vm14 =	vgt.s32 v59, $0x0  }
0x24b: {  	[tilespmem:s11+$0xFC00] =	vst v11;
	v61 =	vcvt.s32.f32 v8;
	v11 =	vnsel vm2, $0x0, v58;
	v34 =	vadd.s32 $0x1, v8  }
0x24c: {  	[tilespmem:s11+$0xF600] =	vst v14;
	vm15 =	vgt.s32 v60, $0x0;
	v62 =	vnsel vm14, $0x0, v59;
	v63 =	vcvt.s32.f32 v11  }
0x24d: {  	[tilespmem:s11+$0x1800] =	vst v13;
	v11 =	vmul.u32 v4, v11;
	v24 =	vcvt.s32.f32 v62;
	v5 =	vnsel vm15, $0x0, v60  }
0x24e: {  	[tilespmem:s11+$0x1A00] =	vst v16;
	v10 =	vsub.f32 v20, v61;
	v13 =	vmul.u32 v3, v62;
	v28 =	vcvt.s32.f32 v5  }
0x24f: {  	[tilespmem:s11+$0x2A00] =	vst v42;
	v16 =	vsub.f32 v26, v63;
	v4 =	vadd.s32 v4, v11;
	v5 =	vmul.u32 v2, v5  }
0x250: {  	[tilespmem:s11+$0x3000] =	vst v43;
	v42 =	vadd.s32 v8, v11;
	v43 =	vadd.s32 v34, v11;
	v17 =	vsub.f32 v30, v24  }
0x251: {  	[tilespmem:s11+$0x2000] =	vst v39;
	v33 =	vsub.f32 $1.000000000e+00, v10;
	v38 =	vadd.s32 v8, v4;
	v39 =	vxor.u32 v8, v4  }
0x252: {  	[tilespmem:s11+$0x2200] =	vst v40;
	v40 =	vadd.s32 v34, v4;
	v4 =	vxor.u32 v34, v4;
	v3 =	vadd.s32 v3, v13  }
0x253: {  	[tilespmem:s11+$0xF800] =	vst v15;
	v8 =	vxor.u32 v8, v11;
	v11 =	vxor.u32 v34, v11;
	v55 =	vadd.s32 v13, v42  }
0x254: {  	[tilespmem:s11+$0x1C00] =	vst v48;
	v58 =	vadd.s32 v13, v43;
	v6 =	vsub.f32 v45, v28;
	v35 =	vsub.f32 $1.000000000e+00, v16  }
0x255: {  	[tilespmem:s11+$0x1E00] =	vst v50;
	v46 =	vadd.s32 v13, v38;
	v47 =	vxor.u32 v13, v39;
	v48 =	vadd.s32 v13, v40  }
0x256: {  	[tilespmem:s11+$0x2400] =	vst v53;
	v49 =	vxor.u32 v13, v4;
	v50 =	vadd.s32 v3, v38;
	v52 =	vxor.u32 v3, v39  }
0x257: {  	[tilespmem:s11+$0x2600] =	vst v56;
	v53 =	vadd.s32 v3, v40;
	v56 =	vxor.u32 v13, v8;
	v4 =	vxor.u32 v3, v4  }
0x258: {  	[tilespmem:s11+$0xFA00] =	vst v12;
	v13 =	vxor.u32 v13, v11;
	v26 =	vadd.s32 v42, v3;
	v8 =	vxor.u32 v8, v3  }
0x259: {  	[tilespmem:s11+$0x10200] =	vst v7;
	v21 =	vadd.s32 v43, v3;
	v3 =	vxor.u32 v11, v3;
	v2 =	vadd.s32 v2, v5  }
0x25a: {  	[tilespmem:s11+$0x2800] =	vst v41;
	v36 =	vsub.f32 $1.000000000e+00, v17;
	v24 =	vmul.f32 v16, v33;
	v39 =	vadd.s32 v5, v50  }
0x25b: {  	[tilespmem:s11+$0x2C00] =	vst v18;
	v40 =	vxor.u32 v5, v52;
	v43 =	vxor.u32 v5, v4;
	v12 =	vadd.s32 v2, v46  }
0x25c: {  	[tilespmem:s11+$0x2E00] =	vst v9;
	v7 =	vxor.u32 v2, v47;
	v9 =	vxor.u32 v2, v49;
	v18 =	vadd.s32 v2, v50  }
0x25d: {  	[tilespmem:s11+$0x3200] =	vst v44;
	v19 =	vxor.u32 v2, v52;
	v23 =	vadd.s32 v2, v53;
	v4 =	vxor.u32 v2, v4  }
0x25e: {  	[tilespmem:s11+$0x1400] =	vst v29;
	v25 =	vmul.f32 v6, v17;
	v44 =	vmul.f32 v35, v10;
	v11 =	vsel vm0, v39, v40  }
0x25f: {  	[tilespmem:s11+$0x1600] =	vst v31;
	v10 =	vmul.f32 v16, v10;
	v7 =	vsel vm0, v12, v7;
	v11 =	vand.u32 $0x7FFFF, v11  }
0x260: {  	v16 =	vadd.s32 v2, v48;
	v52 =	vsel vm0, v18, v19;
	v7 =	vand.u32 $0x7FFFF, v7;
	[tilespmem:s17+$0x2000] =	vst v11  }
0x261: {  	v4 =	vsel vm0, v23, v4;
	v9 =	vsel vm0, v16, v9;
	v16 =	vand.u32 $0x7FFFF, v52;
	[tilespmem:s17+$0x2800] =	vst v7  }
0x262: {  	v37 =	vsub.f32 $1.000000000e+00, v6;
	v14 =	vmul.f32 v35, v33;
	v4 =	vand.u32 $0x7FFFF, v4;
	[tilespmem:s17+$0x3000] =	vst v16  }
0x263: {  	v6 =	vmul.f32 v6, v36;
	v41 =	vmul.f32 v25, v24;
	v9 =	vand.u32 $0x7FFFF, v9;
	[tilespmem:s17+$0x3200] =	vst v4  }
0x264: {  	v45 =	vmul.f32 v37, v36;
	v15 =	vmul.f32 v25, v44;
	[tilespmem:s17+$0x2A00] =	vst v9  }
0x265: {  	v38 =	vmul.f32 v6, v14;
	[tilespmem:s17+$0x10000] =	vst v41  }
0x266: {  	v51 =	vmul.f32 v45, v14;
	[tilespmem:s17+$0xFE00] =	vst v15  }
0x267: {  	v54 =	vmul.f32 v45, v44;
	[tilespmem:s17+$0xF400] =	vst v38  }
0x268: {  	v17 =	vmul.f32 v37, v17;
	v57 =	vmul.f32 v45, v24;
	[tilespmem:s17+$0xE400] =	vst v51  }
0x269: {  	v20 =	vmul.f32 v45, v10;
	[tilespmem:s17+$0xE600] =	vst v54  }
0x26a: {  	v59 =	vmul.f32 v17, v14;
	[tilespmem:s17+$0xE800] =	vst v57  }
0x26b: {  	v60 =	vmul.f32 v17, v44;
	[tilespmem:s17+$0xEA00] =	vst v20  }
0x26c: {  	v61 =	vmul.f32 v17, v24;
	[tilespmem:s17+$0xEC00] =	vst v59  }
0x26d: {  	v17 =	vmul.f32 v17, v10;
	[tilespmem:s17+$0xEE00] =	vst v60  }
0x26e: {  	v62 =	vadd.s32 v5, v46;
	v63 =	vxor.u32 v5, v47;
	v41 =	vmul.f32 v6, v44;
	[tilespmem:s17+$0xF000] =	vst v61  }
0x26f: {  	v42 =	vadd.s32 v5, v53;
	v46 =	vxor.u32 v5, v56;
	v24 =	vmul.f32 v6, v24;
	[tilespmem:s17+$0xF200] =	vst v17  }
0x270: {  	v47 =	vadd.s32 v5, v58;
	v50 =	vadd.s32 v5, v26;
	v6 =	vmul.f32 v6, v10;
	[tilespmem:s17+$0xF600] =	vst v41  }
0x271: {  	v36 =	vadd.s32 v5, v48;
	v37 =	vxor.u32 v5, v49;
	v14 =	vmul.f32 v25, v14;
	[tilespmem:s17+$0xF800] =	vst v24  }
0x272: {  	v53 =	vadd.s32 v5, v21;
	v56 =	vxor.u32 v56, v2;
	v45 =	vsel vm0, v36, v37;
	[tilespmem:s17+$0xFA00] =	vst v6  }
0x273: {  	v48 =	vxor.u32 v5, v13;
	v20 =	vsel vm0, v62, v63;
	[tilespmem:s17+$0xFC00] =	vst v14;
	v14 =	vand.u32 $0x7FFFF, v45  }
0x274: {  	v44 =	vadd.s32 v5, v55;
	v17 =	vsel vm0, v42, v43;
	v20 =	vand.u32 $0x7FFFF, v20;
	[tilespmem:s17+$0x1A00] =	vst v14  }
0x275: {  	v55 =	vadd.s32 v55, v2;
	v54 =	vmul.f32 v25, v10;
	v49 =	vand.u32 $0x7FFFF, v17;
	[tilespmem:s17+$0x1800] =	vst v20  }
0x276: {  	v51 =	vxor.u32 v5, v8;
	v5 =	vxor.u32 v5, v3;
	v6 =	vsel vm0, v44, v46;
	[tilespmem:s17+$0x2200] =	vst v49  }
0x277: {  	v57 =	vadd.s32 v58, v2;
	v10 =	vsel vm0, v55, v56;
	v6 =	vand.u32 $0x7FFFF, v6;
	[tilespmem:s17+$0x10200] =	vst v54  }
0x278: {  	v58 =	vxor.u32 v13, v2;
	v14 =	vsel vm0, v47, v48;
	v63 =	vand.u32 $0x7FFFF, v10;
	[tilespmem:s17+$0x1400] =	vst v6  }
0x279: {  	v60 =	vadd.s32 v2, v26;
	v11 =	vsel vm0, v50, v51;
	v59 =	vand.u32 $0x7FFFF, v14;
	[tilespmem:s17+$0x2400] =	vst v63  }
0x27a: {  	v8 =	vxor.u32 v2, v8;
	v5 =	vsel vm0, v53, v5;
	v61 =	vand.u32 $0x7FFFF, v11;
	[tilespmem:s17+$0x1600] =	vst v59  }
0x27b: {  	v62 =	vadd.s32 v2, v21;
	v4 =	vsel vm0, v57, v58;
	v5 =	vand.u32 $0x7FFFF, v5;
	[tilespmem:s17+$0x1C00] =	vst v61  }
0x27c: {  	v2 =	vxor.u32 v2, v3;
	v3 =	vsel vm0, v60, v8;
	v4 =	vand.u32 $0x7FFFF, v4;
	[tilespmem:s17+$0x1E00] =	vst v5  }
0x27d: {  	v2 =	vsel vm0, v62, v2;
	v3 =	vand.u32 $0x7FFFF, v3;
	[tilespmem:s17+$0x2600] =	vst v4  }
0x27e: {  	v2 =	vand.u32 $0x7FFFF, v2;
	[tilespmem:s17+$0x2C00] =	vst v3  }
0x27f: {  	s1 =	simm.s32 $0x5400;
	[tilespmem:s17+$0x2E00] =	vst v2  }
0x280: {  	[tilespmem:s1], [sflag:$0x1] =	stream.indirect.gather [hbm4b:s7+s25], $0x1, s29, s25, $0xb8;
	[tilespmem:$0x1A600] =	vst v63  }
0x281: {  	s20 =	simm.s32 $0x9400  }
0x282: {  	[tilespmem:s20], [sflag:$0x1] =	stream.indirect.gather [hbm4b:s8+s25], $0x1, s29, s25, $0xb8;
	[tilespmem:$0x1A600] =	vst v63  }
0x283: {  	s23 =	simm.s32 $0x5600  }
0x284: {  	[tilespmem:s23], [sflag:$0x1] =	stream.indirect.gather [hbm4b:s7+s25], $0x1, s0, s25, $0xb8;
	[tilespmem:$0x1A600] =	vst v63  }
0x285: {  	s24 =	simm.s32 $0x9600  }
0x286: {  	[tilespmem:s24], [sflag:$0x1] =	stream.indirect.gather [hbm4b:s8+s25], $0x1, s0, s25, $0xb8;
	[tilespmem:$0x1A600] =	vst v63  }
0x287: {  	s3 =	simm.s32 $0x5800  }
0x288: {  	[tilespmem:s3], [sflag:$0x1] =	stream.indirect.gather [hbm4b:s7+s25], $0x1, s22, s25, $0xb8;
	[tilespmem:$0x1A600] =	vst v63  }
0x289: {  	s4 =	simm.s32 $0x9800  }
0x28a: {  	[tilespmem:s4], [sflag:$0x1] =	stream.indirect.gather [hbm4b:s8+s25], $0x1, s22, s25, $0xb8;
	[tilespmem:$0x1A600] =	vst v63  }
0x28b: {  	s11 =	simm.s32 $0x5A00  }
0x28c: {  	[tilespmem:s11], [sflag:$0x1] =	stream.indirect.gather [hbm4b:s7+s25], $0x1, s10, s25, $0xb8;
	[tilespmem:$0x1A600] =	vst v63  }
0x28d: {  	s12 =	simm.s32 $0x9A00  }
0x28e: {  	[tilespmem:s12], [sflag:$0x1] =	stream.indirect.gather [hbm4b:s8+s25], $0x1, s10, s25, $0xb8;
	[tilespmem:$0x1A600] =	vst v63  }
0x28f: {  	s17 =	simm.s32 $0x5C00  }
0x290: {  	[tilespmem:s17], [sflag:$0x1] =	stream.indirect.gather [hbm4b:s7+s25], $0x1, s9, s25, $0xb8;
	[tilespmem:$0x1A600] =	vst v63  }
0x291: {  	s18 =	simm.s32 $0x9C00  }
0x292: {  	[tilespmem:s18], [sflag:$0x1] =	stream.indirect.gather [hbm4b:s8+s25], $0x1, s9, s25, $0xb8;
	[tilespmem:$0x1A600] =	vst v63  }
0x293: {  	s19 =	simm.s32 $0x5E00  }
0x294: {  	[tilespmem:s19], [sflag:$0x1] =	stream.indirect.gather [hbm4b:s7+s25], $0x1, s26, s25, $0xb8;
	[tilespmem:$0x1A600] =	vst v63  }
0x295: {  	s20 =	simm.s32 $0x9E00  }
0x296: {  	[tilespmem:s20], [sflag:$0x1] =	stream.indirect.gather [hbm4b:s8+s25], $0x1, s26, s25, $0xb8;
	[tilespmem:$0x1A600] =	vst v63  }
0x297: {  	s23 =	simm.s32 $0x6000;
	s17 =	simm.s32 $0x2000  }
0x298: {  	[tilespmem:s23], [sflag:$0x1] =	stream.indirect.gather [hbm4b:s7+s25], $0x1, s17, s25, $0xb8;
	[tilespmem:$0x1A600] =	vst v63  }
0x299: {  	s24 =	simm.s32 $0xA000  }
0x29a: {  	[tilespmem:s24], [sflag:$0x1] =	stream.indirect.gather [hbm4b:s8+s25], $0x1, s17, s25, $0xb8;
	[tilespmem:$0x1A600] =	vst v63  }
0x29b: {  	s3 =	simm.s32 $0x6200  }
0x29c: {  	[tilespmem:s3], [sflag:$0x1] =	stream.indirect.gather [hbm4b:s7+s25], $0x1, s16, s25, $0xb8;
	[tilespmem:$0x1A600] =	vst v63  }
0x29d: {  	s4 =	simm.s32 $0xA200  }
0x29e: {  	[tilespmem:s4], [sflag:$0x1] =	stream.indirect.gather [hbm4b:s8+s25], $0x1, s16, s25, $0xb8;
	[tilespmem:$0x1A600] =	vst v63  }
0x29f: {  	s11 =	simm.s32 $0x2400;
	s3 =	simm.s32 $0x6400  }
0x2a0: {  	[tilespmem:s3], [sflag:$0x1] =	stream.indirect.gather [hbm4b:s7+s25], $0x1, s11, s25, $0xb8;
	[tilespmem:$0x1A600] =	vst v63  }
0x2a1: {  	s12 =	simm.s32 $0xA400  }
0x2a2: {  	[tilespmem:s12], [sflag:$0x1] =	stream.indirect.gather [hbm4b:s8+s25], $0x1, s11, s25, $0xb8;
	[tilespmem:$0x1A600] =	vst v63  }
0x2a3: {  	s18 =	simm.s32 $0x2600;
	s19 =	simm.s32 $0x6600  }
0x2a4: {  	[tilespmem:s19], [sflag:$0x1] =	stream.indirect.gather [hbm4b:s7+s25], $0x1, s18, s25, $0xb8;
	[tilespmem:$0x1A600] =	vst v63  }
0x2a5: {  	s20 =	simm.s32 $0xA600  }
0x2a6: {  	[tilespmem:s20], [sflag:$0x1] =	stream.indirect.gather [hbm4b:s8+s25], $0x1, s18, s25, $0xb8;
	[tilespmem:$0x1A600] =	vst v63  }
0x2a7: {  	s23 =	simm.s32 $0x2800;
	s24 =	simm.s32 $0x6800  }
0x2a8: {  	[tilespmem:s24], [sflag:$0x1] =	stream.indirect.gather [hbm4b:s7+s25], $0x1, s23, s25, $0xb8;
	[tilespmem:$0x1A600] =	vst v63  }
0x2a9: {  	s4 =	simm.s32 $0xA800  }
0x2aa: {  	[tilespmem:s4], [sflag:$0x1] =	stream.indirect.gather [hbm4b:s8+s25], $0x1, s23, s25, $0xb8;
	[tilespmem:$0x1A600] =	vst v63  }
0x2ab: {  	s11 =	simm.s32 $0x2A00;
	s12 =	simm.s32 $0x6A00  }
0x2ac: {  	[tilespmem:s12], [sflag:$0x1] =	stream.indirect.gather [hbm4b:s7+s25], $0x1, s11, s25, $0xb8;
	[tilespmem:$0x1A600] =	vst v63  }
0x2ad: {  	s18 =	simm.s32 $0xAA00  }
0x2ae: {  	[tilespmem:s18], [sflag:$0x1] =	stream.indirect.gather [hbm4b:s8+s25], $0x1, s11, s25, $0xb8;
	[tilespmem:$0x1A600] =	vst v63  }
0x2af: {  	s19 =	simm.s32 $0x2C00;
	s20 =	simm.s32 $0x6C00  }
0x2b0: {  	[tilespmem:s20], [sflag:$0x1] =	stream.indirect.gather [hbm4b:s7+s25], $0x1, s19, s25, $0xb8;
	[tilespmem:$0x1A600] =	vst v63  }
0x2b1: {  	s23 =	simm.s32 $0xAC00  }
0x2b2: {  	[tilespmem:s23], [sflag:$0x1] =	stream.indirect.gather [hbm4b:s8+s25], $0x1, s19, s25, $0xb8;
	[tilespmem:$0x1A600] =	vst v63  }
0x2b3: {  	s24 =	simm.s32 $0x2E00;
	s4 =	simm.s32 $0x6E00  }
0x2b4: {  	[tilespmem:s4], [sflag:$0x1] =	stream.indirect.gather [hbm4b:s7+s25], $0x1, s24, s25, $0xb8;
	[tilespmem:$0x1A600] =	vst v63  }
0x2b5: {  	s11 =	simm.s32 $0xAE00  }
0x2b6: {  	[tilespmem:s11], [sflag:$0x1] =	stream.indirect.gather [hbm4b:s8+s25], $0x1, s24, s25, $0xb8;
	[tilespmem:$0x1A600] =	vst v63  }
0x2b7: {  	s12 =	simm.s32 $0x3000;
	s18 =	simm.s32 $0x7000  }
0x2b8: {  	[tilespmem:s18], [sflag:$0x1] =	stream.indirect.gather [hbm4b:s7+s25], $0x1, s12, s25, $0xb8;
	[tilespmem:$0x1A600] =	vst v63  }
0x2b9: {  	s19 =	simm.s32 $0xB000  }
0x2ba: {  	[tilespmem:s19], [sflag:$0x1] =	stream.indirect.gather [hbm4b:s8+s25], $0x1, s12, s25, $0xb8;
	[tilespmem:$0x1A600] =	vst v63  }
0x2bb: {  	s20 =	simm.s32 $0x3200;
	s23 =	simm.s32 $0x7200  }
0x2bc: {  	[tilespmem:s23], [sflag:$0x1] =	stream.indirect.gather [hbm4b:s7+s25], $0x1, s20, s25, $0xb8;
	[tilespmem:$0x1A600] =	vst v63  }
0x2bd: {  	s24 =	simm.s32 $0xB200  }
0x2be: {  	[tilespmem:s24], [sflag:$0x1] =	stream.indirect.gather [hbm4b:s8+s25], $0x1, s20, s25, $0xb8;
	[tilespmem:$0x1A600] =	vst v63  }
0x2bf: {  	s11 =	simm.s32 $0x0;
	s18 =	simm.s32 $0x0;
	s20 =	simm.s32 $0x0  }
.LBB2_17:
0x2c0: {  	p0 =	seq.s32 s20, $0xF  }
.Ltmp6:
0x2c1: {  	_ = 	snop;
	(pc) =	sbr.rel @p0 .LBB2_21-.Ltmp6, $2  }
0x2c2: {  	_ =	sdelay $0x2  }
0x2c3: {  	s20 =	sadd.s32 $0x1, s20  }
0x2c4: {  	s1 =	smul.u32 $0x140, s20;
	_ =	sdelay $0x1  }
0x2c5: {  	s3 =	sshll.u32 s20, $0x4;
	s1 =	sshra.s32 s1, $0x2  }
0x2c6: {  	s3 =	sand.u32 $0x3FFFFFF0, s3;
	v8 =	vld [tilespmem:s1+$0xF40]  }
0x2c7: {  	v2 =	vld [tilespmem:s3+$0xE00]  }
0x2c8: {  	v3 =	vld [tilespmem:s1+$0xF00]  }
0x2c9: {  	v4 =	vld [tilespmem:s1+$0xF10]  }
0x2ca: {  	s24 =	sshll.u32 s20, $0xD;
	s4 =	sshll.u32 s20, $0x13;
	v5 =	vld [tilespmem:s1+$0xF20]  }
0x2cb: {  	s12 =	simm.s32 $0x0;
	s23 =	sand.u32 $0x2000, s24;
	v7 =	vmov s4;
	s24 =	simm.s32 $0x0;
	v6 =	vld [tilespmem:s1+$0xF30];
	vm0 =	veq.s32 v8, $0x0  }
.LBB2_19:
0x2cc: {  	v8 =	vld [tilespmem:s24+$0x0];
	_ =	sdelay $0x1  }
0x2cd: {  	s1 =	sand.u32 $0x1F0, s12  }
0x2ce: {  	v9 =	vld [tilespmem:s1+$0x200];
	_ =	sdelay $0x1  }
0x2cf: {  	v8 =	vmul.f32 v8, v2  }
0x2d0: {  	v10 =	vld [tilespmem:s1+$0x400]  }
0x2d1: {  	v12 =	vld [tilespmem:s1+$0x600];
	v11 =	vtrunc.f32 v8  }
0x2d2: {  	v9 =	vmul.f32 v9, v2;
	v11 =	vcvt.f32.s32 v11;
	_ =	sdelay $0x1  }
0x2d3: {  	v13 =	vtrunc.f32 v9;
	vm1 =	vlt.s32 v11, v3  }
0x2d4: {  	v10 =	vmul.f32 v10, v2;
	v13 =	vcvt.f32.s32 v13;
	v11 =	vsel vm1, v11, v3  }
0x2d5: {  	v12 =	vmul.f32 v12, v2;
	vm1 =	vgt.s32 v11, $0x0  }
0x2d6: {  	v54 =	vtrunc.f32 v10;
	v14 =	vnsel vm1, $0x0, v11;
	vm1 =	vlt.s32 v13, v3  }
0x2d7: {  	v11 =	vcvt.f32.s32 v54;
	v13 =	vsel vm1, v13, v3  }
0x2d8: {  	v15 =	vtrunc.f32 v12;
	v16 =	vcvt.s32.f32 v14;
	vm1 =	vgt.s32 v13, $0x0  }
0x2d9: {  	v15 =	vcvt.f32.s32 v15;
	v13 =	vnsel vm1, $0x0, v13;
	vm1 =	vlt.s32 v11, v3  }
0x2da: {  	v19 =	vadd.s32 $0x1, v14;
	v8 =	vsub.f32 v8, v16;
	v11 =	vsel vm1, v11, v3  }
0x2db: {  	vm1 =	vlt.s32 v15, v3;
	v55 =	vcvt.s32.f32 v13;
	v13 =	vmul.u32 v4, v13  }
0x2dc: {  	v15 =	vsel vm1, v15, v3;
	vm1 =	vgt.s32 v11, $0x0;
	v17 =	vsub.f32 $1.000000000e+00, v8  }
0x2dd: {  	v11 =	vnsel vm1, $0x0, v11;
	vm1 =	vgt.s32 v15, $0x0;
	v16 =	vsub.f32 v9, v55  }
0x2de: {  	v21 =	vadd.s32 v4, v13;
	v58 =	vadd.s32 v14, v13;
	v59 =	vxor.u32 v14, v13  }
0x2df: {  	v62 =	vadd.s32 v19, v13;
	v13 =	vxor.u32 v19, v13;
	v56 =	vcvt.s32.f32 v11  }
0x2e0: {  	v15 =	vnsel vm1, $0x0, v15;
	v18 =	vmul.u32 v5, v11;
	v63 =	vadd.s32 v14, v21  }
0x2e1: {  	v14 =	vxor.u32 v14, v21;
	v42 =	vadd.s32 v19, v21;
	v19 =	vxor.u32 v19, v21  }
0x2e2: {  	v57 =	vcvt.s32.f32 v15;
	v20 =	vsub.f32 $1.000000000e+00, v16;
	v15 =	vmul.u32 v6, v15  }
0x2e3: {  	v9 =	vmul.f32 v16, v17;
	v10 =	vsub.f32 v10, v56;
	v22 =	vadd.s32 v5, v18  }
0x2e4: {  	v26 =	vadd.s32 v18, v58;
	v27 =	vxor.u32 v18, v59;
	v30 =	vxor.u32 v18, v13  }
0x2e5: {  	v34 =	vadd.s32 v18, v63;
	v35 =	vxor.u32 v18, v14;
	v39 =	vadd.s32 v18, v42  }
0x2e6: {  	v23 =	vsub.f32 v12, v57;
	v12 =	vmul.f32 v20, v17;
	v11 =	vmul.f32 v20, v8  }
0x2e7: {  	v8 =	vmul.f32 v16, v8;
	v28 =	vadd.s32 v15, v26;
	v29 =	vxor.u32 v15, v27  }
0x2e8: {  	v33 =	vxor.u32 v15, v30;
	v36 =	vadd.s32 v15, v34;
	v37 =	vxor.u32 v15, v35  }
0x2e9: {  	v44 =	vadd.s32 v15, v39;
	v16 =	vadd.s32 v58, v22;
	v17 =	vxor.u32 v59, v22  }
0x2ea: {  	v24 =	vsub.f32 $1.000000000e+00, v10;
	v61 =	vsel vm0, v28, v29;
	v29 =	vadd.s32 v18, v62  }
0x2eb: {  	v36 =	vsel vm0, v36, v37;
	v25 =	vsub.f32 $1.000000000e+00, v23;
	v32 =	vadd.s32 v15, v29  }
0x2ec: {  	s19 =	sadd.s32 s12, s17;
	v13 =	vxor.u32 v13, v22;
	v36 =	vand.u32 $0x7FFFF, v36;
	v32 =	vsel vm0, v32, v33  }
0x2ed: {  	s3 =	sand.u32 $0x70, s12;
	s1 =	sand.u32 $0x2180, s19;
	v43 =	vor.u32 v7, v36;
	v60 =	vmul.f32 v25, v24;
	v25 =	vmul.f32 v25, v10  }
0x2ee: {  	s19 =	sor.u32 s3, s1;
	v24 =	vmul.f32 v23, v24;
	v10 =	vmul.f32 v23, v10;
	v23 =	vand.u32 $0x7FFFF, v61  }
0x2ef: {  	v54 =	vadd.s32 v22, v63;
	v32 =	vand.u32 $0x7FFFF, v32;
	[tilespmem:s19+$0x1800] =	vst v43;
	v23 =	vor.u32 v7, v23  }
0x2f0: {  	v14 =	vxor.u32 v22, v14;
	v32 =	vor.u32 v7, v32;
	v31 =	vmul.f32 v60, v12;
	[tilespmem:s19+$0x1400] =	vst v23  }
0x2f1: {  	v18 =	vxor.u32 v18, v19;
	v46 =	vadd.s32 v15, v16;
	v38 =	vmul.f32 v60, v11;
	[tilespmem:s19+$0x1600] =	vst v32  }
0x2f2: {  	v47 =	vxor.u32 v15, v17;
	v28 =	vadd.s32 v62, v22;
	v48 =	vmul.f32 v60, v9;
	[tilespmem:s19+$0xE400] =	vst v31  }
0x2f3: {  	v52 =	vxor.u32 v15, v13;
	v56 =	vadd.s32 v15, v54;
	v20 =	vmul.f32 v60, v8;
	[tilespmem:s19+$0xE600] =	vst v38  }
0x2f4: {  	v57 =	vxor.u32 v15, v14;
	v19 =	vxor.u32 v22, v19;
	v50 =	vmul.f32 v25, v12;
	[tilespmem:s19+$0xE800] =	vst v48  }
0x2f5: {  	v45 =	vxor.u32 v15, v18;
	v51 =	vadd.s32 v15, v28;
	v59 =	vmul.f32 v25, v11;
	[tilespmem:s19+$0xEA00] =	vst v20  }
0x2f6: {  	v58 =	vsel vm0, v56, v57;
	v53 =	vsel vm0, v51, v52;
	v63 =	vmul.f32 v25, v9;
	[tilespmem:s19+$0xEC00] =	vst v50  }
0x2f7: {  	v55 =	vand.u32 $0x7FFFF, v53;
	v61 =	vand.u32 $0x7FFFF, v58;
	v37 =	vmul.f32 v25, v8;
	[tilespmem:s19+$0xEE00] =	vst v59  }
0x2f8: {  	v60 =	vadd.s32 v22, v42;
	v42 =	vmul.f32 v24, v12;
	v51 =	vmul.f32 v24, v8;
	[tilespmem:s19+$0xF000] =	vst v63  }
0x2f9: {  	v23 =	vsel vm0, v44, v45;
	v12 =	vmul.f32 v10, v12;
	v8 =	vmul.f32 v10, v8;
	[tilespmem:s19+$0xF200] =	vst v37  }
0x2fa: {  	v23 =	vand.u32 $0x7FFFF, v23;
	v62 =	vadd.s32 v15, v60;
	v31 =	vsel vm0, v46, v47;
	[tilespmem:s19+$0xF400] =	vst v42  }
0x2fb: {  	v23 =	vor.u32 v7, v23;
	v20 =	vor.u32 v7, v55;
	v46 =	vmul.f32 v24, v11;
	[tilespmem:s19+$0xFA00] =	vst v51  }
0x2fc: {  	v11 =	vmul.f32 v10, v11;
	v31 =	vand.u32 $0x7FFFF, v31;
	[tilespmem:s19+$0x1A00] =	vst v23;
	v23 =	vadd.s32 v6, v15  }
0x2fd: {  	[tilespmem:s19+$0x1E00] =	vst v20;
	v15 =	vxor.u32 v15, v19;
	v20 =	vor.u32 v7, v61;
	v49 =	vor.u32 v7, v31  }
0x2fe: {  	[tilespmem:s19+$0xFC00] =	vst v12;
	v15 =	vsel vm0, v62, v15;
	v31 =	vadd.s32 v26, v23;
	v36 =	vxor.u32 v27, v23  }
0x2ff: {  	[tilespmem:s19+$0x10200] =	vst v8;
	v40 =	vadd.s32 v29, v23;
	v41 =	vxor.u32 v30, v23;
	v44 =	vadd.s32 v23, v34  }
0x300: {  	[tilespmem:s19+$0x2000] =	vst v20;
	v45 =	vxor.u32 v23, v35;
	v48 =	vadd.s32 v23, v39;
	v18 =	vxor.u32 v23, v18  }
0x301: {  	[tilespmem:s19+$0xF600] =	vst v46;
	v16 =	vadd.s32 v23, v16;
	v17 =	vxor.u32 v23, v17;
	v53 =	vadd.s32 v23, v28  }
0x302: {  	v13 =	vxor.u32 v23, v13;
	v54 =	vadd.s32 v23, v54;
	[tilespmem:s19+$0xFE00] =	vst v11;
	v15 =	vand.u32 $0x7FFFF, v15  }
0x303: {  	v14 =	vxor.u32 v23, v14;
	[tilespmem:s19+$0x1C00] =	vst v49;
	v49 =	vmul.f32 v24, v9;
	v15 =	vor.u32 v7, v15  }
0x304: {  	v58 =	vadd.s32 v23, v60;
	v20 =	vsel vm0, v31, v36;
	v9 =	vmul.f32 v10, v9;
	[tilespmem:s19+$0x2200] =	vst v15  }
0x305: {  	v59 =	vxor.u32 v23, v19;
	v13 =	vsel vm0, v53, v13;
	v38 =	vand.u32 $0x7FFFF, v20;
	[tilespmem:s19+$0xF800] =	vst v49  }
0x306: {  	v56 =	vsel vm0, v54, v14;
	v13 =	vand.u32 $0x7FFFF, v13;
	v15 =	vor.u32 v7, v38;
	[tilespmem:s19+$0x10000] =	vst v9  }
0x307: {  	v61 =	vsel vm0, v58, v59;
	v57 =	vand.u32 $0x7FFFF, v56;
	v55 =	vor.u32 v7, v13;
	[tilespmem:s19+$0x2400] =	vst v15  }
0x308: {  	v20 =	vsel vm0, v40, v41;
	v62 =	vand.u32 $0x7FFFF, v61;
	v60 =	vor.u32 v7, v57;
	[tilespmem:s19+$0x2E00] =	vst v55  }
0x309: {  	p0 =	sne.s32 s12, $0x1F0;
	v43 =	vand.u32 $0x7FFFF, v20;
	v20 =	vsel vm0, v44, v45;
	v63 =	vor.u32 v7, v62;
	[tilespmem:s19+$0x3000] =	vst v60  }
.Ltmp7:
0x30a: {  	v18 =	vsel vm0, v48, v18;
	v15 =	vor.u32 v7, v43;
	v47 =	vand.u32 $0x7FFFF, v20;
	[tilespmem:s19+$0x3200] =	vst v63;
	(pc) =	sbr.rel @p0 .LBB2_19-.Ltmp7, $4  }
0x30b: {  	v16 =	vsel vm0, v16, v17;
	v50 =	vand.u32 $0x7FFFF, v18;
	[tilespmem:s19+$0x2600] =	vst v15;
	v15 =	vor.u32 v7, v47  }
0x30c: {  	v52 =	vand.u32 $0x7FFFF, v16;
	[tilespmem:s19+$0x2800] =	vst v15;
	v15 =	vor.u32 v7, v50  }
0x30d: {  	[tilespmem:s19+$0x2A00] =	vst v15;
	v15 =	vor.u32 v7, v52  }
0x30e: {  	s24 =	sadd.s32 $0x10, s24;
	s12 =	sadd.s32 $0x10, s12;
	[tilespmem:s19+$0x2C00] =	vst v15  }
0x30f: {  	s1 =	sadd.s32 $0x5400, s23;
	s3 =	sadd.s32 $0x1400, s23  }
0x310: {  	[tilespmem:s1], [sflag:$0x1] =	stream.indirect.gather [hbm4b:s7+s25], $0x1, s3, s25, $0xb8;
	[tilespmem:$0x1A600] =	vst v63  }
0x311: {  	s24 =	sadd.s32 $0x9400, s23  }
0x312: {  	[tilespmem:s24], [sflag:$0x1] =	stream.indirect.gather [hbm4b:s8+s25], $0x1, s3, s25, $0xb8;
	[tilespmem:$0x1A600] =	vst v63  }
0x313: {  	s4 =	sadd.s32 $0x1600, s23;
	s3 =	sadd.s32 $0x5600, s23  }
0x314: {  	[tilespmem:s3], [sflag:$0x1] =	stream.indirect.gather [hbm4b:s7+s25], $0x1, s4, s25, $0xb8;
	[tilespmem:$0x1A600] =	vst v63  }
0x315: {  	s12 =	sadd.s32 $0x9600, s23  }
0x316: {  	[tilespmem:s12], [sflag:$0x1] =	stream.indirect.gather [hbm4b:s8+s25], $0x1, s4, s25, $0xb8;
	[tilespmem:$0x1A600] =	vst v63  }
0x317: {  	s19 =	sadd.s32 $0x5800, s23;
	s24 =	sadd.s32 $0x1800, s23  }
0x318: {  	[tilespmem:s19], [sflag:$0x1] =	stream.indirect.gather [hbm4b:s7+s25], $0x1, s24, s25, $0xb8;
	[tilespmem:$0x1A600] =	vst v63  }
0x319: {  	s4 =	sadd.s32 $0x9800, s23  }
0x31a: {  	[tilespmem:s4], [sflag:$0x1] =	stream.indirect.gather [hbm4b:s8+s25], $0x1, s24, s25, $0xb8;
	[tilespmem:$0x1A600] =	vst v63  }
0x31b: {  	s12 =	sadd.s32 $0x5A00, s23;
	s19 =	sadd.s32 $0x1A00, s23  }
0x31c: {  	[tilespmem:s12], [sflag:$0x1] =	stream.indirect.gather [hbm4b:s7+s25], $0x1, s19, s25, $0xb8;
	[tilespmem:$0x1A600] =	vst v63  }
0x31d: {  	s24 =	sadd.s32 $0x9A00, s23  }
0x31e: {  	[tilespmem:s24], [sflag:$0x1] =	stream.indirect.gather [hbm4b:s8+s25], $0x1, s19, s25, $0xb8;
	[tilespmem:$0x1A600] =	vst v63  }
0x31f: {  	s3 =	sadd.s32 $0x5C00, s23;
	s4 =	sadd.s32 $0x1C00, s23  }
0x320: {  	[tilespmem:s3], [sflag:$0x1] =	stream.indirect.gather [hbm4b:s7+s25], $0x1, s4, s25, $0xb8;
	[tilespmem:$0x1A600] =	vst v63  }
0x321: {  	s12 =	sadd.s32 $0x9C00, s23  }
0x322: {  	[tilespmem:s12], [sflag:$0x1] =	stream.indirect.gather [hbm4b:s8+s25], $0x1, s4, s25, $0xb8;
	[tilespmem:$0x1A600] =	vst v63  }
0x323: {  	s19 =	sadd.s32 $0x5E00, s23;
	s24 =	sadd.s32 $0x1E00, s23  }
0x324: {  	[tilespmem:s19], [sflag:$0x1] =	stream.indirect.gather [hbm4b:s7+s25], $0x1, s24, s25, $0xb8;
	[tilespmem:$0x1A600] =	vst v63  }
0x325: {  	s4 =	sadd.s32 $0x9E00, s23  }
0x326: {  	[tilespmem:s4], [sflag:$0x1] =	stream.indirect.gather [hbm4b:s8+s25], $0x1, s24, s25, $0xb8;
	[tilespmem:$0x1A600] =	vst v63  }
0x327: {  	s12 =	sadd.s32 $0x6000, s23;
	s19 =	sadd.s32 $0x2000, s23  }
0x328: {  	[tilespmem:s12], [sflag:$0x1] =	stream.indirect.gather [hbm4b:s7+s25], $0x1, s19, s25, $0xb8;
	[tilespmem:$0x1A600] =	vst v63  }
0x329: {  	s24 =	sadd.s32 $0xA000, s23  }
0x32a: {  	[tilespmem:s24], [sflag:$0x1] =	stream.indirect.gather [hbm4b:s8+s25], $0x1, s19, s25, $0xb8;
	[tilespmem:$0x1A600] =	vst v63  }
0x32b: {  	s3 =	sadd.s32 $0x6200, s23;
	s4 =	sadd.s32 $0x2200, s23  }
0x32c: {  	[tilespmem:s3], [sflag:$0x1] =	stream.indirect.gather [hbm4b:s7+s25], $0x1, s4, s25, $0xb8;
	[tilespmem:$0x1A600] =	vst v63  }
0x32d: {  	s12 =	sadd.s32 $0xA200, s23  }
0x32e: {  	[tilespmem:s12], [sflag:$0x1] =	stream.indirect.gather [hbm4b:s8+s25], $0x1, s4, s25, $0xb8;
	[tilespmem:$0x1A600] =	vst v63  }
0x32f: {  	s19 =	sadd.s32 $0x6400, s23;
	s24 =	sadd.s32 $0x2400, s23  }
0x330: {  	[tilespmem:s19], [sflag:$0x1] =	stream.indirect.gather [hbm4b:s7+s25], $0x1, s24, s25, $0xb8;
	[tilespmem:$0x1A600] =	vst v63  }
0x331: {  	s4 =	sadd.s32 $0xA400, s23  }
0x332: {  	[tilespmem:s4], [sflag:$0x1] =	stream.indirect.gather [hbm4b:s8+s25], $0x1, s24, s25, $0xb8;
	[tilespmem:$0x1A600] =	vst v63  }
0x333: {  	s12 =	sadd.s32 $0x6600, s23;
	s19 =	sadd.s32 $0x2600, s23  }
0x334: {  	[tilespmem:s12], [sflag:$0x1] =	stream.indirect.gather [hbm4b:s7+s25], $0x1, s19, s25, $0xb8;
	[tilespmem:$0x1A600] =	vst v63  }
0x335: {  	s24 =	sadd.s32 $0xA600, s23  }
0x336: {  	[tilespmem:s24], [sflag:$0x1] =	stream.indirect.gather [hbm4b:s8+s25], $0x1, s19, s25, $0xb8;
	[tilespmem:$0x1A600] =	vst v63  }
0x337: {  	s3 =	sadd.s32 $0x6800, s23;
	s4 =	sadd.s32 $0x2800, s23  }
0x338: {  	[tilespmem:s3], [sflag:$0x1] =	stream.indirect.gather [hbm4b:s7+s25], $0x1, s4, s25, $0xb8;
	[tilespmem:$0x1A600] =	vst v63  }
0x339: {  	s12 =	sadd.s32 $0xA800, s23  }
0x33a: {  	[tilespmem:s12], [sflag:$0x1] =	stream.indirect.gather [hbm4b:s8+s25], $0x1, s4, s25, $0xb8;
	[tilespmem:$0x1A600] =	vst v63  }
0x33b: {  	s19 =	sadd.s32 $0x6A00, s23;
	s24 =	sadd.s32 $0x2A00, s23  }
0x33c: {  	[tilespmem:s19], [sflag:$0x1] =	stream.indirect.gather [hbm4b:s7+s25], $0x1, s24, s25, $0xb8;
	[tilespmem:$0x1A600] =	vst v63  }
0x33d: {  	s4 =	sadd.s32 $0xAA00, s23  }
0x33e: {  	[tilespmem:s4], [sflag:$0x1] =	stream.indirect.gather [hbm4b:s8+s25], $0x1, s24, s25, $0xb8;
	[tilespmem:$0x1A600] =	vst v63  }
0x33f: {  	s12 =	sadd.s32 $0x6C00, s23;
	s19 =	sadd.s32 $0x2C00, s23  }
0x340: {  	[tilespmem:s12], [sflag:$0x1] =	stream.indirect.gather [hbm4b:s7+s25], $0x1, s19, s25, $0xb8;
	[tilespmem:$0x1A600] =	vst v63  }
0x341: {  	s24 =	sadd.s32 $0xAC00, s23  }
0x342: {  	[tilespmem:s24], [sflag:$0x1] =	stream.indirect.gather [hbm4b:s8+s25], $0x1, s19, s25, $0xb8;
	[tilespmem:$0x1A600] =	vst v63  }
0x343: {  	s3 =	sadd.s32 $0x6E00, s23;
	s4 =	sadd.s32 $0x2E00, s23  }
0x344: {  	[tilespmem:s3], [sflag:$0x1] =	stream.indirect.gather [hbm4b:s7+s25], $0x1, s4, s25, $0xb8;
	[tilespmem:$0x1A600] =	vst v63  }
0x345: {  	s12 =	sadd.s32 $0xAE00, s23  }
0x346: {  	[tilespmem:s12], [sflag:$0x1] =	stream.indirect.gather [hbm4b:s8+s25], $0x1, s4, s25, $0xb8;
	[tilespmem:$0x1A600] =	vst v63  }
0x347: {  	s19 =	sadd.s32 $0x7000, s23;
	s24 =	sadd.s32 $0x3000, s23  }
0x348: {  	[tilespmem:s19], [sflag:$0x1] =	stream.indirect.gather [hbm4b:s7+s25], $0x1, s24, s25, $0xb8;
	[tilespmem:$0x1A600] =	vst v63  }
0x349: {  	s4 =	sadd.s32 $0xB000, s23  }
0x34a: {  	[tilespmem:s4], [sflag:$0x1] =	stream.indirect.gather [hbm4b:s8+s25], $0x1, s24, s25, $0xb8;
	[tilespmem:$0x1A600] =	vst v63  }
0x34b: {  	s12 =	sadd.s32 $0x7200, s23;
	s19 =	sadd.s32 $0x3200, s23  }
0x34c: {  	[tilespmem:s12], [sflag:$0x1] =	stream.indirect.gather [hbm4b:s7+s25], $0x1, s19, s25, $0xb8;
	[tilespmem:$0x1A600] =	vst v63  }
0x34d: {  	s24 =	sadd.s32 $0xB200, s23  }
0x34e: {  	[tilespmem:s24], [sflag:$0x1] =	stream.indirect.gather [hbm4b:s8+s25], $0x1, s19, s25, $0xb8;
	[tilespmem:$0x1A600] =	vst v63  }
.LBB2_21:
0x34f: {  	_ =	swait.ge [sflag:s30], $0x200  }
0x350: {  	[sflag:s30] =	ssyncset.done $0x0  }
0x351: {  	[sflag:s30] =	ssyncadd.s32 $0xFFFFFE00  }
0x352: {  	_ =	swait.ge [sflag:s30], $0x200  }
0x353: {  	[sflag:s30] =	ssyncset.done $0x0  }
0x354: {  	[sflag:s30] =	ssyncadd.s32 $0xFFFFFE00  }
0x355: {  	_ =	swait.ge [sflag:s30], $0x200  }
0x356: {  	[sflag:s30] =	ssyncset.done $0x0  }
0x357: {  	[sflag:s30] =	ssyncadd.s32 $0xFFFFFE00  }
0x358: {  	_ =	swait.ge [sflag:s30], $0x200  }
0x359: {  	[sflag:s30] =	ssyncset.done $0x0  }
0x35a: {  	[sflag:s30] =	ssyncadd.s32 $0xFFFFFE00  }
0x35b: {  	_ =	swait.ge [sflag:s30], $0x200  }
0x35c: {  	[sflag:s30] =	ssyncset.done $0x0  }
0x35d: {  	[sflag:s30] =	ssyncadd.s32 $0xFFFFFE00  }
0x35e: {  	_ =	swait.ge [sflag:s30], $0x200  }
0x35f: {  	[sflag:s30] =	ssyncset.done $0x0  }
0x360: {  	[sflag:s30] =	ssyncadd.s32 $0xFFFFFE00  }
0x361: {  	_ =	swait.ge [sflag:s30], $0x200  }
0x362: {  	[sflag:s30] =	ssyncset.done $0x0  }
0x363: {  	[sflag:s30] =	ssyncadd.s32 $0xFFFFFE00  }
0x364: {  	_ =	swait.ge [sflag:s30], $0x200  }
0x365: {  	[sflag:s30] =	ssyncset.done $0x0  }
0x366: {  	[sflag:s30] =	ssyncadd.s32 $0xFFFFFE00  }
0x367: {  	_ =	swait.ge [sflag:s30], $0x200  }
0x368: {  	[sflag:s30] =	ssyncset.done $0x0  }
0x369: {  	[sflag:s30] =	ssyncadd.s32 $0xFFFFFE00  }
0x36a: {  	_ =	swait.ge [sflag:s30], $0x200  }
0x36b: {  	[sflag:s30] =	ssyncset.done $0x0  }
0x36c: {  	[sflag:s30] =	ssyncadd.s32 $0xFFFFFE00  }
0x36d: {  	_ =	swait.ge [sflag:s30], $0x200  }
0x36e: {  	[sflag:s30] =	ssyncset.done $0x0  }
0x36f: {  	[sflag:s30] =	ssyncadd.s32 $0xFFFFFE00  }
0x370: {  	_ =	swait.ge [sflag:s30], $0x200  }
0x371: {  	[sflag:s30] =	ssyncset.done $0x0  }
0x372: {  	[sflag:s30] =	ssyncadd.s32 $0xFFFFFE00  }
0x373: {  	_ =	swait.ge [sflag:s30], $0x200  }
0x374: {  	[sflag:s30] =	ssyncset.done $0x0  }
0x375: {  	[sflag:s30] =	ssyncadd.s32 $0xFFFFFE00  }
0x376: {  	_ =	swait.ge [sflag:s30], $0x200  }
0x377: {  	[sflag:s30] =	ssyncset.done $0x0  }
0x378: {  	[sflag:s30] =	ssyncadd.s32 $0xFFFFFE00  }
0x379: {  	_ =	swait.ge [sflag:s30], $0x200  }
0x37a: {  	[sflag:s30] =	ssyncset.done $0x0  }
0x37b: {  	[sflag:s30] =	ssyncadd.s32 $0xFFFFFE00  }
0x37c: {  	_ =	swait.ge [sflag:s30], $0x200  }
0x37d: {  	[sflag:s30] =	ssyncset.done $0x0  }
0x37e: {  	[sflag:s30] =	ssyncadd.s32 $0xFFFFFE00  }
0x37f: {  	_ =	swait.ge [sflag:s30], $0x200  }
0x380: {  	[sflag:s30] =	ssyncset.done $0x0  }
0x381: {  	[sflag:s30] =	ssyncadd.s32 $0xFFFFFE00  }
0x382: {  	_ =	swait.ge [sflag:s30], $0x200  }
0x383: {  	[sflag:s30] =	ssyncset.done $0x0  }
0x384: {  	[sflag:s30] =	ssyncadd.s32 $0xFFFFFE00  }
0x385: {  	_ =	swait.ge [sflag:s30], $0x200  }
0x386: {  	[sflag:s30] =	ssyncset.done $0x0  }
0x387: {  	[sflag:s30] =	ssyncadd.s32 $0xFFFFFE00  }
0x388: {  	_ =	swait.ge [sflag:s30], $0x200  }
0x389: {  	[sflag:s30] =	ssyncset.done $0x0  }
0x38a: {  	[sflag:s30] =	ssyncadd.s32 $0xFFFFFE00  }
0x38b: {  	_ =	swait.ge [sflag:s30], $0x200  }
0x38c: {  	[sflag:s30] =	ssyncset.done $0x0  }
0x38d: {  	[sflag:s30] =	ssyncadd.s32 $0xFFFFFE00  }
0x38e: {  	_ =	swait.ge [sflag:s30], $0x200  }
0x38f: {  	[sflag:s30] =	ssyncset.done $0x0  }
0x390: {  	[sflag:s30] =	ssyncadd.s32 $0xFFFFFE00  }
0x391: {  	_ =	swait.ge [sflag:s30], $0x200  }
0x392: {  	[sflag:s30] =	ssyncset.done $0x0  }
0x393: {  	[sflag:s30] =	ssyncadd.s32 $0xFFFFFE00  }
0x394: {  	_ =	swait.ge [sflag:s30], $0x200  }
0x395: {  	[sflag:s30] =	ssyncset.done $0x0  }
0x396: {  	[sflag:s30] =	ssyncadd.s32 $0xFFFFFE00  }
0x397: {  	_ =	swait.ge [sflag:s30], $0x200  }
0x398: {  	[sflag:s30] =	ssyncset.done $0x0  }
0x399: {  	[sflag:s30] =	ssyncadd.s32 $0xFFFFFE00  }
0x39a: {  	_ =	swait.ge [sflag:s30], $0x200  }
0x39b: {  	[sflag:s30] =	ssyncset.done $0x0  }
0x39c: {  	[sflag:s30] =	ssyncadd.s32 $0xFFFFFE00  }
0x39d: {  	_ =	swait.ge [sflag:s30], $0x200  }
0x39e: {  	[sflag:s30] =	ssyncset.done $0x0  }
0x39f: {  	[sflag:s30] =	ssyncadd.s32 $0xFFFFFE00  }
0x3a0: {  	_ =	swait.ge [sflag:s30], $0x200  }
0x3a1: {  	[sflag:s30] =	ssyncset.done $0x0  }
0x3a2: {  	[sflag:s30] =	ssyncadd.s32 $0xFFFFFE00  }
0x3a3: {  	_ =	swait.ge [sflag:s30], $0x200  }
0x3a4: {  	[sflag:s30] =	ssyncset.done $0x0  }
0x3a5: {  	[sflag:s30] =	ssyncadd.s32 $0xFFFFFE00  }
0x3a6: {  	_ =	swait.ge [sflag:s30], $0x200  }
0x3a7: {  	[sflag:s30] =	ssyncset.done $0x0  }
0x3a8: {  	[sflag:s30] =	ssyncadd.s32 $0xFFFFFE00  }
0x3a9: {  	_ =	swait.ge [sflag:s30], $0x200  }
0x3aa: {  	[sflag:s30] =	ssyncset.done $0x0  }
0x3ab: {  	[sflag:s30] =	ssyncadd.s32 $0xFFFFFE00  }
0x3ac: {  	s1 =	simm.s32 $0x0;
	s3 =	sadd.s32 $0x0, s11;
	_ =	swait.ge [sflag:s30], $0x200  }
0x3ad: {  	s3 =	sand.u32 $0x2180, s3;
	s1 =	sand.u32 $0x70, s1;
	[sflag:s30] =	ssyncset.done $0x0  }
0x3ae: {  	s12 =	sor.u32 s1, s3;
	[sflag:s30] =	ssyncadd.s32 $0xFFFFFE00  }
0x3af: {  	v2 =	vld [tilespmem:s12+$0x7200]  }
0x3b0: {  	v3 =	vld [tilespmem:s12+$0x7000]  }
0x3b1: {  	v4 =	vld [tilespmem:s12+$0x6E00]  }
0x3b2: {  	v5 =	vld [tilespmem:s12+$0x6C00]  }
0x3b3: {  	v6 =	vld [tilespmem:s12+$0x6A00]  }
0x3b4: {  	v7 =	vld [tilespmem:s12+$0x6800]  }
0x3b5: {  	v8 =	vld [tilespmem:s12+$0x6600]  }
0x3b6: {  	v9 =	vld [tilespmem:s12+$0x6400]  }
0x3b7: {  	v10 =	vld [tilespmem:s12+$0x6200]  }
0x3b8: {  	v11 =	vld [tilespmem:s12+$0x6000]  }
0x3b9: {  	v12 =	vld [tilespmem:s12+$0x5E00]  }
0x3ba: {  	v13 =	vld [tilespmem:s12+$0x5C00]  }
0x3bb: {  	v14 =	vld [tilespmem:s12+$0x5A00]  }
0x3bc: {  	v15 =	vld [tilespmem:s12+$0x5800]  }
0x3bd: {  	v16 =	vld [tilespmem:s12+$0x5600]  }
0x3be: {  	v17 =	vld [tilespmem:s12+$0x5400]  }
0x3bf: {  	v18 =	vld [tilespmem:s12+$0xE400]  }
0x3c0: {  	v19 =	vld [tilespmem:s12+$0x9400]  }
0x3c1: {  	v20 =	vld [tilespmem:s12+$0xE600]  }
0x3c2: {  	v21 =	vld [tilespmem:s12+$0x9600]  }
0x3c3: {  	v22 =	vld [tilespmem:s12+$0xE800]  }
0x3c4: {  	v23 =	vld [tilespmem:s12+$0x9800];
	v17 =	vmul.f32 v17, v18  }
0x3c5: {  	v18 =	vmul.f32 v19, v18;
	v19 =	vld [tilespmem:s12+$0xEA00]  }
0x3c6: {  	v24 =	vld [tilespmem:s12+$0x9A00];
	v16 =	vmul.f32 v16, v20;
	v17 =	vadd.f32 $0.0e+00, v17  }
0x3c7: {  	v60 =	vld [tilespmem:s12+$0xEC00];
	v20 =	vmul.f32 v21, v20;
	v18 =	vadd.f32 $0.0e+00, v18  }
0x3c8: {  	v15 =	vmul.f32 v15, v22;
	v16 =	vadd.f32 v16, v17;
	v17 =	vld [tilespmem:s12+$0x9C00]  }
0x3c9: {  	v62 =	vld [tilespmem:s12+$0xEE00];
	v61 =	vmul.f32 v23, v22;
	v18 =	vadd.f32 v20, v18  }
0x3ca: {  	v14 =	vmul.f32 v14, v19;
	v15 =	vadd.f32 v15, v16;
	v16 =	vld [tilespmem:s12+$0x9E00]  }
0x3cb: {  	v63 =	vld [tilespmem:s12+$0xF000];
	v19 =	vmul.f32 v24, v19;
	v18 =	vadd.f32 v61, v18  }
0x3cc: {  	v13 =	vmul.f32 v13, v60;
	v14 =	vadd.f32 v14, v15;
	v15 =	vld [tilespmem:s12+$0xA000]  }
0x3cd: {  	v18 =	vadd.f32 v19, v18;
	v19 =	vld [tilespmem:s12+$0xF200];
	v17 =	vmul.f32 v17, v60  }
0x3ce: {  	v12 =	vmul.f32 v12, v62;
	v13 =	vadd.f32 v13, v14;
	v14 =	vld [tilespmem:s12+$0xA200]  }
0x3cf: {  	v17 =	vadd.f32 v17, v18;
	v16 =	vmul.f32 v16, v62;
	v18 =	vld [tilespmem:s12+$0xF400]  }
0x3d0: {  	v11 =	vmul.f32 v11, v63;
	v12 =	vadd.f32 v12, v13;
	v13 =	vld [tilespmem:s12+$0xA400]  }
0x3d1: {  	v16 =	vadd.f32 v16, v17;
	v15 =	vmul.f32 v15, v63;
	v17 =	vld [tilespmem:s12+$0xF600]  }
0x3d2: {  	v10 =	vmul.f32 v10, v19;
	v11 =	vadd.f32 v11, v12;
	v12 =	vld [tilespmem:s12+$0xA600]  }
0x3d3: {  	v15 =	vadd.f32 v15, v16;
	v14 =	vmul.f32 v14, v19;
	v16 =	vld [tilespmem:s12+$0xF800]  }
0x3d4: {  	v10 =	vadd.f32 v10, v11;
	v9 =	vmul.f32 v9, v18;
	v11 =	vld [tilespmem:s12+$0xA800]  }
0x3d5: {  	v14 =	vadd.f32 v14, v15;
	v13 =	vmul.f32 v13, v18;
	v15 =	vld [tilespmem:s12+$0xFA00]  }
0x3d6: {  	v9 =	vadd.f32 v9, v10;
	v8 =	vmul.f32 v8, v17;
	v10 =	vld [tilespmem:s12+$0xAA00]  }
0x3d7: {  	v13 =	vadd.f32 v13, v14;
	v12 =	vmul.f32 v12, v17;
	v14 =	vld [tilespmem:s12+$0xFC00]  }
0x3d8: {  	v8 =	vadd.f32 v8, v9;
	v7 =	vmul.f32 v7, v16;
	v9 =	vld [tilespmem:s12+$0xAC00]  }
0x3d9: {  	v12 =	vadd.f32 v12, v13;
	v11 =	vmul.f32 v11, v16;
	v13 =	vld [tilespmem:s12+$0xFE00]  }
0x3da: {  	v7 =	vadd.f32 v7, v8;
	v6 =	vmul.f32 v6, v15;
	v8 =	vld [tilespmem:s12+$0xAE00]  }
0x3db: {  	v11 =	vadd.f32 v11, v12;
	v10 =	vmul.f32 v10, v15;
	v12 =	vld [tilespmem:s12+$0x10000]  }
0x3dc: {  	v6 =	vadd.f32 v6, v7;
	v5 =	vmul.f32 v5, v14;
	v7 =	vld [tilespmem:s12+$0xB000]  }
0x3dd: {  	v10 =	vadd.f32 v10, v11;
	v9 =	vmul.f32 v9, v14;
	v11 =	vld [tilespmem:s12+$0x10200]  }
0x3de: {  	v5 =	vadd.f32 v5, v6;
	v4 =	vmul.f32 v4, v13;
	v6 =	vld [tilespmem:s12+$0xB200]  }
0x3df: {  	v9 =	vadd.f32 v9, v10;
	v8 =	vmul.f32 v8, v13  }
0x3e0: {  	v4 =	vadd.f32 v4, v5;
	v3 =	vmul.f32 v3, v12  }
0x3e1: {  	v5 =	vadd.f32 v8, v9;
	v7 =	vmul.f32 v7, v12;
	v8 =	vor.u32 s18, v0  }
0x3e2: {  	v3 =	vadd.f32 v3, v4;
	v2 =	vmul.f32 v2, v11;
	v4 =	vor.u32 s18, v1  }
0x3e3: {  	v5 =	vadd.f32 v7, v5;
	v6 =	vmul.f32 v6, v11  }
0x3e4: {  	v2 =	vadd.f32 v2, v3  }
0x3e5: {  	s23 =	simm.s32 $0x10;
	s24 =	sadd.s32 $0x10, s11;
	v3 =	vadd.f32 v6, v5  }
0x3e6: {  	s3 =	sand.u32 $0x2180, s24;
	s1 =	sand.u32 $0x70, s23;
	[tilespmem:v8+s28+$0x0] =	vst.idx.msk $0xffff, v2  }
0x3e7: {  	s24 =	sor.u32 s1, s3;
	[tilespmem:v4+s28+$0x0] =	vst.idx.msk $0xffff, v3  }
0x3e8: {  	v2 =	vld [tilespmem:s24+$0x7200]  }
0x3e9: {  	v3 =	vld [tilespmem:s24+$0x7000]  }
0x3ea: {  	v4 =	vld [tilespmem:s24+$0x6E00]  }
0x3eb: {  	v5 =	vld [tilespmem:s24+$0x6C00]  }
0x3ec: {  	v6 =	vld [tilespmem:s24+$0x6A00]  }
0x3ed: {  	v7 =	vld [tilespmem:s24+$0x6800]  }
0x3ee: {  	v8 =	vld [tilespmem:s24+$0x6600]  }
0x3ef: {  	v9 =	vld [tilespmem:s24+$0x6400]  }
0x3f0: {  	v10 =	vld [tilespmem:s24+$0x6200]  }
0x3f1: {  	v11 =	vld [tilespmem:s24+$0x6000]  }
0x3f2: {  	v12 =	vld [tilespmem:s24+$0x5E00]  }
0x3f3: {  	v13 =	vld [tilespmem:s24+$0x5C00]  }
0x3f4: {  	v14 =	vld [tilespmem:s24+$0x5A00]  }
0x3f5: {  	v15 =	vld [tilespmem:s24+$0x5800]  }
0x3f6: {  	s23 =	smov.u32 s18;
	s12 =	simm.s32 $0x20;
	v16 =	vld [tilespmem:s24+$0x5600]  }
.LBB2_22:
0x3f7: {  	p0 =	seq.s32 s12, $0x1F0;
	v17 =	vld [tilespmem:s24+$0x5400]  }
0x3f8: {  	v18 =	vld [tilespmem:s24+$0xE400]  }
0x3f9: {  	v19 =	vld [tilespmem:s24+$0x9400]  }
0x3fa: {  	v20 =	vld [tilespmem:s24+$0xE600]  }
0x3fb: {  	v21 =	vld [tilespmem:s24+$0x9600]  }
0x3fc: {  	v22 =	vld [tilespmem:s24+$0xE800]  }
0x3fd: {  	v17 =	vmul.f32 v17, v18;
	v23 =	vld [tilespmem:s24+$0x9800]  }
0x3fe: {  	v18 =	vmul.f32 v19, v18;
	v19 =	vld [tilespmem:s24+$0xEA00]  }
0x3ff: {  	v17 =	vadd.f32 $0.0e+00, v17;
	v16 =	vmul.f32 v16, v20;
	v24 =	vld [tilespmem:s24+$0x9A00]  }
0x400: {  	v18 =	vadd.f32 $0.0e+00, v18;
	v20 =	vmul.f32 v21, v20;
	v21 =	vld [tilespmem:s24+$0xEC00]  }
0x401: {  	v16 =	vadd.f32 v16, v17;
	v15 =	vmul.f32 v15, v22;
	v17 =	vld [tilespmem:s24+$0x9C00]  }
0x402: {  	v18 =	vadd.f32 v20, v18;
	v20 =	vmul.f32 v23, v22;
	v22 =	vld [tilespmem:s24+$0xEE00]  }
0x403: {  	v15 =	vadd.f32 v15, v16;
	v14 =	vmul.f32 v14, v19;
	v16 =	vld [tilespmem:s24+$0x9E00]  }
0x404: {  	v18 =	vadd.f32 v20, v18;
	v19 =	vmul.f32 v24, v19;
	v20 =	vld [tilespmem:s24+$0xF000]  }
0x405: {  	v14 =	vadd.f32 v14, v15;
	v13 =	vmul.f32 v13, v21;
	v15 =	vld [tilespmem:s24+$0xA000]  }
0x406: {  	v18 =	vadd.f32 v19, v18;
	v17 =	vmul.f32 v17, v21;
	v19 =	vld [tilespmem:s24+$0xF200]  }
0x407: {  	v13 =	vadd.f32 v13, v14;
	v12 =	vmul.f32 v12, v22;
	v14 =	vld [tilespmem:s24+$0xA200]  }
0x408: {  	v17 =	vadd.f32 v17, v18;
	v16 =	vmul.f32 v16, v22;
	v18 =	vld [tilespmem:s24+$0xF400]  }
0x409: {  	v12 =	vadd.f32 v12, v13;
	v11 =	vmul.f32 v11, v20;
	v13 =	vld [tilespmem:s24+$0xA400]  }
0x40a: {  	v16 =	vadd.f32 v16, v17;
	v15 =	vmul.f32 v15, v20;
	v17 =	vld [tilespmem:s24+$0xF600]  }
0x40b: {  	v11 =	vadd.f32 v11, v12;
	v10 =	vmul.f32 v10, v19;
	v12 =	vld [tilespmem:s24+$0xA600]  }
0x40c: {  	v15 =	vadd.f32 v15, v16;
	v14 =	vmul.f32 v14, v19;
	v16 =	vld [tilespmem:s24+$0xF800]  }
0x40d: {  	v10 =	vadd.f32 v10, v11;
	v9 =	vmul.f32 v9, v18;
	v11 =	vld [tilespmem:s24+$0xA800]  }
0x40e: {  	v14 =	vadd.f32 v14, v15;
	v13 =	vmul.f32 v13, v18;
	v15 =	vld [tilespmem:s24+$0xFA00]  }
0x40f: {  	v9 =	vadd.f32 v9, v10;
	v8 =	vmul.f32 v8, v17;
	v10 =	vld [tilespmem:s24+$0xAA00]  }
0x410: {  	v13 =	vadd.f32 v13, v14;
	v12 =	vmul.f32 v12, v17;
	v14 =	vld [tilespmem:s24+$0xFC00]  }
0x411: {  	v8 =	vadd.f32 v8, v9;
	v7 =	vmul.f32 v7, v16;
	v9 =	vld [tilespmem:s24+$0xAC00]  }
0x412: {  	v12 =	vadd.f32 v12, v13;
	v11 =	vmul.f32 v11, v16;
	v13 =	vld [tilespmem:s24+$0xFE00]  }
0x413: {  	v7 =	vadd.f32 v7, v8;
	v6 =	vmul.f32 v6, v15;
	v8 =	vld [tilespmem:s24+$0xAE00]  }
0x414: {  	v11 =	vadd.f32 v11, v12;
	v10 =	vmul.f32 v10, v15;
	v12 =	vld [tilespmem:s24+$0x10000]  }
0x415: {  	v6 =	vadd.f32 v6, v7;
	v5 =	vmul.f32 v5, v14;
	v7 =	vld [tilespmem:s24+$0xB000]  }
0x416: {  	v10 =	vadd.f32 v10, v11;
	v9 =	vmul.f32 v9, v14;
	v11 =	vld [tilespmem:s24+$0x10200]  }
0x417: {  	v5 =	vadd.f32 v5, v6;
	v4 =	vmul.f32 v4, v13;
	v6 =	vld [tilespmem:s24+$0xB200]  }
0x418: {  	v9 =	vadd.f32 v9, v10;
	v8 =	vmul.f32 v8, v13  }
0x419: {  	s23 =	sadd.s32 $0x200, s23;
	v4 =	vadd.f32 v4, v5;
	v3 =	vmul.f32 v3, v12  }
0x41a: {  	v5 =	vadd.f32 v8, v9;
	v7 =	vmul.f32 v7, v12;
	v8 =	vor.u32 s23, v0  }
0x41b: {  	v3 =	vadd.f32 v3, v4;
	v2 =	vmul.f32 v2, v11;
	v4 =	vor.u32 s23, v1  }
0x41c: {  	v5 =	vadd.f32 v7, v5;
	v6 =	vmul.f32 v6, v11  }
0x41d: {  	v2 =	vadd.f32 v2, v3  }
0x41e: {  	s1 =	sadd.s32 s12, s11;
	v3 =	vadd.f32 v6, v5  }
0x41f: {  	s3 =	sand.u32 $0x70, s12;
	s1 =	sand.u32 $0x2180, s1;
	[tilespmem:v8+s28+$0x0] =	vst.idx.msk $0xffff, v2  }
0x420: {  	s24 =	sor.u32 s3, s1;
	[tilespmem:v4+s28+$0x0] =	vst.idx.msk $0xffff, v3  }
0x421: {  	v2 =	vld [tilespmem:s24+$0x7200]  }
0x422: {  	v3 =	vld [tilespmem:s24+$0x7000]  }
0x423: {  	v4 =	vld [tilespmem:s24+$0x6E00]  }
0x424: {  	v5 =	vld [tilespmem:s24+$0x6C00]  }
0x425: {  	v6 =	vld [tilespmem:s24+$0x6A00]  }
0x426: {  	v7 =	vld [tilespmem:s24+$0x6800]  }
0x427: {  	v8 =	vld [tilespmem:s24+$0x6600]  }
0x428: {  	v9 =	vld [tilespmem:s24+$0x6400]  }
0x429: {  	v10 =	vld [tilespmem:s24+$0x6200]  }
0x42a: {  	v11 =	vld [tilespmem:s24+$0x6000]  }
.Ltmp8:
0x42b: {  	v12 =	vld [tilespmem:s24+$0x5E00];
	(pc) =	sbr.rel @!p0 .LBB2_22-.Ltmp8, $4  }
0x42c: {  	v13 =	vld [tilespmem:s24+$0x5C00]  }
0x42d: {  	v14 =	vld [tilespmem:s24+$0x5A00]  }
0x42e: {  	v15 =	vld [tilespmem:s24+$0x5800]  }
0x42f: {  	s12 =	sadd.s32 $0x10, s12;
	v16 =	vld [tilespmem:s24+$0x5600]  }
0x430: {  	v17 =	vld [tilespmem:s24+$0x5400]  }
0x431: {  	v18 =	vld [tilespmem:s24+$0xE400]  }
0x432: {  	v19 =	vld [tilespmem:s24+$0x9400]  }
0x433: {  	v20 =	vld [tilespmem:s24+$0xE600]  }
0x434: {  	v21 =	vld [tilespmem:s24+$0x9600]  }
0x435: {  	v22 =	vld [tilespmem:s24+$0xE800]  }
0x436: {  	v23 =	vld [tilespmem:s24+$0x9800];
	v17 =	vmul.f32 v17, v18  }
0x437: {  	v35 =	vld [tilespmem:s24+$0xEA00];
	v18 =	vmul.f32 v19, v18  }
0x438: {  	v24 =	vld [tilespmem:s24+$0x9A00];
	v16 =	vmul.f32 v16, v20;
	v17 =	vadd.f32 $0.0e+00, v17  }
0x439: {  	v36 =	vld [tilespmem:s24+$0xEC00];
	v20 =	vmul.f32 v21, v20;
	v18 =	vadd.f32 $0.0e+00, v18  }
0x43a: {  	v37 =	vld [tilespmem:s24+$0x9C00];
	v15 =	vmul.f32 v15, v22;
	v16 =	vadd.f32 v16, v17  }
0x43b: {  	v39 =	vld [tilespmem:s24+$0xEE00];
	v38 =	vmul.f32 v23, v22;
	v18 =	vadd.f32 v20, v18  }
0x43c: {  	v40 =	vld [tilespmem:s24+$0x9E00];
	v14 =	vmul.f32 v14, v35;
	v15 =	vadd.f32 v15, v16  }
0x43d: {  	v41 =	vld [tilespmem:s24+$0xF000];
	v19 =	vmul.f32 v24, v35;
	v18 =	vadd.f32 v38, v18  }
0x43e: {  	v42 =	vld [tilespmem:s24+$0xA000];
	v13 =	vmul.f32 v13, v36;
	v14 =	vadd.f32 v14, v15  }
0x43f: {  	v43 =	vld [tilespmem:s24+$0xF200];
	v17 =	vmul.f32 v37, v36;
	v18 =	vadd.f32 v19, v18  }
0x440: {  	v44 =	vld [tilespmem:s24+$0xA200];
	v12 =	vmul.f32 v12, v39;
	v13 =	vadd.f32 v13, v14  }
0x441: {  	v45 =	vld [tilespmem:s24+$0xF400];
	v16 =	vmul.f32 v40, v39;
	v17 =	vadd.f32 v17, v18  }
0x442: {  	v46 =	vld [tilespmem:s24+$0xA400];
	v11 =	vmul.f32 v11, v41;
	v12 =	vadd.f32 v12, v13  }
0x443: {  	v47 =	vld [tilespmem:s24+$0xF600];
	v15 =	vmul.f32 v42, v41;
	v16 =	vadd.f32 v16, v17  }
0x444: {  	v48 =	vld [tilespmem:s24+$0xA600];
	v10 =	vmul.f32 v10, v43;
	v11 =	vadd.f32 v11, v12  }
0x445: {  	v49 =	vld [tilespmem:s24+$0xF800];
	v14 =	vmul.f32 v44, v43;
	v15 =	vadd.f32 v15, v16  }
0x446: {  	v50 =	vld [tilespmem:s24+$0xA800];
	v9 =	vmul.f32 v9, v45;
	v10 =	vadd.f32 v10, v11  }
0x447: {  	v51 =	vld [tilespmem:s24+$0xFA00];
	v13 =	vmul.f32 v46, v45;
	v14 =	vadd.f32 v14, v15  }
0x448: {  	v52 =	vld [tilespmem:s24+$0xAA00];
	v8 =	vmul.f32 v8, v47;
	v9 =	vadd.f32 v9, v10  }
0x449: {  	v53 =	vld [tilespmem:s24+$0xFC00];
	v12 =	vmul.f32 v48, v47;
	v13 =	vadd.f32 v13, v14  }
0x44a: {  	v54 =	vld [tilespmem:s24+$0xAC00];
	v7 =	vmul.f32 v7, v49;
	v8 =	vadd.f32 v8, v9  }
0x44b: {  	v55 =	vld [tilespmem:s24+$0xFE00];
	v11 =	vmul.f32 v50, v49;
	v12 =	vadd.f32 v12, v13  }
0x44c: {  	v56 =	vld [tilespmem:s24+$0xAE00];
	v6 =	vmul.f32 v6, v51;
	v7 =	vadd.f32 v7, v8  }
0x44d: {  	v57 =	vld [tilespmem:s24+$0x10000];
	v10 =	vmul.f32 v52, v51;
	v11 =	vadd.f32 v11, v12  }
0x44e: {  	v58 =	vld [tilespmem:s24+$0xB000];
	v5 =	vmul.f32 v5, v53;
	v6 =	vadd.f32 v6, v7  }
0x44f: {  	v59 =	vld [tilespmem:s24+$0x10200];
	v9 =	vmul.f32 v54, v53;
	v10 =	vadd.f32 v10, v11  }
0x450: {  	v60 =	vld [tilespmem:s24+$0xB200];
	v4 =	vmul.f32 v4, v55;
	v5 =	vadd.f32 v5, v6  }
0x451: {  	v8 =	vmul.f32 v56, v55;
	v9 =	vadd.f32 v9, v10  }
0x452: {  	s1 =	sadd.s32 $0x200, s23;
	v3 =	vmul.f32 v3, v57;
	v4 =	vadd.f32 v4, v5  }
0x453: {  	v62 =	vor.u32 s1, v0;
	v7 =	vmul.f32 v58, v57;
	v61 =	vadd.f32 v8, v9  }
0x454: {  	v63 =	vor.u32 s1, v1;
	v2 =	vmul.f32 v2, v59;
	v3 =	vadd.f32 v3, v4  }
0x455: {  	v6 =	vmul.f32 v60, v59;
	v5 =	vadd.f32 v7, v61  }
0x456: {  	v2 =	vadd.f32 v2, v3  }
0x457: {  	v3 =	vadd.f32 v6, v5  }
0x458: {  	[tilespmem:v62+s28+$0x0] =	vst.idx.msk $0xffff, v2  }
0x459: {  	[tilespmem:v63+s28+$0x0] =	vst.idx.msk $0xffff, v3  }
0x45a: {  	p0 =	seq.s32 s20, $0x10  }
.Ltmp9:
0x45b: {  	_ = 	snop;
	(pc) =	sbr.rel @!p0 .LBB2_17-.Ltmp9, $2  }
0x45c: {  	_ =	sdelay $0x2  }
0x45d: {  	s17 =	sadd.s32 $0x2000, s17;
	s18 =	sadd.s32 $0x2, s18;
	s11 =	sadd.s32 $0x2000, s11  }
0x45e: {  	s17 =	simm.s32 $0x0  }
0x45f: {  	v2 =	vld [tilespmem:s17+$0x600];
	_ =	sdelay $0x4  }
0x460: {  	v5 =	vmul.f32 $6.300000000e+01, v2;
	_ =	sdelay $0x1  }
0x461: {  	v2 =	vtrunc.f32 v5  }
0x462: {  	v3 =	vld [tilespmem:s17+$0x400];
	v2 =	vcvt.f32.s32 v2  }
0x463: {  	v4 =	vld [tilespmem:s17+$0x0]  }
0x464: {  	v6 =	vld [tilespmem:s17+$0x200];
	vm0 =	vgt.s32 v2, $0x0  }
0x465: {  	v2 =	vnsel vm0, $0x0, v2  }
0x466: {  	v7 =	vmin.u32 v2, $0x3E  }
0x467: {  	v8 =	vcvt.s32.f32 v7  }
0x468: {  	v2 =	vmul.f32 $6.300000000e+01, v3  }
0x469: {  	v3 =	vmul.f32 $6.300000000e+01, v4;
	v4 =	vmul.f32 $6.300000000e+01, v6;
	v5 =	vsub.f32 v5, v8  }
0x46a: {  	v6 =	vtrunc.f32 v2  }
0x46b: {  	v9 =	vtrunc.f32 v4;
	v8 =	vtrunc.f32 v3;
	v10 =	vadd.f32 $5.000000000e-01, v5  }
0x46c: {  	v6 =	vcvt.f32.s32 v6;
	v9 =	vcvt.f32.s32 v9  }
0x46d: {  	v8 =	vcvt.f32.s32 v8;
	v10 =	vtrunc.f32 v10  }
0x46e: {  	vm1 =	vgt.s32 v6, $0x0;
	vm2 =	vgt.s32 v9, $0x0;
	v10 =	vcvt.f32.s32 v10  }
0x46f: {  	vm15 =	veq.f32 v5, $5.000000000e-01;
	vm14 =	vgt.s32 v8, $0x0;
	v6 =	vnsel vm1, $0x0, v6  }
0x470: {  	v5 =	vnsel vm14, $0x0, v8;
	v8 =	vnsel vm2, $0x0, v9;
	v9 =	vsel vm15, $0x0, v10  }
0x471: {  	v11 =	vmin.u32 v6, $0x3E;
	v8 =	vmin.u32 v8, $0x3E;
	v7 =	vadd.s32 v7, v9  }
0x472: {  	v12 =	vmul.u32 $0x1081, v11;
	v6 =	vmul.u32 $0x41, v8;
	v13 =	vmul.u32 $0x430C1, v7  }
0x473: {  	v10 =	vcvt.s32.f32 v8;
	v9 =	vcvt.s32.f32 v11;
	v7 =	vmin.u32 v5, $0x3E  }
0x474: {  	s11 =	simm.s32 $0x10;
	s12 =	simm.s32 $0x80;
	v11 =	vadd.s32 $0x41, v6;
	v8 =	vadd.s32 $0x1, v7;
	v5 =	vadd.s32 v12, v13  }
.LBB2_25:
0x475: {  	p0 =	sne.s32 s12, $0x7C0;
	v12 =	vld [tilespmem:s11+$0x600];
	v13 =	vcvt.s32.f32 v7;
	v14 =	vadd.s32 v8, v11;
	v15 =	vadd.s32 $0x1081, v5  }
0x476: {  	v4 =	vsub.f32 v4, v10;
	v2 =	vsub.f32 v2, v9;
	v9 =	vadd.s32 v14, v15  }
0x477: {  	v10 =	vadd.s32 v7, v11;
	v3 =	vsub.f32 v3, v13;
	v9 =	vand.u32 $0x7FFFF, v9  }
0x478: {  	v7 =	vadd.s32 v7, v6;
	v11 =	vsub.f32 $1.000000000e+00, v4;
	v13 =	vsub.f32 $1.000000000e+00, v2;
	[tilespmem:s17+$0x2200] =	vst v9  }
0x479: {  	v6 =	vadd.s32 v8, v6;
	v9 =	vsub.f32 $1.000000000e+00, v3;
	v16 =	vmul.f32 v4, v3  }
0x47a: {  	v3 =	vmul.f32 v11, v3;
	v8 =	vmul.f32 $6.300000000e+01, v12;
	v12 =	vadd.s32 v7, v15  }
0x47b: {  	v11 =	vmul.f32 v11, v9;
	v4 =	vmul.f32 v4, v9;
	v9 =	vadd.s32 v6, v15  }
0x47c: {  	v7 =	vadd.s32 v7, v5;
	v15 =	vadd.s32 v10, v15;
	v17 =	vtrunc.f32 v8  }
0x47d: {  	v6 =	vadd.s32 v6, v5;
	v10 =	vadd.s32 v10, v5;
	v18 =	vld [tilespmem:s11+$0x400];
	v17 =	vcvt.f32.s32 v17  }
0x47e: {  	v21 =	vmul.f32 v13, v3;
	v5 =	vadd.s32 v14, v5;
	v20 =	vmul.f32 v13, v11;
	v19 =	vld [tilespmem:s11+$0x0]  }
0x47f: {  	v22 =	vmul.f32 v13, v4;
	v11 =	vmul.f32 v11, v2;
	v14 =	vld [tilespmem:s11+$0x200];
	vm0 =	vgt.s32 v17, $0x0  }
0x480: {  	v23 =	vmul.f32 v2, v4;
	v17 =	vnsel vm0, $0x0, v17;
	[tilespmem:s17+$0xE400] =	vst v20;
	v20 =	vmul.f32 v3, v2  }
0x481: {  	v13 =	vmul.f32 v13, v16;
	v16 =	vmul.f32 v2, v16;
	v17 =	vmin.u32 v17, $0x3E;
	[tilespmem:s17+$0xE600] =	vst v21  }
0x482: {  	v9 =	vand.u32 $0x7FFFF, v9;
	v3 =	vand.u32 $0x7FFFF, v12;
	v21 =	vcvt.s32.f32 v17;
	[tilespmem:s17+$0xE800] =	vst v22  }
0x483: {  	v7 =	vand.u32 $0x7FFFF, v7;
	v12 =	vand.u32 $0x7FFFF, v15;
	v2 =	vmul.f32 $6.300000000e+01, v18;
	[tilespmem:s17+$0x1C00] =	vst v3  }
0x484: {  	v3 =	vmul.f32 $6.300000000e+01, v19;
	v4 =	vmul.f32 $6.300000000e+01, v14;
	v8 =	vsub.f32 v8, v21;
	[tilespmem:s17+$0x1E00] =	vst v9  }
0x485: {  	v6 =	vand.u32 $0x7FFFF, v6;
	v10 =	vand.u32 $0x7FFFF, v10;
	v9 =	vtrunc.f32 v2;
	[tilespmem:s17+$0x2000] =	vst v12  }
0x486: {  	v12 =	vtrunc.f32 v3;
	v14 =	vtrunc.f32 v4;
	v15 =	vadd.f32 $5.000000000e-01, v8;
	[tilespmem:s17+$0x1400] =	vst v7  }
0x487: {  	v5 =	vand.u32 $0x7FFFF, v5;
	v9 =	vcvt.f32.s32 v9;
	v7 =	vcvt.f32.s32 v12;
	[tilespmem:s17+$0x1600] =	vst v6  }
0x488: {  	v6 =	vcvt.f32.s32 v14;
	v12 =	vtrunc.f32 v15;
	[tilespmem:s17+$0x1800] =	vst v10  }
0x489: {  	vm1 =	vgt.s32 v9, $0x0;
	vm0 =	vgt.s32 v7, $0x0;
	v10 =	vcvt.f32.s32 v12;
	[tilespmem:s17+$0x1A00] =	vst v5  }
0x48a: {  	vm2 =	vgt.s32 v6, $0x0;
	v5 =	vnsel vm1, $0x0, v9;
	vm1 =	veq.f32 v8, $5.000000000e-01;
	[tilespmem:s17+$0xEC00] =	vst v11  }
.Ltmp10:
0x48b: {  	v7 =	vnsel vm0, $0x0, v7;
	v6 =	vnsel vm2, $0x0, v6;
	v8 =	vsel vm1, $0x0, v10;
	[tilespmem:s17+$0xEE00] =	vst v20;
	(pc) =	sbr.rel @p0 .LBB2_25-.Ltmp10, $4  }
0x48c: {  	v5 =	vmin.u32 v5, $0x3E;
	v9 =	vmin.u32 v6, $0x3E;
	v8 =	vadd.s32 v17, v8;
	[tilespmem:s17+$0xF000] =	vst v23  }
0x48d: {  	v12 =	vmul.u32 $0x1081, v5;
	v6 =	vmul.u32 $0x41, v9;
	v14 =	vmul.u32 $0x430C1, v8;
	[tilespmem:s17+$0xEA00] =	vst v13  }
0x48e: {  	v7 =	vmin.u32 v7, $0x3E;
	v10 =	vcvt.s32.f32 v9;
	v9 =	vcvt.s32.f32 v5;
	[tilespmem:s17+$0xF200] =	vst v16;
	s17 =	smov.u32 s11  }
0x48f: {  	v8 =	vadd.s32 $0x1, v7;
	s11 =	sshra.s32 s12, $0x2;
	s12 =	sadd.s32 $0x40, s12;
	v11 =	vadd.s32 $0x41, v6;
	v5 =	vadd.s32 v12, v14  }
0x490: {  	v13 =	vcvt.s32.f32 v7;
	v14 =	vadd.s32 v8, v11;
	v4 =	vsub.f32 v4, v10  }
0x491: {  	v10 =	vadd.s32 $0x1081, v5;
	v2 =	vsub.f32 v2, v9;
	v11 =	vadd.s32 v7, v11  }
0x492: {  	v12 =	vld [tilespmem:s11+$0x600];
	v7 =	vadd.s32 v7, v6;
	v6 =	vadd.s32 v8, v6;
	v9 =	vadd.s32 v14, v10  }
0x493: {  	v46 =	vadd.s32 v6, v10;
	v6 =	vadd.s32 v6, v5;
	v3 =	vsub.f32 v3, v13  }
0x494: {  	v44 =	vsub.f32 $1.000000000e+00, v4;
	v9 =	vand.u32 $0x7FFFF, v9;
	v15 =	vsub.f32 $1.000000000e+00, v2  }
0x495: {  	v6 =	vand.u32 $0x7FFFF, v6;
	[tilespmem:s17+$0x2200] =	vst v9;
	v9 =	vadd.s32 v7, v10;
	v7 =	vadd.s32 v7, v5  }
0x496: {  	v10 =	vadd.s32 v11, v10;
	v16 =	vsub.f32 $1.000000000e+00, v3;
	v17 =	vmul.f32 v4, v3;
	v19 =	vld [tilespmem:s11+$0x0]  }
0x497: {  	v11 =	vadd.s32 v11, v5;
	v3 =	vmul.f32 v44, v3;
	v22 =	vld [tilespmem:s11+$0x200];
	v12 =	vmul.f32 $6.300000000e+01, v12  }
0x498: {  	v5 =	vadd.s32 v14, v5;
	v18 =	vld [tilespmem:s11+$0x400];
	v8 =	vmul.f32 v44, v16;
	v4 =	vmul.f32 v4, v16  }
0x499: {  	v9 =	vand.u32 $0x7FFFF, v9;
	v21 =	vmul.f32 v15, v3;
	v45 =	vtrunc.f32 v12  }
0x49a: {  	v7 =	vand.u32 $0x7FFFF, v7;
	v3 =	vmul.f32 v3, v2;
	v13 =	vcvt.f32.s32 v45  }
0x49b: {  	v10 =	vand.u32 $0x7FFFF, v10;
	v47 =	vmul.f32 v15, v17;
	v20 =	vmul.f32 v15, v8  }
0x49c: {  	v19 =	vmul.f32 $6.300000000e+01, v19;
	v22 =	vmul.f32 $6.300000000e+01, v22;
	vm0 =	vgt.s32 v13, $0x0  }
0x49d: {  	v23 =	vmul.f32 v15, v4;
	v18 =	vmul.f32 $6.300000000e+01, v18;
	v13 =	vnsel vm0, $0x0, v13  }
0x49e: {  	v24 =	vtrunc.f32 v19;
	v25 =	vtrunc.f32 v22;
	v13 =	vmin.u32 v13, $0x3E  }
0x49f: {  	v11 =	vand.u32 $0x7FFFF, v11;
	v51 =	vcvt.f32.s32 v25;
	v48 =	vcvt.s32.f32 v13  }
0x4a0: {  	v5 =	vand.u32 $0x7FFFF, v5;
	v8 =	vmul.f32 v8, v2;
	v24 =	vcvt.f32.s32 v24  }
0x4a1: {  	[tilespmem:s17+$0x1600] =	vst v6;
	v49 =	vtrunc.f32 v18;
	vm15 =	vgt.s32 v51, $0x0;
	v12 =	vsub.f32 v12, v48  }
0x4a2: {  	[tilespmem:s17+$0x1C00] =	vst v9;
	v15 =	vcvt.f32.s32 v49;
	vm14 =	vgt.s32 v24, $0x0;
	v53 =	vnsel vm15, $0x0, v51  }
0x4a3: {  	[tilespmem:s17+$0x2000] =	vst v10;
	v52 =	vnsel vm14, $0x0, v24;
	v10 =	vmin.u32 v53, $0x3E;
	v50 =	vadd.f32 $5.000000000e-01, v12  }
0x4a4: {  	[tilespmem:s17+$0x1400] =	vst v7;
	vm2 =	veq.f32 v12, $5.000000000e-01;
	v12 =	vmin.u32 v52, $0x3E;
	v54 =	vcvt.s32.f32 v10  }
0x4a5: {  	v16 =	vand.u32 $0x7FFFF, v46;
	[tilespmem:s17+$0xE400] =	vst v20;
	v55 =	vcvt.s32.f32 v12;
	v20 =	vtrunc.f32 v50  }
0x4a6: {  	[tilespmem:s17+$0x1800] =	vst v11;
	vm1 =	vgt.s32 v15, $0x0;
	v11 =	vsub.f32 v22, v54;
	v9 =	vcvt.f32.s32 v20  }
0x4a7: {  	[tilespmem:s17+$0x1A00] =	vst v5;
	v4 =	vmul.f32 v2, v4;
	v15 =	vnsel vm1, $0x0, v15;
	v56 =	vsub.f32 v19, v55  }
0x4a8: {  	[tilespmem:s17+$0x1E00] =	vst v16;
	v7 =	vmin.u32 v15, $0x3E;
	v15 =	vsub.f32 $1.000000000e+00, v11;
	v9 =	vsel vm2, $0x0, v9  }
0x4a9: {  	[tilespmem:s17+$0xE600] =	vst v21;
	v16 =	vsub.f32 $1.000000000e+00, v56;
	v6 =	vadd.s32 v13, v9;
	v9 =	vmul.u32 $0x41, v10  }
0x4aa: {  	[tilespmem:s17+$0xEE00] =	vst v3;
	v10 =	vcvt.s32.f32 v7;
	v7 =	vmul.u32 $0x1081, v7;
	v5 =	vmul.u32 $0x430C1, v6  }
0x4ab: {  	v2 =	vmul.f32 v2, v17;
	[tilespmem:s17+$0xEA00] =	vst v47;
	v6 =	vadd.s32 $0x1, v12;
	v57 =	vmul.f32 v15, v16  }
0x4ac: {  	[tilespmem:s17+$0xEC00] =	vst v8;
	v10 =	vsub.f32 v18, v10;
	v8 =	vadd.s32 $0x41, v9;
	v3 =	vadd.s32 v7, v5  }
0x4ad: {  	[tilespmem:s17+$0xF000] =	vst v4;
	v15 =	vmul.f32 v15, v56;
	v5 =	vadd.s32 v6, v8;
	v4 =	vadd.s32 $0x1081, v3  }
0x4ae: {  	[tilespmem:s17+$0xE800] =	vst v23;
	v61 =	vadd.s32 v12, v9;
	v7 =	vsub.f32 $1.000000000e+00, v10;
	v58 =	vadd.s32 v5, v4  }
0x4af: {  	[tilespmem:s17+$0xF200] =	vst v2;
	v6 =	vadd.s32 v6, v9;
	v9 =	vadd.s32 v61, v4;
	v2 =	vand.u32 $0x7FFFF, v58  }
0x4b0: {  	v59 =	vmul.f32 v11, v16;
	v60 =	vmul.f32 v7, v57;
	v9 =	vand.u32 $0x7FFFF, v9;
	[tilespmem:s11+$0x2200] =	vst v2  }
0x4b1: {  	v2 =	vmul.f32 v7, v15;
	[tilespmem:s11+$0x1C00] =	vst v9  }
0x4b2: {  	v62 =	vmul.f32 v7, v59;
	[tilespmem:s11+$0xE400] =	vst v60  }
0x4b3: {  	[tilespmem:s11+$0xE600] =	vst v2;
	v2 =	vadd.s32 v12, v8;
	v8 =	vadd.s32 v6, v4  }
0x4b4: {  	[tilespmem:s11+$0xE800] =	vst v62;
	v4 =	vadd.s32 v2, v4;
	v8 =	vand.u32 $0x7FFFF, v8  }
0x4b5: {  	v9 =	vadd.s32 v61, v3;
	v4 =	vand.u32 $0x7FFFF, v4;
	[tilespmem:s11+$0x1E00] =	vst v8  }
0x4b6: {  	v2 =	vadd.s32 v2, v3;
	v8 =	vand.u32 $0x7FFFF, v9;
	[tilespmem:s11+$0x2000] =	vst v4  }
0x4b7: {  	v6 =	vadd.s32 v6, v3;
	v3 =	vadd.s32 v5, v3;
	v2 =	vand.u32 $0x7FFFF, v2;
	[tilespmem:s11+$0x1400] =	vst v8  }
0x4b8: {  	v3 =	vand.u32 $0x7FFFF, v3;
	[tilespmem:s11+$0x1800] =	vst v2  }
0x4b9: {  	v5 =	vmul.f32 v15, v10;
	v4 =	vand.u32 $0x7FFFF, v6;
	[tilespmem:s11+$0x1A00] =	vst v3  }
0x4ba: {  	v2 =	vmul.f32 v11, v56;
	[tilespmem:s11+$0x1600] =	vst v4;
	v4 =	vmul.f32 v57, v10  }
0x4bb: {  	v3 =	vmul.f32 v10, v59;
	[tilespmem:s11+$0xEE00] =	vst v5  }
0x4bc: {  	[tilespmem:s11+$0xEC00] =	vst v4;
	v4 =	vmul.f32 v7, v2  }
0x4bd: {  	[tilespmem:s11+$0xF000] =	vst v3;
	v2 =	vmul.f32 v10, v2  }
0x4be: {  	[tilespmem:s11+$0xEA00] =	vst v4  }
0x4bf: {  	s1 =	simm.s32 $0xD400;
	[tilespmem:s11+$0xF200] =	vst v2  }
0x4c0: {  	[tilespmem:s1], [sflag:$0x1] =	stream.indirect.gather [hbm4b:s2+s25], $0x1, s29, s25, $0xb8;
	[tilespmem:$0x1A600] =	vst v63  }
0x4c1: {  	s12 =	simm.s32 $0xD600  }
0x4c2: {  	[tilespmem:s12], [sflag:$0x1] =	stream.indirect.gather [hbm4b:s2+s25], $0x1, s0, s25, $0xb8;
	[tilespmem:$0x1A600] =	vst v63  }
0x4c3: {  	s17 =	simm.s32 $0xD800  }
0x4c4: {  	[tilespmem:s17], [sflag:$0x1] =	stream.indirect.gather [hbm4b:s2+s25], $0x1, s22, s25, $0xb8;
	[tilespmem:$0x1A600] =	vst v63  }
0x4c5: {  	s18 =	simm.s32 $0xDA00  }
0x4c6: {  	[tilespmem:s18], [sflag:$0x1] =	stream.indirect.gather [hbm4b:s2+s25], $0x1, s10, s25, $0xb8;
	[tilespmem:$0x1A600] =	vst v63  }
0x4c7: {  	s19 =	simm.s32 $0xDC00  }
0x4c8: {  	[tilespmem:s19], [sflag:$0x1] =	stream.indirect.gather [hbm4b:s2+s25], $0x1, s9, s25, $0xb8;
	[tilespmem:$0x1A600] =	vst v63  }
0x4c9: {  	s20 =	simm.s32 $0xDE00  }
0x4ca: {  	[tilespmem:s20], [sflag:$0x1] =	stream.indirect.gather [hbm4b:s2+s25], $0x1, s26, s25, $0xb8;
	[tilespmem:$0x1A600] =	vst v63  }
0x4cb: {  	s23 =	simm.s32 $0x2000;
	s3 =	simm.s32 $0xE000  }
0x4cc: {  	[tilespmem:s3], [sflag:$0x1] =	stream.indirect.gather [hbm4b:s2+s25], $0x1, s23, s25, $0xb8;
	[tilespmem:$0x1A600] =	vst v63  }
0x4cd: {  	s24 =	simm.s32 $0xE200  }
0x4ce: {  	[tilespmem:s24], [sflag:$0x1] =	stream.indirect.gather [hbm4b:s2+s25], $0x1, s16, s25, $0xb8;
	[tilespmem:$0x1A600] =	vst v63  }
0x4cf: {  	_ =	swait.ge [sflag:s30], $0x200  }
0x4d0: {  	[sflag:s30] =	ssyncset.done $0x0  }
0x4d1: {  	[sflag:s30] =	ssyncadd.s32 $0xFFFFFE00  }
0x4d2: {  	_ =	swait.ge [sflag:s30], $0x200  }
0x4d3: {  	[sflag:s30] =	ssyncset.done $0x0  }
0x4d4: {  	[sflag:s30] =	ssyncadd.s32 $0xFFFFFE00  }
0x4d5: {  	_ =	swait.ge [sflag:s30], $0x200  }
0x4d6: {  	[sflag:s30] =	ssyncset.done $0x0  }
0x4d7: {  	[sflag:s30] =	ssyncadd.s32 $0xFFFFFE00  }
0x4d8: {  	_ =	swait.ge [sflag:s30], $0x200  }
0x4d9: {  	[sflag:s30] =	ssyncset.done $0x0  }
0x4da: {  	[sflag:s30] =	ssyncadd.s32 $0xFFFFFE00  }
0x4db: {  	_ =	swait.ge [sflag:s30], $0x200  }
0x4dc: {  	[sflag:s30] =	ssyncset.done $0x0  }
0x4dd: {  	[sflag:s30] =	ssyncadd.s32 $0xFFFFFE00  }
0x4de: {  	_ =	swait.ge [sflag:s30], $0x200  }
0x4df: {  	[sflag:s30] =	ssyncset.done $0x0  }
0x4e0: {  	[sflag:s30] =	ssyncadd.s32 $0xFFFFFE00  }
0x4e1: {  	_ =	swait.ge [sflag:s30], $0x200  }
0x4e2: {  	[sflag:s30] =	ssyncset.done $0x0  }
0x4e3: {  	[sflag:s30] =	ssyncadd.s32 $0xFFFFFE00  }
0x4e4: {  	_ =	swait.ge [sflag:s30], $0x200  }
0x4e5: {  	[sflag:s30] =	ssyncset.done $0x0  }
0x4e6: {  	s11 =	simm.s32 $0x0;
	[sflag:s30] =	ssyncadd.s32 $0xFFFFFE00  }
0x4e7: {  	v2 =	vld [tilespmem:s11+$0xE400]  }
0x4e8: {  	v3 =	vld [tilespmem:s11+$0xD400]  }
0x4e9: {  	v4 =	vld [tilespmem:s11+$0xE600]  }
0x4ea: {  	v5 =	vld [tilespmem:s11+$0xD600]  }
0x4eb: {  	v6 =	vld [tilespmem:s11+$0xE800]  }
0x4ec: {  	v7 =	vld [tilespmem:s11+$0xD800]  }
0x4ed: {  	v8 =	vld [tilespmem:s11+$0xDA00];
	v2 =	vmul.f32 v3, v2  }
0x4ee: {  	v3 =	vld [tilespmem:s11+$0xEA00]  }
0x4ef: {  	v9 =	vld [tilespmem:s11+$0xEC00];
	v4 =	vmul.f32 v5, v4;
	v2 =	vadd.f32 $0.0e+00, v2  }
0x4f0: {  	v10 =	vld [tilespmem:s11+$0xDC00]  }
0x4f1: {  	v11 =	vld [tilespmem:s11+$0xEE00];
	v2 =	vadd.f32 v4, v2;
	v4 =	vmul.f32 v7, v6  }
0x4f2: {  	v63 =	vld [tilespmem:s11+$0xDE00]  }
0x4f3: {  	v5 =	vld [tilespmem:s11+$0xE000];
	v3 =	vmul.f32 v8, v3;
	v4 =	vadd.f32 v4, v2  }
0x4f4: {  	v2 =	vld [tilespmem:s11+$0xF000]  }
0x4f5: {  	v6 =	vld [tilespmem:s11+$0xE200];
	v8 =	vmul.f32 v10, v9;
	v7 =	vadd.f32 v3, v4  }
0x4f6: {  	s12 =	simm.s32 $0x10;
	v3 =	vld [tilespmem:s11+$0xF200]  }
0x4f7: {  	s3 =	simm.s32 $0x80;
	v4 =	vld [tilespmem:s12+$0xE400];
	v7 =	vadd.f32 v8, v7;
	v8 =	vmul.f32 v63, v11  }
.LBB2_27:
0x4f8: {  	p0 =	sne.s32 s3, $0x7C0;
	v9 =	vld [tilespmem:s12+$0xD400]  }
0x4f9: {  	v10 =	vld [tilespmem:s12+$0xE600];
	v7 =	vadd.f32 v8, v7;
	v2 =	vmul.f32 v5, v2  }
0x4fa: {  	v5 =	vld [tilespmem:s12+$0xD600]  }
0x4fb: {  	v8 =	vld [tilespmem:s12+$0xE800];
	v2 =	vadd.f32 v2, v7;
	v3 =	vmul.f32 v6, v3  }
0x4fc: {  	v6 =	vld [tilespmem:s12+$0xD800]  }
0x4fd: {  	v4 =	vmul.f32 v9, v4;
	v7 =	vld [tilespmem:s12+$0xEA00];
	v2 =	vadd.f32 v3, v2  }
0x4fe: {  	v3 =	vld [tilespmem:s12+$0xDA00]  }
0x4ff: {  	v4 =	vadd.f32 $0.0e+00, v4;
	v5 =	vmul.f32 v5, v10;
	v9 =	vld [tilespmem:s12+$0xEC00];
	[tilespmem:s11+$0x1A400] =	vst v2;
	s11 =	smov.u32 s12  }
0x500: {  	v10 =	vld [tilespmem:s11+$0xDC00]  }
0x501: {  	v2 =	vadd.f32 v5, v4;
	v4 =	vmul.f32 v6, v8;
	v8 =	vld [tilespmem:s11+$0xEE00]  }
0x502: {  	v11 =	vld [tilespmem:s11+$0xDE00]  }
.Ltmp11:
0x503: {  	v4 =	vadd.f32 v4, v2;
	v3 =	vmul.f32 v3, v7;
	v2 =	vld [tilespmem:s11+$0xF000];
	(pc) =	sbr.rel @p0 .LBB2_27-.Ltmp11, $4  }
0x504: {  	v5 =	vld [tilespmem:s11+$0xE000]  }
0x505: {  	v7 =	vadd.f32 v3, v4;
	v9 =	vmul.f32 v10, v9;
	v3 =	vld [tilespmem:s11+$0xF200]  }
0x506: {  	s12 =	sshra.s32 s3, $0x2;
	v6 =	vld [tilespmem:s11+$0xE200]  }
0x507: {  	s3 =	sadd.s32 $0x40, s3;
	v4 =	vld [tilespmem:s12+$0xE400];
	v7 =	vadd.f32 v9, v7;
	v8 =	vmul.f32 v11, v8  }
0x508: {  	v9 =	vld [tilespmem:s12+$0xD400]  }
0x509: {  	v10 =	vld [tilespmem:s12+$0xE600];
	v7 =	vadd.f32 v8, v7;
	v2 =	vmul.f32 v5, v2  }
0x50a: {  	v52 =	vld [tilespmem:s12+$0xD600]  }
0x50b: {  	v53 =	vld [tilespmem:s12+$0xE800];
	v2 =	vadd.f32 v2, v7;
	v3 =	vmul.f32 v6, v3  }
0x50c: {  	v54 =	vld [tilespmem:s12+$0xD800]  }
0x50d: {  	v55 =	vld [tilespmem:s12+$0xEA00];
	v4 =	vmul.f32 v9, v4;
	v2 =	vadd.f32 v3, v2  }
0x50e: {  	v3 =	vld [tilespmem:s12+$0xDA00]  }
0x50f: {  	v56 =	vld [tilespmem:s12+$0xEC00];
	v5 =	vmul.f32 v52, v10;
	v4 =	vadd.f32 $0.0e+00, v4;
	[tilespmem:s11+$0x1A400] =	vst v2  }
0x510: {  	v2 =	vld [tilespmem:s12+$0xDC00]  }
0x511: {  	v57 =	vmul.f32 v54, v53;
	v58 =	vld [tilespmem:s12+$0xEE00];
	v4 =	vadd.f32 v5, v4  }
0x512: {  	v59 =	vld [tilespmem:s12+$0xDE00]  }
0x513: {  	v60 =	vld [tilespmem:s12+$0xF000];
	v3 =	vmul.f32 v3, v55;
	v4 =	vadd.f32 v57, v4  }
0x514: {  	v61 =	vld [tilespmem:s12+$0xE000]  }
0x515: {  	v62 =	vld [tilespmem:s12+$0xF200];
	v3 =	vadd.f32 v3, v4;
	v2 =	vmul.f32 v2, v56  }
0x516: {  	v63 =	vld [tilespmem:s12+$0xE200]  }
0x517: {  	v2 =	vadd.f32 v2, v3;
	v3 =	vmul.f32 v59, v58;
	_ =	sdelay $0x1  }
0x518: {  	v2 =	vadd.f32 v3, v2;
	v3 =	vmul.f32 v61, v60;
	_ =	sdelay $0x1  }
0x519: {  	v2 =	vadd.f32 v3, v2;
	v3 =	vmul.f32 v63, v62;
	_ =	sdelay $0x1  }
0x51a: {  	v2 =	vadd.f32 v3, v2  }
0x51b: {  	s1 =	sshll.u32 s15, $0x2;
	s3 =	rddreg [dreg:$0x8]  }
0x51c: {  	s4 =	simm.s32 $0x0;
	s3 =	sadd.s32 s3, s1;
	[tilespmem:s12+$0x1A400] =	vst v2  }
0x51d: {  	[hbm4b:s3+s4] =	stream.linear.scatter [tilespmem:s31], [sflag:$0x2], $0x4000, $0x38;
	[tilespmem:$0x1A600] =	vst v63  }
0x51e: {  	_ =	swait.ge [sflag:s21], $0x4000  }
0x51f: {  	[sflag:s21] =	ssyncset.done $0x0;
	s20 =	rddreg [dreg:$0x9]  }
0x520: {  	[sflag:s21] =	ssyncadd.s32 $0xFFFFC000;
	s1 =	sadd.s32 s20, s1  }
0x521: {  	[hbm4b:s1+s4] =	stream.linear.scatter [tilespmem:s28], [sflag:$0x2], $0x4000, $0x38;
	[tilespmem:$0x1A600] =	vst v63  }
0x522: {  	_ =	swait.ge [sflag:s21], $0x4000  }
0x523: {  	[sflag:s21] =	ssyncset.done $0x0  }
0x524: {  	s13 =	sadd.s32 $0x1, s13;
	[sflag:s21] =	ssyncadd.s32 $0xFFFFC000  }
0x525: {  	p0 =	sne.s32 s13, $0x8;
	s23 =	rddreg [dreg:$0x3]  }
.Ltmp12:
0x526: {  	s24 =	simm.s32 $0x1A400;
	s1 =	sadd.s32 s23, s14;
	(pc) =	sbr.rel @p0 .LBB2_2-.Ltmp12, $4  }
0x527: {  	[hbm4b:s1+s4] =	stream.linear.scatter [tilespmem:s24], [sflag:$0x2], $0x200, $0x38;
	[tilespmem:$0x1A600] =	vst v63  }
0x528: {  	_ =	swait.ge [sflag:s21], $0x200  }
0x529: {  	[sflag:s21] =	ssyncset.done $0x0  }
0x52a: {  	[sflag:s21] =	ssyncadd.s32 $0xFFFFFE00  }
0x52b: {  	s3 =	rddreg [dreg:$0xf]  }
0x52c: {  	s1 =	rddreg [dreg:$0xe];
	s3 =	sadd.s32 $0x1, s3  }
0x52d: {  	p0 =	sne.s32 s3, s1  }
.Ltmp13:
0x52e: {  	_ = 	snop;
	(pc) =	sbr.rel @p0 .LBB2_1-.Ltmp13, $1  }
0x52f: {  	_ =	sdelay $0x3  }
0x530: {  	_ =	sfence.sel $0x180000  }
0x531: {  	[bflag:$0x0] =	sbarrier.arrive $0xFFFF  }
0x532: {  	_ =	strace $0x90000047  }
0x533: {  	s0 =	stileid.u32;
	[bflag:$0x2] =	sbarrier.arrive $0xFFFF  }
0x534: {  	p0 =	sne.s32 s0, $0x0;
	s0 =	rddreg [dreg:$0x4]  }
0x535: {  	s0 =	sadd.s32 @!p0 $0x100000, s0  }
0x536: {  	[sflag:s0] =	ssyncadd.tile.s32 @!p0 $0x1;
	_ =	shalt  }
.Lfunc_end2:
_tile_overlayer_lowered:
.L_overlay_start_2:
0x537: {  	(tag) =	ssettag $0x2  }
0x538: {  	s0 =	rddreg [dreg:$0x0];
	s2 =	stileid.u32  }
0x539: {  	s1 =	rddreg [dreg:$0x1];
	p0 =	sne.s32 s2, $0x0  }
0x53a: {  	s3 =	rddreg [dreg:$0x2];
	[bflag:$0x3] =	sbarrier.arrive $0xFFFF;
	s2 =	simm.s32 @!p0 $0x1C02  }
0x53b: {  	[timem:s3], [sflag:s2] =	dma.local @!p0 [hbm:s0], s1  }
0x53c: {  	s0 =	simm.s32 @!p0 $0x2  }
0x53d: {  	_ =	swait.ge @!p0 [sflag:s0], s1  }
0x53e: {  	s1 =	ssub.s32 @!p0 $0x0, s1;
	[sflag:s0] =	ssyncset.done @!p0 $0x0  }
0x53f: {  	[sflag:s0] =	ssyncadd.s32 @!p0 s1  }
0x540: {  	[bflag:$0x3] =	sbarrier.arrive $0xFFFF  }
0x541: {  	_ =	shalt  }

</sc_bundles>
